<compile_context>
chip_gen: v7x
topology: tpu7x:2x2x1
jax: 0.10.2.dev20260603
libtpu: 0.0.44.dev20260713+nightly
codegen_flags: <defaults>
</compile_context>

<pallas_src>
import functools

import jax
import jax.numpy as jnp
from jax import lax
from jax.experimental import pallas as pl
from jax.experimental.pallas import tpu as pltpu
from jax.experimental.pallas import tpu_sc as plsc

INPUT_DIM = 256
NUM_RISK_BINS = 4
NUM_ENG_BINS = 4
NUM_TRANSIENT = 7
DROPOUT_STATE_ID = 24
NUM_BASE_STATES = NUM_RISK_BINS * NUM_ENG_BINS

BLK = 8192


def _scores_kernel(h_ref, wt_ref, bias_ref, w2t_ref, b2t_ref, out_ref):
    h = h_ref[...]
    st = lax.dot_general(wt_ref[...], h, (((1,), (1,)), ((), ())),
                         preferred_element_type=jnp.float32)
    st = st + bias_ref[...]
    out_ref[0:1, :] = jax.nn.sigmoid(st[64:65, :])
    out_ref[1:2, :] = jax.nn.sigmoid(st[65:66, :])
    hidden = jnp.maximum(st[0:64, :], 0.0)
    logits = jnp.dot(w2t_ref[...], hidden, preferred_element_type=jnp.float32)
    logits = logits + b2t_ref[...]
    out_ref[2:10, :] = logits


def _tc_scores(h, risk_W, risk_b, eng_W, eng_b, t_W1, t_b1, t_W2, t_b2):
    B = h.shape[0]
    nblk = B // BLK
    wt = jnp.concatenate(
        [t_W1.T, risk_W.T, eng_W.T, jnp.zeros((62, INPUT_DIM), jnp.float32)], axis=0)
    bias = jnp.concatenate(
        [t_b1, risk_b, eng_b, jnp.zeros((62,), jnp.float32)]).reshape(128, 1)
    w2t = jnp.concatenate([t_W2.T, jnp.zeros((1, 64), jnp.float32)], axis=0)
    b2t = jnp.concatenate([t_b2, jnp.full((1,), -1e30, jnp.float32)]).reshape(8, 1)

    return pl.pallas_call(
        _scores_kernel,
        grid=(nblk,),
        in_specs=[
            pl.BlockSpec((BLK, INPUT_DIM), lambda i: (i, 0)),
            pl.BlockSpec((128, INPUT_DIM), lambda i: (0, 0)),
            pl.BlockSpec((128, 1), lambda i: (0, 0)),
            pl.BlockSpec((8, 64), lambda i: (0, 0)),
            pl.BlockSpec((8, 1), lambda i: (0, 0)),
        ],
        out_specs=pl.BlockSpec((16, BLK), lambda i: (0, i)),
        out_shape=jax.ShapeDtypeStruct((16, B), jnp.float32),
    )(h, wt, bias, w2t, b2t)


def _sc_discretize(scores, dl):
    B = scores.shape[1]
    info = plsc.get_sparse_core_info()
    nc, ns, lanes = info.num_cores, info.num_subcores, info.num_lanes
    nw = nc * ns
    bpw = B // nw
    nchunk = bpw // lanes
    mesh = plsc.VectorSubcoreMesh(core_axis_name="c", subcore_axis_name="s")

    @functools.partial(
        pl.kernel, mesh=mesh,
        out_type=jax.ShapeDtypeStruct((B,), jnp.int32),
        scratch_types=[
            pltpu.VMEM((16, bpw), jnp.float32),
            pltpu.VMEM((bpw,), jnp.int32),
            pltpu.VMEM((bpw,), jnp.int32),
        ],
    )
    def sc_k(scores_hbm, dl_hbm, out_hbm, sc_v, dl_v, out_v):
        wid = lax.axis_index("s") * nc + lax.axis_index("c")
        base = wid * bpw
        pltpu.sync_copy(scores_hbm.at[:, pl.ds(base, bpw)], sc_v)
        pltpu.sync_copy(dl_hbm.at[pl.ds(base, bpw)], dl_v)
        for i in range(nchunk):
            sl = pl.ds(i * lanes, lanes)
            r = sc_v[0, sl]
            e = sc_v[1, sl]
            m = sc_v[2, sl]
            idx = jnp.zeros((lanes,), jnp.int32)
            for j in range(1, NUM_TRANSIENT):
                lj = sc_v[2 + j, sl]
                gt = lj > m
                idx = jnp.where(gt, jnp.full((lanes,), j, jnp.int32), idx)
                m = jnp.where(gt, lj, m)
            rb = jnp.clip((r * NUM_RISK_BINS).astype(jnp.int32), 0, NUM_RISK_BINS - 1)
            eb = jnp.clip((e * NUM_ENG_BINS).astype(jnp.int32), 0, NUM_ENG_BINS - 1)
            fin = jnp.where(r > 0.75, NUM_BASE_STATES + idx,
                            rb * NUM_ENG_BINS + eb)
            fin = jnp.where(dl_v[sl] == 1, jnp.int32(DROPOUT_STATE_ID), fin)
            out_v[sl] = fin
        pltpu.sync_copy(out_v, out_hbm.at[pl.ds(base, bpw)])

    return sc_k(scores, dl)


def kernel(h, dropout_labels, risk_W, risk_b, eng_W, eng_b, t_W1, t_b1, t_W2, t_b2):
    B = h.shape[0]
    half = B // 2
    dl = dropout_labels.astype(jnp.int32)
    scores0 = _tc_scores(h[:half], risk_W, risk_b, eng_W, eng_b,
                         t_W1, t_b1, t_W2, t_b2)
    scores1 = _tc_scores(h[half:], risk_W, risk_b, eng_W, eng_b,
                         t_W1, t_b1, t_W2, t_b2)
    out0 = _sc_discretize(scores0, dl[:half])
    out1 = _sc_discretize(scores1, dl[half:])
    return jnp.concatenate([out0, out1])

# --- scband reference (transcript-rebuilt; emitter-appended) ---
"""Pipeline reference for scband-state-discretizer-57750130262205 (READ-ONLY COPY).

The authoritative reference and input builder live on the scoring server;
editing this copy changes nothing except your own understanding.
"""

import jax, jax.numpy as jnp
import numpy as np

INPUT_DIM = 256
NUM_RISK_BINS = 4
NUM_ENG_BINS = 4
NUM_TRANSIENT = 7
DROPOUT_STATE_ID = 24
NUM_BASE_STATES = NUM_RISK_BINS * NUM_ENG_BINS


def setup_inputs(seed: int = 0) -> dict:
    key = jax.random.key(seed)
    ks = jax.random.split(key, 12)
    B = 16384
    h = jax.random.normal(ks[0], (B, INPUT_DIM), dtype=jnp.float32)
    dropout_labels = jax.random.randint(ks[1], (B,), 0, 2, dtype=jnp.int64)
    s1 = 1.0 / np.sqrt(INPUT_DIM)
    s2 = 1.0 / np.sqrt(64)
    risk_W = jax.random.uniform(ks[2], (INPUT_DIM, 1), jnp.float32, -s1, s1)
    risk_b = jax.random.uniform(ks[3], (1,), jnp.float32, -s1, s1)
    eng_W = jax.random.uniform(ks[4], (INPUT_DIM, 1), jnp.float32, -s1, s1)
    eng_b = jax.random.uniform(ks[5], (1,), jnp.float32, -s1, s1)
    t_W1 = jax.random.uniform(ks[6], (INPUT_DIM, 64), jnp.float32, -s1, s1)
    t_b1 = jax.random.uniform(ks[7], (64,), jnp.float32, -s1, s1)
    t_W2 = jax.random.uniform(ks[8], (64, NUM_TRANSIENT), jnp.float32, -s2, s2)
    t_b2 = jax.random.uniform(ks[9], (NUM_TRANSIENT,), jnp.float32, -s2, s2)
    return {"h": h, "dropout_labels": dropout_labels, "risk_W": risk_W, "risk_b": risk_b,
            "eng_W": eng_W, "eng_b": eng_b, "t_W1": t_W1, "t_b1": t_b1, "t_W2": t_W2, "t_b2": t_b2}


def reference(h, dropout_labels, risk_W, risk_b, eng_W, eng_b, t_W1, t_b1, t_W2, t_b2):
    # eval mode: dropout is identity
    risk_scores = jax.nn.sigmoid(h @ risk_W + risk_b)[:, 0]
    eng_scores = jax.nn.sigmoid(h @ eng_W + eng_b)[:, 0]
    risk_bins = jnp.clip((risk_scores * NUM_RISK_BINS).astype(jnp.int32), 0, NUM_RISK_BINS - 1)
    eng_bins = jnp.clip((eng_scores * NUM_ENG_BINS).astype(jnp.int32), 0, NUM_ENG_BINS - 1)
    base_states = risk_bins * NUM_ENG_BINS + eng_bins
    transient_logits = jax.nn.relu(h @ t_W1 + t_b1) @ t_W2 + t_b2
    transient_probs = jax.nn.softmax(transient_logits, axis=1)
    transient_states = jnp.argmax(transient_probs, axis=1).astype(jnp.int32)
    high_risk_mask = risk_scores > 0.75
    final_states = jnp.where(high_risk_mask, NUM_BASE_STATES + transient_states, base_states)
    dropout_mask = dropout_labels == 1
    final_states = jnp.where(dropout_mask, jnp.int32(DROPOUT_STATE_ID), final_states)
    return final_states

if __name__ == "__main__":
    import jax
    _d = setup_inputs()
    print(jax.jit(kernel)(*tuple(_d.values())))

</pallas_src>

<mosaic_0001>
#map = affine_map<(d0, d1) -> (0, 0)>
#map1 = affine_map<(d0, d1) -> (0)>
module attributes {stable_mosaic.version = 14 : i64} {
  func.func @sc_k(%arg0: i32, %arg1: i32, %arg2: memref<16x8192xf32, #tpu.memory_space<hbm>>, %arg3: memref<8192xi32, #tpu.memory_space<hbm>>, %arg4: memref<8192xi32, #tpu.memory_space<hbm>>, %arg5: memref<16x256xf32, #tpu.memory_space<vmem>>, %arg6: memref<256xi32, #tpu.memory_space<vmem>>, %arg7: memref<256xi32, #tpu.memory_space<vmem>>) attributes {dimension_semantics = [#tpu.dimension_semantics<core_parallel>, #tpu.dimension_semantics<subcore_parallel>], iteration_bounds = array<i64: 2, 16>, scalar_prefetch = 0 : i64, scratch_operands = 3 : i64, tpu.core_type = #tpu.core_type<sc_vector_subcore>, window_params = [{transform_indices = #map}, {transform_indices = #map1}, {transform_indices = #map1}]} {
    %mul3A = arith.constant 2 : i32
    %mul3A_0 = arith.muli %arg1, %mul3A : i32
    %add3A = arith.addi %mul3A_0, %arg0 : i32
    %mul3A_1 = arith.constant 256 : i32
    %mul3A_2 = arith.muli %add3A, %mul3A_1 : i32
    "tpu.region"() ({
      %run_scoped3A = tpu.sem_alloc : memref<!tpu.dma_semaphore, #tpu.memory_space<semaphore_mem>>
      %dma_start3A = arith.constant 0 : i32
      %dma_start3A_1929 = tpu.memref_slice %arg2[%dma_start3A, %mul3A_2] : memref<16x8192xf32, #tpu.memory_space<hbm>> -> memref<16x256xf32, #tpu.memory_space<hbm>>
      %dma_start3A_1930 = arith.constant 0 : i32
      %dma_start3A_1931 = tpu.memref_slice %arg2[%dma_start3A_1930, %mul3A_2] : memref<16x8192xf32, #tpu.memory_space<hbm>> -> memref<16x256xf32, #tpu.memory_space<hbm>>
      tpu.enqueue_dma source(%dma_start3A_1931 : memref<16x256xf32, #tpu.memory_space<hbm>>) target(%arg5 : memref<16x256xf32, #tpu.memory_space<vmem>>) target_semaphore(%run_scoped3A : memref<!tpu.dma_semaphore, #tpu.memory_space<semaphore_mem>>)
      %dma_wait3A = arith.constant 0 : i32
      %dma_wait3A_1932 = tpu.memref_slice %arg2[%dma_wait3A, %mul3A_2] : memref<16x8192xf32, #tpu.memory_space<hbm>> -> memref<16x256xf32, #tpu.memory_space<hbm>>
      %dma_wait3A_1933 = arith.constant 0 : i32
      %dma_wait3A_1934 = tpu.memref_slice %arg2[%dma_wait3A_1933, %mul3A_2] : memref<16x8192xf32, #tpu.memory_space<hbm>> -> memref<16x256xf32, #tpu.memory_space<hbm>>
      tpu.wait_dma2 semaphore(%run_scoped3A : memref<!tpu.dma_semaphore, #tpu.memory_space<semaphore_mem>>) src(%dma_wait3A_1934 : memref<16x256xf32, #tpu.memory_space<hbm>>) dst(%arg5 : memref<16x256xf32, #tpu.memory_space<vmem>>)
      tpu.yield
    }) : () -> ()
    "tpu.region"() ({
      %run_scoped3A = tpu.sem_alloc : memref<!tpu.dma_semaphore, #tpu.memory_space<semaphore_mem>>
      %dma_start3A = tpu.memref_slice %arg3[%mul3A_2] : memref<8192xi32, #tpu.memory_space<hbm>> -> memref<256xi32, #tpu.memory_space<hbm>>
      %dma_start3A_1929 = tpu.memref_slice %arg3[%mul3A_2] : memref<8192xi32, #tpu.memory_space<hbm>> -> memref<256xi32, #tpu.memory_space<hbm>>
      tpu.enqueue_dma source(%dma_start3A_1929 : memref<256xi32, #tpu.memory_space<hbm>>) target(%arg6 : memref<256xi32, #tpu.memory_space<vmem>>) target_semaphore(%run_scoped3A : memref<!tpu.dma_semaphore, #tpu.memory_space<semaphore_mem>>)
      %dma_wait3A = tpu.memref_slice %arg3[%mul3A_2] : memref<8192xi32, #tpu.memory_space<hbm>> -> memref<256xi32, #tpu.memory_space<hbm>>
      %dma_wait3A_1930 = tpu.memref_slice %arg3[%mul3A_2] : memref<8192xi32, #tpu.memory_space<hbm>> -> memref<256xi32, #tpu.memory_space<hbm>>
      tpu.wait_dma2 semaphore(%run_scoped3A : memref<!tpu.dma_semaphore, #tpu.memory_space<semaphore_mem>>) src(%dma_wait3A_1930 : memref<256xi32, #tpu.memory_space<hbm>>) dst(%arg6 : memref<256xi32, #tpu.memory_space<vmem>>)
      tpu.yield
    }) : () -> ()
    %get3A = arith.constant 0 : i32
    %get3A_3 = arith.index_cast %get3A : i32 to index
    %get3A_4 = arith.constant 0 : index
    %get3A_5 = tpu.vector_load %arg5[%get3A_3, %get3A_4] {strides = array<i32>} : memref<16x256xf32, #tpu.memory_space<vmem>>, vector<1x16xf32>,
    %get3A_6 = vector.shape_cast %get3A_5 : vector<1x16xf32> to vector<16xf32>
    %get3A_7 = arith.constant 1 : i32
    %get3A_8 = arith.index_cast %get3A_7 : i32 to index
    %get3A_9 = arith.constant 0 : index
    %get3A_10 = tpu.vector_load %arg5[%get3A_8, %get3A_9] {strides = array<i32>} : memref<16x256xf32, #tpu.memory_space<vmem>>, vector<1x16xf32>,
    %get3A_11 = vector.shape_cast %get3A_10 : vector<1x16xf32> to vector<16xf32>
    %get3A_12 = arith.constant 2 : i32
    %get3A_13 = arith.index_cast %get3A_12 : i32 to index
    %get3A_14 = arith.constant 0 : index
    %get3A_15 = tpu.vector_load %arg5[%get3A_13, %get3A_14] {strides = array<i32>} : memref<16x256xf32, #tpu.memory_space<vmem>>, vector<1x16xf32>,
    %get3A_16 = vector.shape_cast %get3A_15 : vector<1x16xf32> to vector<16xf32>
    %broadcast_in_dim3A = arith.constant 0 : i32
    %broadcast_in_dim3A_17 = vector.broadcast %broadcast_in_dim3A : i32 to vector<16xi32>
    %get3A_18 = arith.constant 3 : i32
    %get3A_19 = arith.index_cast %get3A_18 : i32 to index
    %get3A_20 = arith.constant 0 : index
    %get3A_21 = tpu.vector_load %arg5[%get3A_19, %get3A_20] {strides = array<i32>} : memref<16x256xf32, #tpu.memory_space<vmem>>, vector<1x16xf32>,
    %get3A_22 = vector.shape_cast %get3A_21 : vector<1x16xf32> to vector<16xf32>
    %gt3A = arith.cmpf ogt, %get3A_22, %get3A_16 : vector<16xf32>
    %broadcast_in_dim3A_23 = arith.constant 1 : i32
    %broadcast_in_dim3A_24 = vector.broadcast %broadcast_in_dim3A_23 : i32 to vector<16xi32>
    %select_n3A = arith.select %gt3A, %broadcast_in_dim3A_24, %broadcast_in_dim3A_17 : vector<16xi1>, vector<16xi32>
    %select_n3A_25 = arith.select %gt3A, %get3A_22, %get3A_16 : vector<16xi1>, vector<16xf32>
    %get3A_26 = arith.constant 4 : i32
    %get3A_27 = arith.index_cast %get3A_26 : i32 to index
    %get3A_28 = arith.constant 0 : index
    %get3A_29 = tpu.vector_load %arg5[%get3A_27, %get3A_28] {strides = array<i32>} : memref<16x256xf32, #tpu.memory_space<vmem>>, vector<1x16xf32>,
    %get3A_30 = vector.shape_cast %get3A_29 : vector<1x16xf32> to vector<16xf32>
    %gt3A_31 = arith.cmpf ogt, %get3A_30, %select_n3A_25 : vector<16xf32>
    %broadcast_in_dim3A_32 = arith.constant 2 : i32
    %broadcast_in_dim3A_33 = vector.broadcast %broadcast_in_dim3A_32 : i32 to vector<16xi32>
    %select_n3A_34 = arith.select %gt3A_31, %broadcast_in_dim3A_33, %select_n3A : vector<16xi1>, vector<16xi32>
    %select_n3A_35 = arith.select %gt3A_31, %get3A_30, %select_n3A_25 : vector<16xi1>, vector<16xf32>
    %get3A_36 = arith.constant 5 : i32
    %get3A_37 = arith.index_cast %get3A_36 : i32 to index
    %get3A_38 = arith.constant 0 : index
    %get3A_39 = tpu.vector_load %arg5[%get3A_37, %get3A_38] {strides = array<i32>} : memref<16x256xf32, #tpu.memory_space<vmem>>, vector<1x16xf32>,
    %get3A_40 = vector.shape_cast %get3A_39 : vector<1x16xf32> to vector<16xf32>
    %gt3A_41 = arith.cmpf ogt, %get3A_40, %select_n3A_35 : vector<16xf32>
    %broadcast_in_dim3A_42 = arith.constant 3 : i32
    %broadcast_in_dim3A_43 = vector.broadcast %broadcast_in_dim3A_42 : i32 to vector<16xi32>
    %select_n3A_44 = arith.select %gt3A_41, %broadcast_in_dim3A_43, %select_n3A_34 : vector<16xi1>, vector<16xi32>
    %select_n3A_45 = arith.select %gt3A_41, %get3A_40, %select_n3A_35 : vector<16xi1>, vector<16xf32>
    %get3A_46 = arith.constant 6 : i32
    %get3A_47 = arith.index_cast %get3A_46 : i32 to index
    %get3A_48 = arith.constant 0 : index
    %get3A_49 = tpu.vector_load %arg5[%get3A_47, %get3A_48] {strides = array<i32>} : memref<16x256xf32, #tpu.memory_space<vmem>>, vector<1x16xf32>,
    %get3A_50 = vector.shape_cast %get3A_49 : vector<1x16xf32> to vector<16xf32>
    %gt3A_51 = arith.cmpf ogt, %get3A_50, %select_n3A_45 : vector<16xf32>
    %broadcast_in_dim3A_52 = arith.constant 4 : i32
    %broadcast_in_dim3A_53 = vector.broadcast %broadcast_in_dim3A_52 : i32 to vector<16xi32>
    %select_n3A_54 = arith.select %gt3A_51, %broadcast_in_dim3A_53, %select_n3A_44 : vector<16xi1>, vector<16xi32>
    %select_n3A_55 = arith.select %gt3A_51, %get3A_50, %select_n3A_45 : vector<16xi1>, vector<16xf32>
    %get3A_56 = arith.constant 7 : i32
    %get3A_57 = arith.index_cast %get3A_56 : i32 to index
    %get3A_58 = arith.constant 0 : index
    %get3A_59 = tpu.vector_load %arg5[%get3A_57, %get3A_58] {strides = array<i32>} : memref<16x256xf32, #tpu.memory_space<vmem>>, vector<1x16xf32>,
    %get3A_60 = vector.shape_cast %get3A_59 : vector<1x16xf32> to vector<16xf32>
    %gt3A_61 = arith.cmpf ogt, %get3A_60, %select_n3A_55 : vector<16xf32>
    %broadcast_in_dim3A_62 = arith.constant 5 : i32
    %broadcast_in_dim3A_63 = vector.broadcast %broadcast_in_dim3A_62 : i32 to vector<16xi32>
    %select_n3A_64 = arith.select %gt3A_61, %broadcast_in_dim3A_63, %select_n3A_54 : vector<16xi1>, vector<16xi32>
    %select_n3A_65 = arith.select %gt3A_61, %get3A_60, %select_n3A_55 : vector<16xi1>, vector<16xf32>
    %get3A_66 = arith.constant 8 : i32
    %get3A_67 = arith.index_cast %get3A_66 : i32 to index
    %get3A_68 = arith.constant 0 : index
    %get3A_69 = tpu.vector_load %arg5[%get3A_67, %get3A_68] {strides = array<i32>} : memref<16x256xf32, #tpu.memory_space<vmem>>, vector<1x16xf32>,
    %get3A_70 = vector.shape_cast %get3A_69 : vector<1x16xf32> to vector<16xf32>
    %gt3A_71 = arith.cmpf ogt, %get3A_70, %select_n3A_65 : vector<16xf32>
    %broadcast_in_dim3A_72 = arith.constant 6 : i32
    %broadcast_in_dim3A_73 = vector.broadcast %broadcast_in_dim3A_72 : i32 to vector<16xi32>
    %select_n3A_74 = arith.select %gt3A_71, %broadcast_in_dim3A_73, %select_n3A_64 : vector<16xi1>, vector<16xi32>
    %select_n3A_75 = arith.select %gt3A_71, %get3A_70, %select_n3A_65 : vector<16xi1>, vector<16xf32>
    %mul3A_76 = arith.constant 4.000000e+00 : f32
    %mul3A_77 = vector.broadcast %mul3A_76 : f32 to vector<16xf32>
    %mul3A_78 = arith.mulf %get3A_6, %mul3A_77 : vector<16xf32>
    %convert_element_type3A = arith.fptosi %mul3A_78 : vector<16xf32> to vector<16xi32>
    %jit3A = arith.constant 0 : i32
    %jit3A_79 = arith.constant 3 : i32
    %max3A = vector.broadcast %jit3A : i32 to vector<16xi32>
    %max3A_80 = arith.maxsi %max3A, %convert_element_type3A : vector<16xi32>
    %min3A = vector.broadcast %jit3A_79 : i32 to vector<16xi32>
    %min3A_81 = arith.minsi %min3A, %max3A_80 : vector<16xi32>
    %mul3A_82 = arith.constant 4.000000e+00 : f32
    %mul3A_83 = vector.broadcast %mul3A_82 : f32 to vector<16xf32>
    %mul3A_84 = arith.mulf %get3A_11, %mul3A_83 : vector<16xf32>
    %convert_element_type3A_85 = arith.fptosi %mul3A_84 : vector<16xf32> to vector<16xi32>
    %jit3A_86 = arith.constant 0 : i32
    %jit3A_87 = arith.constant 3 : i32
    %max3A_88 = vector.broadcast %jit3A_86 : i32 to vector<16xi32>
    %max3A_89 = arith.maxsi %max3A_88, %convert_element_type3A_85 : vector<16xi32>
    %min3A_90 = vector.broadcast %jit3A_87 : i32 to vector<16xi32>
    %min3A_91 = arith.minsi %min3A_90, %max3A_89 : vector<16xi32>
    %gt3A_92 = arith.constant 7.500000e-01 : f32
    %gt3A_93 = vector.broadcast %gt3A_92 : f32 to vector<16xf32>
    %gt3A_94 = arith.cmpf ogt, %get3A_6, %gt3A_93 : vector<16xf32>
    %add3A_95 = arith.constant 16 : i32
    %add3A_96 = vector.broadcast %add3A_95 : i32 to vector<16xi32>
    %add3A_97 = arith.addi %add3A_96, %select_n3A_74 : vector<16xi32>
    %mul3A_98 = arith.constant 4 : i32
    %mul3A_99 = vector.broadcast %mul3A_98 : i32 to vector<16xi32>
    %mul3A_100 = arith.muli %min3A_81, %mul3A_99 : vector<16xi32>
    %add3A_101 = arith.addi %mul3A_100, %min3A_91 : vector<16xi32>
    %select_n3A_102 = arith.select %gt3A_94, %add3A_97, %add3A_101 : vector<16xi1>, vector<16xi32>
    %get3A_103 = arith.constant 0 : index
    %get3A_104 = tpu.vector_load %arg6[%get3A_103] {strides = array<i32>} : memref<256xi32, #tpu.memory_space<vmem>>, vector<16xi32>,
    %get3A_105 = vector.shape_cast %get3A_104 : vector<16xi32> to vector<16xi32>
    %eq3A = arith.constant 1 : i32
    %eq3A_106 = vector.broadcast %eq3A : i32 to vector<16xi32>
    %eq3A_107 = arith.cmpi eq, %get3A_105, %eq3A_106 : vector<16xi32>
    %jit3A_108 = arith.constant 24 : i32
    %broadcast_in_dim3A_109 = vector.broadcast %jit3A_108 : i32 to vector<16xi32>
    %select_n3A_110 = arith.select %eq3A_107, %broadcast_in_dim3A_109, %select_n3A_102 : vector<16xi1>, vector<16xi32>
    %swap3A = arith.constant 0 : index
    %swap3A_111 = tpu.vector_load %arg7[%swap3A] {strides = array<i32>} : memref<256xi32, #tpu.memory_space<vmem>>, vector<16xi32>,
    %swap3A_112 = vector.shape_cast %swap3A_111 : vector<16xi32> to vector<16xi32>
    %swap3A_113 = vector.shape_cast %select_n3A_110 : vector<16xi32> to vector<16xi32>
    tpu.vector_store %arg7[%swap3A], %swap3A_113 {strides = array<i32>} : memref<256xi32, #tpu.memory_space<vmem>>, vector<16xi32>,
    %get3A_114 = arith.constant 0 : i32
    %get3A_115 = arith.index_cast %get3A_114 : i32 to index
    %get3A_116 = arith.constant 16 : index
    %get3A_117 = tpu.vector_load %arg5[%get3A_115, %get3A_116] {strides = array<i32>} : memref<16x256xf32, #tpu.memory_space<vmem>>, vector<1x16xf32>,
    %get3A_118 = vector.shape_cast %get3A_117 : vector<1x16xf32> to vector<16xf32>
    %get3A_119 = arith.constant 1 : i32
    %get3A_120 = arith.index_cast %get3A_119 : i32 to index
    %get3A_121 = arith.constant 16 : index
    %get3A_122 = tpu.vector_load %arg5[%get3A_120, %get3A_121] {strides = array<i32>} : memref<16x256xf32, #tpu.memory_space<vmem>>, vector<1x16xf32>,
    %get3A_123 = vector.shape_cast %get3A_122 : vector<1x16xf32> to vector<16xf32>
    %get3A_124 = arith.constant 2 : i32
    %get3A_125 = arith.index_cast %get3A_124 : i32 to index
    %get3A_126 = arith.constant 16 : index
    %get3A_127 = tpu.vector_load %arg5[%get3A_125, %get3A_126] {strides = array<i32>} : memref<16x256xf32, #tpu.memory_space<vmem>>, vector<1x16xf32>,
    %get3A_128 = vector.shape_cast %get3A_127 : vector<1x16xf32> to vector<16xf32>
    %broadcast_in_dim3A_129 = arith.constant 0 : i32
    %broadcast_in_dim3A_130 = vector.broadcast %broadcast_in_dim3A_129 : i32 to vector<16xi32>
    %get3A_131 = arith.constant 3 : i32
    %get3A_132 = arith.index_cast %get3A_131 : i32 to index
    %get3A_133 = arith.constant 16 : index
    %get3A_134 = tpu.vector_load %arg5[%get3A_132, %get3A_133] {strides = array<i32>} : memref<16x256xf32, #tpu.memory_space<vmem>>, vector<1x16xf32>,
    %get3A_135 = vector.shape_cast %get3A_134 : vector<1x16xf32> to vector<16xf32>
    %gt3A_136 = arith.cmpf ogt, %get3A_135, %get3A_128 : vector<16xf32>
    %broadcast_in_dim3A_137 = arith.constant 1 : i32
    %broadcast_in_dim3A_138 = vector.broadcast %broadcast_in_dim3A_137 : i32 to vector<16xi32>
    %select_n3A_139 = arith.select %gt3A_136, %broadcast_in_dim3A_138, %broadcast_in_dim3A_130 : vector<16xi1>, vector<16xi32>
    %select_n3A_140 = arith.select %gt3A_136, %get3A_135, %get3A_128 : vector<16xi1>, vector<16xf32>
    %get3A_141 = arith.constant 4 : i32
    %get3A_142 = arith.index_cast %get3A_141 : i32 to index
    %get3A_143 = arith.constant 16 : index
    %get3A_144 = tpu.vector_load %arg5[%get3A_142, %get3A_143] {strides = array<i32>} : memref<16x256xf32, #tpu.memory_space<vmem>>, vector<1x16xf32>,
    %get3A_145 = vector.shape_cast %get3A_144 : vector<1x16xf32> to vector<16xf32>
    %gt3A_146 = arith.cmpf ogt, %get3A_145, %select_n3A_140 : vector<16xf32>
    %broadcast_in_dim3A_147 = arith.constant 2 : i32
    %broadcast_in_dim3A_148 = vector.broadcast %broadcast_in_dim3A_147 : i32 to vector<16xi32>
    %select_n3A_149 = arith.select %gt3A_146, %broadcast_in_dim3A_148, %select_n3A_139 : vector<16xi1>, vector<16xi32>
    %select_n3A_150 = arith.select %gt3A_146, %get3A_145, %select_n3A_140 : vector<16xi1>, vector<16xf32>
    %get3A_151 = arith.constant 5 : i32
    %get3A_152 = arith.index_cast %get3A_151 : i32 to index
    %get3A_153 = arith.constant 16 : index
    %get3A_154 = tpu.vector_load %arg5[%get3A_152, %get3A_153] {strides = array<i32>} : memref<16x256xf32, #tpu.memory_space<vmem>>, vector<1x16xf32>,
    %get3A_155 = vector.shape_cast %get3A_154 : vector<1x16xf32> to vector<16xf32>
    %gt3A_156 = arith.cmpf ogt, %get3A_155, %select_n3A_150 : vector<16xf32>
    %broadcast_in_dim3A_157 = arith.constant 3 : i32
    %broadcast_in_dim3A_158 = vector.broadcast %broadcast_in_dim3A_157 : i32 to vector<16xi32>
    %select_n3A_159 = arith.select %gt3A_156, %broadcast_in_dim3A_158, %select_n3A_149 : vector<16xi1>, vector<16xi32>
    %select_n3A_160 = arith.select %gt3A_156, %get3A_155, %select_n3A_150 : vector<16xi1>, vector<16xf32>
    %get3A_161 = arith.constant 6 : i32
    %get3A_162 = arith.index_cast %get3A_161 : i32 to index
    %get3A_163 = arith.constant 16 : index
    %get3A_164 = tpu.vector_load %arg5[%get3A_162, %get3A_163] {strides = array<i32>} : memref<16x256xf32, #tpu.memory_space<vmem>>, vector<1x16xf32>,
    %get3A_165 = vector.shape_cast %get3A_164 : vector<1x16xf32> to vector<16xf32>
    %gt3A_166 = arith.cmpf ogt, %get3A_165, %select_n3A_160 : vector<16xf32>
    %broadcast_in_dim3A_167 = arith.constant 4 : i32
    %broadcast_in_dim3A_168 = vector.broadcast %broadcast_in_dim3A_167 : i32 to vector<16xi32>
    %select_n3A_169 = arith.select %gt3A_166, %broadcast_in_dim3A_168, %select_n3A_159 : vector<16xi1>, vector<16xi32>
    %select_n3A_170 = arith.select %gt3A_166, %get3A_165, %select_n3A_160 : vector<16xi1>, vector<16xf32>
    %get3A_171 = arith.constant 7 : i32
    %get3A_172 = arith.index_cast %get3A_171 : i32 to index
    %get3A_173 = arith.constant 16 : index
    %get3A_174 = tpu.vector_load %arg5[%get3A_172, %get3A_173] {strides = array<i32>} : memref<16x256xf32, #tpu.memory_space<vmem>>, vector<1x16xf32>,
    %get3A_175 = vector.shape_cast %get3A_174 : vector<1x16xf32> to vector<16xf32>
    %gt3A_176 = arith.cmpf ogt, %get3A_175, %select_n3A_170 : vector<16xf32>
    %broadcast_in_dim3A_177 = arith.constant 5 : i32
    %broadcast_in_dim3A_178 = vector.broadcast %broadcast_in_dim3A_177 : i32 to vector<16xi32>
    %select_n3A_179 = arith.select %gt3A_176, %broadcast_in_dim3A_178, %select_n3A_169 : vector<16xi1>, vector<16xi32>
    %select_n3A_180 = arith.select %gt3A_176, %get3A_175, %select_n3A_170 : vector<16xi1>, vector<16xf32>
    %get3A_181 = arith.constant 8 : i32
    %get3A_182 = arith.index_cast %get3A_181 : i32 to index
    %get3A_183 = arith.constant 16 : index
    %get3A_184 = tpu.vector_load %arg5[%get3A_182, %get3A_183] {strides = array<i32>} : memref<16x256xf32, #tpu.memory_space<vmem>>, vector<1x16xf32>,
    %get3A_185 = vector.shape_cast %get3A_184 : vector<1x16xf32> to vector<16xf32>
    %gt3A_186 = arith.cmpf ogt, %get3A_185, %select_n3A_180 : vector<16xf32>
    %broadcast_in_dim3A_187 = arith.constant 6 : i32
    %broadcast_in_dim3A_188 = vector.broadcast %broadcast_in_dim3A_187 : i32 to vector<16xi32>
    %select_n3A_189 = arith.select %gt3A_186, %broadcast_in_dim3A_188, %select_n3A_179 : vector<16xi1>, vector<16xi32>
    %select_n3A_190 = arith.select %gt3A_186, %get3A_185, %select_n3A_180 : vector<16xi1>, vector<16xf32>
    %mul3A_191 = arith.constant 4.000000e+00 : f32
    %mul3A_192 = vector.broadcast %mul3A_191 : f32 to vector<16xf32>
    %mul3A_193 = arith.mulf %get3A_118, %mul3A_192 : vector<16xf32>
    %convert_element_type3A_194 = arith.fptosi %mul3A_193 : vector<16xf32> to vector<16xi32>
    %jit3A_195 = arith.constant 0 : i32
    %jit3A_196 = arith.constant 3 : i32
    %max3A_197 = vector.broadcast %jit3A_195 : i32 to vector<16xi32>
    %max3A_198 = arith.maxsi %max3A_197, %convert_element_type3A_194 : vector<16xi32>
    %min3A_199 = vector.broadcast %jit3A_196 : i32 to vector<16xi32>
    %min3A_200 = arith.minsi %min3A_199, %max3A_198 : vector<16xi32>
    %mul3A_201 = arith.constant 4.000000e+00 : f32
    %mul3A_202 = vector.broadcast %mul3A_201 : f32 to vector<16xf32>
    %mul3A_203 = arith.mulf %get3A_123, %mul3A_202 : vector<16xf32>
    %convert_element_type3A_204 = arith.fptosi %mul3A_203 : vector<16xf32> to vector<16xi32>
    %jit3A_205 = arith.constant 0 : i32
    %jit3A_206 = arith.constant 3 : i32
    %max3A_207 = vector.broadcast %jit3A_205 : i32 to vector<16xi32>
    %max3A_208 = arith.maxsi %max3A_207, %convert_element_type3A_204 : vector<16xi32>
    %min3A_209 = vector.broadcast %jit3A_206 : i32 to vector<16xi32>
    %min3A_210 = arith.minsi %min3A_209, %max3A_208 : vector<16xi32>
    %gt3A_211 = arith.constant 7.500000e-01 : f32
    %gt3A_212 = vector.broadcast %gt3A_211 : f32 to vector<16xf32>
    %gt3A_213 = arith.cmpf ogt, %get3A_118, %gt3A_212 : vector<16xf32>
    %add3A_214 = arith.constant 16 : i32
    %add3A_215 = vector.broadcast %add3A_214 : i32 to vector<16xi32>
    %add3A_216 = arith.addi %add3A_215, %select_n3A_189 : vector<16xi32>
    %mul3A_217 = arith.constant 4 : i32
    %mul3A_218 = vector.broadcast %mul3A_217 : i32 to vector<16xi32>
    %mul3A_219 = arith.muli %min3A_200, %mul3A_218 : vector<16xi32>
    %add3A_220 = arith.addi %mul3A_219, %min3A_210 : vector<16xi32>
    %select_n3A_221 = arith.select %gt3A_213, %add3A_216, %add3A_220 : vector<16xi1>, vector<16xi32>
    %get3A_222 = arith.constant 16 : index
    %get3A_223 = tpu.vector_load %arg6[%get3A_222] {strides = array<i32>} : memref<256xi32, #tpu.memory_space<vmem>>, vector<16xi32>,
    %get3A_224 = vector.shape_cast %get3A_223 : vector<16xi32> to vector<16xi32>
    %eq3A_225 = arith.constant 1 : i32
    %eq3A_226 = vector.broadcast %eq3A_225 : i32 to vector<16xi32>
    %eq3A_227 = arith.cmpi eq, %get3A_224, %eq3A_226 : vector<16xi32>
    %jit3A_228 = arith.constant 24 : i32
    %broadcast_in_dim3A_229 = vector.broadcast %jit3A_228 : i32 to vector<16xi32>
    %select_n3A_230 = arith.select %eq3A_227, %broadcast_in_dim3A_229, %select_n3A_221 : vector<16xi1>, vector<16xi32>
    %swap3A_231 = arith.constant 16 : index
    %swap3A_232 = tpu.vector_load %arg7[%swap3A_231] {strides = array<i32>} : memref<256xi32, #tpu.memory_space<vmem>>, vector<16xi32>,
    %swap3A_233 = vector.shape_cast %swap3A_232 : vector<16xi32> to vector<16xi32>
    %swap3A_234 = vector.shape_cast %select_n3A_230 : vector<16xi32> to vector<16xi32>
    tpu.vector_store %arg7[%swap3A_231], %swap3A_234 {strides = array<i32>} : memref<256xi32, #tpu.memory_space<vmem>>, vector<16xi32>,
    %get3A_235 = arith.constant 0 : i32
    %get3A_236 = arith.index_cast %get3A_235 : i32 to index
    %get3A_237 = arith.constant 32 : index
    %get3A_238 = tpu.vector_load %arg5[%get3A_236, %get3A_237] {strides = array<i32>} : memref<16x256xf32, #tpu.memory_space<vmem>>, vector<1x16xf32>,
    %get3A_239 = vector.shape_cast %get3A_238 : vector<1x16xf32> to vector<16xf32>
    %get3A_240 = arith.constant 1 : i32
    %get3A_241 = arith.index_cast %get3A_240 : i32 to index
    %get3A_242 = arith.constant 32 : index
    %get3A_243 = tpu.vector_load %arg5[%get3A_241, %get3A_242] {strides = array<i32>} : memref<16x256xf32, #tpu.memory_space<vmem>>, vector<1x16xf32>,
    %get3A_244 = vector.shape_cast %get3A_243 : vector<1x16xf32> to vector<16xf32>
    %get3A_245 = arith.constant 2 : i32
    %get3A_246 = arith.index_cast %get3A_245 : i32 to index
    %get3A_247 = arith.constant 32 : index
    %get3A_248 = tpu.vector_load %arg5[%get3A_246, %get3A_247] {strides = array<i32>} : memref<16x256xf32, #tpu.memory_space<vmem>>, vector<1x16xf32>,
    %get3A_249 = vector.shape_cast %get3A_248 : vector<1x16xf32> to vector<16xf32>
    %broadcast_in_dim3A_250 = arith.constant 0 : i32
    %broadcast_in_dim3A_251 = vector.broadcast %broadcast_in_dim3A_250 : i32 to vector<16xi32>
    %get3A_252 = arith.constant 3 : i32
    %get3A_253 = arith.index_cast %get3A_252 : i32 to index
    %get3A_254 = arith.constant 32 : index
    %get3A_255 = tpu.vector_load %arg5[%get3A_253, %get3A_254] {strides = array<i32>} : memref<16x256xf32, #tpu.memory_space<vmem>>, vector<1x16xf32>,
    %get3A_256 = vector.shape_cast %get3A_255 : vector<1x16xf32> to vector<16xf32>
    %gt3A_257 = arith.cmpf ogt, %get3A_256, %get3A_249 : vector<16xf32>
    %broadcast_in_dim3A_258 = arith.constant 1 : i32
    %broadcast_in_dim3A_259 = vector.broadcast %broadcast_in_dim3A_258 : i32 to vector<16xi32>
    %select_n3A_260 = arith.select %gt3A_257, %broadcast_in_dim3A_259, %broadcast_in_dim3A_251 : vector<16xi1>, vector<16xi32>
    %select_n3A_261 = arith.select %gt3A_257, %get3A_256, %get3A_249 : vector<16xi1>, vector<16xf32>
    %get3A_262 = arith.constant 4 : i32
    %get3A_263 = arith.index_cast %get3A_262 : i32 to index
    %get3A_264 = arith.constant 32 : index
    %get3A_265 = tpu.vector_load %arg5[%get3A_263, %get3A_264] {strides = array<i32>} : memref<16x256xf32, #tpu.memory_space<vmem>>, vector<1x16xf32>,
    %get3A_266 = vector.shape_cast %get3A_265 : vector<1x16xf32> to vector<16xf32>
    %gt3A_267 = arith.cmpf ogt, %get3A_266, %select_n3A_261 : vector<16xf32>
    %broadcast_in_dim3A_268 = arith.constant 2 : i32
    %broadcast_in_dim3A_269 = vector.broadcast %broadcast_in_dim3A_268 : i32 to vector<16xi32>
    %select_n3A_270 = arith.select %gt3A_267, %broadcast_in_dim3A_269, %select_n3A_260 : vector<16xi1>, vector<16xi32>
    %select_n3A_271 = arith.select %gt3A_267, %get3A_266, %select_n3A_261 : vector<16xi1>, vector<16xf32>
    %get3A_272 = arith.constant 5 : i32
    %get3A_273 = arith.index_cast %get3A_272 : i32 to index
    %get3A_274 = arith.constant 32 : index
    %get3A_275 = tpu.vector_load %arg5[%get3A_273, %get3A_274] {strides = array<i32>} : memref<16x256xf32, #tpu.memory_space<vmem>>, vector<1x16xf32>,
    %get3A_276 = vector.shape_cast %get3A_275 : vector<1x16xf32> to vector<16xf32>
    %gt3A_277 = arith.cmpf ogt, %get3A_276, %select_n3A_271 : vector<16xf32>
    %broadcast_in_dim3A_278 = arith.constant 3 : i32
    %broadcast_in_dim3A_279 = vector.broadcast %broadcast_in_dim3A_278 : i32 to vector<16xi32>
    %select_n3A_280 = arith.select %gt3A_277, %broadcast_in_dim3A_279, %select_n3A_270 : vector<16xi1>, vector<16xi32>
    %select_n3A_281 = arith.select %gt3A_277, %get3A_276, %select_n3A_271 : vector<16xi1>, vector<16xf32>
    %get3A_282 = arith.constant 6 : i32
    %get3A_283 = arith.index_cast %get3A_282 : i32 to index
    %get3A_284 = arith.constant 32 : index
    %get3A_285 = tpu.vector_load %arg5[%get3A_283, %get3A_284] {strides = array<i32>} : memref<16x256xf32, #tpu.memory_space<vmem>>, vector<1x16xf32>,
    %get3A_286 = vector.shape_cast %get3A_285 : vector<1x16xf32> to vector<16xf32>
    %gt3A_287 = arith.cmpf ogt, %get3A_286, %select_n3A_281 : vector<16xf32>
    %broadcast_in_dim3A_288 = arith.constant 4 : i32
    %broadcast_in_dim3A_289 = vector.broadcast %broadcast_in_dim3A_288 : i32 to vector<16xi32>
    %select_n3A_290 = arith.select %gt3A_287, %broadcast_in_dim3A_289, %select_n3A_280 : vector<16xi1>, vector<16xi32>
    %select_n3A_291 = arith.select %gt3A_287, %get3A_286, %select_n3A_281 : vector<16xi1>, vector<16xf32>
    %get3A_292 = arith.constant 7 : i32
    %get3A_293 = arith.index_cast %get3A_292 : i32 to index
    %get3A_294 = arith.constant 32 : index
    %get3A_295 = tpu.vector_load %arg5[%get3A_293, %get3A_294] {strides = array<i32>} : memref<16x256xf32, #tpu.memory_space<vmem>>, vector<1x16xf32>,
    %get3A_296 = vector.shape_cast %get3A_295 : vector<1x16xf32> to vector<16xf32>
    %gt3A_297 = arith.cmpf ogt, %get3A_296, %select_n3A_291 : vector<16xf32>
    %broadcast_in_dim3A_298 = arith.constant 5 : i32
    %broadcast_in_dim3A_299 = vector.broadcast %broadcast_in_dim3A_298 : i32 to vector<16xi32>
    %select_n3A_300 = arith.select %gt3A_297, %broadcast_in_dim3A_299, %select_n3A_290 : vector<16xi1>, vector<16xi32>
    %select_n3A_301 = arith.select %gt3A_297, %get3A_296, %select_n3A_291 : vector<16xi1>, vector<16xf32>
    %get3A_302 = arith.constant 8 : i32
    %get3A_303 = arith.index_cast %get3A_302 : i32 to index
    %get3A_304 = arith.constant 32 : index
    %get3A_305 = tpu.vector_load %arg5[%get3A_303, %get3A_304] {strides = array<i32>} : memref<16x256xf32, #tpu.memory_space<vmem>>, vector<1x16xf32>,
    %get3A_306 = vector.shape_cast %get3A_305 : vector<1x16xf32> to vector<16xf32>
    %gt3A_307 = arith.cmpf ogt, %get3A_306, %select_n3A_301 : vector<16xf32>
    %broadcast_in_dim3A_308 = arith.constant 6 : i32
    %broadcast_in_dim3A_309 = vector.broadcast %broadcast_in_dim3A_308 : i32 to vector<16xi32>
    %select_n3A_310 = arith.select %gt3A_307, %broadcast_in_dim3A_309, %select_n3A_300 : vector<16xi1>, vector<16xi32>
    %select_n3A_311 = arith.select %gt3A_307, %get3A_306, %select_n3A_301 : vector<16xi1>, vector<16xf32>
    %mul3A_312 = arith.constant 4.000000e+00 : f32
    %mul3A_313 = vector.broadcast %mul3A_312 : f32 to vector<16xf32>
    %mul3A_314 = arith.mulf %get3A_239, %mul3A_313 : vector<16xf32>
    %convert_element_type3A_315 = arith.fptosi %mul3A_314 : vector<16xf32> to vector<16xi32>
    %jit3A_316 = arith.constant 0 : i32
    %jit3A_317 = arith.constant 3 : i32
    %max3A_318 = vector.broadcast %jit3A_316 : i32 to vector<16xi32>
    %max3A_319 = arith.maxsi %max3A_318, %convert_element_type3A_315 : vector<16xi32>
    %min3A_320 = vector.broadcast %jit3A_317 : i32 to vector<16xi32>
    %min3A_321 = arith.minsi %min3A_320, %max3A_319 : vector<16xi32>
    %mul3A_322 = arith.constant 4.000000e+00 : f32
    %mul3A_323 = vector.broadcast %mul3A_322 : f32 to vector<16xf32>
    %mul3A_324 = arith.mulf %get3A_244, %mul3A_323 : vector<16xf32>
    %convert_element_type3A_325 = arith.fptosi %mul3A_324 : vector<16xf32> to vector<16xi32>
    %jit3A_326 = arith.constant 0 : i32
    %jit3A_327 = arith.constant 3 : i32
    %max3A_328 = vector.broadcast %jit3A_326 : i32 to vector<16xi32>
    %max3A_329 = arith.maxsi %max3A_328, %convert_element_type3A_325 : vector<16xi32>
    %min3A_330 = vector.broadcast %jit3A_327 : i32 to vector<16xi32>
    %min3A_331 = arith.minsi %min3A_330, %max3A_329 : vector<16xi32>
    %gt3A_332 = arith.constant 7.500000e-01 : f32
    %gt3A_333 = vector.broadcast %gt3A_332 : f32 to vector<16xf32>
    %gt3A_334 = arith.cmpf ogt, %get3A_239, %gt3A_333 : vector<16xf32>
    %add3A_335 = arith.constant 16 : i32
    %add3A_336 = vector.broadcast %add3A_335 : i32 to vector<16xi32>
    %add3A_337 = arith.addi %add3A_336, %select_n3A_310 : vector<16xi32>
    %mul3A_338 = arith.constant 4 : i32
    %mul3A_339 = vector.broadcast %mul3A_338 : i32 to vector<16xi32>
    %mul3A_340 = arith.muli %min3A_321, %mul3A_339 : vector<16xi32>
    %add3A_341 = arith.addi %mul3A_340, %min3A_331 : vector<16xi32>
    %select_n3A_342 = arith.select %gt3A_334, %add3A_337, %add3A_341 : vector<16xi1>, vector<16xi32>
    %get3A_343 = arith.constant 32 : index
    %get3A_344 = tpu.vector_load %arg6[%get3A_343] {strides = array<i32>} : memref<256xi32, #tpu.memory_space<vmem>>, vector<16xi32>,
    %get3A_345 = vector.shape_cast %get3A_344 : vector<16xi32> to vector<16xi32>
    %eq3A_346 = arith.constant 1 : i32
    %eq3A_347 = vector.broadcast %eq3A_346 : i32 to vector<16xi32>
    %eq3A_348 = arith.cmpi eq, %get3A_345, %eq3A_347 : vector<16xi32>
    %jit3A_349 = arith.constant 24 : i32
    %broadcast_in_dim3A_350 = vector.broadcast %jit3A_349 : i32 to vector<16xi32>
    %select_n3A_351 = arith.select %eq3A_348, %broadcast_in_dim3A_350, %select_n3A_342 : vector<16xi1>, vector<16xi32>
    %swap3A_352 = arith.constant 32 : index
    %swap3A_353 = tpu.vector_load %arg7[%swap3A_352] {strides = array<i32>} : memref<256xi32, #tpu.memory_space<vmem>>, vector<16xi32>,
    %swap3A_354 = vector.shape_cast %swap3A_353 : vector<16xi32> to vector<16xi32>
    %swap3A_355 = vector.shape_cast %select_n3A_351 : vector<16xi32> to vector<16xi32>
    tpu.vector_store %arg7[%swap3A_352], %swap3A_355 {strides = array<i32>} : memref<256xi32, #tpu.memory_space<vmem>>, vector<16xi32>,
    %get3A_356 = arith.constant 0 : i32
    %get3A_357 = arith.index_cast %get3A_356 : i32 to index
    %get3A_358 = arith.constant 48 : index
    %get3A_359 = tpu.vector_load %arg5[%get3A_357, %get3A_358] {strides = array<i32>} : memref<16x256xf32, #tpu.memory_space<vmem>>, vector<1x16xf32>,
    %get3A_360 = vector.shape_cast %get3A_359 : vector<1x16xf32> to vector<16xf32>
    %get3A_361 = arith.constant 1 : i32
    %get3A_362 = arith.index_cast %get3A_361 : i32 to index
    %get3A_363 = arith.constant 48 : index
    %get3A_364 = tpu.vector_load %arg5[%get3A_362, %get3A_363] {strides = array<i32>} : memref<16x256xf32, #tpu.memory_space<vmem>>, vector<1x16xf32>,
    %get3A_365 = vector.shape_cast %get3A_364 : vector<1x16xf32> to vector<16xf32>
    %get3A_366 = arith.constant 2 : i32
    %get3A_367 = arith.index_cast %get3A_366 : i32 to index
    %get3A_368 = arith.constant 48 : index
    %get3A_369 = tpu.vector_load %arg5[%get3A_367, %get3A_368] {strides = array<i32>} : memref<16x256xf32, #tpu.memory_space<vmem>>, vector<1x16xf32>,
    %get3A_370 = vector.shape_cast %get3A_369 : vector<1x16xf32> to vector<16xf32>
    %broadcast_in_dim3A_371 = arith.constant 0 : i32
    %broadcast_in_dim3A_372 = vector.broadcast %broadcast_in_dim3A_371 : i32 to vector<16xi32>
    %get3A_373 = arith.constant 3 : i32
    %get3A_374 = arith.index_cast %get3A_373 : i32 to index
    %get3A_375 = arith.constant 48 : index
    %get3A_376 = tpu.vector_load %arg5[%get3A_374, %get3A_375] {strides = array<i32>} : memref<16x256xf32, #tpu.memory_space<vmem>>, vector<1x16xf32>,
    %get3A_377 = vector.shape_cast %get3A_376 : vector<1x16xf32> to vector<16xf32>
    %gt3A_378 = arith.cmpf ogt, %get3A_377, %get3A_370 : vector<16xf32>
    %broadcast_in_dim3A_379 = arith.constant 1 : i32
    %broadcast_in_dim3A_380 = vector.broadcast %broadcast_in_dim3A_379 : i32 to vector<16xi32>
    %select_n3A_381 = arith.select %gt3A_378, %broadcast_in_dim3A_380, %broadcast_in_dim3A_372 : vector<16xi1>, vector<16xi32>
    %select_n3A_382 = arith.select %gt3A_378, %get3A_377, %get3A_370 : vector<16xi1>, vector<16xf32>
    %get3A_383 = arith.constant 4 : i32
    %get3A_384 = arith.index_cast %get3A_383 : i32 to index
    %get3A_385 = arith.constant 48 : index
    %get3A_386 = tpu.vector_load %arg5[%get3A_384, %get3A_385] {strides = array<i32>} : memref<16x256xf32, #tpu.memory_space<vmem>>, vector<1x16xf32>,
    %get3A_387 = vector.shape_cast %get3A_386 : vector<1x16xf32> to vector<16xf32>
    %gt3A_388 = arith.cmpf ogt, %get3A_387, %select_n3A_382 : vector<16xf32>
    %broadcast_in_dim3A_389 = arith.constant 2 : i32
    %broadcast_in_dim3A_390 = vector.broadcast %broadcast_in_dim3A_389 : i32 to vector<16xi32>
    %select_n3A_391 = arith.select %gt3A_388, %broadcast_in_dim3A_390, %select_n3A_381 : vector<16xi1>, vector<16xi32>
    %select_n3A_392 = arith.select %gt3A_388, %get3A_387, %select_n3A_382 : vector<16xi1>, vector<16xf32>
    %get3A_393 = arith.constant 5 : i32
    %get3A_394 = arith.index_cast %get3A_393 : i32 to index
    %get3A_395 = arith.constant 48 : index
    %get3A_396 = tpu.vector_load %arg5[%get3A_394, %get3A_395] {strides = array<i32>} : memref<16x256xf32, #tpu.memory_space<vmem>>, vector<1x16xf32>,
    %get3A_397 = vector.shape_cast %get3A_396 : vector<1x16xf32> to vector<16xf32>
    %gt3A_398 = arith.cmpf ogt, %get3A_397, %select_n3A_392 : vector<16xf32>
    %broadcast_in_dim3A_399 = arith.constant 3 : i32
    %broadcast_in_dim3A_400 = vector.broadcast %broadcast_in_dim3A_399 : i32 to vector<16xi32>
    %select_n3A_401 = arith.select %gt3A_398, %broadcast_in_dim3A_400, %select_n3A_391 : vector<16xi1>, vector<16xi32>
    %select_n3A_402 = arith.select %gt3A_398, %get3A_397, %select_n3A_392 : vector<16xi1>, vector<16xf32>
    %get3A_403 = arith.constant 6 : i32
    %get3A_404 = arith.index_cast %get3A_403 : i32 to index
    %get3A_405 = arith.constant 48 : index
    %get3A_406 = tpu.vector_load %arg5[%get3A_404, %get3A_405] {strides = array<i32>} : memref<16x256xf32, #tpu.memory_space<vmem>>, vector<1x16xf32>,
    %get3A_407 = vector.shape_cast %get3A_406 : vector<1x16xf32> to vector<16xf32>
    %gt3A_408 = arith.cmpf ogt, %get3A_407, %select_n3A_402 : vector<16xf32>
    %broadcast_in_dim3A_409 = arith.constant 4 : i32
    %broadcast_in_dim3A_410 = vector.broadcast %broadcast_in_dim3A_409 : i32 to vector<16xi32>
    %select_n3A_411 = arith.select %gt3A_408, %broadcast_in_dim3A_410, %select_n3A_401 : vector<16xi1>, vector<16xi32>
    %select_n3A_412 = arith.select %gt3A_408, %get3A_407, %select_n3A_402 : vector<16xi1>, vector<16xf32>
    %get3A_413 = arith.constant 7 : i32
    %get3A_414 = arith.index_cast %get3A_413 : i32 to index
    %get3A_415 = arith.constant 48 : index
    %get3A_416 = tpu.vector_load %arg5[%get3A_414, %get3A_415] {strides = array<i32>} : memref<16x256xf32, #tpu.memory_space<vmem>>, vector<1x16xf32>,
    %get3A_417 = vector.shape_cast %get3A_416 : vector<1x16xf32> to vector<16xf32>
    %gt3A_418 = arith.cmpf ogt, %get3A_417, %select_n3A_412 : vector<16xf32>
    %broadcast_in_dim3A_419 = arith.constant 5 : i32
    %broadcast_in_dim3A_420 = vector.broadcast %broadcast_in_dim3A_419 : i32 to vector<16xi32>
    %select_n3A_421 = arith.select %gt3A_418, %broadcast_in_dim3A_420, %select_n3A_411 : vector<16xi1>, vector<16xi32>
    %select_n3A_422 = arith.select %gt3A_418, %get3A_417, %select_n3A_412 : vector<16xi1>, vector<16xf32>
    %get3A_423 = arith.constant 8 : i32
    %get3A_424 = arith.index_cast %get3A_423 : i32 to index
    %get3A_425 = arith.constant 48 : index
    %get3A_426 = tpu.vector_load %arg5[%get3A_424, %get3A_425] {strides = array<i32>} : memref<16x256xf32, #tpu.memory_space<vmem>>, vector<1x16xf32>,
    %get3A_427 = vector.shape_cast %get3A_426 : vector<1x16xf32> to vector<16xf32>
    %gt3A_428 = arith.cmpf ogt, %get3A_427, %select_n3A_422 : vector<16xf32>
    %broadcast_in_dim3A_429 = arith.constant 6 : i32
    %broadcast_in_dim3A_430 = vector.broadcast %broadcast_in_dim3A_429 : i32 to vector<16xi32>
    %select_n3A_431 = arith.select %gt3A_428, %broadcast_in_dim3A_430, %select_n3A_421 : vector<16xi1>, vector<16xi32>
    %select_n3A_432 = arith.select %gt3A_428, %get3A_427, %select_n3A_422 : vector<16xi1>, vector<16xf32>
    %mul3A_433 = arith.constant 4.000000e+00 : f32
    %mul3A_434 = vector.broadcast %mul3A_433 : f32 to vector<16xf32>
    %mul3A_435 = arith.mulf %get3A_360, %mul3A_434 : vector<16xf32>
    %convert_element_type3A_436 = arith.fptosi %mul3A_435 : vector<16xf32> to vector<16xi32>
    %jit3A_437 = arith.constant 0 : i32
    %jit3A_438 = arith.constant 3 : i32
    %max3A_439 = vector.broadcast %jit3A_437 : i32 to vector<16xi32>
    %max3A_440 = arith.maxsi %max3A_439, %convert_element_type3A_436 : vector<16xi32>
    %min3A_441 = vector.broadcast %jit3A_438 : i32 to vector<16xi32>
    %min3A_442 = arith.minsi %min3A_441, %max3A_440 : vector<16xi32>
    %mul3A_443 = arith.constant 4.000000e+00 : f32
    %mul3A_444 = vector.broadcast %mul3A_443 : f32 to vector<16xf32>
    %mul3A_445 = arith.mulf %get3A_365, %mul3A_444 : vector<16xf32>
    %convert_element_type3A_446 = arith.fptosi %mul3A_445 : vector<16xf32> to vector<16xi32>
    %jit3A_447 = arith.constant 0 : i32
    %jit3A_448 = arith.constant 3 : i32
    %max3A_449 = vector.broadcast %jit3A_447 : i32 to vector<16xi32>
    %max3A_450 = arith.maxsi %max3A_449, %convert_element_type3A_446 : vector<16xi32>
    %min3A_451 = vector.broadcast %jit3A_448 : i32 to vector<16xi32>
    %min3A_452 = arith.minsi %min3A_451, %max3A_450 : vector<16xi32>
    %gt3A_453 = arith.constant 7.500000e-01 : f32
    %gt3A_454 = vector.broadcast %gt3A_453 : f32 to vector<16xf32>
    %gt3A_455 = arith.cmpf ogt, %get3A_360, %gt3A_454 : vector<16xf32>
    %add3A_456 = arith.constant 16 : i32
    %add3A_457 = vector.broadcast %add3A_456 : i32 to vector<16xi32>
    %add3A_458 = arith.addi %add3A_457, %select_n3A_431 : vector<16xi32>
    %mul3A_459 = arith.constant 4 : i32
    %mul3A_460 = vector.broadcast %mul3A_459 : i32 to vector<16xi32>
    %mul3A_461 = arith.muli %min3A_442, %mul3A_460 : vector<16xi32>
    %add3A_462 = arith.addi %mul3A_461, %min3A_452 : vector<16xi32>
    %select_n3A_463 = arith.select %gt3A_455, %add3A_458, %add3A_462 : vector<16xi1>, vector<16xi32>
    %get3A_464 = arith.constant 48 : index
    %get3A_465 = tpu.vector_load %arg6[%get3A_464] {strides = array<i32>} : memref<256xi32, #tpu.memory_space<vmem>>, vector<16xi32>,
    %get3A_466 = vector.shape_cast %get3A_465 : vector<16xi32> to vector<16xi32>
    %eq3A_467 = arith.constant 1 : i32
    %eq3A_468 = vector.broadcast %eq3A_467 : i32 to vector<16xi32>
    %eq3A_469 = arith.cmpi eq, %get3A_466, %eq3A_468 : vector<16xi32>
    %jit3A_470 = arith.constant 24 : i32
    %broadcast_in_dim3A_471 = vector.broadcast %jit3A_470 : i32 to vector<16xi32>
    %select_n3A_472 = arith.select %eq3A_469, %broadcast_in_dim3A_471, %select_n3A_463 : vector<16xi1>, vector<16xi32>
    %swap3A_473 = arith.constant 48 : index
    %swap3A_474 = tpu.vector_load %arg7[%swap3A_473] {strides = array<i32>} : memref<256xi32, #tpu.memory_space<vmem>>, vector<16xi32>,
    %swap3A_475 = vector.shape_cast %swap3A_474 : vector<16xi32> to vector<16xi32>
    %swap3A_476 = vector.shape_cast %select_n3A_472 : vector<16xi32> to vector<16xi32>
    tpu.vector_store %arg7[%swap3A_473], %swap3A_476 {strides = array<i32>} : memref<256xi32, #tpu.memory_space<vmem>>, vector<16xi32>,
    %get3A_477 = arith.constant 0 : i32
    %get3A_478 = arith.index_cast %get3A_477 : i32 to index
    %get3A_479 = arith.constant 64 : index
    %get3A_480 = tpu.vector_load %arg5[%get3A_478, %get3A_479] {strides = array<i32>} : memref<16x256xf32, #tpu.memory_space<vmem>>, vector<1x16xf32>,
    %get3A_481 = vector.shape_cast %get3A_480 : vector<1x16xf32> to vector<16xf32>
    %get3A_482 = arith.constant 1 : i32
    %get3A_483 = arith.index_cast %get3A_482 : i32 to index
    %get3A_484 = arith.constant 64 : index
    %get3A_485 = tpu.vector_load %arg5[%get3A_483, %get3A_484] {strides = array<i32>} : memref<16x256xf32, #tpu.memory_space<vmem>>, vector<1x16xf32>,
    %get3A_486 = vector.shape_cast %get3A_485 : vector<1x16xf32> to vector<16xf32>
    %get3A_487 = arith.constant 2 : i32
    %get3A_488 = arith.index_cast %get3A_487 : i32 to index
    %get3A_489 = arith.constant 64 : index
    %get3A_490 = tpu.vector_load %arg5[%get3A_488, %get3A_489] {strides = array<i32>} : memref<16x256xf32, #tpu.memory_space<vmem>>, vector<1x16xf32>,
    %get3A_491 = vector.shape_cast %get3A_490 : vector<1x16xf32> to vector<16xf32>
    %broadcast_in_dim3A_492 = arith.constant 0 : i32
    %broadcast_in_dim3A_493 = vector.broadcast %broadcast_in_dim3A_492 : i32 to vector<16xi32>
    %get3A_494 = arith.constant 3 : i32
    %get3A_495 = arith.index_cast %get3A_494 : i32 to index
    %get3A_496 = arith.constant 64 : index
    %get3A_497 = tpu.vector_load %arg5[%get3A_495, %get3A_496] {strides = array<i32>} : memref<16x256xf32, #tpu.memory_space<vmem>>, vector<1x16xf32>,
    %get3A_498 = vector.shape_cast %get3A_497 : vector<1x16xf32> to vector<16xf32>
    %gt3A_499 = arith.cmpf ogt, %get3A_498, %get3A_491 : vector<16xf32>
    %broadcast_in_dim3A_500 = arith.constant 1 : i32
    %broadcast_in_dim3A_501 = vector.broadcast %broadcast_in_dim3A_500 : i32 to vector<16xi32>
    %select_n3A_502 = arith.select %gt3A_499, %broadcast_in_dim3A_501, %broadcast_in_dim3A_493 : vector<16xi1>, vector<16xi32>
    %select_n3A_503 = arith.select %gt3A_499, %get3A_498, %get3A_491 : vector<16xi1>, vector<16xf32>
    %get3A_504 = arith.constant 4 : i32
    %get3A_505 = arith.index_cast %get3A_504 : i32 to index
    %get3A_506 = arith.constant 64 : index
    %get3A_507 = tpu.vector_load %arg5[%get3A_505, %get3A_506] {strides = array<i32>} : memref<16x256xf32, #tpu.memory_space<vmem>>, vector<1x16xf32>,
    %get3A_508 = vector.shape_cast %get3A_507 : vector<1x16xf32> to vector<16xf32>
    %gt3A_509 = arith.cmpf ogt, %get3A_508, %select_n3A_503 : vector<16xf32>
    %broadcast_in_dim3A_510 = arith.constant 2 : i32
    %broadcast_in_dim3A_511 = vector.broadcast %broadcast_in_dim3A_510 : i32 to vector<16xi32>
    %select_n3A_512 = arith.select %gt3A_509, %broadcast_in_dim3A_511, %select_n3A_502 : vector<16xi1>, vector<16xi32>
    %select_n3A_513 = arith.select %gt3A_509, %get3A_508, %select_n3A_503 : vector<16xi1>, vector<16xf32>
    %get3A_514 = arith.constant 5 : i32
    %get3A_515 = arith.index_cast %get3A_514 : i32 to index
    %get3A_516 = arith.constant 64 : index
    %get3A_517 = tpu.vector_load %arg5[%get3A_515, %get3A_516] {strides = array<i32>} : memref<16x256xf32, #tpu.memory_space<vmem>>, vector<1x16xf32>,
    %get3A_518 = vector.shape_cast %get3A_517 : vector<1x16xf32> to vector<16xf32>
    %gt3A_519 = arith.cmpf ogt, %get3A_518, %select_n3A_513 : vector<16xf32>
    %broadcast_in_dim3A_520 = arith.constant 3 : i32
    %broadcast_in_dim3A_521 = vector.broadcast %broadcast_in_dim3A_520 : i32 to vector<16xi32>
    %select_n3A_522 = arith.select %gt3A_519, %broadcast_in_dim3A_521, %select_n3A_512 : vector<16xi1>, vector<16xi32>
    %select_n3A_523 = arith.select %gt3A_519, %get3A_518, %select_n3A_513 : vector<16xi1>, vector<16xf32>
    %get3A_524 = arith.constant 6 : i32
    %get3A_525 = arith.index_cast %get3A_524 : i32 to index
    %get3A_526 = arith.constant 64 : index
    %get3A_527 = tpu.vector_load %arg5[%get3A_525, %get3A_526] {strides = array<i32>} : memref<16x256xf32, #tpu.memory_space<vmem>>, vector<1x16xf32>,
    %get3A_528 = vector.shape_cast %get3A_527 : vector<1x16xf32> to vector<16xf32>
    %gt3A_529 = arith.cmpf ogt, %get3A_528, %select_n3A_523 : vector<16xf32>
    %broadcast_in_dim3A_530 = arith.constant 4 : i32
    %broadcast_in_dim3A_531 = vector.broadcast %broadcast_in_dim3A_530 : i32 to vector<16xi32>
    %select_n3A_532 = arith.select %gt3A_529, %broadcast_in_dim3A_531, %select_n3A_522 : vector<16xi1>, vector<16xi32>
    %select_n3A_533 = arith.select %gt3A_529, %get3A_528, %select_n3A_523 : vector<16xi1>, vector<16xf32>
    %get3A_534 = arith.constant 7 : i32
    %get3A_535 = arith.index_cast %get3A_534 : i32 to index
    %get3A_536 = arith.constant 64 : index
    %get3A_537 = tpu.vector_load %arg5[%get3A_535, %get3A_536] {strides = array<i32>} : memref<16x256xf32, #tpu.memory_space<vmem>>, vector<1x16xf32>,
    %get3A_538 = vector.shape_cast %get3A_537 : vector<1x16xf32> to vector<16xf32>
    %gt3A_539 = arith.cmpf ogt, %get3A_538, %select_n3A_533 : vector<16xf32>
    %broadcast_in_dim3A_540 = arith.constant 5 : i32
    %broadcast_in_dim3A_541 = vector.broadcast %broadcast_in_dim3A_540 : i32 to vector<16xi32>
    %select_n3A_542 = arith.select %gt3A_539, %broadcast_in_dim3A_541, %select_n3A_532 : vector<16xi1>, vector<16xi32>
    %select_n3A_543 = arith.select %gt3A_539, %get3A_538, %select_n3A_533 : vector<16xi1>, vector<16xf32>
    %get3A_544 = arith.constant 8 : i32
    %get3A_545 = arith.index_cast %get3A_544 : i32 to index
    %get3A_546 = arith.constant 64 : index
    %get3A_547 = tpu.vector_load %arg5[%get3A_545, %get3A_546] {strides = array<i32>} : memref<16x256xf32, #tpu.memory_space<vmem>>, vector<1x16xf32>,
    %get3A_548 = vector.shape_cast %get3A_547 : vector<1x16xf32> to vector<16xf32>
    %gt3A_549 = arith.cmpf ogt, %get3A_548, %select_n3A_543 : vector<16xf32>
    %broadcast_in_dim3A_550 = arith.constant 6 : i32
    %broadcast_in_dim3A_551 = vector.broadcast %broadcast_in_dim3A_550 : i32 to vector<16xi32>
    %select_n3A_552 = arith.select %gt3A_549, %broadcast_in_dim3A_551, %select_n3A_542 : vector<16xi1>, vector<16xi32>
    %select_n3A_553 = arith.select %gt3A_549, %get3A_548, %select_n3A_543 : vector<16xi1>, vector<16xf32>
    %mul3A_554 = arith.constant 4.000000e+00 : f32
    %mul3A_555 = vector.broadcast %mul3A_554 : f32 to vector<16xf32>
    %mul3A_556 = arith.mulf %get3A_481, %mul3A_555 : vector<16xf32>
    %convert_element_type3A_557 = arith.fptosi %mul3A_556 : vector<16xf32> to vector<16xi32>
    %jit3A_558 = arith.constant 0 : i32
    %jit3A_559 = arith.constant 3 : i32
    %max3A_560 = vector.broadcast %jit3A_558 : i32 to vector<16xi32>
    %max3A_561 = arith.maxsi %max3A_560, %convert_element_type3A_557 : vector<16xi32>
    %min3A_562 = vector.broadcast %jit3A_559 : i32 to vector<16xi32>
    %min3A_563 = arith.minsi %min3A_562, %max3A_561 : vector<16xi32>
    %mul3A_564 = arith.constant 4.000000e+00 : f32
    %mul3A_565 = vector.broadcast %mul3A_564 : f32 to vector<16xf32>
    %mul3A_566 = arith.mulf %get3A_486, %mul3A_565 : vector<16xf32>
    %convert_element_type3A_567 = arith.fptosi %mul3A_566 : vector<16xf32> to vector<16xi32>
    %jit3A_568 = arith.constant 0 : i32
    %jit3A_569 = arith.constant 3 : i32
    %max3A_570 = vector.broadcast %jit3A_568 : i32 to vector<16xi32>
    %max3A_571 = arith.maxsi %max3A_570, %convert_element_type3A_567 : vector<16xi32>
    %min3A_572 = vector.broadcast %jit3A_569 : i32 to vector<16xi32>
    %min3A_573 = arith.minsi %min3A_572, %max3A_571 : vector<16xi32>
    %gt3A_574 = arith.constant 7.500000e-01 : f32
    %gt3A_575 = vector.broadcast %gt3A_574 : f32 to vector<16xf32>
    %gt3A_576 = arith.cmpf ogt, %get3A_481, %gt3A_575 : vector<16xf32>
    %add3A_577 = arith.constant 16 : i32
    %add3A_578 = vector.broadcast %add3A_577 : i32 to vector<16xi32>
    %add3A_579 = arith.addi %add3A_578, %select_n3A_552 : vector<16xi32>
    %mul3A_580 = arith.constant 4 : i32
    %mul3A_581 = vector.broadcast %mul3A_580 : i32 to vector<16xi32>
    %mul3A_582 = arith.muli %min3A_563, %mul3A_581 : vector<16xi32>
    %add3A_583 = arith.addi %mul3A_582, %min3A_573 : vector<16xi32>
    %select_n3A_584 = arith.select %gt3A_576, %add3A_579, %add3A_583 : vector<16xi1>, vector<16xi32>
    %get3A_585 = arith.constant 64 : index
    %get3A_586 = tpu.vector_load %arg6[%get3A_585] {strides = array<i32>} : memref<256xi32, #tpu.memory_space<vmem>>, vector<16xi32>,
    %get3A_587 = vector.shape_cast %get3A_586 : vector<16xi32> to vector<16xi32>
    %eq3A_588 = arith.constant 1 : i32
    %eq3A_589 = vector.broadcast %eq3A_588 : i32 to vector<16xi32>
    %eq3A_590 = arith.cmpi eq, %get3A_587, %eq3A_589 : vector<16xi32>
    %jit3A_591 = arith.constant 24 : i32
    %broadcast_in_dim3A_592 = vector.broadcast %jit3A_591 : i32 to vector<16xi32>
    %select_n3A_593 = arith.select %eq3A_590, %broadcast_in_dim3A_592, %select_n3A_584 : vector<16xi1>, vector<16xi32>
    %swap3A_594 = arith.constant 64 : index
    %swap3A_595 = tpu.vector_load %arg7[%swap3A_594] {strides = array<i32>} : memref<256xi32, #tpu.memory_space<vmem>>, vector<16xi32>,
    %swap3A_596 = vector.shape_cast %swap3A_595 : vector<16xi32> to vector<16xi32>
    %swap3A_597 = vector.shape_cast %select_n3A_593 : vector<16xi32> to vector<16xi32>
    tpu.vector_store %arg7[%swap3A_594], %swap3A_597 {strides = array<i32>} : memref<256xi32, #tpu.memory_space<vmem>>, vector<16xi32>,
    %get3A_598 = arith.constant 0 : i32
    %get3A_599 = arith.index_cast %get3A_598 : i32 to index
    %get3A_600 = arith.constant 80 : index
    %get3A_601 = tpu.vector_load %arg5[%get3A_599, %get3A_600] {strides = array<i32>} : memref<16x256xf32, #tpu.memory_space<vmem>>, vector<1x16xf32>,
    %get3A_602 = vector.shape_cast %get3A_601 : vector<1x16xf32> to vector<16xf32>
    %get3A_603 = arith.constant 1 : i32
    %get3A_604 = arith.index_cast %get3A_603 : i32 to index
    %get3A_605 = arith.constant 80 : index
    %get3A_606 = tpu.vector_load %arg5[%get3A_604, %get3A_605] {strides = array<i32>} : memref<16x256xf32, #tpu.memory_space<vmem>>, vector<1x16xf32>,
    %get3A_607 = vector.shape_cast %get3A_606 : vector<1x16xf32> to vector<16xf32>
    %get3A_608 = arith.constant 2 : i32
    %get3A_609 = arith.index_cast %get3A_608 : i32 to index
    %get3A_610 = arith.constant 80 : index
    %get3A_611 = tpu.vector_load %arg5[%get3A_609, %get3A_610] {strides = array<i32>} : memref<16x256xf32, #tpu.memory_space<vmem>>, vector<1x16xf32>,
    %get3A_612 = vector.shape_cast %get3A_611 : vector<1x16xf32> to vector<16xf32>
    %broadcast_in_dim3A_613 = arith.constant 0 : i32
    %broadcast_in_dim3A_614 = vector.broadcast %broadcast_in_dim3A_613 : i32 to vector<16xi32>
    %get3A_615 = arith.constant 3 : i32
    %get3A_616 = arith.index_cast %get3A_615 : i32 to index
    %get3A_617 = arith.constant 80 : index
    %get3A_618 = tpu.vector_load %arg5[%get3A_616, %get3A_617] {strides = array<i32>} : memref<16x256xf32, #tpu.memory_space<vmem>>, vector<1x16xf32>,
    %get3A_619 = vector.shape_cast %get3A_618 : vector<1x16xf32> to vector<16xf32>
    %gt3A_620 = arith.cmpf ogt, %get3A_619, %get3A_612 : vector<16xf32>
    %broadcast_in_dim3A_621 = arith.constant 1 : i32
    %broadcast_in_dim3A_622 = vector.broadcast %broadcast_in_dim3A_621 : i32 to vector<16xi32>
    %select_n3A_623 = arith.select %gt3A_620, %broadcast_in_dim3A_622, %broadcast_in_dim3A_614 : vector<16xi1>, vector<16xi32>
    %select_n3A_624 = arith.select %gt3A_620, %get3A_619, %get3A_612 : vector<16xi1>, vector<16xf32>
    %get3A_625 = arith.constant 4 : i32
    %get3A_626 = arith.index_cast %get3A_625 : i32 to index
    %get3A_627 = arith.constant 80 : index
    %get3A_628 = tpu.vector_load %arg5[%get3A_626, %get3A_627] {strides = array<i32>} : memref<16x256xf32, #tpu.memory_space<vmem>>, vector<1x16xf32>,
    %get3A_629 = vector.shape_cast %get3A_628 : vector<1x16xf32> to vector<16xf32>
    %gt3A_630 = arith.cmpf ogt, %get3A_629, %select_n3A_624 : vector<16xf32>
    %broadcast_in_dim3A_631 = arith.constant 2 : i32
    %broadcast_in_dim3A_632 = vector.broadcast %broadcast_in_dim3A_631 : i32 to vector<16xi32>
    %select_n3A_633 = arith.select %gt3A_630, %broadcast_in_dim3A_632, %select_n3A_623 : vector<16xi1>, vector<16xi32>
    %select_n3A_634 = arith.select %gt3A_630, %get3A_629, %select_n3A_624 : vector<16xi1>, vector<16xf32>
    %get3A_635 = arith.constant 5 : i32
    %get3A_636 = arith.index_cast %get3A_635 : i32 to index
    %get3A_637 = arith.constant 80 : index
    %get3A_638 = tpu.vector_load %arg5[%get3A_636, %get3A_637] {strides = array<i32>} : memref<16x256xf32, #tpu.memory_space<vmem>>, vector<1x16xf32>,
    %get3A_639 = vector.shape_cast %get3A_638 : vector<1x16xf32> to vector<16xf32>
    %gt3A_640 = arith.cmpf ogt, %get3A_639, %select_n3A_634 : vector<16xf32>
    %broadcast_in_dim3A_641 = arith.constant 3 : i32
    %broadcast_in_dim3A_642 = vector.broadcast %broadcast_in_dim3A_641 : i32 to vector<16xi32>
    %select_n3A_643 = arith.select %gt3A_640, %broadcast_in_dim3A_642, %select_n3A_633 : vector<16xi1>, vector<16xi32>
    %select_n3A_644 = arith.select %gt3A_640, %get3A_639, %select_n3A_634 : vector<16xi1>, vector<16xf32>
    %get3A_645 = arith.constant 6 : i32
    %get3A_646 = arith.index_cast %get3A_645 : i32 to index
    %get3A_647 = arith.constant 80 : index
    %get3A_648 = tpu.vector_load %arg5[%get3A_646, %get3A_647] {strides = array<i32>} : memref<16x256xf32, #tpu.memory_space<vmem>>, vector<1x16xf32>,
    %get3A_649 = vector.shape_cast %get3A_648 : vector<1x16xf32> to vector<16xf32>
    %gt3A_650 = arith.cmpf ogt, %get3A_649, %select_n3A_644 : vector<16xf32>
    %broadcast_in_dim3A_651 = arith.constant 4 : i32
    %broadcast_in_dim3A_652 = vector.broadcast %broadcast_in_dim3A_651 : i32 to vector<16xi32>
    %select_n3A_653 = arith.select %gt3A_650, %broadcast_in_dim3A_652, %select_n3A_643 : vector<16xi1>, vector<16xi32>
    %select_n3A_654 = arith.select %gt3A_650, %get3A_649, %select_n3A_644 : vector<16xi1>, vector<16xf32>
    %get3A_655 = arith.constant 7 : i32
    %get3A_656 = arith.index_cast %get3A_655 : i32 to index
    %get3A_657 = arith.constant 80 : index
    %get3A_658 = tpu.vector_load %arg5[%get3A_656, %get3A_657] {strides = array<i32>} : memref<16x256xf32, #tpu.memory_space<vmem>>, vector<1x16xf32>,
    %get3A_659 = vector.shape_cast %get3A_658 : vector<1x16xf32> to vector<16xf32>
    %gt3A_660 = arith.cmpf ogt, %get3A_659, %select_n3A_654 : vector<16xf32>
    %broadcast_in_dim3A_661 = arith.constant 5 : i32
    %broadcast_in_dim3A_662 = vector.broadcast %broadcast_in_dim3A_661 : i32 to vector<16xi32>
    %select_n3A_663 = arith.select %gt3A_660, %broadcast_in_dim3A_662, %select_n3A_653 : vector<16xi1>, vector<16xi32>
    %select_n3A_664 = arith.select %gt3A_660, %get3A_659, %select_n3A_654 : vector<16xi1>, vector<16xf32>
    %get3A_665 = arith.constant 8 : i32
    %get3A_666 = arith.index_cast %get3A_665 : i32 to index
    %get3A_667 = arith.constant 80 : index
    %get3A_668 = tpu.vector_load %arg5[%get3A_666, %get3A_667] {strides = array<i32>} : memref<16x256xf32, #tpu.memory_space<vmem>>, vector<1x16xf32>,
    %get3A_669 = vector.shape_cast %get3A_668 : vector<1x16xf32> to vector<16xf32>
    %gt3A_670 = arith.cmpf ogt, %get3A_669, %select_n3A_664 : vector<16xf32>
    %broadcast_in_dim3A_671 = arith.constant 6 : i32
    %broadcast_in_dim3A_672 = vector.broadcast %broadcast_in_dim3A_671 : i32 to vector<16xi32>
    %select_n3A_673 = arith.select %gt3A_670, %broadcast_in_dim3A_672, %select_n3A_663 : vector<16xi1>, vector<16xi32>
    %select_n3A_674 = arith.select %gt3A_670, %get3A_669, %select_n3A_664 : vector<16xi1>, vector<16xf32>
    %mul3A_675 = arith.constant 4.000000e+00 : f32
    %mul3A_676 = vector.broadcast %mul3A_675 : f32 to vector<16xf32>
    %mul3A_677 = arith.mulf %get3A_602, %mul3A_676 : vector<16xf32>
    %convert_element_type3A_678 = arith.fptosi %mul3A_677 : vector<16xf32> to vector<16xi32>
    %jit3A_679 = arith.constant 0 : i32
    %jit3A_680 = arith.constant 3 : i32
    %max3A_681 = vector.broadcast %jit3A_679 : i32 to vector<16xi32>
    %max3A_682 = arith.maxsi %max3A_681, %convert_element_type3A_678 : vector<16xi32>
    %min3A_683 = vector.broadcast %jit3A_680 : i32 to vector<16xi32>
    %min3A_684 = arith.minsi %min3A_683, %max3A_682 : vector<16xi32>
    %mul3A_685 = arith.constant 4.000000e+00 : f32
    %mul3A_686 = vector.broadcast %mul3A_685 : f32 to vector<16xf32>
    %mul3A_687 = arith.mulf %get3A_607, %mul3A_686 : vector<16xf32>
    %convert_element_type3A_688 = arith.fptosi %mul3A_687 : vector<16xf32> to vector<16xi32>
    %jit3A_689 = arith.constant 0 : i32
    %jit3A_690 = arith.constant 3 : i32
    %max3A_691 = vector.broadcast %jit3A_689 : i32 to vector<16xi32>
    %max3A_692 = arith.maxsi %max3A_691, %convert_element_type3A_688 : vector<16xi32>
    %min3A_693 = vector.broadcast %jit3A_690 : i32 to vector<16xi32>
    %min3A_694 = arith.minsi %min3A_693, %max3A_692 : vector<16xi32>
    %gt3A_695 = arith.constant 7.500000e-01 : f32
    %gt3A_696 = vector.broadcast %gt3A_695 : f32 to vector<16xf32>
    %gt3A_697 = arith.cmpf ogt, %get3A_602, %gt3A_696 : vector<16xf32>
    %add3A_698 = arith.constant 16 : i32
    %add3A_699 = vector.broadcast %add3A_698 : i32 to vector<16xi32>
    %add3A_700 = arith.addi %add3A_699, %select_n3A_673 : vector<16xi32>
    %mul3A_701 = arith.constant 4 : i32
    %mul3A_702 = vector.broadcast %mul3A_701 : i32 to vector<16xi32>
    %mul3A_703 = arith.muli %min3A_684, %mul3A_702 : vector<16xi32>
    %add3A_704 = arith.addi %mul3A_703, %min3A_694 : vector<16xi32>
    %select_n3A_705 = arith.select %gt3A_697, %add3A_700, %add3A_704 : vector<16xi1>, vector<16xi32>
    %get3A_706 = arith.constant 80 : index
    %get3A_707 = tpu.vector_load %arg6[%get3A_706] {strides = array<i32>} : memref<256xi32, #tpu.memory_space<vmem>>, vector<16xi32>,
    %get3A_708 = vector.shape_cast %get3A_707 : vector<16xi32> to vector<16xi32>
    %eq3A_709 = arith.constant 1 : i32
    %eq3A_710 = vector.broadcast %eq3A_709 : i32 to vector<16xi32>
    %eq3A_711 = arith.cmpi eq, %get3A_708, %eq3A_710 : vector<16xi32>
    %jit3A_712 = arith.constant 24 : i32
    %broadcast_in_dim3A_713 = vector.broadcast %jit3A_712 : i32 to vector<16xi32>
    %select_n3A_714 = arith.select %eq3A_711, %broadcast_in_dim3A_713, %select_n3A_705 : vector<16xi1>, vector<16xi32>
    %swap3A_715 = arith.constant 80 : index
    %swap3A_716 = tpu.vector_load %arg7[%swap3A_715] {strides = array<i32>} : memref<256xi32, #tpu.memory_space<vmem>>, vector<16xi32>,
    %swap3A_717 = vector.shape_cast %swap3A_716 : vector<16xi32> to vector<16xi32>
    %swap3A_718 = vector.shape_cast %select_n3A_714 : vector<16xi32> to vector<16xi32>
    tpu.vector_store %arg7[%swap3A_715], %swap3A_718 {strides = array<i32>} : memref<256xi32, #tpu.memory_space<vmem>>, vector<16xi32>,
    %get3A_719 = arith.constant 0 : i32
    %get3A_720 = arith.index_cast %get3A_719 : i32 to index
    %get3A_721 = arith.constant 96 : index
    %get3A_722 = tpu.vector_load %arg5[%get3A_720, %get3A_721] {strides = array<i32>} : memref<16x256xf32, #tpu.memory_space<vmem>>, vector<1x16xf32>,
    %get3A_723 = vector.shape_cast %get3A_722 : vector<1x16xf32> to vector<16xf32>
    %get3A_724 = arith.constant 1 : i32
    %get3A_725 = arith.index_cast %get3A_724 : i32 to index
    %get3A_726 = arith.constant 96 : index
    %get3A_727 = tpu.vector_load %arg5[%get3A_725, %get3A_726] {strides = array<i32>} : memref<16x256xf32, #tpu.memory_space<vmem>>, vector<1x16xf32>,
    %get3A_728 = vector.shape_cast %get3A_727 : vector<1x16xf32> to vector<16xf32>
    %get3A_729 = arith.constant 2 : i32
    %get3A_730 = arith.index_cast %get3A_729 : i32 to index
    %get3A_731 = arith.constant 96 : index
    %get3A_732 = tpu.vector_load %arg5[%get3A_730, %get3A_731] {strides = array<i32>} : memref<16x256xf32, #tpu.memory_space<vmem>>, vector<1x16xf32>,
    %get3A_733 = vector.shape_cast %get3A_732 : vector<1x16xf32> to vector<16xf32>
    %broadcast_in_dim3A_734 = arith.constant 0 : i32
    %broadcast_in_dim3A_735 = vector.broadcast %broadcast_in_dim3A_734 : i32 to vector<16xi32>
    %get3A_736 = arith.constant 3 : i32
    %get3A_737 = arith.index_cast %get3A_736 : i32 to index
    %get3A_738 = arith.constant 96 : index
    %get3A_739 = tpu.vector_load %arg5[%get3A_737, %get3A_738] {strides = array<i32>} : memref<16x256xf32, #tpu.memory_space<vmem>>, vector<1x16xf32>,
    %get3A_740 = vector.shape_cast %get3A_739 : vector<1x16xf32> to vector<16xf32>
    %gt3A_741 = arith.cmpf ogt, %get3A_740, %get3A_733 : vector<16xf32>
    %broadcast_in_dim3A_742 = arith.constant 1 : i32
    %broadcast_in_dim3A_743 = vector.broadcast %broadcast_in_dim3A_742 : i32 to vector<16xi32>
    %select_n3A_744 = arith.select %gt3A_741, %broadcast_in_dim3A_743, %broadcast_in_dim3A_735 : vector<16xi1>, vector<16xi32>
    %select_n3A_745 = arith.select %gt3A_741, %get3A_740, %get3A_733 : vector<16xi1>, vector<16xf32>
    %get3A_746 = arith.constant 4 : i32
    %get3A_747 = arith.index_cast %get3A_746 : i32 to index
    %get3A_748 = arith.constant 96 : index
    %get3A_749 = tpu.vector_load %arg5[%get3A_747, %get3A_748] {strides = array<i32>} : memref<16x256xf32, #tpu.memory_space<vmem>>, vector<1x16xf32>,
    %get3A_750 = vector.shape_cast %get3A_749 : vector<1x16xf32> to vector<16xf32>
    %gt3A_751 = arith.cmpf ogt, %get3A_750, %select_n3A_745 : vector<16xf32>
    %broadcast_in_dim3A_752 = arith.constant 2 : i32
    %broadcast_in_dim3A_753 = vector.broadcast %broadcast_in_dim3A_752 : i32 to vector<16xi32>
    %select_n3A_754 = arith.select %gt3A_751, %broadcast_in_dim3A_753, %select_n3A_744 : vector<16xi1>, vector<16xi32>
    %select_n3A_755 = arith.select %gt3A_751, %get3A_750, %select_n3A_745 : vector<16xi1>, vector<16xf32>
    %get3A_756 = arith.constant 5 : i32
    %get3A_757 = arith.index_cast %get3A_756 : i32 to index
    %get3A_758 = arith.constant 96 : index
    %get3A_759 = tpu.vector_load %arg5[%get3A_757, %get3A_758] {strides = array<i32>} : memref<16x256xf32, #tpu.memory_space<vmem>>, vector<1x16xf32>,
    %get3A_760 = vector.shape_cast %get3A_759 : vector<1x16xf32> to vector<16xf32>
    %gt3A_761 = arith.cmpf ogt, %get3A_760, %select_n3A_755 : vector<16xf32>
    %broadcast_in_dim3A_762 = arith.constant 3 : i32
    %broadcast_in_dim3A_763 = vector.broadcast %broadcast_in_dim3A_762 : i32 to vector<16xi32>
    %select_n3A_764 = arith.select %gt3A_761, %broadcast_in_dim3A_763, %select_n3A_754 : vector<16xi1>, vector<16xi32>
    %select_n3A_765 = arith.select %gt3A_761, %get3A_760, %select_n3A_755 : vector<16xi1>, vector<16xf32>
    %get3A_766 = arith.constant 6 : i32
    %get3A_767 = arith.index_cast %get3A_766 : i32 to index
    %get3A_768 = arith.constant 96 : index
    %get3A_769 = tpu.vector_load %arg5[%get3A_767, %get3A_768] {strides = array<i32>} : memref<16x256xf32, #tpu.memory_space<vmem>>, vector<1x16xf32>,
    %get3A_770 = vector.shape_cast %get3A_769 : vector<1x16xf32> to vector<16xf32>
    %gt3A_771 = arith.cmpf ogt, %get3A_770, %select_n3A_765 : vector<16xf32>
    %broadcast_in_dim3A_772 = arith.constant 4 : i32
    %broadcast_in_dim3A_773 = vector.broadcast %broadcast_in_dim3A_772 : i32 to vector<16xi32>
    %select_n3A_774 = arith.select %gt3A_771, %broadcast_in_dim3A_773, %select_n3A_764 : vector<16xi1>, vector<16xi32>
    %select_n3A_775 = arith.select %gt3A_771, %get3A_770, %select_n3A_765 : vector<16xi1>, vector<16xf32>
    %get3A_776 = arith.constant 7 : i32
    %get3A_777 = arith.index_cast %get3A_776 : i32 to index
    %get3A_778 = arith.constant 96 : index
    %get3A_779 = tpu.vector_load %arg5[%get3A_777, %get3A_778] {strides = array<i32>} : memref<16x256xf32, #tpu.memory_space<vmem>>, vector<1x16xf32>,
    %get3A_780 = vector.shape_cast %get3A_779 : vector<1x16xf32> to vector<16xf32>
    %gt3A_781 = arith.cmpf ogt, %get3A_780, %select_n3A_775 : vector<16xf32>
    %broadcast_in_dim3A_782 = arith.constant 5 : i32
    %broadcast_in_dim3A_783 = vector.broadcast %broadcast_in_dim3A_782 : i32 to vector<16xi32>
    %select_n3A_784 = arith.select %gt3A_781, %broadcast_in_dim3A_783, %select_n3A_774 : vector<16xi1>, vector<16xi32>
    %select_n3A_785 = arith.select %gt3A_781, %get3A_780, %select_n3A_775 : vector<16xi1>, vector<16xf32>
    %get3A_786 = arith.constant 8 : i32
    %get3A_787 = arith.index_cast %get3A_786 : i32 to index
    %get3A_788 = arith.constant 96 : index
    %get3A_789 = tpu.vector_load %arg5[%get3A_787, %get3A_788] {strides = array<i32>} : memref<16x256xf32, #tpu.memory_space<vmem>>, vector<1x16xf32>,
    %get3A_790 = vector.shape_cast %get3A_789 : vector<1x16xf32> to vector<16xf32>
    %gt3A_791 = arith.cmpf ogt, %get3A_790, %select_n3A_785 : vector<16xf32>
    %broadcast_in_dim3A_792 = arith.constant 6 : i32
    %broadcast_in_dim3A_793 = vector.broadcast %broadcast_in_dim3A_792 : i32 to vector<16xi32>
    %select_n3A_794 = arith.select %gt3A_791, %broadcast_in_dim3A_793, %select_n3A_784 : vector<16xi1>, vector<16xi32>
    %select_n3A_795 = arith.select %gt3A_791, %get3A_790, %select_n3A_785 : vector<16xi1>, vector<16xf32>
    %mul3A_796 = arith.constant 4.000000e+00 : f32
    %mul3A_797 = vector.broadcast %mul3A_796 : f32 to vector<16xf32>
    %mul3A_798 = arith.mulf %get3A_723, %mul3A_797 : vector<16xf32>
    %convert_element_type3A_799 = arith.fptosi %mul3A_798 : vector<16xf32> to vector<16xi32>
    %jit3A_800 = arith.constant 0 : i32
    %jit3A_801 = arith.constant 3 : i32
    %max3A_802 = vector.broadcast %jit3A_800 : i32 to vector<16xi32>
    %max3A_803 = arith.maxsi %max3A_802, %convert_element_type3A_799 : vector<16xi32>
    %min3A_804 = vector.broadcast %jit3A_801 : i32 to vector<16xi32>
    %min3A_805 = arith.minsi %min3A_804, %max3A_803 : vector<16xi32>
    %mul3A_806 = arith.constant 4.000000e+00 : f32
    %mul3A_807 = vector.broadcast %mul3A_806 : f32 to vector<16xf32>
    %mul3A_808 = arith.mulf %get3A_728, %mul3A_807 : vector<16xf32>
    %convert_element_type3A_809 = arith.fptosi %mul3A_808 : vector<16xf32> to vector<16xi32>
    %jit3A_810 = arith.constant 0 : i32
    %jit3A_811 = arith.constant 3 : i32
    %max3A_812 = vector.broadcast %jit3A_810 : i32 to vector<16xi32>
    %max3A_813 = arith.maxsi %max3A_812, %convert_element_type3A_809 : vector<16xi32>
    %min3A_814 = vector.broadcast %jit3A_811 : i32 to vector<16xi32>
    %min3A_815 = arith.minsi %min3A_814, %max3A_813 : vector<16xi32>
    %gt3A_816 = arith.constant 7.500000e-01 : f32
    %gt3A_817 = vector.broadcast %gt3A_816 : f32 to vector<16xf32>
    %gt3A_818 = arith.cmpf ogt, %get3A_723, %gt3A_817 : vector<16xf32>
    %add3A_819 = arith.constant 16 : i32
    %add3A_820 = vector.broadcast %add3A_819 : i32 to vector<16xi32>
    %add3A_821 = arith.addi %add3A_820, %select_n3A_794 : vector<16xi32>
    %mul3A_822 = arith.constant 4 : i32
    %mul3A_823 = vector.broadcast %mul3A_822 : i32 to vector<16xi32>
    %mul3A_824 = arith.muli %min3A_805, %mul3A_823 : vector<16xi32>
    %add3A_825 = arith.addi %mul3A_824, %min3A_815 : vector<16xi32>
    %select_n3A_826 = arith.select %gt3A_818, %add3A_821, %add3A_825 : vector<16xi1>, vector<16xi32>
    %get3A_827 = arith.constant 96 : index
    %get3A_828 = tpu.vector_load %arg6[%get3A_827] {strides = array<i32>} : memref<256xi32, #tpu.memory_space<vmem>>, vector<16xi32>,
    %get3A_829 = vector.shape_cast %get3A_828 : vector<16xi32> to vector<16xi32>
    %eq3A_830 = arith.constant 1 : i32
    %eq3A_831 = vector.broadcast %eq3A_830 : i32 to vector<16xi32>
    %eq3A_832 = arith.cmpi eq, %get3A_829, %eq3A_831 : vector<16xi32>
    %jit3A_833 = arith.constant 24 : i32
    %broadcast_in_dim3A_834 = vector.broadcast %jit3A_833 : i32 to vector<16xi32>
    %select_n3A_835 = arith.select %eq3A_832, %broadcast_in_dim3A_834, %select_n3A_826 : vector<16xi1>, vector<16xi32>
    %swap3A_836 = arith.constant 96 : index
    %swap3A_837 = tpu.vector_load %arg7[%swap3A_836] {strides = array<i32>} : memref<256xi32, #tpu.memory_space<vmem>>, vector<16xi32>,
    %swap3A_838 = vector.shape_cast %swap3A_837 : vector<16xi32> to vector<16xi32>
    %swap3A_839 = vector.shape_cast %select_n3A_835 : vector<16xi32> to vector<16xi32>
    tpu.vector_store %arg7[%swap3A_836], %swap3A_839 {strides = array<i32>} : memref<256xi32, #tpu.memory_space<vmem>>, vector<16xi32>,
    %get3A_840 = arith.constant 0 : i32
    %get3A_841 = arith.index_cast %get3A_840 : i32 to index
    %get3A_842 = arith.constant 112 : index
    %get3A_843 = tpu.vector_load %arg5[%get3A_841, %get3A_842] {strides = array<i32>} : memref<16x256xf32, #tpu.memory_space<vmem>>, vector<1x16xf32>,
    %get3A_844 = vector.shape_cast %get3A_843 : vector<1x16xf32> to vector<16xf32>
    %get3A_845 = arith.constant 1 : i32
    %get3A_846 = arith.index_cast %get3A_845 : i32 to index
    %get3A_847 = arith.constant 112 : index
    %get3A_848 = tpu.vector_load %arg5[%get3A_846, %get3A_847] {strides = array<i32>} : memref<16x256xf32, #tpu.memory_space<vmem>>, vector<1x16xf32>,
    %get3A_849 = vector.shape_cast %get3A_848 : vector<1x16xf32> to vector<16xf32>
    %get3A_850 = arith.constant 2 : i32
    %get3A_851 = arith.index_cast %get3A_850 : i32 to index
    %get3A_852 = arith.constant 112 : index
    %get3A_853 = tpu.vector_load %arg5[%get3A_851, %get3A_852] {strides = array<i32>} : memref<16x256xf32, #tpu.memory_space<vmem>>, vector<1x16xf32>,
    %get3A_854 = vector.shape_cast %get3A_853 : vector<1x16xf32> to vector<16xf32>
    %broadcast_in_dim3A_855 = arith.constant 0 : i32
    %broadcast_in_dim3A_856 = vector.broadcast %broadcast_in_dim3A_855 : i32 to vector<16xi32>
    %get3A_857 = arith.constant 3 : i32
    %get3A_858 = arith.index_cast %get3A_857 : i32 to index
    %get3A_859 = arith.constant 112 : index
    %get3A_860 = tpu.vector_load %arg5[%get3A_858, %get3A_859] {strides = array<i32>} : memref<16x256xf32, #tpu.memory_space<vmem>>, vector<1x16xf32>,
    %get3A_861 = vector.shape_cast %get3A_860 : vector<1x16xf32> to vector<16xf32>
    %gt3A_862 = arith.cmpf ogt, %get3A_861, %get3A_854 : vector<16xf32>
    %broadcast_in_dim3A_863 = arith.constant 1 : i32
    %broadcast_in_dim3A_864 = vector.broadcast %broadcast_in_dim3A_863 : i32 to vector<16xi32>
    %select_n3A_865 = arith.select %gt3A_862, %broadcast_in_dim3A_864, %broadcast_in_dim3A_856 : vector<16xi1>, vector<16xi32>
    %select_n3A_866 = arith.select %gt3A_862, %get3A_861, %get3A_854 : vector<16xi1>, vector<16xf32>
    %get3A_867 = arith.constant 4 : i32
    %get3A_868 = arith.index_cast %get3A_867 : i32 to index
    %get3A_869 = arith.constant 112 : index
    %get3A_870 = tpu.vector_load %arg5[%get3A_868, %get3A_869] {strides = array<i32>} : memref<16x256xf32, #tpu.memory_space<vmem>>, vector<1x16xf32>,
    %get3A_871 = vector.shape_cast %get3A_870 : vector<1x16xf32> to vector<16xf32>
    %gt3A_872 = arith.cmpf ogt, %get3A_871, %select_n3A_866 : vector<16xf32>
    %broadcast_in_dim3A_873 = arith.constant 2 : i32
    %broadcast_in_dim3A_874 = vector.broadcast %broadcast_in_dim3A_873 : i32 to vector<16xi32>
    %select_n3A_875 = arith.select %gt3A_872, %broadcast_in_dim3A_874, %select_n3A_865 : vector<16xi1>, vector<16xi32>
    %select_n3A_876 = arith.select %gt3A_872, %get3A_871, %select_n3A_866 : vector<16xi1>, vector<16xf32>
    %get3A_877 = arith.constant 5 : i32
    %get3A_878 = arith.index_cast %get3A_877 : i32 to index
    %get3A_879 = arith.constant 112 : index
    %get3A_880 = tpu.vector_load %arg5[%get3A_878, %get3A_879] {strides = array<i32>} : memref<16x256xf32, #tpu.memory_space<vmem>>, vector<1x16xf32>,
    %get3A_881 = vector.shape_cast %get3A_880 : vector<1x16xf32> to vector<16xf32>
    %gt3A_882 = arith.cmpf ogt, %get3A_881, %select_n3A_876 : vector<16xf32>
    %broadcast_in_dim3A_883 = arith.constant 3 : i32
    %broadcast_in_dim3A_884 = vector.broadcast %broadcast_in_dim3A_883 : i32 to vector<16xi32>
    %select_n3A_885 = arith.select %gt3A_882, %broadcast_in_dim3A_884, %select_n3A_875 : vector<16xi1>, vector<16xi32>
    %select_n3A_886 = arith.select %gt3A_882, %get3A_881, %select_n3A_876 : vector<16xi1>, vector<16xf32>
    %get3A_887 = arith.constant 6 : i32
    %get3A_888 = arith.index_cast %get3A_887 : i32 to index
    %get3A_889 = arith.constant 112 : index
    %get3A_890 = tpu.vector_load %arg5[%get3A_888, %get3A_889] {strides = array<i32>} : memref<16x256xf32, #tpu.memory_space<vmem>>, vector<1x16xf32>,
    %get3A_891 = vector.shape_cast %get3A_890 : vector<1x16xf32> to vector<16xf32>
    %gt3A_892 = arith.cmpf ogt, %get3A_891, %select_n3A_886 : vector<16xf32>
    %broadcast_in_dim3A_893 = arith.constant 4 : i32
    %broadcast_in_dim3A_894 = vector.broadcast %broadcast_in_dim3A_893 : i32 to vector<16xi32>
    %select_n3A_895 = arith.select %gt3A_892, %broadcast_in_dim3A_894, %select_n3A_885 : vector<16xi1>, vector<16xi32>
    %select_n3A_896 = arith.select %gt3A_892, %get3A_891, %select_n3A_886 : vector<16xi1>, vector<16xf32>
    %get3A_897 = arith.constant 7 : i32
    %get3A_898 = arith.index_cast %get3A_897 : i32 to index
    %get3A_899 = arith.constant 112 : index
    %get3A_900 = tpu.vector_load %arg5[%get3A_898, %get3A_899] {strides = array<i32>} : memref<16x256xf32, #tpu.memory_space<vmem>>, vector<1x16xf32>,
    %get3A_901 = vector.shape_cast %get3A_900 : vector<1x16xf32> to vector<16xf32>
    %gt3A_902 = arith.cmpf ogt, %get3A_901, %select_n3A_896 : vector<16xf32>
    %broadcast_in_dim3A_903 = arith.constant 5 : i32
    %broadcast_in_dim3A_904 = vector.broadcast %broadcast_in_dim3A_903 : i32 to vector<16xi32>
    %select_n3A_905 = arith.select %gt3A_902, %broadcast_in_dim3A_904, %select_n3A_895 : vector<16xi1>, vector<16xi32>
    %select_n3A_906 = arith.select %gt3A_902, %get3A_901, %select_n3A_896 : vector<16xi1>, vector<16xf32>
    %get3A_907 = arith.constant 8 : i32
    %get3A_908 = arith.index_cast %get3A_907 : i32 to index
    %get3A_909 = arith.constant 112 : index
    %get3A_910 = tpu.vector_load %arg5[%get3A_908, %get3A_909] {strides = array<i32>} : memref<16x256xf32, #tpu.memory_space<vmem>>, vector<1x16xf32>,
    %get3A_911 = vector.shape_cast %get3A_910 : vector<1x16xf32> to vector<16xf32>
    %gt3A_912 = arith.cmpf ogt, %get3A_911, %select_n3A_906 : vector<16xf32>
    %broadcast_in_dim3A_913 = arith.constant 6 : i32
    %broadcast_in_dim3A_914 = vector.broadcast %broadcast_in_dim3A_913 : i32 to vector<16xi32>
    %select_n3A_915 = arith.select %gt3A_912, %broadcast_in_dim3A_914, %select_n3A_905 : vector<16xi1>, vector<16xi32>
    %select_n3A_916 = arith.select %gt3A_912, %get3A_911, %select_n3A_906 : vector<16xi1>, vector<16xf32>
    %mul3A_917 = arith.constant 4.000000e+00 : f32
    %mul3A_918 = vector.broadcast %mul3A_917 : f32 to vector<16xf32>
    %mul3A_919 = arith.mulf %get3A_844, %mul3A_918 : vector<16xf32>
    %convert_element_type3A_920 = arith.fptosi %mul3A_919 : vector<16xf32> to vector<16xi32>
    %jit3A_921 = arith.constant 0 : i32
    %jit3A_922 = arith.constant 3 : i32
    %max3A_923 = vector.broadcast %jit3A_921 : i32 to vector<16xi32>
    %max3A_924 = arith.maxsi %max3A_923, %convert_element_type3A_920 : vector<16xi32>
    %min3A_925 = vector.broadcast %jit3A_922 : i32 to vector<16xi32>
    %min3A_926 = arith.minsi %min3A_925, %max3A_924 : vector<16xi32>
    %mul3A_927 = arith.constant 4.000000e+00 : f32
    %mul3A_928 = vector.broadcast %mul3A_927 : f32 to vector<16xf32>
    %mul3A_929 = arith.mulf %get3A_849, %mul3A_928 : vector<16xf32>
    %convert_element_type3A_930 = arith.fptosi %mul3A_929 : vector<16xf32> to vector<16xi32>
    %jit3A_931 = arith.constant 0 : i32
    %jit3A_932 = arith.constant 3 : i32
    %max3A_933 = vector.broadcast %jit3A_931 : i32 to vector<16xi32>
    %max3A_934 = arith.maxsi %max3A_933, %convert_element_type3A_930 : vector<16xi32>
    %min3A_935 = vector.broadcast %jit3A_932 : i32 to vector<16xi32>
    %min3A_936 = arith.minsi %min3A_935, %max3A_934 : vector<16xi32>
    %gt3A_937 = arith.constant 7.500000e-01 : f32
    %gt3A_938 = vector.broadcast %gt3A_937 : f32 to vector<16xf32>
    %gt3A_939 = arith.cmpf ogt, %get3A_844, %gt3A_938 : vector<16xf32>
    %add3A_940 = arith.constant 16 : i32
    %add3A_941 = vector.broadcast %add3A_940 : i32 to vector<16xi32>
    %add3A_942 = arith.addi %add3A_941, %select_n3A_915 : vector<16xi32>
    %mul3A_943 = arith.constant 4 : i32
    %mul3A_944 = vector.broadcast %mul3A_943 : i32 to vector<16xi32>
    %mul3A_945 = arith.muli %min3A_926, %mul3A_944 : vector<16xi32>
    %add3A_946 = arith.addi %mul3A_945, %min3A_936 : vector<16xi32>
    %select_n3A_947 = arith.select %gt3A_939, %add3A_942, %add3A_946 : vector<16xi1>, vector<16xi32>
    %get3A_948 = arith.constant 112 : index
    %get3A_949 = tpu.vector_load %arg6[%get3A_948] {strides = array<i32>} : memref<256xi32, #tpu.memory_space<vmem>>, vector<16xi32>,
    %get3A_950 = vector.shape_cast %get3A_949 : vector<16xi32> to vector<16xi32>
    %eq3A_951 = arith.constant 1 : i32
    %eq3A_952 = vector.broadcast %eq3A_951 : i32 to vector<16xi32>
    %eq3A_953 = arith.cmpi eq, %get3A_950, %eq3A_952 : vector<16xi32>
    %jit3A_954 = arith.constant 24 : i32
    %broadcast_in_dim3A_955 = vector.broadcast %jit3A_954 : i32 to vector<16xi32>
    %select_n3A_956 = arith.select %eq3A_953, %broadcast_in_dim3A_955, %select_n3A_947 : vector<16xi1>, vector<16xi32>
    %swap3A_957 = arith.constant 112 : index
    %swap3A_958 = tpu.vector_load %arg7[%swap3A_957] {strides = array<i32>} : memref<256xi32, #tpu.memory_space<vmem>>, vector<16xi32>,
    %swap3A_959 = vector.shape_cast %swap3A_958 : vector<16xi32> to vector<16xi32>
    %swap3A_960 = vector.shape_cast %select_n3A_956 : vector<16xi32> to vector<16xi32>
    tpu.vector_store %arg7[%swap3A_957], %swap3A_960 {strides = array<i32>} : memref<256xi32, #tpu.memory_space<vmem>>, vector<16xi32>,
    %get3A_961 = arith.constant 0 : i32
    %get3A_962 = arith.index_cast %get3A_961 : i32 to index
    %get3A_963 = arith.constant 128 : index
    %get3A_964 = tpu.vector_load %arg5[%get3A_962, %get3A_963] {strides = array<i32>} : memref<16x256xf32, #tpu.memory_space<vmem>>, vector<1x16xf32>,
    %get3A_965 = vector.shape_cast %get3A_964 : vector<1x16xf32> to vector<16xf32>
    %get3A_966 = arith.constant 1 : i32
    %get3A_967 = arith.index_cast %get3A_966 : i32 to index
    %get3A_968 = arith.constant 128 : index
    %get3A_969 = tpu.vector_load %arg5[%get3A_967, %get3A_968] {strides = array<i32>} : memref<16x256xf32, #tpu.memory_space<vmem>>, vector<1x16xf32>,
    %get3A_970 = vector.shape_cast %get3A_969 : vector<1x16xf32> to vector<16xf32>
    %get3A_971 = arith.constant 2 : i32
    %get3A_972 = arith.index_cast %get3A_971 : i32 to index
    %get3A_973 = arith.constant 128 : index
    %get3A_974 = tpu.vector_load %arg5[%get3A_972, %get3A_973] {strides = array<i32>} : memref<16x256xf32, #tpu.memory_space<vmem>>, vector<1x16xf32>,
    %get3A_975 = vector.shape_cast %get3A_974 : vector<1x16xf32> to vector<16xf32>
    %broadcast_in_dim3A_976 = arith.constant 0 : i32
    %broadcast_in_dim3A_977 = vector.broadcast %broadcast_in_dim3A_976 : i32 to vector<16xi32>
    %get3A_978 = arith.constant 3 : i32
    %get3A_979 = arith.index_cast %get3A_978 : i32 to index
    %get3A_980 = arith.constant 128 : index
    %get3A_981 = tpu.vector_load %arg5[%get3A_979, %get3A_980] {strides = array<i32>} : memref<16x256xf32, #tpu.memory_space<vmem>>, vector<1x16xf32>,
    %get3A_982 = vector.shape_cast %get3A_981 : vector<1x16xf32> to vector<16xf32>
    %gt3A_983 = arith.cmpf ogt, %get3A_982, %get3A_975 : vector<16xf32>
    %broadcast_in_dim3A_984 = arith.constant 1 : i32
    %broadcast_in_dim3A_985 = vector.broadcast %broadcast_in_dim3A_984 : i32 to vector<16xi32>
    %select_n3A_986 = arith.select %gt3A_983, %broadcast_in_dim3A_985, %broadcast_in_dim3A_977 : vector<16xi1>, vector<16xi32>
    %select_n3A_987 = arith.select %gt3A_983, %get3A_982, %get3A_975 : vector<16xi1>, vector<16xf32>
    %get3A_988 = arith.constant 4 : i32
    %get3A_989 = arith.index_cast %get3A_988 : i32 to index
    %get3A_990 = arith.constant 128 : index
    %get3A_991 = tpu.vector_load %arg5[%get3A_989, %get3A_990] {strides = array<i32>} : memref<16x256xf32, #tpu.memory_space<vmem>>, vector<1x16xf32>,
    %get3A_992 = vector.shape_cast %get3A_991 : vector<1x16xf32> to vector<16xf32>
    %gt3A_993 = arith.cmpf ogt, %get3A_992, %select_n3A_987 : vector<16xf32>
    %broadcast_in_dim3A_994 = arith.constant 2 : i32
    %broadcast_in_dim3A_995 = vector.broadcast %broadcast_in_dim3A_994 : i32 to vector<16xi32>
    %select_n3A_996 = arith.select %gt3A_993, %broadcast_in_dim3A_995, %select_n3A_986 : vector<16xi1>, vector<16xi32>
    %select_n3A_997 = arith.select %gt3A_993, %get3A_992, %select_n3A_987 : vector<16xi1>, vector<16xf32>
    %get3A_998 = arith.constant 5 : i32
    %get3A_999 = arith.index_cast %get3A_998 : i32 to index
    %get3A_1000 = arith.constant 128 : index
    %get3A_1001 = tpu.vector_load %arg5[%get3A_999, %get3A_1000] {strides = array<i32>} : memref<16x256xf32, #tpu.memory_space<vmem>>, vector<1x16xf32>,
    %get3A_1002 = vector.shape_cast %get3A_1001 : vector<1x16xf32> to vector<16xf32>
    %gt3A_1003 = arith.cmpf ogt, %get3A_1002, %select_n3A_997 : vector<16xf32>
    %broadcast_in_dim3A_1004 = arith.constant 3 : i32
    %broadcast_in_dim3A_1005 = vector.broadcast %broadcast_in_dim3A_1004 : i32 to vector<16xi32>
    %select_n3A_1006 = arith.select %gt3A_1003, %broadcast_in_dim3A_1005, %select_n3A_996 : vector<16xi1>, vector<16xi32>
    %select_n3A_1007 = arith.select %gt3A_1003, %get3A_1002, %select_n3A_997 : vector<16xi1>, vector<16xf32>
    %get3A_1008 = arith.constant 6 : i32
    %get3A_1009 = arith.index_cast %get3A_1008 : i32 to index
    %get3A_1010 = arith.constant 128 : index
    %get3A_1011 = tpu.vector_load %arg5[%get3A_1009, %get3A_1010] {strides = array<i32>} : memref<16x256xf32, #tpu.memory_space<vmem>>, vector<1x16xf32>,
    %get3A_1012 = vector.shape_cast %get3A_1011 : vector<1x16xf32> to vector<16xf32>
    %gt3A_1013 = arith.cmpf ogt, %get3A_1012, %select_n3A_1007 : vector<16xf32>
    %broadcast_in_dim3A_1014 = arith.constant 4 : i32
    %broadcast_in_dim3A_1015 = vector.broadcast %broadcast_in_dim3A_1014 : i32 to vector<16xi32>
    %select_n3A_1016 = arith.select %gt3A_1013, %broadcast_in_dim3A_1015, %select_n3A_1006 : vector<16xi1>, vector<16xi32>
    %select_n3A_1017 = arith.select %gt3A_1013, %get3A_1012, %select_n3A_1007 : vector<16xi1>, vector<16xf32>
    %get3A_1018 = arith.constant 7 : i32
    %get3A_1019 = arith.index_cast %get3A_1018 : i32 to index
    %get3A_1020 = arith.constant 128 : index
    %get3A_1021 = tpu.vector_load %arg5[%get3A_1019, %get3A_1020] {strides = array<i32>} : memref<16x256xf32, #tpu.memory_space<vmem>>, vector<1x16xf32>,
    %get3A_1022 = vector.shape_cast %get3A_1021 : vector<1x16xf32> to vector<16xf32>
    %gt3A_1023 = arith.cmpf ogt, %get3A_1022, %select_n3A_1017 : vector<16xf32>
    %broadcast_in_dim3A_1024 = arith.constant 5 : i32
    %broadcast_in_dim3A_1025 = vector.broadcast %broadcast_in_dim3A_1024 : i32 to vector<16xi32>
    %select_n3A_1026 = arith.select %gt3A_1023, %broadcast_in_dim3A_1025, %select_n3A_1016 : vector<16xi1>, vector<16xi32>
    %select_n3A_1027 = arith.select %gt3A_1023, %get3A_1022, %select_n3A_1017 : vector<16xi1>, vector<16xf32>
    %get3A_1028 = arith.constant 8 : i32
    %get3A_1029 = arith.index_cast %get3A_1028 : i32 to index
    %get3A_1030 = arith.constant 128 : index
    %get3A_1031 = tpu.vector_load %arg5[%get3A_1029, %get3A_1030] {strides = array<i32>} : memref<16x256xf32, #tpu.memory_space<vmem>>, vector<1x16xf32>,
    %get3A_1032 = vector.shape_cast %get3A_1031 : vector<1x16xf32> to vector<16xf32>
    %gt3A_1033 = arith.cmpf ogt, %get3A_1032, %select_n3A_1027 : vector<16xf32>
    %broadcast_in_dim3A_1034 = arith.constant 6 : i32
    %broadcast_in_dim3A_1035 = vector.broadcast %broadcast_in_dim3A_1034 : i32 to vector<16xi32>
    %select_n3A_1036 = arith.select %gt3A_1033, %broadcast_in_dim3A_1035, %select_n3A_1026 : vector<16xi1>, vector<16xi32>
    %select_n3A_1037 = arith.select %gt3A_1033, %get3A_1032, %select_n3A_1027 : vector<16xi1>, vector<16xf32>
    %mul3A_1038 = arith.constant 4.000000e+00 : f32
    %mul3A_1039 = vector.broadcast %mul3A_1038 : f32 to vector<16xf32>
    %mul3A_1040 = arith.mulf %get3A_965, %mul3A_1039 : vector<16xf32>
    %convert_element_type3A_1041 = arith.fptosi %mul3A_1040 : vector<16xf32> to vector<16xi32>
    %jit3A_1042 = arith.constant 0 : i32
    %jit3A_1043 = arith.constant 3 : i32
    %max3A_1044 = vector.broadcast %jit3A_1042 : i32 to vector<16xi32>
    %max3A_1045 = arith.maxsi %max3A_1044, %convert_element_type3A_1041 : vector<16xi32>
    %min3A_1046 = vector.broadcast %jit3A_1043 : i32 to vector<16xi32>
    %min3A_1047 = arith.minsi %min3A_1046, %max3A_1045 : vector<16xi32>
    %mul3A_1048 = arith.constant 4.000000e+00 : f32
    %mul3A_1049 = vector.broadcast %mul3A_1048 : f32 to vector<16xf32>
    %mul3A_1050 = arith.mulf %get3A_970, %mul3A_1049 : vector<16xf32>
    %convert_element_type3A_1051 = arith.fptosi %mul3A_1050 : vector<16xf32> to vector<16xi32>
    %jit3A_1052 = arith.constant 0 : i32
    %jit3A_1053 = arith.constant 3 : i32
    %max3A_1054 = vector.broadcast %jit3A_1052 : i32 to vector<16xi32>
    %max3A_1055 = arith.maxsi %max3A_1054, %convert_element_type3A_1051 : vector<16xi32>
    %min3A_1056 = vector.broadcast %jit3A_1053 : i32 to vector<16xi32>
    %min3A_1057 = arith.minsi %min3A_1056, %max3A_1055 : vector<16xi32>
    %gt3A_1058 = arith.constant 7.500000e-01 : f32
    %gt3A_1059 = vector.broadcast %gt3A_1058 : f32 to vector<16xf32>
    %gt3A_1060 = arith.cmpf ogt, %get3A_965, %gt3A_1059 : vector<16xf32>
    %add3A_1061 = arith.constant 16 : i32
    %add3A_1062 = vector.broadcast %add3A_1061 : i32 to vector<16xi32>
    %add3A_1063 = arith.addi %add3A_1062, %select_n3A_1036 : vector<16xi32>
    %mul3A_1064 = arith.constant 4 : i32
    %mul3A_1065 = vector.broadcast %mul3A_1064 : i32 to vector<16xi32>
    %mul3A_1066 = arith.muli %min3A_1047, %mul3A_1065 : vector<16xi32>
    %add3A_1067 = arith.addi %mul3A_1066, %min3A_1057 : vector<16xi32>
    %select_n3A_1068 = arith.select %gt3A_1060, %add3A_1063, %add3A_1067 : vector<16xi1>, vector<16xi32>
    %get3A_1069 = arith.constant 128 : index
    %get3A_1070 = tpu.vector_load %arg6[%get3A_1069] {strides = array<i32>} : memref<256xi32, #tpu.memory_space<vmem>>, vector<16xi32>,
    %get3A_1071 = vector.shape_cast %get3A_1070 : vector<16xi32> to vector<16xi32>
    %eq3A_1072 = arith.constant 1 : i32
    %eq3A_1073 = vector.broadcast %eq3A_1072 : i32 to vector<16xi32>
    %eq3A_1074 = arith.cmpi eq, %get3A_1071, %eq3A_1073 : vector<16xi32>
    %jit3A_1075 = arith.constant 24 : i32
    %broadcast_in_dim3A_1076 = vector.broadcast %jit3A_1075 : i32 to vector<16xi32>
    %select_n3A_1077 = arith.select %eq3A_1074, %broadcast_in_dim3A_1076, %select_n3A_1068 : vector<16xi1>, vector<16xi32>
    %swap3A_1078 = arith.constant 128 : index
    %swap3A_1079 = tpu.vector_load %arg7[%swap3A_1078] {strides = array<i32>} : memref<256xi32, #tpu.memory_space<vmem>>, vector<16xi32>,
    %swap3A_1080 = vector.shape_cast %swap3A_1079 : vector<16xi32> to vector<16xi32>
    %swap3A_1081 = vector.shape_cast %select_n3A_1077 : vector<16xi32> to vector<16xi32>
    tpu.vector_store %arg7[%swap3A_1078], %swap3A_1081 {strides = array<i32>} : memref<256xi32, #tpu.memory_space<vmem>>, vector<16xi32>,
    %get3A_1082 = arith.constant 0 : i32
    %get3A_1083 = arith.index_cast %get3A_1082 : i32 to index
    %get3A_1084 = arith.constant 144 : index
    %get3A_1085 = tpu.vector_load %arg5[%get3A_1083, %get3A_1084] {strides = array<i32>} : memref<16x256xf32, #tpu.memory_space<vmem>>, vector<1x16xf32>,
    %get3A_1086 = vector.shape_cast %get3A_1085 : vector<1x16xf32> to vector<16xf32>
    %get3A_1087 = arith.constant 1 : i32
    %get3A_1088 = arith.index_cast %get3A_1087 : i32 to index
    %get3A_1089 = arith.constant 144 : index
    %get3A_1090 = tpu.vector_load %arg5[%get3A_1088, %get3A_1089] {strides = array<i32>} : memref<16x256xf32, #tpu.memory_space<vmem>>, vector<1x16xf32>,
    %get3A_1091 = vector.shape_cast %get3A_1090 : vector<1x16xf32> to vector<16xf32>
    %get3A_1092 = arith.constant 2 : i32
    %get3A_1093 = arith.index_cast %get3A_1092 : i32 to index
    %get3A_1094 = arith.constant 144 : index
    %get3A_1095 = tpu.vector_load %arg5[%get3A_1093, %get3A_1094] {strides = array<i32>} : memref<16x256xf32, #tpu.memory_space<vmem>>, vector<1x16xf32>,
    %get3A_1096 = vector.shape_cast %get3A_1095 : vector<1x16xf32> to vector<16xf32>
    %broadcast_in_dim3A_1097 = arith.constant 0 : i32
    %broadcast_in_dim3A_1098 = vector.broadcast %broadcast_in_dim3A_1097 : i32 to vector<16xi32>
    %get3A_1099 = arith.constant 3 : i32
    %get3A_1100 = arith.index_cast %get3A_1099 : i32 to index
    %get3A_1101 = arith.constant 144 : index
    %get3A_1102 = tpu.vector_load %arg5[%get3A_1100, %get3A_1101] {strides = array<i32>} : memref<16x256xf32, #tpu.memory_space<vmem>>, vector<1x16xf32>,
    %get3A_1103 = vector.shape_cast %get3A_1102 : vector<1x16xf32> to vector<16xf32>
    %gt3A_1104 = arith.cmpf ogt, %get3A_1103, %get3A_1096 : vector<16xf32>
    %broadcast_in_dim3A_1105 = arith.constant 1 : i32
    %broadcast_in_dim3A_1106 = vector.broadcast %broadcast_in_dim3A_1105 : i32 to vector<16xi32>
    %select_n3A_1107 = arith.select %gt3A_1104, %broadcast_in_dim3A_1106, %broadcast_in_dim3A_1098 : vector<16xi1>, vector<16xi32>
    %select_n3A_1108 = arith.select %gt3A_1104, %get3A_1103, %get3A_1096 : vector<16xi1>, vector<16xf32>
    %get3A_1109 = arith.constant 4 : i32
    %get3A_1110 = arith.index_cast %get3A_1109 : i32 to index
    %get3A_1111 = arith.constant 144 : index
    %get3A_1112 = tpu.vector_load %arg5[%get3A_1110, %get3A_1111] {strides = array<i32>} : memref<16x256xf32, #tpu.memory_space<vmem>>, vector<1x16xf32>,
    %get3A_1113 = vector.shape_cast %get3A_1112 : vector<1x16xf32> to vector<16xf32>
    %gt3A_1114 = arith.cmpf ogt, %get3A_1113, %select_n3A_1108 : vector<16xf32>
    %broadcast_in_dim3A_1115 = arith.constant 2 : i32
    %broadcast_in_dim3A_1116 = vector.broadcast %broadcast_in_dim3A_1115 : i32 to vector<16xi32>
    %select_n3A_1117 = arith.select %gt3A_1114, %broadcast_in_dim3A_1116, %select_n3A_1107 : vector<16xi1>, vector<16xi32>
    %select_n3A_1118 = arith.select %gt3A_1114, %get3A_1113, %select_n3A_1108 : vector<16xi1>, vector<16xf32>
    %get3A_1119 = arith.constant 5 : i32
    %get3A_1120 = arith.index_cast %get3A_1119 : i32 to index
    %get3A_1121 = arith.constant 144 : index
    %get3A_1122 = tpu.vector_load %arg5[%get3A_1120, %get3A_1121] {strides = array<i32>} : memref<16x256xf32, #tpu.memory_space<vmem>>, vector<1x16xf32>,
    %get3A_1123 = vector.shape_cast %get3A_1122 : vector<1x16xf32> to vector<16xf32>
    %gt3A_1124 = arith.cmpf ogt, %get3A_1123, %select_n3A_1118 : vector<16xf32>
    %broadcast_in_dim3A_1125 = arith.constant 3 : i32
    %broadcast_in_dim3A_1126 = vector.broadcast %broadcast_in_dim3A_1125 : i32 to vector<16xi32>
    %select_n3A_1127 = arith.select %gt3A_1124, %broadcast_in_dim3A_1126, %select_n3A_1117 : vector<16xi1>, vector<16xi32>
    %select_n3A_1128 = arith.select %gt3A_1124, %get3A_1123, %select_n3A_1118 : vector<16xi1>, vector<16xf32>
    %get3A_1129 = arith.constant 6 : i32
    %get3A_1130 = arith.index_cast %get3A_1129 : i32 to index
    %get3A_1131 = arith.constant 144 : index
    %get3A_1132 = tpu.vector_load %arg5[%get3A_1130, %get3A_1131] {strides = array<i32>} : memref<16x256xf32, #tpu.memory_space<vmem>>, vector<1x16xf32>,
    %get3A_1133 = vector.shape_cast %get3A_1132 : vector<1x16xf32> to vector<16xf32>
    %gt3A_1134 = arith.cmpf ogt, %get3A_1133, %select_n3A_1128 : vector<16xf32>
    %broadcast_in_dim3A_1135 = arith.constant 4 : i32
    %broadcast_in_dim3A_1136 = vector.broadcast %broadcast_in_dim3A_1135 : i32 to vector<16xi32>
    %select_n3A_1137 = arith.select %gt3A_1134, %broadcast_in_dim3A_1136, %select_n3A_1127 : vector<16xi1>, vector<16xi32>
    %select_n3A_1138 = arith.select %gt3A_1134, %get3A_1133, %select_n3A_1128 : vector<16xi1>, vector<16xf32>
    %get3A_1139 = arith.constant 7 : i32
    %get3A_1140 = arith.index_cast %get3A_1139 : i32 to index
    %get3A_1141 = arith.constant 144 : index
    %get3A_1142 = tpu.vector_load %arg5[%get3A_1140, %get3A_1141] {strides = array<i32>} : memref<16x256xf32, #tpu.memory_space<vmem>>, vector<1x16xf32>,
    %get3A_1143 = vector.shape_cast %get3A_1142 : vector<1x16xf32> to vector<16xf32>
    %gt3A_1144 = arith.cmpf ogt, %get3A_1143, %select_n3A_1138 : vector<16xf32>
    %broadcast_in_dim3A_1145 = arith.constant 5 : i32
    %broadcast_in_dim3A_1146 = vector.broadcast %broadcast_in_dim3A_1145 : i32 to vector<16xi32>
    %select_n3A_1147 = arith.select %gt3A_1144, %broadcast_in_dim3A_1146, %select_n3A_1137 : vector<16xi1>, vector<16xi32>
    %select_n3A_1148 = arith.select %gt3A_1144, %get3A_1143, %select_n3A_1138 : vector<16xi1>, vector<16xf32>
    %get3A_1149 = arith.constant 8 : i32
    %get3A_1150 = arith.index_cast %get3A_1149 : i32 to index
    %get3A_1151 = arith.constant 144 : index
    %get3A_1152 = tpu.vector_load %arg5[%get3A_1150, %get3A_1151] {strides = array<i32>} : memref<16x256xf32, #tpu.memory_space<vmem>>, vector<1x16xf32>,
    %get3A_1153 = vector.shape_cast %get3A_1152 : vector<1x16xf32> to vector<16xf32>
    %gt3A_1154 = arith.cmpf ogt, %get3A_1153, %select_n3A_1148 : vector<16xf32>
    %broadcast_in_dim3A_1155 = arith.constant 6 : i32
    %broadcast_in_dim3A_1156 = vector.broadcast %broadcast_in_dim3A_1155 : i32 to vector<16xi32>
    %select_n3A_1157 = arith.select %gt3A_1154, %broadcast_in_dim3A_1156, %select_n3A_1147 : vector<16xi1>, vector<16xi32>
    %select_n3A_1158 = arith.select %gt3A_1154, %get3A_1153, %select_n3A_1148 : vector<16xi1>, vector<16xf32>
    %mul3A_1159 = arith.constant 4.000000e+00 : f32
    %mul3A_1160 = vector.broadcast %mul3A_1159 : f32 to vector<16xf32>
    %mul3A_1161 = arith.mulf %get3A_1086, %mul3A_1160 : vector<16xf32>
    %convert_element_type3A_1162 = arith.fptosi %mul3A_1161 : vector<16xf32> to vector<16xi32>
    %jit3A_1163 = arith.constant 0 : i32
    %jit3A_1164 = arith.constant 3 : i32
    %max3A_1165 = vector.broadcast %jit3A_1163 : i32 to vector<16xi32>
    %max3A_1166 = arith.maxsi %max3A_1165, %convert_element_type3A_1162 : vector<16xi32>
    %min3A_1167 = vector.broadcast %jit3A_1164 : i32 to vector<16xi32>
    %min3A_1168 = arith.minsi %min3A_1167, %max3A_1166 : vector<16xi32>
    %mul3A_1169 = arith.constant 4.000000e+00 : f32
    %mul3A_1170 = vector.broadcast %mul3A_1169 : f32 to vector<16xf32>
    %mul3A_1171 = arith.mulf %get3A_1091, %mul3A_1170 : vector<16xf32>
    %convert_element_type3A_1172 = arith.fptosi %mul3A_1171 : vector<16xf32> to vector<16xi32>
    %jit3A_1173 = arith.constant 0 : i32
    %jit3A_1174 = arith.constant 3 : i32
    %max3A_1175 = vector.broadcast %jit3A_1173 : i32 to vector<16xi32>
    %max3A_1176 = arith.maxsi %max3A_1175, %convert_element_type3A_1172 : vector<16xi32>
    %min3A_1177 = vector.broadcast %jit3A_1174 : i32 to vector<16xi32>
    %min3A_1178 = arith.minsi %min3A_1177, %max3A_1176 : vector<16xi32>
    %gt3A_1179 = arith.constant 7.500000e-01 : f32
    %gt3A_1180 = vector.broadcast %gt3A_1179 : f32 to vector<16xf32>
    %gt3A_1181 = arith.cmpf ogt, %get3A_1086, %gt3A_1180 : vector<16xf32>
    %add3A_1182 = arith.constant 16 : i32
    %add3A_1183 = vector.broadcast %add3A_1182 : i32 to vector<16xi32>
    %add3A_1184 = arith.addi %add3A_1183, %select_n3A_1157 : vector<16xi32>
    %mul3A_1185 = arith.constant 4 : i32
    %mul3A_1186 = vector.broadcast %mul3A_1185 : i32 to vector<16xi32>
    %mul3A_1187 = arith.muli %min3A_1168, %mul3A_1186 : vector<16xi32>
    %add3A_1188 = arith.addi %mul3A_1187, %min3A_1178 : vector<16xi32>
    %select_n3A_1189 = arith.select %gt3A_1181, %add3A_1184, %add3A_1188 : vector<16xi1>, vector<16xi32>
    %get3A_1190 = arith.constant 144 : index
    %get3A_1191 = tpu.vector_load %arg6[%get3A_1190] {strides = array<i32>} : memref<256xi32, #tpu.memory_space<vmem>>, vector<16xi32>,
    %get3A_1192 = vector.shape_cast %get3A_1191 : vector<16xi32> to vector<16xi32>
    %eq3A_1193 = arith.constant 1 : i32
    %eq3A_1194 = vector.broadcast %eq3A_1193 : i32 to vector<16xi32>
    %eq3A_1195 = arith.cmpi eq, %get3A_1192, %eq3A_1194 : vector<16xi32>
    %jit3A_1196 = arith.constant 24 : i32
    %broadcast_in_dim3A_1197 = vector.broadcast %jit3A_1196 : i32 to vector<16xi32>
    %select_n3A_1198 = arith.select %eq3A_1195, %broadcast_in_dim3A_1197, %select_n3A_1189 : vector<16xi1>, vector<16xi32>
    %swap3A_1199 = arith.constant 144 : index
    %swap3A_1200 = tpu.vector_load %arg7[%swap3A_1199] {strides = array<i32>} : memref<256xi32, #tpu.memory_space<vmem>>, vector<16xi32>,
    %swap3A_1201 = vector.shape_cast %swap3A_1200 : vector<16xi32> to vector<16xi32>
    %swap3A_1202 = vector.shape_cast %select_n3A_1198 : vector<16xi32> to vector<16xi32>
    tpu.vector_store %arg7[%swap3A_1199], %swap3A_1202 {strides = array<i32>} : memref<256xi32, #tpu.memory_space<vmem>>, vector<16xi32>,
    %get3A_1203 = arith.constant 0 : i32
    %get3A_1204 = arith.index_cast %get3A_1203 : i32 to index
    %get3A_1205 = arith.constant 160 : index
    %get3A_1206 = tpu.vector_load %arg5[%get3A_1204, %get3A_1205] {strides = array<i32>} : memref<16x256xf32, #tpu.memory_space<vmem>>, vector<1x16xf32>,
    %get3A_1207 = vector.shape_cast %get3A_1206 : vector<1x16xf32> to vector<16xf32>
    %get3A_1208 = arith.constant 1 : i32
    %get3A_1209 = arith.index_cast %get3A_1208 : i32 to index
    %get3A_1210 = arith.constant 160 : index
    %get3A_1211 = tpu.vector_load %arg5[%get3A_1209, %get3A_1210] {strides = array<i32>} : memref<16x256xf32, #tpu.memory_space<vmem>>, vector<1x16xf32>,
    %get3A_1212 = vector.shape_cast %get3A_1211 : vector<1x16xf32> to vector<16xf32>
    %get3A_1213 = arith.constant 2 : i32
    %get3A_1214 = arith.index_cast %get3A_1213 : i32 to index
    %get3A_1215 = arith.constant 160 : index
    %get3A_1216 = tpu.vector_load %arg5[%get3A_1214, %get3A_1215] {strides = array<i32>} : memref<16x256xf32, #tpu.memory_space<vmem>>, vector<1x16xf32>,
    %get3A_1217 = vector.shape_cast %get3A_1216 : vector<1x16xf32> to vector<16xf32>
    %broadcast_in_dim3A_1218 = arith.constant 0 : i32
    %broadcast_in_dim3A_1219 = vector.broadcast %broadcast_in_dim3A_1218 : i32 to vector<16xi32>
    %get3A_1220 = arith.constant 3 : i32
    %get3A_1221 = arith.index_cast %get3A_1220 : i32 to index
    %get3A_1222 = arith.constant 160 : index
    %get3A_1223 = tpu.vector_load %arg5[%get3A_1221, %get3A_1222] {strides = array<i32>} : memref<16x256xf32, #tpu.memory_space<vmem>>, vector<1x16xf32>,
    %get3A_1224 = vector.shape_cast %get3A_1223 : vector<1x16xf32> to vector<16xf32>
    %gt3A_1225 = arith.cmpf ogt, %get3A_1224, %get3A_1217 : vector<16xf32>
    %broadcast_in_dim3A_1226 = arith.constant 1 : i32
    %broadcast_in_dim3A_1227 = vector.broadcast %broadcast_in_dim3A_1226 : i32 to vector<16xi32>
    %select_n3A_1228 = arith.select %gt3A_1225, %broadcast_in_dim3A_1227, %broadcast_in_dim3A_1219 : vector<16xi1>, vector<16xi32>
    %select_n3A_1229 = arith.select %gt3A_1225, %get3A_1224, %get3A_1217 : vector<16xi1>, vector<16xf32>
    %get3A_1230 = arith.constant 4 : i32
    %get3A_1231 = arith.index_cast %get3A_1230 : i32 to index
    %get3A_1232 = arith.constant 160 : index
    %get3A_1233 = tpu.vector_load %arg5[%get3A_1231, %get3A_1232] {strides = array<i32>} : memref<16x256xf32, #tpu.memory_space<vmem>>, vector<1x16xf32>,
    %get3A_1234 = vector.shape_cast %get3A_1233 : vector<1x16xf32> to vector<16xf32>
    %gt3A_1235 = arith.cmpf ogt, %get3A_1234, %select_n3A_1229 : vector<16xf32>
    %broadcast_in_dim3A_1236 = arith.constant 2 : i32
    %broadcast_in_dim3A_1237 = vector.broadcast %broadcast_in_dim3A_1236 : i32 to vector<16xi32>
    %select_n3A_1238 = arith.select %gt3A_1235, %broadcast_in_dim3A_1237, %select_n3A_1228 : vector<16xi1>, vector<16xi32>
    %select_n3A_1239 = arith.select %gt3A_1235, %get3A_1234, %select_n3A_1229 : vector<16xi1>, vector<16xf32>
    %get3A_1240 = arith.constant 5 : i32
    %get3A_1241 = arith.index_cast %get3A_1240 : i32 to index
    %get3A_1242 = arith.constant 160 : index
    %get3A_1243 = tpu.vector_load %arg5[%get3A_1241, %get3A_1242] {strides = array<i32>} : memref<16x256xf32, #tpu.memory_space<vmem>>, vector<1x16xf32>,
    %get3A_1244 = vector.shape_cast %get3A_1243 : vector<1x16xf32> to vector<16xf32>
    %gt3A_1245 = arith.cmpf ogt, %get3A_1244, %select_n3A_1239 : vector<16xf32>
    %broadcast_in_dim3A_1246 = arith.constant 3 : i32
    %broadcast_in_dim3A_1247 = vector.broadcast %broadcast_in_dim3A_1246 : i32 to vector<16xi32>
    %select_n3A_1248 = arith.select %gt3A_1245, %broadcast_in_dim3A_1247, %select_n3A_1238 : vector<16xi1>, vector<16xi32>
    %select_n3A_1249 = arith.select %gt3A_1245, %get3A_1244, %select_n3A_1239 : vector<16xi1>, vector<16xf32>
    %get3A_1250 = arith.constant 6 : i32
    %get3A_1251 = arith.index_cast %get3A_1250 : i32 to index
    %get3A_1252 = arith.constant 160 : index
    %get3A_1253 = tpu.vector_load %arg5[%get3A_1251, %get3A_1252] {strides = array<i32>} : memref<16x256xf32, #tpu.memory_space<vmem>>, vector<1x16xf32>,
    %get3A_1254 = vector.shape_cast %get3A_1253 : vector<1x16xf32> to vector<16xf32>
    %gt3A_1255 = arith.cmpf ogt, %get3A_1254, %select_n3A_1249 : vector<16xf32>
    %broadcast_in_dim3A_1256 = arith.constant 4 : i32
    %broadcast_in_dim3A_1257 = vector.broadcast %broadcast_in_dim3A_1256 : i32 to vector<16xi32>
    %select_n3A_1258 = arith.select %gt3A_1255, %broadcast_in_dim3A_1257, %select_n3A_1248 : vector<16xi1>, vector<16xi32>
    %select_n3A_1259 = arith.select %gt3A_1255, %get3A_1254, %select_n3A_1249 : vector<16xi1>, vector<16xf32>
    %get3A_1260 = arith.constant 7 : i32
    %get3A_1261 = arith.index_cast %get3A_1260 : i32 to index
    %get3A_1262 = arith.constant 160 : index
    %get3A_1263 = tpu.vector_load %arg5[%get3A_1261, %get3A_1262] {strides = array<i32>} : memref<16x256xf32, #tpu.memory_space<vmem>>, vector<1x16xf32>,
    %get3A_1264 = vector.shape_cast %get3A_1263 : vector<1x16xf32> to vector<16xf32>
    %gt3A_1265 = arith.cmpf ogt, %get3A_1264, %select_n3A_1259 : vector<16xf32>
    %broadcast_in_dim3A_1266 = arith.constant 5 : i32
    %broadcast_in_dim3A_1267 = vector.broadcast %broadcast_in_dim3A_1266 : i32 to vector<16xi32>
    %select_n3A_1268 = arith.select %gt3A_1265, %broadcast_in_dim3A_1267, %select_n3A_1258 : vector<16xi1>, vector<16xi32>
    %select_n3A_1269 = arith.select %gt3A_1265, %get3A_1264, %select_n3A_1259 : vector<16xi1>, vector<16xf32>
    %get3A_1270 = arith.constant 8 : i32
    %get3A_1271 = arith.index_cast %get3A_1270 : i32 to index
    %get3A_1272 = arith.constant 160 : index
    %get3A_1273 = tpu.vector_load %arg5[%get3A_1271, %get3A_1272] {strides = array<i32>} : memref<16x256xf32, #tpu.memory_space<vmem>>, vector<1x16xf32>,
    %get3A_1274 = vector.shape_cast %get3A_1273 : vector<1x16xf32> to vector<16xf32>
    %gt3A_1275 = arith.cmpf ogt, %get3A_1274, %select_n3A_1269 : vector<16xf32>
    %broadcast_in_dim3A_1276 = arith.constant 6 : i32
    %broadcast_in_dim3A_1277 = vector.broadcast %broadcast_in_dim3A_1276 : i32 to vector<16xi32>
    %select_n3A_1278 = arith.select %gt3A_1275, %broadcast_in_dim3A_1277, %select_n3A_1268 : vector<16xi1>, vector<16xi32>
    %select_n3A_1279 = arith.select %gt3A_1275, %get3A_1274, %select_n3A_1269 : vector<16xi1>, vector<16xf32>
    %mul3A_1280 = arith.constant 4.000000e+00 : f32
    %mul3A_1281 = vector.broadcast %mul3A_1280 : f32 to vector<16xf32>
    %mul3A_1282 = arith.mulf %get3A_1207, %mul3A_1281 : vector<16xf32>
    %convert_element_type3A_1283 = arith.fptosi %mul3A_1282 : vector<16xf32> to vector<16xi32>
    %jit3A_1284 = arith.constant 0 : i32
    %jit3A_1285 = arith.constant 3 : i32
    %max3A_1286 = vector.broadcast %jit3A_1284 : i32 to vector<16xi32>
    %max3A_1287 = arith.maxsi %max3A_1286, %convert_element_type3A_1283 : vector<16xi32>
    %min3A_1288 = vector.broadcast %jit3A_1285 : i32 to vector<16xi32>
    %min3A_1289 = arith.minsi %min3A_1288, %max3A_1287 : vector<16xi32>
    %mul3A_1290 = arith.constant 4.000000e+00 : f32
    %mul3A_1291 = vector.broadcast %mul3A_1290 : f32 to vector<16xf32>
    %mul3A_1292 = arith.mulf %get3A_1212, %mul3A_1291 : vector<16xf32>
    %convert_element_type3A_1293 = arith.fptosi %mul3A_1292 : vector<16xf32> to vector<16xi32>
    %jit3A_1294 = arith.constant 0 : i32
    %jit3A_1295 = arith.constant 3 : i32
    %max3A_1296 = vector.broadcast %jit3A_1294 : i32 to vector<16xi32>
    %max3A_1297 = arith.maxsi %max3A_1296, %convert_element_type3A_1293 : vector<16xi32>
    %min3A_1298 = vector.broadcast %jit3A_1295 : i32 to vector<16xi32>
    %min3A_1299 = arith.minsi %min3A_1298, %max3A_1297 : vector<16xi32>
    %gt3A_1300 = arith.constant 7.500000e-01 : f32
    %gt3A_1301 = vector.broadcast %gt3A_1300 : f32 to vector<16xf32>
    %gt3A_1302 = arith.cmpf ogt, %get3A_1207, %gt3A_1301 : vector<16xf32>
    %add3A_1303 = arith.constant 16 : i32
    %add3A_1304 = vector.broadcast %add3A_1303 : i32 to vector<16xi32>
    %add3A_1305 = arith.addi %add3A_1304, %select_n3A_1278 : vector<16xi32>
    %mul3A_1306 = arith.constant 4 : i32
    %mul3A_1307 = vector.broadcast %mul3A_1306 : i32 to vector<16xi32>
    %mul3A_1308 = arith.muli %min3A_1289, %mul3A_1307 : vector<16xi32>
    %add3A_1309 = arith.addi %mul3A_1308, %min3A_1299 : vector<16xi32>
    %select_n3A_1310 = arith.select %gt3A_1302, %add3A_1305, %add3A_1309 : vector<16xi1>, vector<16xi32>
    %get3A_1311 = arith.constant 160 : index
    %get3A_1312 = tpu.vector_load %arg6[%get3A_1311] {strides = array<i32>} : memref<256xi32, #tpu.memory_space<vmem>>, vector<16xi32>,
    %get3A_1313 = vector.shape_cast %get3A_1312 : vector<16xi32> to vector<16xi32>
    %eq3A_1314 = arith.constant 1 : i32
    %eq3A_1315 = vector.broadcast %eq3A_1314 : i32 to vector<16xi32>
    %eq3A_1316 = arith.cmpi eq, %get3A_1313, %eq3A_1315 : vector<16xi32>
    %jit3A_1317 = arith.constant 24 : i32
    %broadcast_in_dim3A_1318 = vector.broadcast %jit3A_1317 : i32 to vector<16xi32>
    %select_n3A_1319 = arith.select %eq3A_1316, %broadcast_in_dim3A_1318, %select_n3A_1310 : vector<16xi1>, vector<16xi32>
    %swap3A_1320 = arith.constant 160 : index
    %swap3A_1321 = tpu.vector_load %arg7[%swap3A_1320] {strides = array<i32>} : memref<256xi32, #tpu.memory_space<vmem>>, vector<16xi32>,
    %swap3A_1322 = vector.shape_cast %swap3A_1321 : vector<16xi32> to vector<16xi32>
    %swap3A_1323 = vector.shape_cast %select_n3A_1319 : vector<16xi32> to vector<16xi32>
    tpu.vector_store %arg7[%swap3A_1320], %swap3A_1323 {strides = array<i32>} : memref<256xi32, #tpu.memory_space<vmem>>, vector<16xi32>,
    %get3A_1324 = arith.constant 0 : i32
    %get3A_1325 = arith.index_cast %get3A_1324 : i32 to index
    %get3A_1326 = arith.constant 176 : index
    %get3A_1327 = tpu.vector_load %arg5[%get3A_1325, %get3A_1326] {strides = array<i32>} : memref<16x256xf32, #tpu.memory_space<vmem>>, vector<1x16xf32>,
    %get3A_1328 = vector.shape_cast %get3A_1327 : vector<1x16xf32> to vector<16xf32>
    %get3A_1329 = arith.constant 1 : i32
    %get3A_1330 = arith.index_cast %get3A_1329 : i32 to index
    %get3A_1331 = arith.constant 176 : index
    %get3A_1332 = tpu.vector_load %arg5[%get3A_1330, %get3A_1331] {strides = array<i32>} : memref<16x256xf32, #tpu.memory_space<vmem>>, vector<1x16xf32>,
    %get3A_1333 = vector.shape_cast %get3A_1332 : vector<1x16xf32> to vector<16xf32>
    %get3A_1334 = arith.constant 2 : i32
    %get3A_1335 = arith.index_cast %get3A_1334 : i32 to index
    %get3A_1336 = arith.constant 176 : index
    %get3A_1337 = tpu.vector_load %arg5[%get3A_1335, %get3A_1336] {strides = array<i32>} : memref<16x256xf32, #tpu.memory_space<vmem>>, vector<1x16xf32>,
    %get3A_1338 = vector.shape_cast %get3A_1337 : vector<1x16xf32> to vector<16xf32>
    %broadcast_in_dim3A_1339 = arith.constant 0 : i32
    %broadcast_in_dim3A_1340 = vector.broadcast %broadcast_in_dim3A_1339 : i32 to vector<16xi32>
    %get3A_1341 = arith.constant 3 : i32
    %get3A_1342 = arith.index_cast %get3A_1341 : i32 to index
    %get3A_1343 = arith.constant 176 : index
    %get3A_1344 = tpu.vector_load %arg5[%get3A_1342, %get3A_1343] {strides = array<i32>} : memref<16x256xf32, #tpu.memory_space<vmem>>, vector<1x16xf32>,
    %get3A_1345 = vector.shape_cast %get3A_1344 : vector<1x16xf32> to vector<16xf32>
    %gt3A_1346 = arith.cmpf ogt, %get3A_1345, %get3A_1338 : vector<16xf32>
    %broadcast_in_dim3A_1347 = arith.constant 1 : i32
    %broadcast_in_dim3A_1348 = vector.broadcast %broadcast_in_dim3A_1347 : i32 to vector<16xi32>
    %select_n3A_1349 = arith.select %gt3A_1346, %broadcast_in_dim3A_1348, %broadcast_in_dim3A_1340 : vector<16xi1>, vector<16xi32>
    %select_n3A_1350 = arith.select %gt3A_1346, %get3A_1345, %get3A_1338 : vector<16xi1>, vector<16xf32>
    %get3A_1351 = arith.constant 4 : i32
    %get3A_1352 = arith.index_cast %get3A_1351 : i32 to index
    %get3A_1353 = arith.constant 176 : index
    %get3A_1354 = tpu.vector_load %arg5[%get3A_1352, %get3A_1353] {strides = array<i32>} : memref<16x256xf32, #tpu.memory_space<vmem>>, vector<1x16xf32>,
    %get3A_1355 = vector.shape_cast %get3A_1354 : vector<1x16xf32> to vector<16xf32>
    %gt3A_1356 = arith.cmpf ogt, %get3A_1355, %select_n3A_1350 : vector<16xf32>
    %broadcast_in_dim3A_1357 = arith.constant 2 : i32
    %broadcast_in_dim3A_1358 = vector.broadcast %broadcast_in_dim3A_1357 : i32 to vector<16xi32>
    %select_n3A_1359 = arith.select %gt3A_1356, %broadcast_in_dim3A_1358, %select_n3A_1349 : vector<16xi1>, vector<16xi32>
    %select_n3A_1360 = arith.select %gt3A_1356, %get3A_1355, %select_n3A_1350 : vector<16xi1>, vector<16xf32>
    %get3A_1361 = arith.constant 5 : i32
    %get3A_1362 = arith.index_cast %get3A_1361 : i32 to index
    %get3A_1363 = arith.constant 176 : index
    %get3A_1364 = tpu.vector_load %arg5[%get3A_1362, %get3A_1363] {strides = array<i32>} : memref<16x256xf32, #tpu.memory_space<vmem>>, vector<1x16xf32>,
    %get3A_1365 = vector.shape_cast %get3A_1364 : vector<1x16xf32> to vector<16xf32>
    %gt3A_1366 = arith.cmpf ogt, %get3A_1365, %select_n3A_1360 : vector<16xf32>
    %broadcast_in_dim3A_1367 = arith.constant 3 : i32
    %broadcast_in_dim3A_1368 = vector.broadcast %broadcast_in_dim3A_1367 : i32 to vector<16xi32>
    %select_n3A_1369 = arith.select %gt3A_1366, %broadcast_in_dim3A_1368, %select_n3A_1359 : vector<16xi1>, vector<16xi32>
    %select_n3A_1370 = arith.select %gt3A_1366, %get3A_1365, %select_n3A_1360 : vector<16xi1>, vector<16xf32>
    %get3A_1371 = arith.constant 6 : i32
    %get3A_1372 = arith.index_cast %get3A_1371 : i32 to index
    %get3A_1373 = arith.constant 176 : index
    %get3A_1374 = tpu.vector_load %arg5[%get3A_1372, %get3A_1373] {strides = array<i32>} : memref<16x256xf32, #tpu.memory_space<vmem>>, vector<1x16xf32>,
    %get3A_1375 = vector.shape_cast %get3A_1374 : vector<1x16xf32> to vector<16xf32>
    %gt3A_1376 = arith.cmpf ogt, %get3A_1375, %select_n3A_1370 : vector<16xf32>
    %broadcast_in_dim3A_1377 = arith.constant 4 : i32
    %broadcast_in_dim3A_1378 = vector.broadcast %broadcast_in_dim3A_1377 : i32 to vector<16xi32>
    %select_n3A_1379 = arith.select %gt3A_1376, %broadcast_in_dim3A_1378, %select_n3A_1369 : vector<16xi1>, vector<16xi32>
    %select_n3A_1380 = arith.select %gt3A_1376, %get3A_1375, %select_n3A_1370 : vector<16xi1>, vector<16xf32>
    %get3A_1381 = arith.constant 7 : i32
    %get3A_1382 = arith.index_cast %get3A_1381 : i32 to index
    %get3A_1383 = arith.constant 176 : index
    %get3A_1384 = tpu.vector_load %arg5[%get3A_1382, %get3A_1383] {strides = array<i32>} : memref<16x256xf32, #tpu.memory_space<vmem>>, vector<1x16xf32>,
    %get3A_1385 = vector.shape_cast %get3A_1384 : vector<1x16xf32> to vector<16xf32>
    %gt3A_1386 = arith.cmpf ogt, %get3A_1385, %select_n3A_1380 : vector<16xf32>
    %broadcast_in_dim3A_1387 = arith.constant 5 : i32
    %broadcast_in_dim3A_1388 = vector.broadcast %broadcast_in_dim3A_1387 : i32 to vector<16xi32>
    %select_n3A_1389 = arith.select %gt3A_1386, %broadcast_in_dim3A_1388, %select_n3A_1379 : vector<16xi1>, vector<16xi32>
    %select_n3A_1390 = arith.select %gt3A_1386, %get3A_1385, %select_n3A_1380 : vector<16xi1>, vector<16xf32>
    %get3A_1391 = arith.constant 8 : i32
    %get3A_1392 = arith.index_cast %get3A_1391 : i32 to index
    %get3A_1393 = arith.constant 176 : index
    %get3A_1394 = tpu.vector_load %arg5[%get3A_1392, %get3A_1393] {strides = array<i32>} : memref<16x256xf32, #tpu.memory_space<vmem>>, vector<1x16xf32>,
    %get3A_1395 = vector.shape_cast %get3A_1394 : vector<1x16xf32> to vector<16xf32>
    %gt3A_1396 = arith.cmpf ogt, %get3A_1395, %select_n3A_1390 : vector<16xf32>
    %broadcast_in_dim3A_1397 = arith.constant 6 : i32
    %broadcast_in_dim3A_1398 = vector.broadcast %broadcast_in_dim3A_1397 : i32 to vector<16xi32>
    %select_n3A_1399 = arith.select %gt3A_1396, %broadcast_in_dim3A_1398, %select_n3A_1389 : vector<16xi1>, vector<16xi32>
    %select_n3A_1400 = arith.select %gt3A_1396, %get3A_1395, %select_n3A_1390 : vector<16xi1>, vector<16xf32>
    %mul3A_1401 = arith.constant 4.000000e+00 : f32
    %mul3A_1402 = vector.broadcast %mul3A_1401 : f32 to vector<16xf32>
    %mul3A_1403 = arith.mulf %get3A_1328, %mul3A_1402 : vector<16xf32>
    %convert_element_type3A_1404 = arith.fptosi %mul3A_1403 : vector<16xf32> to vector<16xi32>
    %jit3A_1405 = arith.constant 0 : i32
    %jit3A_1406 = arith.constant 3 : i32
    %max3A_1407 = vector.broadcast %jit3A_1405 : i32 to vector<16xi32>
    %max3A_1408 = arith.maxsi %max3A_1407, %convert_element_type3A_1404 : vector<16xi32>
    %min3A_1409 = vector.broadcast %jit3A_1406 : i32 to vector<16xi32>
    %min3A_1410 = arith.minsi %min3A_1409, %max3A_1408 : vector<16xi32>
    %mul3A_1411 = arith.constant 4.000000e+00 : f32
    %mul3A_1412 = vector.broadcast %mul3A_1411 : f32 to vector<16xf32>
    %mul3A_1413 = arith.mulf %get3A_1333, %mul3A_1412 : vector<16xf32>
    %convert_element_type3A_1414 = arith.fptosi %mul3A_1413 : vector<16xf32> to vector<16xi32>
    %jit3A_1415 = arith.constant 0 : i32
    %jit3A_1416 = arith.constant 3 : i32
    %max3A_1417 = vector.broadcast %jit3A_1415 : i32 to vector<16xi32>
    %max3A_1418 = arith.maxsi %max3A_1417, %convert_element_type3A_1414 : vector<16xi32>
    %min3A_1419 = vector.broadcast %jit3A_1416 : i32 to vector<16xi32>
    %min3A_1420 = arith.minsi %min3A_1419, %max3A_1418 : vector<16xi32>
    %gt3A_1421 = arith.constant 7.500000e-01 : f32
    %gt3A_1422 = vector.broadcast %gt3A_1421 : f32 to vector<16xf32>
    %gt3A_1423 = arith.cmpf ogt, %get3A_1328, %gt3A_1422 : vector<16xf32>
    %add3A_1424 = arith.constant 16 : i32
    %add3A_1425 = vector.broadcast %add3A_1424 : i32 to vector<16xi32>
    %add3A_1426 = arith.addi %add3A_1425, %select_n3A_1399 : vector<16xi32>
    %mul3A_1427 = arith.constant 4 : i32
    %mul3A_1428 = vector.broadcast %mul3A_1427 : i32 to vector<16xi32>
    %mul3A_1429 = arith.muli %min3A_1410, %mul3A_1428 : vector<16xi32>
    %add3A_1430 = arith.addi %mul3A_1429, %min3A_1420 : vector<16xi32>
    %select_n3A_1431 = arith.select %gt3A_1423, %add3A_1426, %add3A_1430 : vector<16xi1>, vector<16xi32>
    %get3A_1432 = arith.constant 176 : index
    %get3A_1433 = tpu.vector_load %arg6[%get3A_1432] {strides = array<i32>} : memref<256xi32, #tpu.memory_space<vmem>>, vector<16xi32>,
    %get3A_1434 = vector.shape_cast %get3A_1433 : vector<16xi32> to vector<16xi32>
    %eq3A_1435 = arith.constant 1 : i32
    %eq3A_1436 = vector.broadcast %eq3A_1435 : i32 to vector<16xi32>
    %eq3A_1437 = arith.cmpi eq, %get3A_1434, %eq3A_1436 : vector<16xi32>
    %jit3A_1438 = arith.constant 24 : i32
    %broadcast_in_dim3A_1439 = vector.broadcast %jit3A_1438 : i32 to vector<16xi32>
    %select_n3A_1440 = arith.select %eq3A_1437, %broadcast_in_dim3A_1439, %select_n3A_1431 : vector<16xi1>, vector<16xi32>
    %swap3A_1441 = arith.constant 176 : index
    %swap3A_1442 = tpu.vector_load %arg7[%swap3A_1441] {strides = array<i32>} : memref<256xi32, #tpu.memory_space<vmem>>, vector<16xi32>,
    %swap3A_1443 = vector.shape_cast %swap3A_1442 : vector<16xi32> to vector<16xi32>
    %swap3A_1444 = vector.shape_cast %select_n3A_1440 : vector<16xi32> to vector<16xi32>
    tpu.vector_store %arg7[%swap3A_1441], %swap3A_1444 {strides = array<i32>} : memref<256xi32, #tpu.memory_space<vmem>>, vector<16xi32>,
    %get3A_1445 = arith.constant 0 : i32
    %get3A_1446 = arith.index_cast %get3A_1445 : i32 to index
    %get3A_1447 = arith.constant 192 : index
    %get3A_1448 = tpu.vector_load %arg5[%get3A_1446, %get3A_1447] {strides = array<i32>} : memref<16x256xf32, #tpu.memory_space<vmem>>, vector<1x16xf32>,
    %get3A_1449 = vector.shape_cast %get3A_1448 : vector<1x16xf32> to vector<16xf32>
    %get3A_1450 = arith.constant 1 : i32
    %get3A_1451 = arith.index_cast %get3A_1450 : i32 to index
    %get3A_1452 = arith.constant 192 : index
    %get3A_1453 = tpu.vector_load %arg5[%get3A_1451, %get3A_1452] {strides = array<i32>} : memref<16x256xf32, #tpu.memory_space<vmem>>, vector<1x16xf32>,
    %get3A_1454 = vector.shape_cast %get3A_1453 : vector<1x16xf32> to vector<16xf32>
    %get3A_1455 = arith.constant 2 : i32
    %get3A_1456 = arith.index_cast %get3A_1455 : i32 to index
    %get3A_1457 = arith.constant 192 : index
    %get3A_1458 = tpu.vector_load %arg5[%get3A_1456, %get3A_1457] {strides = array<i32>} : memref<16x256xf32, #tpu.memory_space<vmem>>, vector<1x16xf32>,
    %get3A_1459 = vector.shape_cast %get3A_1458 : vector<1x16xf32> to vector<16xf32>
    %broadcast_in_dim3A_1460 = arith.constant 0 : i32
    %broadcast_in_dim3A_1461 = vector.broadcast %broadcast_in_dim3A_1460 : i32 to vector<16xi32>
    %get3A_1462 = arith.constant 3 : i32
    %get3A_1463 = arith.index_cast %get3A_1462 : i32 to index
    %get3A_1464 = arith.constant 192 : index
    %get3A_1465 = tpu.vector_load %arg5[%get3A_1463, %get3A_1464] {strides = array<i32>} : memref<16x256xf32, #tpu.memory_space<vmem>>, vector<1x16xf32>,
    %get3A_1466 = vector.shape_cast %get3A_1465 : vector<1x16xf32> to vector<16xf32>
    %gt3A_1467 = arith.cmpf ogt, %get3A_1466, %get3A_1459 : vector<16xf32>
    %broadcast_in_dim3A_1468 = arith.constant 1 : i32
    %broadcast_in_dim3A_1469 = vector.broadcast %broadcast_in_dim3A_1468 : i32 to vector<16xi32>
    %select_n3A_1470 = arith.select %gt3A_1467, %broadcast_in_dim3A_1469, %broadcast_in_dim3A_1461 : vector<16xi1>, vector<16xi32>
    %select_n3A_1471 = arith.select %gt3A_1467, %get3A_1466, %get3A_1459 : vector<16xi1>, vector<16xf32>
    %get3A_1472 = arith.constant 4 : i32
    %get3A_1473 = arith.index_cast %get3A_1472 : i32 to index
    %get3A_1474 = arith.constant 192 : index
    %get3A_1475 = tpu.vector_load %arg5[%get3A_1473, %get3A_1474] {strides = array<i32>} : memref<16x256xf32, #tpu.memory_space<vmem>>, vector<1x16xf32>,
    %get3A_1476 = vector.shape_cast %get3A_1475 : vector<1x16xf32> to vector<16xf32>
    %gt3A_1477 = arith.cmpf ogt, %get3A_1476, %select_n3A_1471 : vector<16xf32>
    %broadcast_in_dim3A_1478 = arith.constant 2 : i32
    %broadcast_in_dim3A_1479 = vector.broadcast %broadcast_in_dim3A_1478 : i32 to vector<16xi32>
    %select_n3A_1480 = arith.select %gt3A_1477, %broadcast_in_dim3A_1479, %select_n3A_1470 : vector<16xi1>, vector<16xi32>
    %select_n3A_1481 = arith.select %gt3A_1477, %get3A_1476, %select_n3A_1471 : vector<16xi1>, vector<16xf32>
    %get3A_1482 = arith.constant 5 : i32
    %get3A_1483 = arith.index_cast %get3A_1482 : i32 to index
    %get3A_1484 = arith.constant 192 : index
    %get3A_1485 = tpu.vector_load %arg5[%get3A_1483, %get3A_1484] {strides = array<i32>} : memref<16x256xf32, #tpu.memory_space<vmem>>, vector<1x16xf32>,
    %get3A_1486 = vector.shape_cast %get3A_1485 : vector<1x16xf32> to vector<16xf32>
    %gt3A_1487 = arith.cmpf ogt, %get3A_1486, %select_n3A_1481 : vector<16xf32>
    %broadcast_in_dim3A_1488 = arith.constant 3 : i32
    %broadcast_in_dim3A_1489 = vector.broadcast %broadcast_in_dim3A_1488 : i32 to vector<16xi32>
    %select_n3A_1490 = arith.select %gt3A_1487, %broadcast_in_dim3A_1489, %select_n3A_1480 : vector<16xi1>, vector<16xi32>
    %select_n3A_1491 = arith.select %gt3A_1487, %get3A_1486, %select_n3A_1481 : vector<16xi1>, vector<16xf32>
    %get3A_1492 = arith.constant 6 : i32
    %get3A_1493 = arith.index_cast %get3A_1492 : i32 to index
    %get3A_1494 = arith.constant 192 : index
    %get3A_1495 = tpu.vector_load %arg5[%get3A_1493, %get3A_1494] {strides = array<i32>} : memref<16x256xf32, #tpu.memory_space<vmem>>, vector<1x16xf32>,
    %get3A_1496 = vector.shape_cast %get3A_1495 : vector<1x16xf32> to vector<16xf32>
    %gt3A_1497 = arith.cmpf ogt, %get3A_1496, %select_n3A_1491 : vector<16xf32>
    %broadcast_in_dim3A_1498 = arith.constant 4 : i32
    %broadcast_in_dim3A_1499 = vector.broadcast %broadcast_in_dim3A_1498 : i32 to vector<16xi32>
    %select_n3A_1500 = arith.select %gt3A_1497, %broadcast_in_dim3A_1499, %select_n3A_1490 : vector<16xi1>, vector<16xi32>
    %select_n3A_1501 = arith.select %gt3A_1497, %get3A_1496, %select_n3A_1491 : vector<16xi1>, vector<16xf32>
    %get3A_1502 = arith.constant 7 : i32
    %get3A_1503 = arith.index_cast %get3A_1502 : i32 to index
    %get3A_1504 = arith.constant 192 : index
    %get3A_1505 = tpu.vector_load %arg5[%get3A_1503, %get3A_1504] {strides = array<i32>} : memref<16x256xf32, #tpu.memory_space<vmem>>, vector<1x16xf32>,
    %get3A_1506 = vector.shape_cast %get3A_1505 : vector<1x16xf32> to vector<16xf32>
    %gt3A_1507 = arith.cmpf ogt, %get3A_1506, %select_n3A_1501 : vector<16xf32>
    %broadcast_in_dim3A_1508 = arith.constant 5 : i32
    %broadcast_in_dim3A_1509 = vector.broadcast %broadcast_in_dim3A_1508 : i32 to vector<16xi32>
    %select_n3A_1510 = arith.select %gt3A_1507, %broadcast_in_dim3A_1509, %select_n3A_1500 : vector<16xi1>, vector<16xi32>
    %select_n3A_1511 = arith.select %gt3A_1507, %get3A_1506, %select_n3A_1501 : vector<16xi1>, vector<16xf32>
    %get3A_1512 = arith.constant 8 : i32
    %get3A_1513 = arith.index_cast %get3A_1512 : i32 to index
    %get3A_1514 = arith.constant 192 : index
    %get3A_1515 = tpu.vector_load %arg5[%get3A_1513, %get3A_1514] {strides = array<i32>} : memref<16x256xf32, #tpu.memory_space<vmem>>, vector<1x16xf32>,
    %get3A_1516 = vector.shape_cast %get3A_1515 : vector<1x16xf32> to vector<16xf32>
    %gt3A_1517 = arith.cmpf ogt, %get3A_1516, %select_n3A_1511 : vector<16xf32>
    %broadcast_in_dim3A_1518 = arith.constant 6 : i32
    %broadcast_in_dim3A_1519 = vector.broadcast %broadcast_in_dim3A_1518 : i32 to vector<16xi32>
    %select_n3A_1520 = arith.select %gt3A_1517, %broadcast_in_dim3A_1519, %select_n3A_1510 : vector<16xi1>, vector<16xi32>
    %select_n3A_1521 = arith.select %gt3A_1517, %get3A_1516, %select_n3A_1511 : vector<16xi1>, vector<16xf32>
    %mul3A_1522 = arith.constant 4.000000e+00 : f32
    %mul3A_1523 = vector.broadcast %mul3A_1522 : f32 to vector<16xf32>
    %mul3A_1524 = arith.mulf %get3A_1449, %mul3A_1523 : vector<16xf32>
    %convert_element_type3A_1525 = arith.fptosi %mul3A_1524 : vector<16xf32> to vector<16xi32>
    %jit3A_1526 = arith.constant 0 : i32
    %jit3A_1527 = arith.constant 3 : i32
    %max3A_1528 = vector.broadcast %jit3A_1526 : i32 to vector<16xi32>
    %max3A_1529 = arith.maxsi %max3A_1528, %convert_element_type3A_1525 : vector<16xi32>
    %min3A_1530 = vector.broadcast %jit3A_1527 : i32 to vector<16xi32>
    %min3A_1531 = arith.minsi %min3A_1530, %max3A_1529 : vector<16xi32>
    %mul3A_1532 = arith.constant 4.000000e+00 : f32
    %mul3A_1533 = vector.broadcast %mul3A_1532 : f32 to vector<16xf32>
    %mul3A_1534 = arith.mulf %get3A_1454, %mul3A_1533 : vector<16xf32>
    %convert_element_type3A_1535 = arith.fptosi %mul3A_1534 : vector<16xf32> to vector<16xi32>
    %jit3A_1536 = arith.constant 0 : i32
    %jit3A_1537 = arith.constant 3 : i32
    %max3A_1538 = vector.broadcast %jit3A_1536 : i32 to vector<16xi32>
    %max3A_1539 = arith.maxsi %max3A_1538, %convert_element_type3A_1535 : vector<16xi32>
    %min3A_1540 = vector.broadcast %jit3A_1537 : i32 to vector<16xi32>
    %min3A_1541 = arith.minsi %min3A_1540, %max3A_1539 : vector<16xi32>
    %gt3A_1542 = arith.constant 7.500000e-01 : f32
    %gt3A_1543 = vector.broadcast %gt3A_1542 : f32 to vector<16xf32>
    %gt3A_1544 = arith.cmpf ogt, %get3A_1449, %gt3A_1543 : vector<16xf32>
    %add3A_1545 = arith.constant 16 : i32
    %add3A_1546 = vector.broadcast %add3A_1545 : i32 to vector<16xi32>
    %add3A_1547 = arith.addi %add3A_1546, %select_n3A_1520 : vector<16xi32>
    %mul3A_1548 = arith.constant 4 : i32
    %mul3A_1549 = vector.broadcast %mul3A_1548 : i32 to vector<16xi32>
    %mul3A_1550 = arith.muli %min3A_1531, %mul3A_1549 : vector<16xi32>
    %add3A_1551 = arith.addi %mul3A_1550, %min3A_1541 : vector<16xi32>
    %select_n3A_1552 = arith.select %gt3A_1544, %add3A_1547, %add3A_1551 : vector<16xi1>, vector<16xi32>
    %get3A_1553 = arith.constant 192 : index
    %get3A_1554 = tpu.vector_load %arg6[%get3A_1553] {strides = array<i32>} : memref<256xi32, #tpu.memory_space<vmem>>, vector<16xi32>,
    %get3A_1555 = vector.shape_cast %get3A_1554 : vector<16xi32> to vector<16xi32>
    %eq3A_1556 = arith.constant 1 : i32
    %eq3A_1557 = vector.broadcast %eq3A_1556 : i32 to vector<16xi32>
    %eq3A_1558 = arith.cmpi eq, %get3A_1555, %eq3A_1557 : vector<16xi32>
    %jit3A_1559 = arith.constant 24 : i32
    %broadcast_in_dim3A_1560 = vector.broadcast %jit3A_1559 : i32 to vector<16xi32>
    %select_n3A_1561 = arith.select %eq3A_1558, %broadcast_in_dim3A_1560, %select_n3A_1552 : vector<16xi1>, vector<16xi32>
    %swap3A_1562 = arith.constant 192 : index
    %swap3A_1563 = tpu.vector_load %arg7[%swap3A_1562] {strides = array<i32>} : memref<256xi32, #tpu.memory_space<vmem>>, vector<16xi32>,
    %swap3A_1564 = vector.shape_cast %swap3A_1563 : vector<16xi32> to vector<16xi32>
    %swap3A_1565 = vector.shape_cast %select_n3A_1561 : vector<16xi32> to vector<16xi32>
    tpu.vector_store %arg7[%swap3A_1562], %swap3A_1565 {strides = array<i32>} : memref<256xi32, #tpu.memory_space<vmem>>, vector<16xi32>,
    %get3A_1566 = arith.constant 0 : i32
    %get3A_1567 = arith.index_cast %get3A_1566 : i32 to index
    %get3A_1568 = arith.constant 208 : index
    %get3A_1569 = tpu.vector_load %arg5[%get3A_1567, %get3A_1568] {strides = array<i32>} : memref<16x256xf32, #tpu.memory_space<vmem>>, vector<1x16xf32>,
    %get3A_1570 = vector.shape_cast %get3A_1569 : vector<1x16xf32> to vector<16xf32>
    %get3A_1571 = arith.constant 1 : i32
    %get3A_1572 = arith.index_cast %get3A_1571 : i32 to index
    %get3A_1573 = arith.constant 208 : index
    %get3A_1574 = tpu.vector_load %arg5[%get3A_1572, %get3A_1573] {strides = array<i32>} : memref<16x256xf32, #tpu.memory_space<vmem>>, vector<1x16xf32>,
    %get3A_1575 = vector.shape_cast %get3A_1574 : vector<1x16xf32> to vector<16xf32>
    %get3A_1576 = arith.constant 2 : i32
    %get3A_1577 = arith.index_cast %get3A_1576 : i32 to index
    %get3A_1578 = arith.constant 208 : index
    %get3A_1579 = tpu.vector_load %arg5[%get3A_1577, %get3A_1578] {strides = array<i32>} : memref<16x256xf32, #tpu.memory_space<vmem>>, vector<1x16xf32>,
    %get3A_1580 = vector.shape_cast %get3A_1579 : vector<1x16xf32> to vector<16xf32>
    %broadcast_in_dim3A_1581 = arith.constant 0 : i32
    %broadcast_in_dim3A_1582 = vector.broadcast %broadcast_in_dim3A_1581 : i32 to vector<16xi32>
    %get3A_1583 = arith.constant 3 : i32
    %get3A_1584 = arith.index_cast %get3A_1583 : i32 to index
    %get3A_1585 = arith.constant 208 : index
    %get3A_1586 = tpu.vector_load %arg5[%get3A_1584, %get3A_1585] {strides = array<i32>} : memref<16x256xf32, #tpu.memory_space<vmem>>, vector<1x16xf32>,
    %get3A_1587 = vector.shape_cast %get3A_1586 : vector<1x16xf32> to vector<16xf32>
    %gt3A_1588 = arith.cmpf ogt, %get3A_1587, %get3A_1580 : vector<16xf32>
    %broadcast_in_dim3A_1589 = arith.constant 1 : i32
    %broadcast_in_dim3A_1590 = vector.broadcast %broadcast_in_dim3A_1589 : i32 to vector<16xi32>
    %select_n3A_1591 = arith.select %gt3A_1588, %broadcast_in_dim3A_1590, %broadcast_in_dim3A_1582 : vector<16xi1>, vector<16xi32>
    %select_n3A_1592 = arith.select %gt3A_1588, %get3A_1587, %get3A_1580 : vector<16xi1>, vector<16xf32>
    %get3A_1593 = arith.constant 4 : i32
    %get3A_1594 = arith.index_cast %get3A_1593 : i32 to index
    %get3A_1595 = arith.constant 208 : index
    %get3A_1596 = tpu.vector_load %arg5[%get3A_1594, %get3A_1595] {strides = array<i32>} : memref<16x256xf32, #tpu.memory_space<vmem>>, vector<1x16xf32>,
    %get3A_1597 = vector.shape_cast %get3A_1596 : vector<1x16xf32> to vector<16xf32>
    %gt3A_1598 = arith.cmpf ogt, %get3A_1597, %select_n3A_1592 : vector<16xf32>
    %broadcast_in_dim3A_1599 = arith.constant 2 : i32
    %broadcast_in_dim3A_1600 = vector.broadcast %broadcast_in_dim3A_1599 : i32 to vector<16xi32>
    %select_n3A_1601 = arith.select %gt3A_1598, %broadcast_in_dim3A_1600, %select_n3A_1591 : vector<16xi1>, vector<16xi32>
    %select_n3A_1602 = arith.select %gt3A_1598, %get3A_1597, %select_n3A_1592 : vector<16xi1>, vector<16xf32>
    %get3A_1603 = arith.constant 5 : i32
    %get3A_1604 = arith.index_cast %get3A_1603 : i32 to index
    %get3A_1605 = arith.constant 208 : index
    %get3A_1606 = tpu.vector_load %arg5[%get3A_1604, %get3A_1605] {strides = array<i32>} : memref<16x256xf32, #tpu.memory_space<vmem>>, vector<1x16xf32>,
    %get3A_1607 = vector.shape_cast %get3A_1606 : vector<1x16xf32> to vector<16xf32>
    %gt3A_1608 = arith.cmpf ogt, %get3A_1607, %select_n3A_1602 : vector<16xf32>
    %broadcast_in_dim3A_1609 = arith.constant 3 : i32
    %broadcast_in_dim3A_1610 = vector.broadcast %broadcast_in_dim3A_1609 : i32 to vector<16xi32>
    %select_n3A_1611 = arith.select %gt3A_1608, %broadcast_in_dim3A_1610, %select_n3A_1601 : vector<16xi1>, vector<16xi32>
    %select_n3A_1612 = arith.select %gt3A_1608, %get3A_1607, %select_n3A_1602 : vector<16xi1>, vector<16xf32>
    %get3A_1613 = arith.constant 6 : i32
    %get3A_1614 = arith.index_cast %get3A_1613 : i32 to index
    %get3A_1615 = arith.constant 208 : index
    %get3A_1616 = tpu.vector_load %arg5[%get3A_1614, %get3A_1615] {strides = array<i32>} : memref<16x256xf32, #tpu.memory_space<vmem>>, vector<1x16xf32>,
    %get3A_1617 = vector.shape_cast %get3A_1616 : vector<1x16xf32> to vector<16xf32>
    %gt3A_1618 = arith.cmpf ogt, %get3A_1617, %select_n3A_1612 : vector<16xf32>
    %broadcast_in_dim3A_1619 = arith.constant 4 : i32
    %broadcast_in_dim3A_1620 = vector.broadcast %broadcast_in_dim3A_1619 : i32 to vector<16xi32>
    %select_n3A_1621 = arith.select %gt3A_1618, %broadcast_in_dim3A_1620, %select_n3A_1611 : vector<16xi1>, vector<16xi32>
    %select_n3A_1622 = arith.select %gt3A_1618, %get3A_1617, %select_n3A_1612 : vector<16xi1>, vector<16xf32>
    %get3A_1623 = arith.constant 7 : i32
    %get3A_1624 = arith.index_cast %get3A_1623 : i32 to index
    %get3A_1625 = arith.constant 208 : index
    %get3A_1626 = tpu.vector_load %arg5[%get3A_1624, %get3A_1625] {strides = array<i32>} : memref<16x256xf32, #tpu.memory_space<vmem>>, vector<1x16xf32>,
    %get3A_1627 = vector.shape_cast %get3A_1626 : vector<1x16xf32> to vector<16xf32>
    %gt3A_1628 = arith.cmpf ogt, %get3A_1627, %select_n3A_1622 : vector<16xf32>
    %broadcast_in_dim3A_1629 = arith.constant 5 : i32
    %broadcast_in_dim3A_1630 = vector.broadcast %broadcast_in_dim3A_1629 : i32 to vector<16xi32>
    %select_n3A_1631 = arith.select %gt3A_1628, %broadcast_in_dim3A_1630, %select_n3A_1621 : vector<16xi1>, vector<16xi32>
    %select_n3A_1632 = arith.select %gt3A_1628, %get3A_1627, %select_n3A_1622 : vector<16xi1>, vector<16xf32>
    %get3A_1633 = arith.constant 8 : i32
    %get3A_1634 = arith.index_cast %get3A_1633 : i32 to index
    %get3A_1635 = arith.constant 208 : index
    %get3A_1636 = tpu.vector_load %arg5[%get3A_1634, %get3A_1635] {strides = array<i32>} : memref<16x256xf32, #tpu.memory_space<vmem>>, vector<1x16xf32>,
    %get3A_1637 = vector.shape_cast %get3A_1636 : vector<1x16xf32> to vector<16xf32>
    %gt3A_1638 = arith.cmpf ogt, %get3A_1637, %select_n3A_1632 : vector<16xf32>
    %broadcast_in_dim3A_1639 = arith.constant 6 : i32
    %broadcast_in_dim3A_1640 = vector.broadcast %broadcast_in_dim3A_1639 : i32 to vector<16xi32>
    %select_n3A_1641 = arith.select %gt3A_1638, %broadcast_in_dim3A_1640, %select_n3A_1631 : vector<16xi1>, vector<16xi32>
    %select_n3A_1642 = arith.select %gt3A_1638, %get3A_1637, %select_n3A_1632 : vector<16xi1>, vector<16xf32>
    %mul3A_1643 = arith.constant 4.000000e+00 : f32
    %mul3A_1644 = vector.broadcast %mul3A_1643 : f32 to vector<16xf32>
    %mul3A_1645 = arith.mulf %get3A_1570, %mul3A_1644 : vector<16xf32>
    %convert_element_type3A_1646 = arith.fptosi %mul3A_1645 : vector<16xf32> to vector<16xi32>
    %jit3A_1647 = arith.constant 0 : i32
    %jit3A_1648 = arith.constant 3 : i32
    %max3A_1649 = vector.broadcast %jit3A_1647 : i32 to vector<16xi32>
    %max3A_1650 = arith.maxsi %max3A_1649, %convert_element_type3A_1646 : vector<16xi32>
    %min3A_1651 = vector.broadcast %jit3A_1648 : i32 to vector<16xi32>
    %min3A_1652 = arith.minsi %min3A_1651, %max3A_1650 : vector<16xi32>
    %mul3A_1653 = arith.constant 4.000000e+00 : f32
    %mul3A_1654 = vector.broadcast %mul3A_1653 : f32 to vector<16xf32>
    %mul3A_1655 = arith.mulf %get3A_1575, %mul3A_1654 : vector<16xf32>
    %convert_element_type3A_1656 = arith.fptosi %mul3A_1655 : vector<16xf32> to vector<16xi32>
    %jit3A_1657 = arith.constant 0 : i32
    %jit3A_1658 = arith.constant 3 : i32
    %max3A_1659 = vector.broadcast %jit3A_1657 : i32 to vector<16xi32>
    %max3A_1660 = arith.maxsi %max3A_1659, %convert_element_type3A_1656 : vector<16xi32>
    %min3A_1661 = vector.broadcast %jit3A_1658 : i32 to vector<16xi32>
    %min3A_1662 = arith.minsi %min3A_1661, %max3A_1660 : vector<16xi32>
    %gt3A_1663 = arith.constant 7.500000e-01 : f32
    %gt3A_1664 = vector.broadcast %gt3A_1663 : f32 to vector<16xf32>
    %gt3A_1665 = arith.cmpf ogt, %get3A_1570, %gt3A_1664 : vector<16xf32>
    %add3A_1666 = arith.constant 16 : i32
    %add3A_1667 = vector.broadcast %add3A_1666 : i32 to vector<16xi32>
    %add3A_1668 = arith.addi %add3A_1667, %select_n3A_1641 : vector<16xi32>
    %mul3A_1669 = arith.constant 4 : i32
    %mul3A_1670 = vector.broadcast %mul3A_1669 : i32 to vector<16xi32>
    %mul3A_1671 = arith.muli %min3A_1652, %mul3A_1670 : vector<16xi32>
    %add3A_1672 = arith.addi %mul3A_1671, %min3A_1662 : vector<16xi32>
    %select_n3A_1673 = arith.select %gt3A_1665, %add3A_1668, %add3A_1672 : vector<16xi1>, vector<16xi32>
    %get3A_1674 = arith.constant 208 : index
    %get3A_1675 = tpu.vector_load %arg6[%get3A_1674] {strides = array<i32>} : memref<256xi32, #tpu.memory_space<vmem>>, vector<16xi32>,
    %get3A_1676 = vector.shape_cast %get3A_1675 : vector<16xi32> to vector<16xi32>
    %eq3A_1677 = arith.constant 1 : i32
    %eq3A_1678 = vector.broadcast %eq3A_1677 : i32 to vector<16xi32>
    %eq3A_1679 = arith.cmpi eq, %get3A_1676, %eq3A_1678 : vector<16xi32>
    %jit3A_1680 = arith.constant 24 : i32
    %broadcast_in_dim3A_1681 = vector.broadcast %jit3A_1680 : i32 to vector<16xi32>
    %select_n3A_1682 = arith.select %eq3A_1679, %broadcast_in_dim3A_1681, %select_n3A_1673 : vector<16xi1>, vector<16xi32>
    %swap3A_1683 = arith.constant 208 : index
    %swap3A_1684 = tpu.vector_load %arg7[%swap3A_1683] {strides = array<i32>} : memref<256xi32, #tpu.memory_space<vmem>>, vector<16xi32>,
    %swap3A_1685 = vector.shape_cast %swap3A_1684 : vector<16xi32> to vector<16xi32>
    %swap3A_1686 = vector.shape_cast %select_n3A_1682 : vector<16xi32> to vector<16xi32>
    tpu.vector_store %arg7[%swap3A_1683], %swap3A_1686 {strides = array<i32>} : memref<256xi32, #tpu.memory_space<vmem>>, vector<16xi32>,
    %get3A_1687 = arith.constant 0 : i32
    %get3A_1688 = arith.index_cast %get3A_1687 : i32 to index
    %get3A_1689 = arith.constant 224 : index
    %get3A_1690 = tpu.vector_load %arg5[%get3A_1688, %get3A_1689] {strides = array<i32>} : memref<16x256xf32, #tpu.memory_space<vmem>>, vector<1x16xf32>,
    %get3A_1691 = vector.shape_cast %get3A_1690 : vector<1x16xf32> to vector<16xf32>
    %get3A_1692 = arith.constant 1 : i32
    %get3A_1693 = arith.index_cast %get3A_1692 : i32 to index
    %get3A_1694 = arith.constant 224 : index
    %get3A_1695 = tpu.vector_load %arg5[%get3A_1693, %get3A_1694] {strides = array<i32>} : memref<16x256xf32, #tpu.memory_space<vmem>>, vector<1x16xf32>,
    %get3A_1696 = vector.shape_cast %get3A_1695 : vector<1x16xf32> to vector<16xf32>
    %get3A_1697 = arith.constant 2 : i32
    %get3A_1698 = arith.index_cast %get3A_1697 : i32 to index
    %get3A_1699 = arith.constant 224 : index
    %get3A_1700 = tpu.vector_load %arg5[%get3A_1698, %get3A_1699] {strides = array<i32>} : memref<16x256xf32, #tpu.memory_space<vmem>>, vector<1x16xf32>,
    %get3A_1701 = vector.shape_cast %get3A_1700 : vector<1x16xf32> to vector<16xf32>
    %broadcast_in_dim3A_1702 = arith.constant 0 : i32
    %broadcast_in_dim3A_1703 = vector.broadcast %broadcast_in_dim3A_1702 : i32 to vector<16xi32>
    %get3A_1704 = arith.constant 3 : i32
    %get3A_1705 = arith.index_cast %get3A_1704 : i32 to index
    %get3A_1706 = arith.constant 224 : index
    %get3A_1707 = tpu.vector_load %arg5[%get3A_1705, %get3A_1706] {strides = array<i32>} : memref<16x256xf32, #tpu.memory_space<vmem>>, vector<1x16xf32>,
    %get3A_1708 = vector.shape_cast %get3A_1707 : vector<1x16xf32> to vector<16xf32>
    %gt3A_1709 = arith.cmpf ogt, %get3A_1708, %get3A_1701 : vector<16xf32>
    %broadcast_in_dim3A_1710 = arith.constant 1 : i32
    %broadcast_in_dim3A_1711 = vector.broadcast %broadcast_in_dim3A_1710 : i32 to vector<16xi32>
    %select_n3A_1712 = arith.select %gt3A_1709, %broadcast_in_dim3A_1711, %broadcast_in_dim3A_1703 : vector<16xi1>, vector<16xi32>
    %select_n3A_1713 = arith.select %gt3A_1709, %get3A_1708, %get3A_1701 : vector<16xi1>, vector<16xf32>
    %get3A_1714 = arith.constant 4 : i32
    %get3A_1715 = arith.index_cast %get3A_1714 : i32 to index
    %get3A_1716 = arith.constant 224 : index
    %get3A_1717 = tpu.vector_load %arg5[%get3A_1715, %get3A_1716] {strides = array<i32>} : memref<16x256xf32, #tpu.memory_space<vmem>>, vector<1x16xf32>,
    %get3A_1718 = vector.shape_cast %get3A_1717 : vector<1x16xf32> to vector<16xf32>
    %gt3A_1719 = arith.cmpf ogt, %get3A_1718, %select_n3A_1713 : vector<16xf32>
    %broadcast_in_dim3A_1720 = arith.constant 2 : i32
    %broadcast_in_dim3A_1721 = vector.broadcast %broadcast_in_dim3A_1720 : i32 to vector<16xi32>
    %select_n3A_1722 = arith.select %gt3A_1719, %broadcast_in_dim3A_1721, %select_n3A_1712 : vector<16xi1>, vector<16xi32>
    %select_n3A_1723 = arith.select %gt3A_1719, %get3A_1718, %select_n3A_1713 : vector<16xi1>, vector<16xf32>
    %get3A_1724 = arith.constant 5 : i32
    %get3A_1725 = arith.index_cast %get3A_1724 : i32 to index
    %get3A_1726 = arith.constant 224 : index
    %get3A_1727 = tpu.vector_load %arg5[%get3A_1725, %get3A_1726] {strides = array<i32>} : memref<16x256xf32, #tpu.memory_space<vmem>>, vector<1x16xf32>,
    %get3A_1728 = vector.shape_cast %get3A_1727 : vector<1x16xf32> to vector<16xf32>
    %gt3A_1729 = arith.cmpf ogt, %get3A_1728, %select_n3A_1723 : vector<16xf32>
    %broadcast_in_dim3A_1730 = arith.constant 3 : i32
    %broadcast_in_dim3A_1731 = vector.broadcast %broadcast_in_dim3A_1730 : i32 to vector<16xi32>
    %select_n3A_1732 = arith.select %gt3A_1729, %broadcast_in_dim3A_1731, %select_n3A_1722 : vector<16xi1>, vector<16xi32>
    %select_n3A_1733 = arith.select %gt3A_1729, %get3A_1728, %select_n3A_1723 : vector<16xi1>, vector<16xf32>
    %get3A_1734 = arith.constant 6 : i32
    %get3A_1735 = arith.index_cast %get3A_1734 : i32 to index
    %get3A_1736 = arith.constant 224 : index
    %get3A_1737 = tpu.vector_load %arg5[%get3A_1735, %get3A_1736] {strides = array<i32>} : memref<16x256xf32, #tpu.memory_space<vmem>>, vector<1x16xf32>,
    %get3A_1738 = vector.shape_cast %get3A_1737 : vector<1x16xf32> to vector<16xf32>
    %gt3A_1739 = arith.cmpf ogt, %get3A_1738, %select_n3A_1733 : vector<16xf32>
    %broadcast_in_dim3A_1740 = arith.constant 4 : i32
    %broadcast_in_dim3A_1741 = vector.broadcast %broadcast_in_dim3A_1740 : i32 to vector<16xi32>
    %select_n3A_1742 = arith.select %gt3A_1739, %broadcast_in_dim3A_1741, %select_n3A_1732 : vector<16xi1>, vector<16xi32>
    %select_n3A_1743 = arith.select %gt3A_1739, %get3A_1738, %select_n3A_1733 : vector<16xi1>, vector<16xf32>
    %get3A_1744 = arith.constant 7 : i32
    %get3A_1745 = arith.index_cast %get3A_1744 : i32 to index
    %get3A_1746 = arith.constant 224 : index
    %get3A_1747 = tpu.vector_load %arg5[%get3A_1745, %get3A_1746] {strides = array<i32>} : memref<16x256xf32, #tpu.memory_space<vmem>>, vector<1x16xf32>,
    %get3A_1748 = vector.shape_cast %get3A_1747 : vector<1x16xf32> to vector<16xf32>
    %gt3A_1749 = arith.cmpf ogt, %get3A_1748, %select_n3A_1743 : vector<16xf32>
    %broadcast_in_dim3A_1750 = arith.constant 5 : i32
    %broadcast_in_dim3A_1751 = vector.broadcast %broadcast_in_dim3A_1750 : i32 to vector<16xi32>
    %select_n3A_1752 = arith.select %gt3A_1749, %broadcast_in_dim3A_1751, %select_n3A_1742 : vector<16xi1>, vector<16xi32>
    %select_n3A_1753 = arith.select %gt3A_1749, %get3A_1748, %select_n3A_1743 : vector<16xi1>, vector<16xf32>
    %get3A_1754 = arith.constant 8 : i32
    %get3A_1755 = arith.index_cast %get3A_1754 : i32 to index
    %get3A_1756 = arith.constant 224 : index
    %get3A_1757 = tpu.vector_load %arg5[%get3A_1755, %get3A_1756] {strides = array<i32>} : memref<16x256xf32, #tpu.memory_space<vmem>>, vector<1x16xf32>,
    %get3A_1758 = vector.shape_cast %get3A_1757 : vector<1x16xf32> to vector<16xf32>
    %gt3A_1759 = arith.cmpf ogt, %get3A_1758, %select_n3A_1753 : vector<16xf32>
    %broadcast_in_dim3A_1760 = arith.constant 6 : i32
    %broadcast_in_dim3A_1761 = vector.broadcast %broadcast_in_dim3A_1760 : i32 to vector<16xi32>
    %select_n3A_1762 = arith.select %gt3A_1759, %broadcast_in_dim3A_1761, %select_n3A_1752 : vector<16xi1>, vector<16xi32>
    %select_n3A_1763 = arith.select %gt3A_1759, %get3A_1758, %select_n3A_1753 : vector<16xi1>, vector<16xf32>
    %mul3A_1764 = arith.constant 4.000000e+00 : f32
    %mul3A_1765 = vector.broadcast %mul3A_1764 : f32 to vector<16xf32>
    %mul3A_1766 = arith.mulf %get3A_1691, %mul3A_1765 : vector<16xf32>
    %convert_element_type3A_1767 = arith.fptosi %mul3A_1766 : vector<16xf32> to vector<16xi32>
    %jit3A_1768 = arith.constant 0 : i32
    %jit3A_1769 = arith.constant 3 : i32
    %max3A_1770 = vector.broadcast %jit3A_1768 : i32 to vector<16xi32>
    %max3A_1771 = arith.maxsi %max3A_1770, %convert_element_type3A_1767 : vector<16xi32>
    %min3A_1772 = vector.broadcast %jit3A_1769 : i32 to vector<16xi32>
    %min3A_1773 = arith.minsi %min3A_1772, %max3A_1771 : vector<16xi32>
    %mul3A_1774 = arith.constant 4.000000e+00 : f32
    %mul3A_1775 = vector.broadcast %mul3A_1774 : f32 to vector<16xf32>
    %mul3A_1776 = arith.mulf %get3A_1696, %mul3A_1775 : vector<16xf32>
    %convert_element_type3A_1777 = arith.fptosi %mul3A_1776 : vector<16xf32> to vector<16xi32>
    %jit3A_1778 = arith.constant 0 : i32
    %jit3A_1779 = arith.constant 3 : i32
    %max3A_1780 = vector.broadcast %jit3A_1778 : i32 to vector<16xi32>
    %max3A_1781 = arith.maxsi %max3A_1780, %convert_element_type3A_1777 : vector<16xi32>
    %min3A_1782 = vector.broadcast %jit3A_1779 : i32 to vector<16xi32>
    %min3A_1783 = arith.minsi %min3A_1782, %max3A_1781 : vector<16xi32>
    %gt3A_1784 = arith.constant 7.500000e-01 : f32
    %gt3A_1785 = vector.broadcast %gt3A_1784 : f32 to vector<16xf32>
    %gt3A_1786 = arith.cmpf ogt, %get3A_1691, %gt3A_1785 : vector<16xf32>
    %add3A_1787 = arith.constant 16 : i32
    %add3A_1788 = vector.broadcast %add3A_1787 : i32 to vector<16xi32>
    %add3A_1789 = arith.addi %add3A_1788, %select_n3A_1762 : vector<16xi32>
    %mul3A_1790 = arith.constant 4 : i32
    %mul3A_1791 = vector.broadcast %mul3A_1790 : i32 to vector<16xi32>
    %mul3A_1792 = arith.muli %min3A_1773, %mul3A_1791 : vector<16xi32>
    %add3A_1793 = arith.addi %mul3A_1792, %min3A_1783 : vector<16xi32>
    %select_n3A_1794 = arith.select %gt3A_1786, %add3A_1789, %add3A_1793 : vector<16xi1>, vector<16xi32>
    %get3A_1795 = arith.constant 224 : index
    %get3A_1796 = tpu.vector_load %arg6[%get3A_1795] {strides = array<i32>} : memref<256xi32, #tpu.memory_space<vmem>>, vector<16xi32>,
    %get3A_1797 = vector.shape_cast %get3A_1796 : vector<16xi32> to vector<16xi32>
    %eq3A_1798 = arith.constant 1 : i32
    %eq3A_1799 = vector.broadcast %eq3A_1798 : i32 to vector<16xi32>
    %eq3A_1800 = arith.cmpi eq, %get3A_1797, %eq3A_1799 : vector<16xi32>
    %jit3A_1801 = arith.constant 24 : i32
    %broadcast_in_dim3A_1802 = vector.broadcast %jit3A_1801 : i32 to vector<16xi32>
    %select_n3A_1803 = arith.select %eq3A_1800, %broadcast_in_dim3A_1802, %select_n3A_1794 : vector<16xi1>, vector<16xi32>
    %swap3A_1804 = arith.constant 224 : index
    %swap3A_1805 = tpu.vector_load %arg7[%swap3A_1804] {strides = array<i32>} : memref<256xi32, #tpu.memory_space<vmem>>, vector<16xi32>,
    %swap3A_1806 = vector.shape_cast %swap3A_1805 : vector<16xi32> to vector<16xi32>
    %swap3A_1807 = vector.shape_cast %select_n3A_1803 : vector<16xi32> to vector<16xi32>
    tpu.vector_store %arg7[%swap3A_1804], %swap3A_1807 {strides = array<i32>} : memref<256xi32, #tpu.memory_space<vmem>>, vector<16xi32>,
    %get3A_1808 = arith.constant 0 : i32
    %get3A_1809 = arith.index_cast %get3A_1808 : i32 to index
    %get3A_1810 = arith.constant 240 : index
    %get3A_1811 = tpu.vector_load %arg5[%get3A_1809, %get3A_1810] {strides = array<i32>} : memref<16x256xf32, #tpu.memory_space<vmem>>, vector<1x16xf32>,
    %get3A_1812 = vector.shape_cast %get3A_1811 : vector<1x16xf32> to vector<16xf32>
    %get3A_1813 = arith.constant 1 : i32
    %get3A_1814 = arith.index_cast %get3A_1813 : i32 to index
    %get3A_1815 = arith.constant 240 : index
    %get3A_1816 = tpu.vector_load %arg5[%get3A_1814, %get3A_1815] {strides = array<i32>} : memref<16x256xf32, #tpu.memory_space<vmem>>, vector<1x16xf32>,
    %get3A_1817 = vector.shape_cast %get3A_1816 : vector<1x16xf32> to vector<16xf32>
    %get3A_1818 = arith.constant 2 : i32
    %get3A_1819 = arith.index_cast %get3A_1818 : i32 to index
    %get3A_1820 = arith.constant 240 : index
    %get3A_1821 = tpu.vector_load %arg5[%get3A_1819, %get3A_1820] {strides = array<i32>} : memref<16x256xf32, #tpu.memory_space<vmem>>, vector<1x16xf32>,
    %get3A_1822 = vector.shape_cast %get3A_1821 : vector<1x16xf32> to vector<16xf32>
    %broadcast_in_dim3A_1823 = arith.constant 0 : i32
    %broadcast_in_dim3A_1824 = vector.broadcast %broadcast_in_dim3A_1823 : i32 to vector<16xi32>
    %get3A_1825 = arith.constant 3 : i32
    %get3A_1826 = arith.index_cast %get3A_1825 : i32 to index
    %get3A_1827 = arith.constant 240 : index
    %get3A_1828 = tpu.vector_load %arg5[%get3A_1826, %get3A_1827] {strides = array<i32>} : memref<16x256xf32, #tpu.memory_space<vmem>>, vector<1x16xf32>,
    %get3A_1829 = vector.shape_cast %get3A_1828 : vector<1x16xf32> to vector<16xf32>
    %gt3A_1830 = arith.cmpf ogt, %get3A_1829, %get3A_1822 : vector<16xf32>
    %broadcast_in_dim3A_1831 = arith.constant 1 : i32
    %broadcast_in_dim3A_1832 = vector.broadcast %broadcast_in_dim3A_1831 : i32 to vector<16xi32>
    %select_n3A_1833 = arith.select %gt3A_1830, %broadcast_in_dim3A_1832, %broadcast_in_dim3A_1824 : vector<16xi1>, vector<16xi32>
    %select_n3A_1834 = arith.select %gt3A_1830, %get3A_1829, %get3A_1822 : vector<16xi1>, vector<16xf32>
    %get3A_1835 = arith.constant 4 : i32
    %get3A_1836 = arith.index_cast %get3A_1835 : i32 to index
    %get3A_1837 = arith.constant 240 : index
    %get3A_1838 = tpu.vector_load %arg5[%get3A_1836, %get3A_1837] {strides = array<i32>} : memref<16x256xf32, #tpu.memory_space<vmem>>, vector<1x16xf32>,
    %get3A_1839 = vector.shape_cast %get3A_1838 : vector<1x16xf32> to vector<16xf32>
    %gt3A_1840 = arith.cmpf ogt, %get3A_1839, %select_n3A_1834 : vector<16xf32>
    %broadcast_in_dim3A_1841 = arith.constant 2 : i32
    %broadcast_in_dim3A_1842 = vector.broadcast %broadcast_in_dim3A_1841 : i32 to vector<16xi32>
    %select_n3A_1843 = arith.select %gt3A_1840, %broadcast_in_dim3A_1842, %select_n3A_1833 : vector<16xi1>, vector<16xi32>
    %select_n3A_1844 = arith.select %gt3A_1840, %get3A_1839, %select_n3A_1834 : vector<16xi1>, vector<16xf32>
    %get3A_1845 = arith.constant 5 : i32
    %get3A_1846 = arith.index_cast %get3A_1845 : i32 to index
    %get3A_1847 = arith.constant 240 : index
    %get3A_1848 = tpu.vector_load %arg5[%get3A_1846, %get3A_1847] {strides = array<i32>} : memref<16x256xf32, #tpu.memory_space<vmem>>, vector<1x16xf32>,
    %get3A_1849 = vector.shape_cast %get3A_1848 : vector<1x16xf32> to vector<16xf32>
    %gt3A_1850 = arith.cmpf ogt, %get3A_1849, %select_n3A_1844 : vector<16xf32>
    %broadcast_in_dim3A_1851 = arith.constant 3 : i32
    %broadcast_in_dim3A_1852 = vector.broadcast %broadcast_in_dim3A_1851 : i32 to vector<16xi32>
    %select_n3A_1853 = arith.select %gt3A_1850, %broadcast_in_dim3A_1852, %select_n3A_1843 : vector<16xi1>, vector<16xi32>
    %select_n3A_1854 = arith.select %gt3A_1850, %get3A_1849, %select_n3A_1844 : vector<16xi1>, vector<16xf32>
    %get3A_1855 = arith.constant 6 : i32
    %get3A_1856 = arith.index_cast %get3A_1855 : i32 to index
    %get3A_1857 = arith.constant 240 : index
    %get3A_1858 = tpu.vector_load %arg5[%get3A_1856, %get3A_1857] {strides = array<i32>} : memref<16x256xf32, #tpu.memory_space<vmem>>, vector<1x16xf32>,
    %get3A_1859 = vector.shape_cast %get3A_1858 : vector<1x16xf32> to vector<16xf32>
    %gt3A_1860 = arith.cmpf ogt, %get3A_1859, %select_n3A_1854 : vector<16xf32>
    %broadcast_in_dim3A_1861 = arith.constant 4 : i32
    %broadcast_in_dim3A_1862 = vector.broadcast %broadcast_in_dim3A_1861 : i32 to vector<16xi32>
    %select_n3A_1863 = arith.select %gt3A_1860, %broadcast_in_dim3A_1862, %select_n3A_1853 : vector<16xi1>, vector<16xi32>
    %select_n3A_1864 = arith.select %gt3A_1860, %get3A_1859, %select_n3A_1854 : vector<16xi1>, vector<16xf32>
    %get3A_1865 = arith.constant 7 : i32
    %get3A_1866 = arith.index_cast %get3A_1865 : i32 to index
    %get3A_1867 = arith.constant 240 : index
    %get3A_1868 = tpu.vector_load %arg5[%get3A_1866, %get3A_1867] {strides = array<i32>} : memref<16x256xf32, #tpu.memory_space<vmem>>, vector<1x16xf32>,
    %get3A_1869 = vector.shape_cast %get3A_1868 : vector<1x16xf32> to vector<16xf32>
    %gt3A_1870 = arith.cmpf ogt, %get3A_1869, %select_n3A_1864 : vector<16xf32>
    %broadcast_in_dim3A_1871 = arith.constant 5 : i32
    %broadcast_in_dim3A_1872 = vector.broadcast %broadcast_in_dim3A_1871 : i32 to vector<16xi32>
    %select_n3A_1873 = arith.select %gt3A_1870, %broadcast_in_dim3A_1872, %select_n3A_1863 : vector<16xi1>, vector<16xi32>
    %select_n3A_1874 = arith.select %gt3A_1870, %get3A_1869, %select_n3A_1864 : vector<16xi1>, vector<16xf32>
    %get3A_1875 = arith.constant 8 : i32
    %get3A_1876 = arith.index_cast %get3A_1875 : i32 to index
    %get3A_1877 = arith.constant 240 : index
    %get3A_1878 = tpu.vector_load %arg5[%get3A_1876, %get3A_1877] {strides = array<i32>} : memref<16x256xf32, #tpu.memory_space<vmem>>, vector<1x16xf32>,
    %get3A_1879 = vector.shape_cast %get3A_1878 : vector<1x16xf32> to vector<16xf32>
    %gt3A_1880 = arith.cmpf ogt, %get3A_1879, %select_n3A_1874 : vector<16xf32>
    %broadcast_in_dim3A_1881 = arith.constant 6 : i32
    %broadcast_in_dim3A_1882 = vector.broadcast %broadcast_in_dim3A_1881 : i32 to vector<16xi32>
    %select_n3A_1883 = arith.select %gt3A_1880, %broadcast_in_dim3A_1882, %select_n3A_1873 : vector<16xi1>, vector<16xi32>
    %select_n3A_1884 = arith.select %gt3A_1880, %get3A_1879, %select_n3A_1874 : vector<16xi1>, vector<16xf32>
    %mul3A_1885 = arith.constant 4.000000e+00 : f32
    %mul3A_1886 = vector.broadcast %mul3A_1885 : f32 to vector<16xf32>
    %mul3A_1887 = arith.mulf %get3A_1812, %mul3A_1886 : vector<16xf32>
    %convert_element_type3A_1888 = arith.fptosi %mul3A_1887 : vector<16xf32> to vector<16xi32>
    %jit3A_1889 = arith.constant 0 : i32
    %jit3A_1890 = arith.constant 3 : i32
    %max3A_1891 = vector.broadcast %jit3A_1889 : i32 to vector<16xi32>
    %max3A_1892 = arith.maxsi %max3A_1891, %convert_element_type3A_1888 : vector<16xi32>
    %min3A_1893 = vector.broadcast %jit3A_1890 : i32 to vector<16xi32>
    %min3A_1894 = arith.minsi %min3A_1893, %max3A_1892 : vector<16xi32>
    %mul3A_1895 = arith.constant 4.000000e+00 : f32
    %mul3A_1896 = vector.broadcast %mul3A_1895 : f32 to vector<16xf32>
    %mul3A_1897 = arith.mulf %get3A_1817, %mul3A_1896 : vector<16xf32>
    %convert_element_type3A_1898 = arith.fptosi %mul3A_1897 : vector<16xf32> to vector<16xi32>
    %jit3A_1899 = arith.constant 0 : i32
    %jit3A_1900 = arith.constant 3 : i32
    %max3A_1901 = vector.broadcast %jit3A_1899 : i32 to vector<16xi32>
    %max3A_1902 = arith.maxsi %max3A_1901, %convert_element_type3A_1898 : vector<16xi32>
    %min3A_1903 = vector.broadcast %jit3A_1900 : i32 to vector<16xi32>
    %min3A_1904 = arith.minsi %min3A_1903, %max3A_1902 : vector<16xi32>
    %gt3A_1905 = arith.constant 7.500000e-01 : f32
    %gt3A_1906 = vector.broadcast %gt3A_1905 : f32 to vector<16xf32>
    %gt3A_1907 = arith.cmpf ogt, %get3A_1812, %gt3A_1906 : vector<16xf32>
    %add3A_1908 = arith.constant 16 : i32
    %add3A_1909 = vector.broadcast %add3A_1908 : i32 to vector<16xi32>
    %add3A_1910 = arith.addi %add3A_1909, %select_n3A_1883 : vector<16xi32>
    %mul3A_1911 = arith.constant 4 : i32
    %mul3A_1912 = vector.broadcast %mul3A_1911 : i32 to vector<16xi32>
    %mul3A_1913 = arith.muli %min3A_1894, %mul3A_1912 : vector<16xi32>
    %add3A_1914 = arith.addi %mul3A_1913, %min3A_1904 : vector<16xi32>
    %select_n3A_1915 = arith.select %gt3A_1907, %add3A_1910, %add3A_1914 : vector<16xi1>, vector<16xi32>
    %get3A_1916 = arith.constant 240 : index
    %get3A_1917 = tpu.vector_load %arg6[%get3A_1916] {strides = array<i32>} : memref<256xi32, #tpu.memory_space<vmem>>, vector<16xi32>,
    %get3A_1918 = vector.shape_cast %get3A_1917 : vector<16xi32> to vector<16xi32>
    %eq3A_1919 = arith.constant 1 : i32
    %eq3A_1920 = vector.broadcast %eq3A_1919 : i32 to vector<16xi32>
    %eq3A_1921 = arith.cmpi eq, %get3A_1918, %eq3A_1920 : vector<16xi32>
    %jit3A_1922 = arith.constant 24 : i32
    %broadcast_in_dim3A_1923 = vector.broadcast %jit3A_1922 : i32 to vector<16xi32>
    %select_n3A_1924 = arith.select %eq3A_1921, %broadcast_in_dim3A_1923, %select_n3A_1915 : vector<16xi1>, vector<16xi32>
    %swap3A_1925 = arith.constant 240 : index
    %swap3A_1926 = tpu.vector_load %arg7[%swap3A_1925] {strides = array<i32>} : memref<256xi32, #tpu.memory_space<vmem>>, vector<16xi32>,
    %swap3A_1927 = vector.shape_cast %swap3A_1926 : vector<16xi32> to vector<16xi32>
    %swap3A_1928 = vector.shape_cast %select_n3A_1924 : vector<16xi32> to vector<16xi32>
    tpu.vector_store %arg7[%swap3A_1925], %swap3A_1928 {strides = array<i32>} : memref<256xi32, #tpu.memory_space<vmem>>, vector<16xi32>,
    "tpu.region"() ({
      %run_scoped3A = tpu.sem_alloc : memref<!tpu.dma_semaphore, #tpu.memory_space<semaphore_mem>>
      %dma_start3A = tpu.memref_slice %arg4[%mul3A_2] : memref<8192xi32, #tpu.memory_space<hbm>> -> memref<256xi32, #tpu.memory_space<hbm>>
      %dma_start3A_1929 = tpu.memref_slice %arg4[%mul3A_2] : memref<8192xi32, #tpu.memory_space<hbm>> -> memref<256xi32, #tpu.memory_space<hbm>>
      tpu.enqueue_dma source(%arg7 : memref<256xi32, #tpu.memory_space<vmem>>) target(%dma_start3A_1929 : memref<256xi32, #tpu.memory_space<hbm>>) target_semaphore(%run_scoped3A : memref<!tpu.dma_semaphore, #tpu.memory_space<semaphore_mem>>)
      %dma_wait3A = tpu.memref_slice %arg4[%mul3A_2] : memref<8192xi32, #tpu.memory_space<hbm>> -> memref<256xi32, #tpu.memory_space<hbm>>
      %dma_wait3A_1930 = tpu.memref_slice %arg4[%mul3A_2] : memref<8192xi32, #tpu.memory_space<hbm>> -> memref<256xi32, #tpu.memory_space<hbm>>
      tpu.wait_dma2 semaphore(%run_scoped3A : memref<!tpu.dma_semaphore, #tpu.memory_space<semaphore_mem>>) src(%arg7 : memref<256xi32, #tpu.memory_space<vmem>>) dst(%dma_wait3A_1930 : memref<256xi32, #tpu.memory_space<hbm>>)
      tpu.yield
    }) : () -> ()
    return
  }
}

#map = affine_map<(d0, d1) -> (0, 0)>
#map1 = affine_map<(d0, d1) -> (0)>
module attributes {stable_mosaic.version = 14 : i64} {
  func.func @sc_k(%arg0: i32, %arg1: i32, %arg2: memref<16x8192xf32, #tpu.memory_space<hbm>>, %arg3: memref<8192xi32, #tpu.memory_space<hbm>>, %arg4: memref<8192xi32, #tpu.memory_space<hbm>>, %arg5: memref<16x256xf32, #tpu.memory_space<vmem>>, %arg6: memref<256xi32, #tpu.memory_space<vmem>>, %arg7: memref<256xi32, #tpu.memory_space<vmem>>) attributes {dimension_semantics = [#tpu.dimension_semantics<core_parallel>, #tpu.dimension_semantics<subcore_parallel>], iteration_bounds = array<i64: 2, 16>, scalar_prefetch = 0 : i64, scratch_operands = 3 : i64, tpu.core_type = #tpu.core_type<sc_vector_subcore>, window_params = [{transform_indices = #map}, {transform_indices = #map1}, {transform_indices = #map1}]} {
    %mul3A = arith.constant 2 : i32
    %mul3A_0 = arith.muli %arg1, %mul3A : i32
    %add3A = arith.addi %mul3A_0, %arg0 : i32
    %mul3A_1 = arith.constant 256 : i32
    %mul3A_2 = arith.muli %add3A, %mul3A_1 : i32
    "tpu.region"() ({
      %run_scoped3A = tpu.sem_alloc : memref<!tpu.dma_semaphore, #tpu.memory_space<semaphore_mem>>
      %dma_start3A = arith.constant 0 : i32
      %dma_start3A_1929 = tpu.memref_slice %arg2[%dma_start3A, %mul3A_2] : memref<16x8192xf32, #tpu.memory_space<hbm>> -> memref<16x256xf32, #tpu.memory_space<hbm>>
      %dma_start3A_1930 = arith.constant 0 : i32
      %dma_start3A_1931 = tpu.memref_slice %arg2[%dma_start3A_1930, %mul3A_2] : memref<16x8192xf32, #tpu.memory_space<hbm>> -> memref<16x256xf32, #tpu.memory_space<hbm>>
      tpu.enqueue_dma source(%dma_start3A_1931 : memref<16x256xf32, #tpu.memory_space<hbm>>) target(%arg5 : memref<16x256xf32, #tpu.memory_space<vmem>>) target_semaphore(%run_scoped3A : memref<!tpu.dma_semaphore, #tpu.memory_space<semaphore_mem>>)
      %dma_wait3A = arith.constant 0 : i32
      %dma_wait3A_1932 = tpu.memref_slice %arg2[%dma_wait3A, %mul3A_2] : memref<16x8192xf32, #tpu.memory_space<hbm>> -> memref<16x256xf32, #tpu.memory_space<hbm>>
      %dma_wait3A_1933 = arith.constant 0 : i32
      %dma_wait3A_1934 = tpu.memref_slice %arg2[%dma_wait3A_1933, %mul3A_2] : memref<16x8192xf32, #tpu.memory_space<hbm>> -> memref<16x256xf32, #tpu.memory_space<hbm>>
      tpu.wait_dma2 semaphore(%run_scoped3A : memref<!tpu.dma_semaphore, #tpu.memory_space<semaphore_mem>>) src(%dma_wait3A_1934 : memref<16x256xf32, #tpu.memory_space<hbm>>) dst(%arg5 : memref<16x256xf32, #tpu.memory_space<vmem>>)
      tpu.yield
    }) : () -> ()
    "tpu.region"() ({
      %run_scoped3A = tpu.sem_alloc : memref<!tpu.dma_semaphore, #tpu.memory_space<semaphore_mem>>
      %dma_start3A = tpu.memref_slice %arg3[%mul3A_2] : memref<8192xi32, #tpu.memory_space<hbm>> -> memref<256xi32, #tpu.memory_space<hbm>>
      %dma_start3A_1929 = tpu.memref_slice %arg3[%mul3A_2] : memref<8192xi32, #tpu.memory_space<hbm>> -> memref<256xi32, #tpu.memory_space<hbm>>
      tpu.enqueue_dma source(%dma_start3A_1929 : memref<256xi32, #tpu.memory_space<hbm>>) target(%arg6 : memref<256xi32, #tpu.memory_space<vmem>>) target_semaphore(%run_scoped3A : memref<!tpu.dma_semaphore, #tpu.memory_space<semaphore_mem>>)
      %dma_wait3A = tpu.memref_slice %arg3[%mul3A_2] : memref<8192xi32, #tpu.memory_space<hbm>> -> memref<256xi32, #tpu.memory_space<hbm>>
      %dma_wait3A_1930 = tpu.memref_slice %arg3[%mul3A_2] : memref<8192xi32, #tpu.memory_space<hbm>> -> memref<256xi32, #tpu.memory_space<hbm>>
      tpu.wait_dma2 semaphore(%run_scoped3A : memref<!tpu.dma_semaphore, #tpu.memory_space<semaphore_mem>>) src(%dma_wait3A_1930 : memref<256xi32, #tpu.memory_space<hbm>>) dst(%arg6 : memref<256xi32, #tpu.memory_space<vmem>>)
      tpu.yield
    }) : () -> ()
    %get3A = arith.constant 0 : i32
    %get3A_3 = arith.index_cast %get3A : i32 to index
    %get3A_4 = arith.constant 0 : index
    %get3A_5 = tpu.vector_load %arg5[%get3A_3, %get3A_4] {strides = array<i32>} : memref<16x256xf32, #tpu.memory_space<vmem>>, vector<1x16xf32>,
    %get3A_6 = vector.shape_cast %get3A_5 : vector<1x16xf32> to vector<16xf32>
    %get3A_7 = arith.constant 1 : i32
    %get3A_8 = arith.index_cast %get3A_7 : i32 to index
    %get3A_9 = arith.constant 0 : index
    %get3A_10 = tpu.vector_load %arg5[%get3A_8, %get3A_9] {strides = array<i32>} : memref<16x256xf32, #tpu.memory_space<vmem>>, vector<1x16xf32>,
    %get3A_11 = vector.shape_cast %get3A_10 : vector<1x16xf32> to vector<16xf32>
    %get3A_12 = arith.constant 2 : i32
    %get3A_13 = arith.index_cast %get3A_12 : i32 to index
    %get3A_14 = arith.constant 0 : index
    %get3A_15 = tpu.vector_load %arg5[%get3A_13, %get3A_14] {strides = array<i32>} : memref<16x256xf32, #tpu.memory_space<vmem>>, vector<1x16xf32>,
    %get3A_16 = vector.shape_cast %get3A_15 : vector<1x16xf32> to vector<16xf32>
    %broadcast_in_dim3A = arith.constant 0 : i32
    %broadcast_in_dim3A_17 = vector.broadcast %broadcast_in_dim3A : i32 to vector<16xi32>
    %get3A_18 = arith.constant 3 : i32
    %get3A_19 = arith.index_cast %get3A_18 : i32 to index
    %get3A_20 = arith.constant 0 : index
    %get3A_21 = tpu.vector_load %arg5[%get3A_19, %get3A_20] {strides = array<i32>} : memref<16x256xf32, #tpu.memory_space<vmem>>, vector<1x16xf32>,
    %get3A_22 = vector.shape_cast %get3A_21 : vector<1x16xf32> to vector<16xf32>
    %gt3A = arith.cmpf ogt, %get3A_22, %get3A_16 : vector<16xf32>
    %broadcast_in_dim3A_23 = arith.constant 1 : i32
    %broadcast_in_dim3A_24 = vector.broadcast %broadcast_in_dim3A_23 : i32 to vector<16xi32>
    %select_n3A = arith.select %gt3A, %broadcast_in_dim3A_24, %broadcast_in_dim3A_17 : vector<16xi1>, vector<16xi32>
    %select_n3A_25 = arith.select %gt3A, %get3A_22, %get3A_16 : vector<16xi1>, vector<16xf32>
    %get3A_26 = arith.constant 4 : i32
    %get3A_27 = arith.index_cast %get3A_26 : i32 to index
    %get3A_28 = arith.constant 0 : index
    %get3A_29 = tpu.vector_load %arg5[%get3A_27, %get3A_28] {strides = array<i32>} : memref<16x256xf32, #tpu.memory_space<vmem>>, vector<1x16xf32>,
    %get3A_30 = vector.shape_cast %get3A_29 : vector<1x16xf32> to vector<16xf32>
    %gt3A_31 = arith.cmpf ogt, %get3A_30, %select_n3A_25 : vector<16xf32>
    %broadcast_in_dim3A_32 = arith.constant 2 : i32
    %broadcast_in_dim3A_33 = vector.broadcast %broadcast_in_dim3A_32 : i32 to vector<16xi32>
    %select_n3A_34 = arith.select %gt3A_31, %broadcast_in_dim3A_33, %select_n3A : vector<16xi1>, vector<16xi32>
    %select_n3A_35 = arith.select %gt3A_31, %get3A_30, %select_n3A_25 : vector<16xi1>, vector<16xf32>
    %get3A_36 = arith.constant 5 : i32
    %get3A_37 = arith.index_cast %get3A_36 : i32 to index
    %get3A_38 = arith.constant 0 : index
    %get3A_39 = tpu.vector_load %arg5[%get3A_37, %get3A_38] {strides = array<i32>} : memref<16x256xf32, #tpu.memory_space<vmem>>, vector<1x16xf32>,
    %get3A_40 = vector.shape_cast %get3A_39 : vector<1x16xf32> to vector<16xf32>
    %gt3A_41 = arith.cmpf ogt, %get3A_40, %select_n3A_35 : vector<16xf32>
    %broadcast_in_dim3A_42 = arith.constant 3 : i32
    %broadcast_in_dim3A_43 = vector.broadcast %broadcast_in_dim3A_42 : i32 to vector<16xi32>
    %select_n3A_44 = arith.select %gt3A_41, %broadcast_in_dim3A_43, %select_n3A_34 : vector<16xi1>, vector<16xi32>
    %select_n3A_45 = arith.select %gt3A_41, %get3A_40, %select_n3A_35 : vector<16xi1>, vector<16xf32>
    %get3A_46 = arith.constant 6 : i32
    %get3A_47 = arith.index_cast %get3A_46 : i32 to index
    %get3A_48 = arith.constant 0 : index
    %get3A_49 = tpu.vector_load %arg5[%get3A_47, %get3A_48] {strides = array<i32>} : memref<16x256xf32, #tpu.memory_space<vmem>>, vector<1x16xf32>,
    %get3A_50 = vector.shape_cast %get3A_49 : vector<1x16xf32> to vector<16xf32>
    %gt3A_51 = arith.cmpf ogt, %get3A_50, %select_n3A_45 : vector<16xf32>
    %broadcast_in_dim3A_52 = arith.constant 4 : i32
    %broadcast_in_dim3A_53 = vector.broadcast %broadcast_in_dim3A_52 : i32 to vector<16xi32>
    %select_n3A_54 = arith.select %gt3A_51, %broadcast_in_dim3A_53, %select_n3A_44 : vector<16xi1>, vector<16xi32>
    %select_n3A_55 = arith.select %gt3A_51, %get3A_50, %select_n3A_45 : vector<16xi1>, vector<16xf32>
    %get3A_56 = arith.constant 7 : i32
    %get3A_57 = arith.index_cast %get3A_56 : i32 to index
    %get3A_58 = arith.constant 0 : index
    %get3A_59 = tpu.vector_load %arg5[%get3A_57, %get3A_58] {strides = array<i32>} : memref<16x256xf32, #tpu.memory_space<vmem>>, vector<1x16xf32>,
    %get3A_60 = vector.shape_cast %get3A_59 : vector<1x16xf32> to vector<16xf32>
    %gt3A_61 = arith.cmpf ogt, %get3A_60, %select_n3A_55 : vector<16xf32>
    %broadcast_in_dim3A_62 = arith.constant 5 : i32
    %broadcast_in_dim3A_63 = vector.broadcast %broadcast_in_dim3A_62 : i32 to vector<16xi32>
    %select_n3A_64 = arith.select %gt3A_61, %broadcast_in_dim3A_63, %select_n3A_54 : vector<16xi1>, vector<16xi32>
    %select_n3A_65 = arith.select %gt3A_61, %get3A_60, %select_n3A_55 : vector<16xi1>, vector<16xf32>
    %get3A_66 = arith.constant 8 : i32
    %get3A_67 = arith.index_cast %get3A_66 : i32 to index
    %get3A_68 = arith.constant 0 : index
    %get3A_69 = tpu.vector_load %arg5[%get3A_67, %get3A_68] {strides = array<i32>} : memref<16x256xf32, #tpu.memory_space<vmem>>, vector<1x16xf32>,
    %get3A_70 = vector.shape_cast %get3A_69 : vector<1x16xf32> to vector<16xf32>
    %gt3A_71 = arith.cmpf ogt, %get3A_70, %select_n3A_65 : vector<16xf32>
    %broadcast_in_dim3A_72 = arith.constant 6 : i32
    %broadcast_in_dim3A_73 = vector.broadcast %broadcast_in_dim3A_72 : i32 to vector<16xi32>
    %select_n3A_74 = arith.select %gt3A_71, %broadcast_in_dim3A_73, %select_n3A_64 : vector<16xi1>, vector<16xi32>
    %select_n3A_75 = arith.select %gt3A_71, %get3A_70, %select_n3A_65 : vector<16xi1>, vector<16xf32>
    %mul3A_76 = arith.constant 4.000000e+00 : f32
    %mul3A_77 = vector.broadcast %mul3A_76 : f32 to vector<16xf32>
    %mul3A_78 = arith.mulf %get3A_6, %mul3A_77 : vector<16xf32>
    %convert_element_type3A = arith.fptosi %mul3A_78 : vector<16xf32> to vector<16xi32>
    %jit3A = arith.constant 0 : i32
    %jit3A_79 = arith.constant 3 : i32
    %max3A = vector.broadcast %jit3A : i32 to vector<16xi32>
    %max3A_80 = arith.maxsi %max3A, %convert_element_type3A : vector<16xi32>
    %min3A = vector.broadcast %jit3A_79 : i32 to vector<16xi32>
    %min3A_81 = arith.minsi %min3A, %max3A_80 : vector<16xi32>
    %mul3A_82 = arith.constant 4.000000e+00 : f32
    %mul3A_83 = vector.broadcast %mul3A_82 : f32 to vector<16xf32>
    %mul3A_84 = arith.mulf %get3A_11, %mul3A_83 : vector<16xf32>
    %convert_element_type3A_85 = arith.fptosi %mul3A_84 : vector<16xf32> to vector<16xi32>
    %jit3A_86 = arith.constant 0 : i32
    %jit3A_87 = arith.constant 3 : i32
    %max3A_88 = vector.broadcast %jit3A_86 : i32 to vector<16xi32>
    %max3A_89 = arith.maxsi %max3A_88, %convert_element_type3A_85 : vector<16xi32>
    %min3A_90 = vector.broadcast %jit3A_87 : i32 to vector<16xi32>
    %min3A_91 = arith.minsi %min3A_90, %max3A_89 : vector<16xi32>
    %gt3A_92 = arith.constant 7.500000e-01 : f32
    %gt3A_93 = vector.broadcast %gt3A_92 : f32 to vector<16xf32>
    %gt3A_94 = arith.cmpf ogt, %get3A_6, %gt3A_93 : vector<16xf32>
    %add3A_95 = arith.constant 16 : i32
    %add3A_96 = vector.broadcast %add3A_95 : i32 to vector<16xi32>
    %add3A_97 = arith.addi %add3A_96, %select_n3A_74 : vector<16xi32>
    %mul3A_98 = arith.constant 4 : i32
    %mul3A_99 = vector.broadcast %mul3A_98 : i32 to vector<16xi32>
    %mul3A_100 = arith.muli %min3A_81, %mul3A_99 : vector<16xi32>
    %add3A_101 = arith.addi %mul3A_100, %min3A_91 : vector<16xi32>
    %select_n3A_102 = arith.select %gt3A_94, %add3A_97, %add3A_101 : vector<16xi1>, vector<16xi32>
    %get3A_103 = arith.constant 0 : index
    %get3A_104 = tpu.vector_load %arg6[%get3A_103] {strides = array<i32>} : memref<256xi32, #tpu.memory_space<vmem>>, vector<16xi32>,
    %get3A_105 = vector.shape_cast %get3A_104 : vector<16xi32> to vector<16xi32>
    %eq3A = arith.constant 1 : i32
    %eq3A_106 = vector.broadcast %eq3A : i32 to vector<16xi32>
    %eq3A_107 = arith.cmpi eq, %get3A_105, %eq3A_106 : vector<16xi32>
    %jit3A_108 = arith.constant 24 : i32
    %broadcast_in_dim3A_109 = vector.broadcast %jit3A_108 : i32 to vector<16xi32>
    %select_n3A_110 = arith.select %eq3A_107, %broadcast_in_dim3A_109, %select_n3A_102 : vector<16xi1>, vector<16xi32>
    %swap3A = arith.constant 0 : index
    %swap3A_111 = tpu.vector_load %arg7[%swap3A] {strides = array<i32>} : memref<256xi32, #tpu.memory_space<vmem>>, vector<16xi32>,
    %swap3A_112 = vector.shape_cast %swap3A_111 : vector<16xi32> to vector<16xi32>
    %swap3A_113 = vector.shape_cast %select_n3A_110 : vector<16xi32> to vector<16xi32>
    tpu.vector_store %arg7[%swap3A], %swap3A_113 {strides = array<i32>} : memref<256xi32, #tpu.memory_space<vmem>>, vector<16xi32>,
    %get3A_114 = arith.constant 0 : i32
    %get3A_115 = arith.index_cast %get3A_114 : i32 to index
    %get3A_116 = arith.constant 16 : index
    %get3A_117 = tpu.vector_load %arg5[%get3A_115, %get3A_116] {strides = array<i32>} : memref<16x256xf32, #tpu.memory_space<vmem>>, vector<1x16xf32>,
    %get3A_118 = vector.shape_cast %get3A_117 : vector<1x16xf32> to vector<16xf32>
    %get3A_119 = arith.constant 1 : i32
    %get3A_120 = arith.index_cast %get3A_119 : i32 to index
    %get3A_121 = arith.constant 16 : index
    %get3A_122 = tpu.vector_load %arg5[%get3A_120, %get3A_121] {strides = array<i32>} : memref<16x256xf32, #tpu.memory_space<vmem>>, vector<1x16xf32>,
    %get3A_123 = vector.shape_cast %get3A_122 : vector<1x16xf32> to vector<16xf32>
    %get3A_124 = arith.constant 2 : i32
    %get3A_125 = arith.index_cast %get3A_124 : i32 to index
    %get3A_126 = arith.constant 16 : index
    %get3A_127 = tpu.vector_load %arg5[%get3A_125, %get3A_126] {strides = array<i32>} : memref<16x256xf32, #tpu.memory_space<vmem>>, vector<1x16xf32>,
    %get3A_128 = vector.shape_cast %get3A_127 : vector<1x16xf32> to vector<16xf32>
    %broadcast_in_dim3A_129 = arith.constant 0 : i32
    %broadcast_in_dim3A_130 = vector.broadcast %broadcast_in_dim3A_129 : i32 to vector<16xi32>
    %get3A_131 = arith.constant 3 : i32
    %get3A_132 = arith.index_cast %get3A_131 : i32 to index
    %get3A_133 = arith.constant 16 : index
    %get3A_134 = tpu.vector_load %arg5[%get3A_132, %get3A_133] {strides = array<i32>} : memref<16x256xf32, #tpu.memory_space<vmem>>, vector<1x16xf32>,
    %get3A_135 = vector.shape_cast %get3A_134 : vector<1x16xf32> to vector<16xf32>
    %gt3A_136 = arith.cmpf ogt, %get3A_135, %get3A_128 : vector<16xf32>
    %broadcast_in_dim3A_137 = arith.constant 1 : i32
    %broadcast_in_dim3A_138 = vector.broadcast %broadcast_in_dim3A_137 : i32 to vector<16xi32>
    %select_n3A_139 = arith.select %gt3A_136, %broadcast_in_dim3A_138, %broadcast_in_dim3A_130 : vector<16xi1>, vector<16xi32>
    %select_n3A_140 = arith.select %gt3A_136, %get3A_135, %get3A_128 : vector<16xi1>, vector<16xf32>
    %get3A_141 = arith.constant 4 : i32
    %get3A_142 = arith.index_cast %get3A_141 : i32 to index
    %get3A_143 = arith.constant 16 : index
    %get3A_144 = tpu.vector_load %arg5[%get3A_142, %get3A_143] {strides = array<i32>} : memref<16x256xf32, #tpu.memory_space<vmem>>, vector<1x16xf32>,
    %get3A_145 = vector.shape_cast %get3A_144 : vector<1x16xf32> to vector<16xf32>
    %gt3A_146 = arith.cmpf ogt, %get3A_145, %select_n3A_140 : vector<16xf32>
    %broadcast_in_dim3A_147 = arith.constant 2 : i32
    %broadcast_in_dim3A_148 = vector.broadcast %broadcast_in_dim3A_147 : i32 to vector<16xi32>
    %select_n3A_149 = arith.select %gt3A_146, %broadcast_in_dim3A_148, %select_n3A_139 : vector<16xi1>, vector<16xi32>
    %select_n3A_150 = arith.select %gt3A_146, %get3A_145, %select_n3A_140 : vector<16xi1>, vector<16xf32>
    %get3A_151 = arith.constant 5 : i32
    %get3A_152 = arith.index_cast %get3A_151 : i32 to index
    %get3A_153 = arith.constant 16 : index
    %get3A_154 = tpu.vector_load %arg5[%get3A_152, %get3A_153] {strides = array<i32>} : memref<16x256xf32, #tpu.memory_space<vmem>>, vector<1x16xf32>,
    %get3A_155 = vector.shape_cast %get3A_154 : vector<1x16xf32> to vector<16xf32>
    %gt3A_156 = arith.cmpf ogt, %get3A_155, %select_n3A_150 : vector<16xf32>
    %broadcast_in_dim3A_157 = arith.constant 3 : i32
    %broadcast_in_dim3A_158 = vector.broadcast %broadcast_in_dim3A_157 : i32 to vector<16xi32>
    %select_n3A_159 = arith.select %gt3A_156, %broadcast_in_dim3A_158, %select_n3A_149 : vector<16xi1>, vector<16xi32>
    %select_n3A_160 = arith.select %gt3A_156, %get3A_155, %select_n3A_150 : vector<16xi1>, vector<16xf32>
    %get3A_161 = arith.constant 6 : i32
    %get3A_162 = arith.index_cast %get3A_161 : i32 to index
    %get3A_163 = arith.constant 16 : index
    %get3A_164 = tpu.vector_load %arg5[%get3A_162, %get3A_163] {strides = array<i32>} : memref<16x256xf32, #tpu.memory_space<vmem>>, vector<1x16xf32>,
    %get3A_165 = vector.shape_cast %get3A_164 : vector<1x16xf32> to vector<16xf32>
    %gt3A_166 = arith.cmpf ogt, %get3A_165, %select_n3A_160 : vector<16xf32>
    %broadcast_in_dim3A_167 = arith.constant 4 : i32
    %broadcast_in_dim3A_168 = vector.broadcast %broadcast_in_dim3A_167 : i32 to vector<16xi32>
    %select_n3A_169 = arith.select %gt3A_166, %broadcast_in_dim3A_168, %select_n3A_159 : vector<16xi1>, vector<16xi32>
    %select_n3A_170 = arith.select %gt3A_166, %get3A_165, %select_n3A_160 : vector<16xi1>, vector<16xf32>
    %get3A_171 = arith.constant 7 : i32
    %get3A_172 = arith.index_cast %get3A_171 : i32 to index
    %get3A_173 = arith.constant 16 : index
    %get3A_174 = tpu.vector_load %arg5[%get3A_172, %get3A_173] {strides = array<i32>} : memref<16x256xf32, #tpu.memory_space<vmem>>, vector<1x16xf32>,
    %get3A_175 = vector.shape_cast %get3A_174 : vector<1x16xf32> to vector<16xf32>
    %gt3A_176 = arith.cmpf ogt, %get3A_175, %select_n3A_170 : vector<16xf32>
    %broadcast_in_dim3A_177 = arith.constant 5 : i32
    %broadcast_in_dim3A_178 = vector.broadcast %broadcast_in_dim3A_177 : i32 to vector<16xi32>
    %select_n3A_179 = arith.select %gt3A_176, %broadcast_in_dim3A_178, %select_n3A_169 : vector<16xi1>, vector<16xi32>
    %select_n3A_180 = arith.select %gt3A_176, %get3A_175, %select_n3A_170 : vector<16xi1>, vector<16xf32>
    %get3A_181 = arith.constant 8 : i32
    %get3A_182 = arith.index_cast %get3A_181 : i32 to index
    %get3A_183 = arith.constant 16 : index
    %get3A_184 = tpu.vector_load %arg5[%get3A_182, %get3A_183] {strides = array<i32>} : memref<16x256xf32, #tpu.memory_space<vmem>>, vector<1x16xf32>,
    %get3A_185 = vector.shape_cast %get3A_184 : vector<1x16xf32> to vector<16xf32>
    %gt3A_186 = arith.cmpf ogt, %get3A_185, %select_n3A_180 : vector<16xf32>
    %broadcast_in_dim3A_187 = arith.constant 6 : i32
    %broadcast_in_dim3A_188 = vector.broadcast %broadcast_in_dim3A_187 : i32 to vector<16xi32>
    %select_n3A_189 = arith.select %gt3A_186, %broadcast_in_dim3A_188, %select_n3A_179 : vector<16xi1>, vector<16xi32>
    %select_n3A_190 = arith.select %gt3A_186, %get3A_185, %select_n3A_180 : vector<16xi1>, vector<16xf32>
    %mul3A_191 = arith.constant 4.000000e+00 : f32
    %mul3A_192 = vector.broadcast %mul3A_191 : f32 to vector<16xf32>
    %mul3A_193 = arith.mulf %get3A_118, %mul3A_192 : vector<16xf32>
    %convert_element_type3A_194 = arith.fptosi %mul3A_193 : vector<16xf32> to vector<16xi32>
    %jit3A_195 = arith.constant 0 : i32
    %jit3A_196 = arith.constant 3 : i32
    %max3A_197 = vector.broadcast %jit3A_195 : i32 to vector<16xi32>
    %max3A_198 = arith.maxsi %max3A_197, %convert_element_type3A_194 : vector<16xi32>
    %min3A_199 = vector.broadcast %jit3A_196 : i32 to vector<16xi32>
    %min3A_200 = arith.minsi %min3A_199, %max3A_198 : vector<16xi32>
    %mul3A_201 = arith.constant 4.000000e+00 : f32
    %mul3A_202 = vector.broadcast %mul3A_201 : f32 to vector<16xf32>
    %mul3A_203 = arith.mulf %get3A_123, %mul3A_202 : vector<16xf32>
    %convert_element_type3A_204 = arith.fptosi %mul3A_203 : vector<16xf32> to vector<16xi32>
    %jit3A_205 = arith.constant 0 : i32
    %jit3A_206 = arith.constant 3 : i32
    %max3A_207 = vector.broadcast %jit3A_205 : i32 to vector<16xi32>
    %max3A_208 = arith.maxsi %max3A_207, %convert_element_type3A_204 : vector<16xi32>
    %min3A_209 = vector.broadcast %jit3A_206 : i32 to vector<16xi32>
    %min3A_210 = arith.minsi %min3A_209, %max3A_208 : vector<16xi32>
    %gt3A_211 = arith.constant 7.500000e-01 : f32
    %gt3A_212 = vector.broadcast %gt3A_211 : f32 to vector<16xf32>
    %gt3A_213 = arith.cmpf ogt, %get3A_118, %gt3A_212 : vector<16xf32>
    %add3A_214 = arith.constant 16 : i32
    %add3A_215 = vector.broadcast %add3A_214 : i32 to vector<16xi32>
    %add3A_216 = arith.addi %add3A_215, %select_n3A_189 : vector<16xi32>
    %mul3A_217 = arith.constant 4 : i32
    %mul3A_218 = vector.broadcast %mul3A_217 : i32 to vector<16xi32>
    %mul3A_219 = arith.muli %min3A_200, %mul3A_218 : vector<16xi32>
    %add3A_220 = arith.addi %mul3A_219, %min3A_210 : vector<16xi32>
    %select_n3A_221 = arith.select %gt3A_213, %add3A_216, %add3A_220 : vector<16xi1>, vector<16xi32>
    %get3A_222 = arith.constant 16 : index
    %get3A_223 = tpu.vector_load %arg6[%get3A_222] {strides = array<i32>} : memref<256xi32, #tpu.memory_space<vmem>>, vector<16xi32>,
    %get3A_224 = vector.shape_cast %get3A_223 : vector<16xi32> to vector<16xi32>
    %eq3A_225 = arith.constant 1 : i32
    %eq3A_226 = vector.broadcast %eq3A_225 : i32 to vector<16xi32>
    %eq3A_227 = arith.cmpi eq, %get3A_224, %eq3A_226 : vector<16xi32>
    %jit3A_228 = arith.constant 24 : i32
    %broadcast_in_dim3A_229 = vector.broadcast %jit3A_228 : i32 to vector<16xi32>
    %select_n3A_230 = arith.select %eq3A_227, %broadcast_in_dim3A_229, %select_n3A_221 : vector<16xi1>, vector<16xi32>
    %swap3A_231 = arith.constant 16 : index
    %swap3A_232 = tpu.vector_load %arg7[%swap3A_231] {strides = array<i32>} : memref<256xi32, #tpu.memory_space<vmem>>, vector<16xi32>,
    %swap3A_233 = vector.shape_cast %swap3A_232 : vector<16xi32> to vector<16xi32>
    %swap3A_234 = vector.shape_cast %select_n3A_230 : vector<16xi32> to vector<16xi32>
    tpu.vector_store %arg7[%swap3A_231], %swap3A_234 {strides = array<i32>} : memref<256xi32, #tpu.memory_space<vmem>>, vector<16xi32>,
    %get3A_235 = arith.constant 0 : i32
    %get3A_236 = arith.index_cast %get3A_235 : i32 to index
    %get3A_237 = arith.constant 32 : index
    %get3A_238 = tpu.vector_load %arg5[%get3A_236, %get3A_237] {strides = array<i32>} : memref<16x256xf32, #tpu.memory_space<vmem>>, vector<1x16xf32>,
    %get3A_239 = vector.shape_cast %get3A_238 : vector<1x16xf32> to vector<16xf32>
    %get3A_240 = arith.constant 1 : i32
    %get3A_241 = arith.index_cast %get3A_240 : i32 to index
    %get3A_242 = arith.constant 32 : index
    %get3A_243 = tpu.vector_load %arg5[%get3A_241, %get3A_242] {strides = array<i32>} : memref<16x256xf32, #tpu.memory_space<vmem>>, vector<1x16xf32>,
    %get3A_244 = vector.shape_cast %get3A_243 : vector<1x16xf32> to vector<16xf32>
    %get3A_245 = arith.constant 2 : i32
    %get3A_246 = arith.index_cast %get3A_245 : i32 to index
    %get3A_247 = arith.constant 32 : index
    %get3A_248 = tpu.vector_load %arg5[%get3A_246, %get3A_247] {strides = array<i32>} : memref<16x256xf32, #tpu.memory_space<vmem>>, vector<1x16xf32>,
    %get3A_249 = vector.shape_cast %get3A_248 : vector<1x16xf32> to vector<16xf32>
    %broadcast_in_dim3A_250 = arith.constant 0 : i32
    %broadcast_in_dim3A_251 = vector.broadcast %broadcast_in_dim3A_250 : i32 to vector<16xi32>
    %get3A_252 = arith.constant 3 : i32
    %get3A_253 = arith.index_cast %get3A_252 : i32 to index
    %get3A_254 = arith.constant 32 : index
    %get3A_255 = tpu.vector_load %arg5[%get3A_253, %get3A_254] {strides = array<i32>} : memref<16x256xf32, #tpu.memory_space<vmem>>, vector<1x16xf32>,
    %get3A_256 = vector.shape_cast %get3A_255 : vector<1x16xf32> to vector<16xf32>
    %gt3A_257 = arith.cmpf ogt, %get3A_256, %get3A_249 : vector<16xf32>
    %broadcast_in_dim3A_258 = arith.constant 1 : i32
    %broadcast_in_dim3A_259 = vector.broadcast %broadcast_in_dim3A_258 : i32 to vector<16xi32>
    %select_n3A_260 = arith.select %gt3A_257, %broadcast_in_dim3A_259, %broadcast_in_dim3A_251 : vector<16xi1>, vector<16xi32>
    %select_n3A_261 = arith.select %gt3A_257, %get3A_256, %get3A_249 : vector<16xi1>, vector<16xf32>
    %get3A_262 = arith.constant 4 : i32
    %get3A_263 = arith.index_cast %get3A_262 : i32 to index
    %get3A_264 = arith.constant 32 : index
    %get3A_265 = tpu.vector_load %arg5[%get3A_263, %get3A_264] {strides = array<i32>} : memref<16x256xf32, #tpu.memory_space<vmem>>, vector<1x16xf32>,
    %get3A_266 = vector.shape_cast %get3A_265 : vector<1x16xf32> to vector<16xf32>
    %gt3A_267 = arith.cmpf ogt, %get3A_266, %select_n3A_261 : vector<16xf32>
    %broadcast_in_dim3A_268 = arith.constant 2 : i32
    %broadcast_in_dim3A_269 = vector.broadcast %broadcast_in_dim3A_268 : i32 to vector<16xi32>
    %select_n3A_270 = arith.select %gt3A_267, %broadcast_in_dim3A_269, %select_n3A_260 : vector<16xi1>, vector<16xi32>
    %select_n3A_271 = arith.select %gt3A_267, %get3A_266, %select_n3A_261 : vector<16xi1>, vector<16xf32>
    %get3A_272 = arith.constant 5 : i32
    %get3A_273 = arith.index_cast %get3A_272 : i32 to index
    %get3A_274 = arith.constant 32 : index
    %get3A_275 = tpu.vector_load %arg5[%get3A_273, %get3A_274] {strides = array<i32>} : memref<16x256xf32, #tpu.memory_space<vmem>>, vector<1x16xf32>,
    %get3A_276 = vector.shape_cast %get3A_275 : vector<1x16xf32> to vector<16xf32>
    %gt3A_277 = arith.cmpf ogt, %get3A_276, %select_n3A_271 : vector<16xf32>
    %broadcast_in_dim3A_278 = arith.constant 3 : i32
    %broadcast_in_dim3A_279 = vector.broadcast %broadcast_in_dim3A_278 : i32 to vector<16xi32>
    %select_n3A_280 = arith.select %gt3A_277, %broadcast_in_dim3A_279, %select_n3A_270 : vector<16xi1>, vector<16xi32>
    %select_n3A_281 = arith.select %gt3A_277, %get3A_276, %select_n3A_271 : vector<16xi1>, vector<16xf32>
    %get3A_282 = arith.constant 6 : i32
    %get3A_283 = arith.index_cast %get3A_282 : i32 to index
    %get3A_284 = arith.constant 32 : index
    %get3A_285 = tpu.vector_load %arg5[%get3A_283, %get3A_284] {strides = array<i32>} : memref<16x256xf32, #tpu.memory_space<vmem>>, vector<1x16xf32>,
    %get3A_286 = vector.shape_cast %get3A_285 : vector<1x16xf32> to vector<16xf32>
    %gt3A_287 = arith.cmpf ogt, %get3A_286, %select_n3A_281 : vector<16xf32>
    %broadcast_in_dim3A_288 = arith.constant 4 : i32
    %broadcast_in_dim3A_289 = vector.broadcast %broadcast_in_dim3A_288 : i32 to vector<16xi32>
    %select_n3A_290 = arith.select %gt3A_287, %broadcast_in_dim3A_289, %select_n3A_280 : vector<16xi1>, vector<16xi32>
    %select_n3A_291 = arith.select %gt3A_287, %get3A_286, %select_n3A_281 : vector<16xi1>, vector<16xf32>
    %get3A_292 = arith.constant 7 : i32
    %get3A_293 = arith.index_cast %get3A_292 : i32 to index
    %get3A_294 = arith.constant 32 : index
    %get3A_295 = tpu.vector_load %arg5[%get3A_293, %get3A_294] {strides = array<i32>} : memref<16x256xf32, #tpu.memory_space<vmem>>, vector<1x16xf32>,
    %get3A_296 = vector.shape_cast %get3A_295 : vector<1x16xf32> to vector<16xf32>
    %gt3A_297 = arith.cmpf ogt, %get3A_296, %select_n3A_291 : vector<16xf32>
    %broadcast_in_dim3A_298 = arith.constant 5 : i32
    %broadcast_in_dim3A_299 = vector.broadcast %broadcast_in_dim3A_298 : i32 to vector<16xi32>
    %select_n3A_300 = arith.select %gt3A_297, %broadcast_in_dim3A_299, %select_n3A_290 : vector<16xi1>, vector<16xi32>
    %select_n3A_301 = arith.select %gt3A_297, %get3A_296, %select_n3A_291 : vector<16xi1>, vector<16xf32>
    %get3A_302 = arith.constant 8 : i32
    %get3A_303 = arith.index_cast %get3A_302 : i32 to index
    %get3A_304 = arith.constant 32 : index
    %get3A_305 = tpu.vector_load %arg5[%get3A_303, %get3A_304] {strides = array<i32>} : memref<16x256xf32, #tpu.memory_space<vmem>>, vector<1x16xf32>,
    %get3A_306 = vector.shape_cast %get3A_305 : vector<1x16xf32> to vector<16xf32>
    %gt3A_307 = arith.cmpf ogt, %get3A_306, %select_n3A_301 : vector<16xf32>
    %broadcast_in_dim3A_308 = arith.constant 6 : i32
    %broadcast_in_dim3A_309 = vector.broadcast %broadcast_in_dim3A_308 : i32 to vector<16xi32>
    %select_n3A_310 = arith.select %gt3A_307, %broadcast_in_dim3A_309, %select_n3A_300 : vector<16xi1>, vector<16xi32>
    %select_n3A_311 = arith.select %gt3A_307, %get3A_306, %select_n3A_301 : vector<16xi1>, vector<16xf32>
    %mul3A_312 = arith.constant 4.000000e+00 : f32
    %mul3A_313 = vector.broadcast %mul3A_312 : f32 to vector<16xf32>
    %mul3A_314 = arith.mulf %get3A_239, %mul3A_313 : vector<16xf32>
    %convert_element_type3A_315 = arith.fptosi %mul3A_314 : vector<16xf32> to vector<16xi32>
    %jit3A_316 = arith.constant 0 : i32
    %jit3A_317 = arith.constant 3 : i32
    %max3A_318 = vector.broadcast %jit3A_316 : i32 to vector<16xi32>
    %max3A_319 = arith.maxsi %max3A_318, %convert_element_type3A_315 : vector<16xi32>
    %min3A_320 = vector.broadcast %jit3A_317 : i32 to vector<16xi32>
    %min3A_321 = arith.minsi %min3A_320, %max3A_319 : vector<16xi32>
    %mul3A_322 = arith.constant 4.000000e+00 : f32
    %mul3A_323 = vector.broadcast %mul3A_322 : f32 to vector<16xf32>
    %mul3A_324 = arith.mulf %get3A_244, %mul3A_323 : vector<16xf32>
    %convert_element_type3A_325 = arith.fptosi %mul3A_324 : vector<16xf32> to vector<16xi32>
    %jit3A_326 = arith.constant 0 : i32
    %jit3A_327 = arith.constant 3 : i32
    %max3A_328 = vector.broadcast %jit3A_326 : i32 to vector<16xi32>
    %max3A_329 = arith.maxsi %max3A_328, %convert_element_type3A_325 : vector<16xi32>
    %min3A_330 = vector.broadcast %jit3A_327 : i32 to vector<16xi32>
    %min3A_331 = arith.minsi %min3A_330, %max3A_329 : vector<16xi32>
    %gt3A_332 = arith.constant 7.500000e-01 : f32
    %gt3A_333 = vector.broadcast %gt3A_332 : f32 to vector<16xf32>
    %gt3A_334 = arith.cmpf ogt, %get3A_239, %gt3A_333 : vector<16xf32>
    %add3A_335 = arith.constant 16 : i32
    %add3A_336 = vector.broadcast %add3A_335 : i32 to vector<16xi32>
    %add3A_337 = arith.addi %add3A_336, %select_n3A_310 : vector<16xi32>
    %mul3A_338 = arith.constant 4 : i32
    %mul3A_339 = vector.broadcast %mul3A_338 : i32 to vector<16xi32>
    %mul3A_340 = arith.muli %min3A_321, %mul3A_339 : vector<16xi32>
    %add3A_341 = arith.addi %mul3A_340, %min3A_331 : vector<16xi32>
    %select_n3A_342 = arith.select %gt3A_334, %add3A_337, %add3A_341 : vector<16xi1>, vector<16xi32>
    %get3A_343 = arith.constant 32 : index
    %get3A_344 = tpu.vector_load %arg6[%get3A_343] {strides = array<i32>} : memref<256xi32, #tpu.memory_space<vmem>>, vector<16xi32>,
    %get3A_345 = vector.shape_cast %get3A_344 : vector<16xi32> to vector<16xi32>
    %eq3A_346 = arith.constant 1 : i32
    %eq3A_347 = vector.broadcast %eq3A_346 : i32 to vector<16xi32>
    %eq3A_348 = arith.cmpi eq, %get3A_345, %eq3A_347 : vector<16xi32>
    %jit3A_349 = arith.constant 24 : i32
    %broadcast_in_dim3A_350 = vector.broadcast %jit3A_349 : i32 to vector<16xi32>
    %select_n3A_351 = arith.select %eq3A_348, %broadcast_in_dim3A_350, %select_n3A_342 : vector<16xi1>, vector<16xi32>
    %swap3A_352 = arith.constant 32 : index
    %swap3A_353 = tpu.vector_load %arg7[%swap3A_352] {strides = array<i32>} : memref<256xi32, #tpu.memory_space<vmem>>, vector<16xi32>,
    %swap3A_354 = vector.shape_cast %swap3A_353 : vector<16xi32> to vector<16xi32>
    %swap3A_355 = vector.shape_cast %select_n3A_351 : vector<16xi32> to vector<16xi32>
    tpu.vector_store %arg7[%swap3A_352], %swap3A_355 {strides = array<i32>} : memref<256xi32, #tpu.memory_space<vmem>>, vector<16xi32>,
    %get3A_356 = arith.constant 0 : i32
    %get3A_357 = arith.index_cast %get3A_356 : i32 to index
    %get3A_358 = arith.constant 48 : index
    %get3A_359 = tpu.vector_load %arg5[%get3A_357, %get3A_358] {strides = array<i32>} : memref<16x256xf32, #tpu.memory_space<vmem>>, vector<1x16xf32>,
    %get3A_360 = vector.shape_cast %get3A_359 : vector<1x16xf32> to vector<16xf32>
    %get3A_361 = arith.constant 1 : i32
    %get3A_362 = arith.index_cast %get3A_361 : i32 to index
    %get3A_363 = arith.constant 48 : index
    %get3A_364 = tpu.vector_load %arg5[%get3A_362, %get3A_363] {strides = array<i32>} : memref<16x256xf32, #tpu.memory_space<vmem>>, vector<1x16xf32>,
    %get3A_365 = vector.shape_cast %get3A_364 : vector<1x16xf32> to vector<16xf32>
    %get3A_366 = arith.constant 2 : i32
    %get3A_367 = arith.index_cast %get3A_366 : i32 to index
    %get3A_368 = arith.constant 48 : index
    %get3A_369 = tpu.vector_load %arg5[%get3A_367, %get3A_368] {strides = array<i32>} : memref<16x256xf32, #tpu.memory_space<vmem>>, vector<1x16xf32>,
    %get3A_370 = vector.shape_cast %get3A_369 : vector<1x16xf32> to vector<16xf32>
    %broadcast_in_dim3A_371 = arith.constant 0 : i32
    %broadcast_in_dim3A_372 = vector.broadcast %broadcast_in_dim3A_371 : i32 to vector<16xi32>
    %get3A_373 = arith.constant 3 : i32
    %get3A_374 = arith.index_cast %get3A_373 : i32 to index
    %get3A_375 = arith.constant 48 : index
    %get3A_376 = tpu.vector_load %arg5[%get3A_374, %get3A_375] {strides = array<i32>} : memref<16x256xf32, #tpu.memory_space<vmem>>, vector<1x16xf32>,
    %get3A_377 = vector.shape_cast %get3A_376 : vector<1x16xf32> to vector<16xf32>
    %gt3A_378 = arith.cmpf ogt, %get3A_377, %get3A_370 : vector<16xf32>
    %broadcast_in_dim3A_379 = arith.constant 1 : i32
    %broadcast_in_dim3A_380 = vector.broadcast %broadcast_in_dim3A_379 : i32 to vector<16xi32>
    %select_n3A_381 = arith.select %gt3A_378, %broadcast_in_dim3A_380, %broadcast_in_dim3A_372 : vector<16xi1>, vector<16xi32>
    %select_n3A_382 = arith.select %gt3A_378, %get3A_377, %get3A_370 : vector<16xi1>, vector<16xf32>
    %get3A_383 = arith.constant 4 : i32
    %get3A_384 = arith.index_cast %get3A_383 : i32 to index
    %get3A_385 = arith.constant 48 : index
    %get3A_386 = tpu.vector_load %arg5[%get3A_384, %get3A_385] {strides = array<i32>} : memref<16x256xf32, #tpu.memory_space<vmem>>, vector<1x16xf32>,
    %get3A_387 = vector.shape_cast %get3A_386 : vector<1x16xf32> to vector<16xf32>
    %gt3A_388 = arith.cmpf ogt, %get3A_387, %select_n3A_382 : vector<16xf32>
    %broadcast_in_dim3A_389 = arith.constant 2 : i32
    %broadcast_in_dim3A_390 = vector.broadcast %broadcast_in_dim3A_389 : i32 to vector<16xi32>
    %select_n3A_391 = arith.select %gt3A_388, %broadcast_in_dim3A_390, %select_n3A_381 : vector<16xi1>, vector<16xi32>
    %select_n3A_392 = arith.select %gt3A_388, %get3A_387, %select_n3A_382 : vector<16xi1>, vector<16xf32>
    %get3A_393 = arith.constant 5 : i32
    %get3A_394 = arith.index_cast %get3A_393 : i32 to index
    %get3A_395 = arith.constant 48 : index
    %get3A_396 = tpu.vector_load %arg5[%get3A_394, %get3A_395] {strides = array<i32>} : memref<16x256xf32, #tpu.memory_space<vmem>>, vector<1x16xf32>,
    %get3A_397 = vector.shape_cast %get3A_396 : vector<1x16xf32> to vector<16xf32>
    %gt3A_398 = arith.cmpf ogt, %get3A_397, %select_n3A_392 : vector<16xf32>
    %broadcast_in_dim3A_399 = arith.constant 3 : i32
    %broadcast_in_dim3A_400 = vector.broadcast %broadcast_in_dim3A_399 : i32 to vector<16xi32>
    %select_n3A_401 = arith.select %gt3A_398, %broadcast_in_dim3A_400, %select_n3A_391 : vector<16xi1>, vector<16xi32>
    %select_n3A_402 = arith.select %gt3A_398, %get3A_397, %select_n3A_392 : vector<16xi1>, vector<16xf32>
    %get3A_403 = arith.constant 6 : i32
    %get3A_404 = arith.index_cast %get3A_403 : i32 to index
    %get3A_405 = arith.constant 48 : index
    %get3A_406 = tpu.vector_load %arg5[%get3A_404, %get3A_405] {strides = array<i32>} : memref<16x256xf32, #tpu.memory_space<vmem>>, vector<1x16xf32>,
    %get3A_407 = vector.shape_cast %get3A_406 : vector<1x16xf32> to vector<16xf32>
    %gt3A_408 = arith.cmpf ogt, %get3A_407, %select_n3A_402 : vector<16xf32>
    %broadcast_in_dim3A_409 = arith.constant 4 : i32
    %broadcast_in_dim3A_410 = vector.broadcast %broadcast_in_dim3A_409 : i32 to vector<16xi32>
    %select_n3A_411 = arith.select %gt3A_408, %broadcast_in_dim3A_410, %select_n3A_401 : vector<16xi1>, vector<16xi32>
    %select_n3A_412 = arith.select %gt3A_408, %get3A_407, %select_n3A_402 : vector<16xi1>, vector<16xf32>
    %get3A_413 = arith.constant 7 : i32
    %get3A_414 = arith.index_cast %get3A_413 : i32 to index
    %get3A_415 = arith.constant 48 : index
    %get3A_416 = tpu.vector_load %arg5[%get3A_414, %get3A_415] {strides = array<i32>} : memref<16x256xf32, #tpu.memory_space<vmem>>, vector<1x16xf32>,
    %get3A_417 = vector.shape_cast %get3A_416 : vector<1x16xf32> to vector<16xf32>
    %gt3A_418 = arith.cmpf ogt, %get3A_417, %select_n3A_412 : vector<16xf32>
    %broadcast_in_dim3A_419 = arith.constant 5 : i32
    %broadcast_in_dim3A_420 = vector.broadcast %broadcast_in_dim3A_419 : i32 to vector<16xi32>
    %select_n3A_421 = arith.select %gt3A_418, %broadcast_in_dim3A_420, %select_n3A_411 : vector<16xi1>, vector<16xi32>
    %select_n3A_422 = arith.select %gt3A_418, %get3A_417, %select_n3A_412 : vector<16xi1>, vector<16xf32>
    %get3A_423 = arith.constant 8 : i32
    %get3A_424 = arith.index_cast %get3A_423 : i32 to index
    %get3A_425 = arith.constant 48 : index
    %get3A_426 = tpu.vector_load %arg5[%get3A_424, %get3A_425] {strides = array<i32>} : memref<16x256xf32, #tpu.memory_space<vmem>>, vector<1x16xf32>,
    %get3A_427 = vector.shape_cast %get3A_426 : vector<1x16xf32> to vector<16xf32>
    %gt3A_428 = arith.cmpf ogt, %get3A_427, %select_n3A_422 : vector<16xf32>
    %broadcast_in_dim3A_429 = arith.constant 6 : i32
    %broadcast_in_dim3A_430 = vector.broadcast %broadcast_in_dim3A_429 : i32 to vector<16xi32>
    %select_n3A_431 = arith.select %gt3A_428, %broadcast_in_dim3A_430, %select_n3A_421 : vector<16xi1>, vector<16xi32>
    %select_n3A_432 = arith.select %gt3A_428, %get3A_427, %select_n3A_422 : vector<16xi1>, vector<16xf32>
    %mul3A_433 = arith.constant 4.000000e+00 : f32
    %mul3A_434 = vector.broadcast %mul3A_433 : f32 to vector<16xf32>
    %mul3A_435 = arith.mulf %get3A_360, %mul3A_434 : vector<16xf32>
    %convert_element_type3A_436 = arith.fptosi %mul3A_435 : vector<16xf32> to vector<16xi32>
    %jit3A_437 = arith.constant 0 : i32
    %jit3A_438 = arith.constant 3 : i32
    %max3A_439 = vector.broadcast %jit3A_437 : i32 to vector<16xi32>
    %max3A_440 = arith.maxsi %max3A_439, %convert_element_type3A_436 : vector<16xi32>
    %min3A_441 = vector.broadcast %jit3A_438 : i32 to vector<16xi32>
    %min3A_442 = arith.minsi %min3A_441, %max3A_440 : vector<16xi32>
    %mul3A_443 = arith.constant 4.000000e+00 : f32
    %mul3A_444 = vector.broadcast %mul3A_443 : f32 to vector<16xf32>
    %mul3A_445 = arith.mulf %get3A_365, %mul3A_444 : vector<16xf32>
    %convert_element_type3A_446 = arith.fptosi %mul3A_445 : vector<16xf32> to vector<16xi32>
    %jit3A_447 = arith.constant 0 : i32
    %jit3A_448 = arith.constant 3 : i32
    %max3A_449 = vector.broadcast %jit3A_447 : i32 to vector<16xi32>
    %max3A_450 = arith.maxsi %max3A_449, %convert_element_type3A_446 : vector<16xi32>
    %min3A_451 = vector.broadcast %jit3A_448 : i32 to vector<16xi32>
    %min3A_452 = arith.minsi %min3A_451, %max3A_450 : vector<16xi32>
    %gt3A_453 = arith.constant 7.500000e-01 : f32
    %gt3A_454 = vector.broadcast %gt3A_453 : f32 to vector<16xf32>
    %gt3A_455 = arith.cmpf ogt, %get3A_360, %gt3A_454 : vector<16xf32>
    %add3A_456 = arith.constant 16 : i32
    %add3A_457 = vector.broadcast %add3A_456 : i32 to vector<16xi32>
    %add3A_458 = arith.addi %add3A_457, %select_n3A_431 : vector<16xi32>
    %mul3A_459 = arith.constant 4 : i32
    %mul3A_460 = vector.broadcast %mul3A_459 : i32 to vector<16xi32>
    %mul3A_461 = arith.muli %min3A_442, %mul3A_460 : vector<16xi32>
    %add3A_462 = arith.addi %mul3A_461, %min3A_452 : vector<16xi32>
    %select_n3A_463 = arith.select %gt3A_455, %add3A_458, %add3A_462 : vector<16xi1>, vector<16xi32>
    %get3A_464 = arith.constant 48 : index
    %get3A_465 = tpu.vector_load %arg6[%get3A_464] {strides = array<i32>} : memref<256xi32, #tpu.memory_space<vmem>>, vector<16xi32>,
    %get3A_466 = vector.shape_cast %get3A_465 : vector<16xi32> to vector<16xi32>
    %eq3A_467 = arith.constant 1 : i32
    %eq3A_468 = vector.broadcast %eq3A_467 : i32 to vector<16xi32>
    %eq3A_469 = arith.cmpi eq, %get3A_466, %eq3A_468 : vector<16xi32>
    %jit3A_470 = arith.constant 24 : i32
    %broadcast_in_dim3A_471 = vector.broadcast %jit3A_470 : i32 to vector<16xi32>
    %select_n3A_472 = arith.select %eq3A_469, %broadcast_in_dim3A_471, %select_n3A_463 : vector<16xi1>, vector<16xi32>
    %swap3A_473 = arith.constant 48 : index
    %swap3A_474 = tpu.vector_load %arg7[%swap3A_473] {strides = array<i32>} : memref<256xi32, #tpu.memory_space<vmem>>, vector<16xi32>,
    %swap3A_475 = vector.shape_cast %swap3A_474 : vector<16xi32> to vector<16xi32>
    %swap3A_476 = vector.shape_cast %select_n3A_472 : vector<16xi32> to vector<16xi32>
    tpu.vector_store %arg7[%swap3A_473], %swap3A_476 {strides = array<i32>} : memref<256xi32, #tpu.memory_space<vmem>>, vector<16xi32>,
    %get3A_477 = arith.constant 0 : i32
    %get3A_478 = arith.index_cast %get3A_477 : i32 to index
    %get3A_479 = arith.constant 64 : index
    %get3A_480 = tpu.vector_load %arg5[%get3A_478, %get3A_479] {strides = array<i32>} : memref<16x256xf32, #tpu.memory_space<vmem>>, vector<1x16xf32>,
    %get3A_481 = vector.shape_cast %get3A_480 : vector<1x16xf32> to vector<16xf32>
    %get3A_482 = arith.constant 1 : i32
    %get3A_483 = arith.index_cast %get3A_482 : i32 to index
    %get3A_484 = arith.constant 64 : index
    %get3A_485 = tpu.vector_load %arg5[%get3A_483, %get3A_484] {strides = array<i32>} : memref<16x256xf32, #tpu.memory_space<vmem>>, vector<1x16xf32>,
    %get3A_486 = vector.shape_cast %get3A_485 : vector<1x16xf32> to vector<16xf32>
    %get3A_487 = arith.constant 2 : i32
    %get3A_488 = arith.index_cast %get3A_487 : i32 to index
    %get3A_489 = arith.constant 64 : index
    %get3A_490 = tpu.vector_load %arg5[%get3A_488, %get3A_489] {strides = array<i32>} : memref<16x256xf32, #tpu.memory_space<vmem>>, vector<1x16xf32>,
    %get3A_491 = vector.shape_cast %get3A_490 : vector<1x16xf32> to vector<16xf32>
    %broadcast_in_dim3A_492 = arith.constant 0 : i32
    %broadcast_in_dim3A_493 = vector.broadcast %broadcast_in_dim3A_492 : i32 to vector<16xi32>
    %get3A_494 = arith.constant 3 : i32
    %get3A_495 = arith.index_cast %get3A_494 : i32 to index
    %get3A_496 = arith.constant 64 : index
    %get3A_497 = tpu.vector_load %arg5[%get3A_495, %get3A_496] {strides = array<i32>} : memref<16x256xf32, #tpu.memory_space<vmem>>, vector<1x16xf32>,
    %get3A_498 = vector.shape_cast %get3A_497 : vector<1x16xf32> to vector<16xf32>
    %gt3A_499 = arith.cmpf ogt, %get3A_498, %get3A_491 : vector<16xf32>
    %broadcast_in_dim3A_500 = arith.constant 1 : i32
    %broadcast_in_dim3A_501 = vector.broadcast %broadcast_in_dim3A_500 : i32 to vector<16xi32>
    %select_n3A_502 = arith.select %gt3A_499, %broadcast_in_dim3A_501, %broadcast_in_dim3A_493 : vector<16xi1>, vector<16xi32>
    %select_n3A_503 = arith.select %gt3A_499, %get3A_498, %get3A_491 : vector<16xi1>, vector<16xf32>
    %get3A_504 = arith.constant 4 : i32
    %get3A_505 = arith.index_cast %get3A_504 : i32 to index
    %get3A_506 = arith.constant 64 : index
    %get3A_507 = tpu.vector_load %arg5[%get3A_505, %get3A_506] {strides = array<i32>} : memref<16x256xf32, #tpu.memory_space<vmem>>, vector<1x16xf32>,
    %get3A_508 = vector.shape_cast %get3A_507 : vector<1x16xf32> to vector<16xf32>
    %gt3A_509 = arith.cmpf ogt, %get3A_508, %select_n3A_503 : vector<16xf32>
    %broadcast_in_dim3A_510 = arith.constant 2 : i32
    %broadcast_in_dim3A_511 = vector.broadcast %broadcast_in_dim3A_510 : i32 to vector<16xi32>
    %select_n3A_512 = arith.select %gt3A_509, %broadcast_in_dim3A_511, %select_n3A_502 : vector<16xi1>, vector<16xi32>
    %select_n3A_513 = arith.select %gt3A_509, %get3A_508, %select_n3A_503 : vector<16xi1>, vector<16xf32>
    %get3A_514 = arith.constant 5 : i32
    %get3A_515 = arith.index_cast %get3A_514 : i32 to index
    %get3A_516 = arith.constant 64 : index
    %get3A_517 = tpu.vector_load %arg5[%get3A_515, %get3A_516] {strides = array<i32>} : memref<16x256xf32, #tpu.memory_space<vmem>>, vector<1x16xf32>,
    %get3A_518 = vector.shape_cast %get3A_517 : vector<1x16xf32> to vector<16xf32>
    %gt3A_519 = arith.cmpf ogt, %get3A_518, %select_n3A_513 : vector<16xf32>
    %broadcast_in_dim3A_520 = arith.constant 3 : i32
    %broadcast_in_dim3A_521 = vector.broadcast %broadcast_in_dim3A_520 : i32 to vector<16xi32>
    %select_n3A_522 = arith.select %gt3A_519, %broadcast_in_dim3A_521, %select_n3A_512 : vector<16xi1>, vector<16xi32>
    %select_n3A_523 = arith.select %gt3A_519, %get3A_518, %select_n3A_513 : vector<16xi1>, vector<16xf32>
    %get3A_524 = arith.constant 6 : i32
    %get3A_525 = arith.index_cast %get3A_524 : i32 to index
    %get3A_526 = arith.constant 64 : index
    %get3A_527 = tpu.vector_load %arg5[%get3A_525, %get3A_526] {strides = array<i32>} : memref<16x256xf32, #tpu.memory_space<vmem>>, vector<1x16xf32>,
    %get3A_528 = vector.shape_cast %get3A_527 : vector<1x16xf32> to vector<16xf32>
    %gt3A_529 = arith.cmpf ogt, %get3A_528, %select_n3A_523 : vector<16xf32>
    %broadcast_in_dim3A_530 = arith.constant 4 : i32
    %broadcast_in_dim3A_531 = vector.broadcast %broadcast_in_dim3A_530 : i32 to vector<16xi32>
    %select_n3A_532 = arith.select %gt3A_529, %broadcast_in_dim3A_531, %select_n3A_522 : vector<16xi1>, vector<16xi32>
    %select_n3A_533 = arith.select %gt3A_529, %get3A_528, %select_n3A_523 : vector<16xi1>, vector<16xf32>
    %get3A_534 = arith.constant 7 : i32
    %get3A_535 = arith.index_cast %get3A_534 : i32 to index
    %get3A_536 = arith.constant 64 : index
    %get3A_537 = tpu.vector_load %arg5[%get3A_535, %get3A_536] {strides = array<i32>} : memref<16x256xf32, #tpu.memory_space<vmem>>, vector<1x16xf32>,
    %get3A_538 = vector.shape_cast %get3A_537 : vector<1x16xf32> to vector<16xf32>
    %gt3A_539 = arith.cmpf ogt, %get3A_538, %select_n3A_533 : vector<16xf32>
    %broadcast_in_dim3A_540 = arith.constant 5 : i32
    %broadcast_in_dim3A_541 = vector.broadcast %broadcast_in_dim3A_540 : i32 to vector<16xi32>
    %select_n3A_542 = arith.select %gt3A_539, %broadcast_in_dim3A_541, %select_n3A_532 : vector<16xi1>, vector<16xi32>
    %select_n3A_543 = arith.select %gt3A_539, %get3A_538, %select_n3A_533 : vector<16xi1>, vector<16xf32>
    %get3A_544 = arith.constant 8 : i32
    %get3A_545 = arith.index_cast %get3A_544 : i32 to index
    %get3A_546 = arith.constant 64 : index
    %get3A_547 = tpu.vector_load %arg5[%get3A_545, %get3A_546] {strides = array<i32>} : memref<16x256xf32, #tpu.memory_space<vmem>>, vector<1x16xf32>,
    %get3A_548 = vector.shape_cast %get3A_547 : vector<1x16xf32> to vector<16xf32>
    %gt3A_549 = arith.cmpf ogt, %get3A_548, %select_n3A_543 : vector<16xf32>
    %broadcast_in_dim3A_550 = arith.constant 6 : i32
    %broadcast_in_dim3A_551 = vector.broadcast %broadcast_in_dim3A_550 : i32 to vector<16xi32>
    %select_n3A_552 = arith.select %gt3A_549, %broadcast_in_dim3A_551, %select_n3A_542 : vector<16xi1>, vector<16xi32>
    %select_n3A_553 = arith.select %gt3A_549, %get3A_548, %select_n3A_543 : vector<16xi1>, vector<16xf32>
    %mul3A_554 = arith.constant 4.000000e+00 : f32
    %mul3A_555 = vector.broadcast %mul3A_554 : f32 to vector<16xf32>
    %mul3A_556 = arith.mulf %get3A_481, %mul3A_555 : vector<16xf32>
    %convert_element_type3A_557 = arith.fptosi %mul3A_556 : vector<16xf32> to vector<16xi32>
    %jit3A_558 = arith.constant 0 : i32
    %jit3A_559 = arith.constant 3 : i32
    %max3A_560 = vector.broadcast %jit3A_558 : i32 to vector<16xi32>
    %max3A_561 = arith.maxsi %max3A_560, %convert_element_type3A_557 : vector<16xi32>
    %min3A_562 = vector.broadcast %jit3A_559 : i32 to vector<16xi32>
    %min3A_563 = arith.minsi %min3A_562, %max3A_561 : vector<16xi32>
    %mul3A_564 = arith.constant 4.000000e+00 : f32
    %mul3A_565 = vector.broadcast %mul3A_564 : f32 to vector<16xf32>
    %mul3A_566 = arith.mulf %get3A_486, %mul3A_565 : vector<16xf32>
    %convert_element_type3A_567 = arith.fptosi %mul3A_566 : vector<16xf32> to vector<16xi32>
    %jit3A_568 = arith.constant 0 : i32
    %jit3A_569 = arith.constant 3 : i32
    %max3A_570 = vector.broadcast %jit3A_568 : i32 to vector<16xi32>
    %max3A_571 = arith.maxsi %max3A_570, %convert_element_type3A_567 : vector<16xi32>
    %min3A_572 = vector.broadcast %jit3A_569 : i32 to vector<16xi32>
    %min3A_573 = arith.minsi %min3A_572, %max3A_571 : vector<16xi32>
    %gt3A_574 = arith.constant 7.500000e-01 : f32
    %gt3A_575 = vector.broadcast %gt3A_574 : f32 to vector<16xf32>
    %gt3A_576 = arith.cmpf ogt, %get3A_481, %gt3A_575 : vector<16xf32>
    %add3A_577 = arith.constant 16 : i32
    %add3A_578 = vector.broadcast %add3A_577 : i32 to vector<16xi32>
    %add3A_579 = arith.addi %add3A_578, %select_n3A_552 : vector<16xi32>
    %mul3A_580 = arith.constant 4 : i32
    %mul3A_581 = vector.broadcast %mul3A_580 : i32 to vector<16xi32>
    %mul3A_582 = arith.muli %min3A_563, %mul3A_581 : vector<16xi32>
    %add3A_583 = arith.addi %mul3A_582, %min3A_573 : vector<16xi32>
    %select_n3A_584 = arith.select %gt3A_576, %add3A_579, %add3A_583 : vector<16xi1>, vector<16xi32>
    %get3A_585 = arith.constant 64 : index
    %get3A_586 = tpu.vector_load %arg6[%get3A_585] {strides = array<i32>} : memref<256xi32, #tpu.memory_space<vmem>>, vector<16xi32>,
    %get3A_587 = vector.shape_cast %get3A_586 : vector<16xi32> to vector<16xi32>
    %eq3A_588 = arith.constant 1 : i32
    %eq3A_589 = vector.broadcast %eq3A_588 : i32 to vector<16xi32>
    %eq3A_590 = arith.cmpi eq, %get3A_587, %eq3A_589 : vector<16xi32>
    %jit3A_591 = arith.constant 24 : i32
    %broadcast_in_dim3A_592 = vector.broadcast %jit3A_591 : i32 to vector<16xi32>
    %select_n3A_593 = arith.select %eq3A_590, %broadcast_in_dim3A_592, %select_n3A_584 : vector<16xi1>, vector<16xi32>
    %swap3A_594 = arith.constant 64 : index
    %swap3A_595 = tpu.vector_load %arg7[%swap3A_594] {strides = array<i32>} : memref<256xi32, #tpu.memory_space<vmem>>, vector<16xi32>,
    %swap3A_596 = vector.shape_cast %swap3A_595 : vector<16xi32> to vector<16xi32>
    %swap3A_597 = vector.shape_cast %select_n3A_593 : vector<16xi32> to vector<16xi32>
    tpu.vector_store %arg7[%swap3A_594], %swap3A_597 {strides = array<i32>} : memref<256xi32, #tpu.memory_space<vmem>>, vector<16xi32>,
    %get3A_598 = arith.constant 0 : i32
    %get3A_599 = arith.index_cast %get3A_598 : i32 to index
    %get3A_600 = arith.constant 80 : index
    %get3A_601 = tpu.vector_load %arg5[%get3A_599, %get3A_600] {strides = array<i32>} : memref<16x256xf32, #tpu.memory_space<vmem>>, vector<1x16xf32>,
    %get3A_602 = vector.shape_cast %get3A_601 : vector<1x16xf32> to vector<16xf32>
    %get3A_603 = arith.constant 1 : i32
    %get3A_604 = arith.index_cast %get3A_603 : i32 to index
    %get3A_605 = arith.constant 80 : index
    %get3A_606 = tpu.vector_load %arg5[%get3A_604, %get3A_605] {strides = array<i32>} : memref<16x256xf32, #tpu.memory_space<vmem>>, vector<1x16xf32>,
    %get3A_607 = vector.shape_cast %get3A_606 : vector<1x16xf32> to vector<16xf32>
    %get3A_608 = arith.constant 2 : i32
    %get3A_609 = arith.index_cast %get3A_608 : i32 to index
    %get3A_610 = arith.constant 80 : index
    %get3A_611 = tpu.vector_load %arg5[%get3A_609, %get3A_610] {strides = array<i32>} : memref<16x256xf32, #tpu.memory_space<vmem>>, vector<1x16xf32>,
    %get3A_612 = vector.shape_cast %get3A_611 : vector<1x16xf32> to vector<16xf32>
    %broadcast_in_dim3A_613 = arith.constant 0 : i32
    %broadcast_in_dim3A_614 = vector.broadcast %broadcast_in_dim3A_613 : i32 to vector<16xi32>
    %get3A_615 = arith.constant 3 : i32
    %get3A_616 = arith.index_cast %get3A_615 : i32 to index
    %get3A_617 = arith.constant 80 : index
    %get3A_618 = tpu.vector_load %arg5[%get3A_616, %get3A_617] {strides = array<i32>} : memref<16x256xf32, #tpu.memory_space<vmem>>, vector<1x16xf32>,
    %get3A_619 = vector.shape_cast %get3A_618 : vector<1x16xf32> to vector<16xf32>
    %gt3A_620 = arith.cmpf ogt, %get3A_619, %get3A_612 : vector<16xf32>
    %broadcast_in_dim3A_621 = arith.constant 1 : i32
    %broadcast_in_dim3A_622 = vector.broadcast %broadcast_in_dim3A_621 : i32 to vector<16xi32>
    %select_n3A_623 = arith.select %gt3A_620, %broadcast_in_dim3A_622, %broadcast_in_dim3A_614 : vector<16xi1>, vector<16xi32>
    %select_n3A_624 = arith.select %gt3A_620, %get3A_619, %get3A_612 : vector<16xi1>, vector<16xf32>
    %get3A_625 = arith.constant 4 : i32
    %get3A_626 = arith.index_cast %get3A_625 : i32 to index
    %get3A_627 = arith.constant 80 : index
    %get3A_628 = tpu.vector_load %arg5[%get3A_626, %get3A_627] {strides = array<i32>} : memref<16x256xf32, #tpu.memory_space<vmem>>, vector<1x16xf32>,
    %get3A_629 = vector.shape_cast %get3A_628 : vector<1x16xf32> to vector<16xf32>
    %gt3A_630 = arith.cmpf ogt, %get3A_629, %select_n3A_624 : vector<16xf32>
    %broadcast_in_dim3A_631 = arith.constant 2 : i32
    %broadcast_in_dim3A_632 = vector.broadcast %broadcast_in_dim3A_631 : i32 to vector<16xi32>
    %select_n3A_633 = arith.select %gt3A_630, %broadcast_in_dim3A_632, %select_n3A_623 : vector<16xi1>, vector<16xi32>
    %select_n3A_634 = arith.select %gt3A_630, %get3A_629, %select_n3A_624 : vector<16xi1>, vector<16xf32>
    %get3A_635 = arith.constant 5 : i32
    %get3A_636 = arith.index_cast %get3A_635 : i32 to index
    %get3A_637 = arith.constant 80 : index
    %get3A_638 = tpu.vector_load %arg5[%get3A_636, %get3A_637] {strides = array<i32>} : memref<16x256xf32, #tpu.memory_space<vmem>>, vector<1x16xf32>,
    %get3A_639 = vector.shape_cast %get3A_638 : vector<1x16xf32> to vector<16xf32>
    %gt3A_640 = arith.cmpf ogt, %get3A_639, %select_n3A_634 : vector<16xf32>
    %broadcast_in_dim3A_641 = arith.constant 3 : i32
    %broadcast_in_dim3A_642 = vector.broadcast %broadcast_in_dim3A_641 : i32 to vector<16xi32>
    %select_n3A_643 = arith.select %gt3A_640, %broadcast_in_dim3A_642, %select_n3A_633 : vector<16xi1>, vector<16xi32>
    %select_n3A_644 = arith.select %gt3A_640, %get3A_639, %select_n3A_634 : vector<16xi1>, vector<16xf32>
    %get3A_645 = arith.constant 6 : i32
    %get3A_646 = arith.index_cast %get3A_645 : i32 to index
    %get3A_647 = arith.constant 80 : index
    %get3A_648 = tpu.vector_load %arg5[%get3A_646, %get3A_647] {strides = array<i32>} : memref<16x256xf32, #tpu.memory_space<vmem>>, vector<1x16xf32>,
    %get3A_649 = vector.shape_cast %get3A_648 : vector<1x16xf32> to vector<16xf32>
    %gt3A_650 = arith.cmpf ogt, %get3A_649, %select_n3A_644 : vector<16xf32>
    %broadcast_in_dim3A_651 = arith.constant 4 : i32
    %broadcast_in_dim3A_652 = vector.broadcast %broadcast_in_dim3A_651 : i32 to vector<16xi32>
    %select_n3A_653 = arith.select %gt3A_650, %broadcast_in_dim3A_652, %select_n3A_643 : vector<16xi1>, vector<16xi32>
    %select_n3A_654 = arith.select %gt3A_650, %get3A_649, %select_n3A_644 : vector<16xi1>, vector<16xf32>
    %get3A_655 = arith.constant 7 : i32
    %get3A_656 = arith.index_cast %get3A_655 : i32 to index
    %get3A_657 = arith.constant 80 : index
    %get3A_658 = tpu.vector_load %arg5[%get3A_656, %get3A_657] {strides = array<i32>} : memref<16x256xf32, #tpu.memory_space<vmem>>, vector<1x16xf32>,
    %get3A_659 = vector.shape_cast %get3A_658 : vector<1x16xf32> to vector<16xf32>
    %gt3A_660 = arith.cmpf ogt, %get3A_659, %select_n3A_654 : vector<16xf32>
    %broadcast_in_dim3A_661 = arith.constant 5 : i32
    %broadcast_in_dim3A_662 = vector.broadcast %broadcast_in_dim3A_661 : i32 to vector<16xi32>
    %select_n3A_663 = arith.select %gt3A_660, %broadcast_in_dim3A_662, %select_n3A_653 : vector<16xi1>, vector<16xi32>
    %select_n3A_664 = arith.select %gt3A_660, %get3A_659, %select_n3A_654 : vector<16xi1>, vector<16xf32>
    %get3A_665 = arith.constant 8 : i32
    %get3A_666 = arith.index_cast %get3A_665 : i32 to index
    %get3A_667 = arith.constant 80 : index
    %get3A_668 = tpu.vector_load %arg5[%get3A_666, %get3A_667] {strides = array<i32>} : memref<16x256xf32, #tpu.memory_space<vmem>>, vector<1x16xf32>,
    %get3A_669 = vector.shape_cast %get3A_668 : vector<1x16xf32> to vector<16xf32>
    %gt3A_670 = arith.cmpf ogt, %get3A_669, %select_n3A_664 : vector<16xf32>
    %broadcast_in_dim3A_671 = arith.constant 6 : i32
    %broadcast_in_dim3A_672 = vector.broadcast %broadcast_in_dim3A_671 : i32 to vector<16xi32>
    %select_n3A_673 = arith.select %gt3A_670, %broadcast_in_dim3A_672, %select_n3A_663 : vector<16xi1>, vector<16xi32>
    %select_n3A_674 = arith.select %gt3A_670, %get3A_669, %select_n3A_664 : vector<16xi1>, vector<16xf32>
    %mul3A_675 = arith.constant 4.000000e+00 : f32
    %mul3A_676 = vector.broadcast %mul3A_675 : f32 to vector<16xf32>
    %mul3A_677 = arith.mulf %get3A_602, %mul3A_676 : vector<16xf32>
    %convert_element_type3A_678 = arith.fptosi %mul3A_677 : vector<16xf32> to vector<16xi32>
    %jit3A_679 = arith.constant 0 : i32
    %jit3A_680 = arith.constant 3 : i32
    %max3A_681 = vector.broadcast %jit3A_679 : i32 to vector<16xi32>
    %max3A_682 = arith.maxsi %max3A_681, %convert_element_type3A_678 : vector<16xi32>
    %min3A_683 = vector.broadcast %jit3A_680 : i32 to vector<16xi32>
    %min3A_684 = arith.minsi %min3A_683, %max3A_682 : vector<16xi32>
    %mul3A_685 = arith.constant 4.000000e+00 : f32
    %mul3A_686 = vector.broadcast %mul3A_685 : f32 to vector<16xf32>
    %mul3A_687 = arith.mulf %get3A_607, %mul3A_686 : vector<16xf32>
    %convert_element_type3A_688 = arith.fptosi %mul3A_687 : vector<16xf32> to vector<16xi32>
    %jit3A_689 = arith.constant 0 : i32
    %jit3A_690 = arith.constant 3 : i32
    %max3A_691 = vector.broadcast %jit3A_689 : i32 to vector<16xi32>
    %max3A_692 = arith.maxsi %max3A_691, %convert_element_type3A_688 : vector<16xi32>
    %min3A_693 = vector.broadcast %jit3A_690 : i32 to vector<16xi32>
    %min3A_694 = arith.minsi %min3A_693, %max3A_692 : vector<16xi32>
    %gt3A_695 = arith.constant 7.500000e-01 : f32
    %gt3A_696 = vector.broadcast %gt3A_695 : f32 to vector<16xf32>
    %gt3A_697 = arith.cmpf ogt, %get3A_602, %gt3A_696 : vector<16xf32>
    %add3A_698 = arith.constant 16 : i32
    %add3A_699 = vector.broadcast %add3A_698 : i32 to vector<16xi32>
    %add3A_700 = arith.addi %add3A_699, %select_n3A_673 : vector<16xi32>
    %mul3A_701 = arith.constant 4 : i32
    %mul3A_702 = vector.broadcast %mul3A_701 : i32 to vector<16xi32>
    %mul3A_703 = arith.muli %min3A_684, %mul3A_702 : vector<16xi32>
    %add3A_704 = arith.addi %mul3A_703, %min3A_694 : vector<16xi32>
    %select_n3A_705 = arith.select %gt3A_697, %add3A_700, %add3A_704 : vector<16xi1>, vector<16xi32>
    %get3A_706 = arith.constant 80 : index
    %get3A_707 = tpu.vector_load %arg6[%get3A_706] {strides = array<i32>} : memref<256xi32, #tpu.memory_space<vmem>>, vector<16xi32>,
    %get3A_708 = vector.shape_cast %get3A_707 : vector<16xi32> to vector<16xi32>
    %eq3A_709 = arith.constant 1 : i32
    %eq3A_710 = vector.broadcast %eq3A_709 : i32 to vector<16xi32>
    %eq3A_711 = arith.cmpi eq, %get3A_708, %eq3A_710 : vector<16xi32>
    %jit3A_712 = arith.constant 24 : i32
    %broadcast_in_dim3A_713 = vector.broadcast %jit3A_712 : i32 to vector<16xi32>
    %select_n3A_714 = arith.select %eq3A_711, %broadcast_in_dim3A_713, %select_n3A_705 : vector<16xi1>, vector<16xi32>
    %swap3A_715 = arith.constant 80 : index
    %swap3A_716 = tpu.vector_load %arg7[%swap3A_715] {strides = array<i32>} : memref<256xi32, #tpu.memory_space<vmem>>, vector<16xi32>,
    %swap3A_717 = vector.shape_cast %swap3A_716 : vector<16xi32> to vector<16xi32>
    %swap3A_718 = vector.shape_cast %select_n3A_714 : vector<16xi32> to vector<16xi32>
    tpu.vector_store %arg7[%swap3A_715], %swap3A_718 {strides = array<i32>} : memref<256xi32, #tpu.memory_space<vmem>>, vector<16xi32>,
    %get3A_719 = arith.constant 0 : i32
    %get3A_720 = arith.index_cast %get3A_719 : i32 to index
    %get3A_721 = arith.constant 96 : index
    %get3A_722 = tpu.vector_load %arg5[%get3A_720, %get3A_721] {strides = array<i32>} : memref<16x256xf32, #tpu.memory_space<vmem>>, vector<1x16xf32>,
    %get3A_723 = vector.shape_cast %get3A_722 : vector<1x16xf32> to vector<16xf32>
    %get3A_724 = arith.constant 1 : i32
    %get3A_725 = arith.index_cast %get3A_724 : i32 to index
    %get3A_726 = arith.constant 96 : index
    %get3A_727 = tpu.vector_load %arg5[%get3A_725, %get3A_726] {strides = array<i32>} : memref<16x256xf32, #tpu.memory_space<vmem>>, vector<1x16xf32>,
    %get3A_728 = vector.shape_cast %get3A_727 : vector<1x16xf32> to vector<16xf32>
    %get3A_729 = arith.constant 2 : i32
    %get3A_730 = arith.index_cast %get3A_729 : i32 to index
    %get3A_731 = arith.constant 96 : index
    %get3A_732 = tpu.vector_load %arg5[%get3A_730, %get3A_731] {strides = array<i32>} : memref<16x256xf32, #tpu.memory_space<vmem>>, vector<1x16xf32>,
    %get3A_733 = vector.shape_cast %get3A_732 : vector<1x16xf32> to vector<16xf32>
    %broadcast_in_dim3A_734 = arith.constant 0 : i32
    %broadcast_in_dim3A_735 = vector.broadcast %broadcast_in_dim3A_734 : i32 to vector<16xi32>
    %get3A_736 = arith.constant 3 : i32
    %get3A_737 = arith.index_cast %get3A_736 : i32 to index
    %get3A_738 = arith.constant 96 : index
    %get3A_739 = tpu.vector_load %arg5[%get3A_737, %get3A_738] {strides = array<i32>} : memref<16x256xf32, #tpu.memory_space<vmem>>, vector<1x16xf32>,
    %get3A_740 = vector.shape_cast %get3A_739 : vector<1x16xf32> to vector<16xf32>
    %gt3A_741 = arith.cmpf ogt, %get3A_740, %get3A_733 : vector<16xf32>
    %broadcast_in_dim3A_742 = arith.constant 1 : i32
    %broadcast_in_dim3A_743 = vector.broadcast %broadcast_in_dim3A_742 : i32 to vector<16xi32>
    %select_n3A_744 = arith.select %gt3A_741, %broadcast_in_dim3A_743, %broadcast_in_dim3A_735 : vector<16xi1>, vector<16xi32>
    %select_n3A_745 = arith.select %gt3A_741, %get3A_740, %get3A_733 : vector<16xi1>, vector<16xf32>
    %get3A_746 = arith.constant 4 : i32
    %get3A_747 = arith.index_cast %get3A_746 : i32 to index
    %get3A_748 = arith.constant 96 : index
    %get3A_749 = tpu.vector_load %arg5[%get3A_747, %get3A_748] {strides = array<i32>} : memref<16x256xf32, #tpu.memory_space<vmem>>, vector<1x16xf32>,
    %get3A_750 = vector.shape_cast %get3A_749 : vector<1x16xf32> to vector<16xf32>
    %gt3A_751 = arith.cmpf ogt, %get3A_750, %select_n3A_745 : vector<16xf32>
    %broadcast_in_dim3A_752 = arith.constant 2 : i32
    %broadcast_in_dim3A_753 = vector.broadcast %broadcast_in_dim3A_752 : i32 to vector<16xi32>
    %select_n3A_754 = arith.select %gt3A_751, %broadcast_in_dim3A_753, %select_n3A_744 : vector<16xi1>, vector<16xi32>
    %select_n3A_755 = arith.select %gt3A_751, %get3A_750, %select_n3A_745 : vector<16xi1>, vector<16xf32>
    %get3A_756 = arith.constant 5 : i32
    %get3A_757 = arith.index_cast %get3A_756 : i32 to index
    %get3A_758 = arith.constant 96 : index
    %get3A_759 = tpu.vector_load %arg5[%get3A_757, %get3A_758] {strides = array<i32>} : memref<16x256xf32, #tpu.memory_space<vmem>>, vector<1x16xf32>,
    %get3A_760 = vector.shape_cast %get3A_759 : vector<1x16xf32> to vector<16xf32>
    %gt3A_761 = arith.cmpf ogt, %get3A_760, %select_n3A_755 : vector<16xf32>
    %broadcast_in_dim3A_762 = arith.constant 3 : i32
    %broadcast_in_dim3A_763 = vector.broadcast %broadcast_in_dim3A_762 : i32 to vector<16xi32>
    %select_n3A_764 = arith.select %gt3A_761, %broadcast_in_dim3A_763, %select_n3A_754 : vector<16xi1>, vector<16xi32>
    %select_n3A_765 = arith.select %gt3A_761, %get3A_760, %select_n3A_755 : vector<16xi1>, vector<16xf32>
    %get3A_766 = arith.constant 6 : i32
    %get3A_767 = arith.index_cast %get3A_766 : i32 to index
    %get3A_768 = arith.constant 96 : index
    %get3A_769 = tpu.vector_load %arg5[%get3A_767, %get3A_768] {strides = array<i32>} : memref<16x256xf32, #tpu.memory_space<vmem>>, vector<1x16xf32>,
    %get3A_770 = vector.shape_cast %get3A_769 : vector<1x16xf32> to vector<16xf32>
    %gt3A_771 = arith.cmpf ogt, %get3A_770, %select_n3A_765 : vector<16xf32>
    %broadcast_in_dim3A_772 = arith.constant 4 : i32
    %broadcast_in_dim3A_773 = vector.broadcast %broadcast_in_dim3A_772 : i32 to vector<16xi32>
    %select_n3A_774 = arith.select %gt3A_771, %broadcast_in_dim3A_773, %select_n3A_764 : vector<16xi1>, vector<16xi32>
    %select_n3A_775 = arith.select %gt3A_771, %get3A_770, %select_n3A_765 : vector<16xi1>, vector<16xf32>
    %get3A_776 = arith.constant 7 : i32
    %get3A_777 = arith.index_cast %get3A_776 : i32 to index
    %get3A_778 = arith.constant 96 : index
    %get3A_779 = tpu.vector_load %arg5[%get3A_777, %get3A_778] {strides = array<i32>} : memref<16x256xf32, #tpu.memory_space<vmem>>, vector<1x16xf32>,
    %get3A_780 = vector.shape_cast %get3A_779 : vector<1x16xf32> to vector<16xf32>
    %gt3A_781 = arith.cmpf ogt, %get3A_780, %select_n3A_775 : vector<16xf32>
    %broadcast_in_dim3A_782 = arith.constant 5 : i32
    %broadcast_in_dim3A_783 = vector.broadcast %broadcast_in_dim3A_782 : i32 to vector<16xi32>
    %select_n3A_784 = arith.select %gt3A_781, %broadcast_in_dim3A_783, %select_n3A_774 : vector<16xi1>, vector<16xi32>
    %select_n3A_785 = arith.select %gt3A_781, %get3A_780, %select_n3A_775 : vector<16xi1>, vector<16xf32>
    %get3A_786 = arith.constant 8 : i32
    %get3A_787 = arith.index_cast %get3A_786 : i32 to index
    %get3A_788 = arith.constant 96 : index
    %get3A_789 = tpu.vector_load %arg5[%get3A_787, %get3A_788] {strides = array<i32>} : memref<16x256xf32, #tpu.memory_space<vmem>>, vector<1x16xf32>,
    %get3A_790 = vector.shape_cast %get3A_789 : vector<1x16xf32> to vector<16xf32>
    %gt3A_791 = arith.cmpf ogt, %get3A_790, %select_n3A_785 : vector<16xf32>
    %broadcast_in_dim3A_792 = arith.constant 6 : i32
    %broadcast_in_dim3A_793 = vector.broadcast %broadcast_in_dim3A_792 : i32 to vector<16xi32>
    %select_n3A_794 = arith.select %gt3A_791, %broadcast_in_dim3A_793, %select_n3A_784 : vector<16xi1>, vector<16xi32>
    %select_n3A_795 = arith.select %gt3A_791, %get3A_790, %select_n3A_785 : vector<16xi1>, vector<16xf32>
    %mul3A_796 = arith.constant 4.000000e+00 : f32
    %mul3A_797 = vector.broadcast %mul3A_796 : f32 to vector<16xf32>
    %mul3A_798 = arith.mulf %get3A_723, %mul3A_797 : vector<16xf32>
    %convert_element_type3A_799 = arith.fptosi %mul3A_798 : vector<16xf32> to vector<16xi32>
    %jit3A_800 = arith.constant 0 : i32
    %jit3A_801 = arith.constant 3 : i32
    %max3A_802 = vector.broadcast %jit3A_800 : i32 to vector<16xi32>
    %max3A_803 = arith.maxsi %max3A_802, %convert_element_type3A_799 : vector<16xi32>
    %min3A_804 = vector.broadcast %jit3A_801 : i32 to vector<16xi32>
    %min3A_805 = arith.minsi %min3A_804, %max3A_803 : vector<16xi32>
    %mul3A_806 = arith.constant 4.000000e+00 : f32
    %mul3A_807 = vector.broadcast %mul3A_806 : f32 to vector<16xf32>
    %mul3A_808 = arith.mulf %get3A_728, %mul3A_807 : vector<16xf32>
    %convert_element_type3A_809 = arith.fptosi %mul3A_808 : vector<16xf32> to vector<16xi32>
    %jit3A_810 = arith.constant 0 : i32
    %jit3A_811 = arith.constant 3 : i32
    %max3A_812 = vector.broadcast %jit3A_810 : i32 to vector<16xi32>
    %max3A_813 = arith.maxsi %max3A_812, %convert_element_type3A_809 : vector<16xi32>
    %min3A_814 = vector.broadcast %jit3A_811 : i32 to vector<16xi32>
    %min3A_815 = arith.minsi %min3A_814, %max3A_813 : vector<16xi32>
    %gt3A_816 = arith.constant 7.500000e-01 : f32
    %gt3A_817 = vector.broadcast %gt3A_816 : f32 to vector<16xf32>
    %gt3A_818 = arith.cmpf ogt, %get3A_723, %gt3A_817 : vector<16xf32>
    %add3A_819 = arith.constant 16 : i32
    %add3A_820 = vector.broadcast %add3A_819 : i32 to vector<16xi32>
    %add3A_821 = arith.addi %add3A_820, %select_n3A_794 : vector<16xi32>
    %mul3A_822 = arith.constant 4 : i32
    %mul3A_823 = vector.broadcast %mul3A_822 : i32 to vector<16xi32>
    %mul3A_824 = arith.muli %min3A_805, %mul3A_823 : vector<16xi32>
    %add3A_825 = arith.addi %mul3A_824, %min3A_815 : vector<16xi32>
    %select_n3A_826 = arith.select %gt3A_818, %add3A_821, %add3A_825 : vector<16xi1>, vector<16xi32>
    %get3A_827 = arith.constant 96 : index
    %get3A_828 = tpu.vector_load %arg6[%get3A_827] {strides = array<i32>} : memref<256xi32, #tpu.memory_space<vmem>>, vector<16xi32>,
    %get3A_829 = vector.shape_cast %get3A_828 : vector<16xi32> to vector<16xi32>
    %eq3A_830 = arith.constant 1 : i32
    %eq3A_831 = vector.broadcast %eq3A_830 : i32 to vector<16xi32>
    %eq3A_832 = arith.cmpi eq, %get3A_829, %eq3A_831 : vector<16xi32>
    %jit3A_833 = arith.constant 24 : i32
    %broadcast_in_dim3A_834 = vector.broadcast %jit3A_833 : i32 to vector<16xi32>
    %select_n3A_835 = arith.select %eq3A_832, %broadcast_in_dim3A_834, %select_n3A_826 : vector<16xi1>, vector<16xi32>
    %swap3A_836 = arith.constant 96 : index
    %swap3A_837 = tpu.vector_load %arg7[%swap3A_836] {strides = array<i32>} : memref<256xi32, #tpu.memory_space<vmem>>, vector<16xi32>,
    %swap3A_838 = vector.shape_cast %swap3A_837 : vector<16xi32> to vector<16xi32>
    %swap3A_839 = vector.shape_cast %select_n3A_835 : vector<16xi32> to vector<16xi32>
    tpu.vector_store %arg7[%swap3A_836], %swap3A_839 {strides = array<i32>} : memref<256xi32, #tpu.memory_space<vmem>>, vector<16xi32>,
    %get3A_840 = arith.constant 0 : i32
    %get3A_841 = arith.index_cast %get3A_840 : i32 to index
    %get3A_842 = arith.constant 112 : index
    %get3A_843 = tpu.vector_load %arg5[%get3A_841, %get3A_842] {strides = array<i32>} : memref<16x256xf32, #tpu.memory_space<vmem>>, vector<1x16xf32>,
    %get3A_844 = vector.shape_cast %get3A_843 : vector<1x16xf32> to vector<16xf32>
    %get3A_845 = arith.constant 1 : i32
    %get3A_846 = arith.index_cast %get3A_845 : i32 to index
    %get3A_847 = arith.constant 112 : index
    %get3A_848 = tpu.vector_load %arg5[%get3A_846, %get3A_847] {strides = array<i32>} : memref<16x256xf32, #tpu.memory_space<vmem>>, vector<1x16xf32>,
    %get3A_849 = vector.shape_cast %get3A_848 : vector<1x16xf32> to vector<16xf32>
    %get3A_850 = arith.constant 2 : i32
    %get3A_851 = arith.index_cast %get3A_850 : i32 to index
    %get3A_852 = arith.constant 112 : index
    %get3A_853 = tpu.vector_load %arg5[%get3A_851, %get3A_852] {strides = array<i32>} : memref<16x256xf32, #tpu.memory_space<vmem>>, vector<1x16xf32>,
    %get3A_854 = vector.shape_cast %get3A_853 : vector<1x16xf32> to vector<16xf32>
    %broadcast_in_dim3A_855 = arith.constant 0 : i32
    %broadcast_in_dim3A_856 = vector.broadcast %broadcast_in_dim3A_855 : i32 to vector<16xi32>
    %get3A_857 = arith.constant 3 : i32
    %get3A_858 = arith.index_cast %get3A_857 : i32 to index
    %get3A_859 = arith.constant 112 : index
    %get3A_860 = tpu.vector_load %arg5[%get3A_858, %get3A_859] {strides = array<i32>} : memref<16x256xf32, #tpu.memory_space<vmem>>, vector<1x16xf32>,
    %get3A_861 = vector.shape_cast %get3A_860 : vector<1x16xf32> to vector<16xf32>
    %gt3A_862 = arith.cmpf ogt, %get3A_861, %get3A_854 : vector<16xf32>
    %broadcast_in_dim3A_863 = arith.constant 1 : i32
    %broadcast_in_dim3A_864 = vector.broadcast %broadcast_in_dim3A_863 : i32 to vector<16xi32>
    %select_n3A_865 = arith.select %gt3A_862, %broadcast_in_dim3A_864, %broadcast_in_dim3A_856 : vector<16xi1>, vector<16xi32>
    %select_n3A_866 = arith.select %gt3A_862, %get3A_861, %get3A_854 : vector<16xi1>, vector<16xf32>
    %get3A_867 = arith.constant 4 : i32
    %get3A_868 = arith.index_cast %get3A_867 : i32 to index
    %get3A_869 = arith.constant 112 : index
    %get3A_870 = tpu.vector_load %arg5[%get3A_868, %get3A_869] {strides = array<i32>} : memref<16x256xf32, #tpu.memory_space<vmem>>, vector<1x16xf32>,
    %get3A_871 = vector.shape_cast %get3A_870 : vector<1x16xf32> to vector<16xf32>
    %gt3A_872 = arith.cmpf ogt, %get3A_871, %select_n3A_866 : vector<16xf32>
    %broadcast_in_dim3A_873 = arith.constant 2 : i32
    %broadcast_in_dim3A_874 = vector.broadcast %broadcast_in_dim3A_873 : i32 to vector<16xi32>
    %select_n3A_875 = arith.select %gt3A_872, %broadcast_in_dim3A_874, %select_n3A_865 : vector<16xi1>, vector<16xi32>
    %select_n3A_876 = arith.select %gt3A_872, %get3A_871, %select_n3A_866 : vector<16xi1>, vector<16xf32>
    %get3A_877 = arith.constant 5 : i32
    %get3A_878 = arith.index_cast %get3A_877 : i32 to index
    %get3A_879 = arith.constant 112 : index
    %get3A_880 = tpu.vector_load %arg5[%get3A_878, %get3A_879] {strides = array<i32>} : memref<16x256xf32, #tpu.memory_space<vmem>>, vector<1x16xf32>,
    %get3A_881 = vector.shape_cast %get3A_880 : vector<1x16xf32> to vector<16xf32>
    %gt3A_882 = arith.cmpf ogt, %get3A_881, %select_n3A_876 : vector<16xf32>
    %broadcast_in_dim3A_883 = arith.constant 3 : i32
    %broadcast_in_dim3A_884 = vector.broadcast %broadcast_in_dim3A_883 : i32 to vector<16xi32>
    %select_n3A_885 = arith.select %gt3A_882, %broadcast_in_dim3A_884, %select_n3A_875 : vector<16xi1>, vector<16xi32>
    %select_n3A_886 = arith.select %gt3A_882, %get3A_881, %select_n3A_876 : vector<16xi1>, vector<16xf32>
    %get3A_887 = arith.constant 6 : i32
    %get3A_888 = arith.index_cast %get3A_887 : i32 to index
    %get3A_889 = arith.constant 112 : index
    %get3A_890 = tpu.vector_load %arg5[%get3A_888, %get3A_889] {strides = array<i32>} : memref<16x256xf32, #tpu.memory_space<vmem>>, vector<1x16xf32>,
    %get3A_891 = vector.shape_cast %get3A_890 : vector<1x16xf32> to vector<16xf32>
    %gt3A_892 = arith.cmpf ogt, %get3A_891, %select_n3A_886 : vector<16xf32>
    %broadcast_in_dim3A_893 = arith.constant 4 : i32
    %broadcast_in_dim3A_894 = vector.broadcast %broadcast_in_dim3A_893 : i32 to vector<16xi32>
    %select_n3A_895 = arith.select %gt3A_892, %broadcast_in_dim3A_894, %select_n3A_885 : vector<16xi1>, vector<16xi32>
    %select_n3A_896 = arith.select %gt3A_892, %get3A_891, %select_n3A_886 : vector<16xi1>, vector<16xf32>
    %get3A_897 = arith.constant 7 : i32
    %get3A_898 = arith.index_cast %get3A_897 : i32 to index
    %get3A_899 = arith.constant 112 : index
    %get3A_900 = tpu.vector_load %arg5[%get3A_898, %get3A_899] {strides = array<i32>} : memref<16x256xf32, #tpu.memory_space<vmem>>, vector<1x16xf32>,
    %get3A_901 = vector.shape_cast %get3A_900 : vector<1x16xf32> to vector<16xf32>
    %gt3A_902 = arith.cmpf ogt, %get3A_901, %select_n3A_896 : vector<16xf32>
    %broadcast_in_dim3A_903 = arith.constant 5 : i32
    %broadcast_in_dim3A_904 = vector.broadcast %broadcast_in_dim3A_903 : i32 to vector<16xi32>
    %select_n3A_905 = arith.select %gt3A_902, %broadcast_in_dim3A_904, %select_n3A_895 : vector<16xi1>, vector<16xi32>
    %select_n3A_906 = arith.select %gt3A_902, %get3A_901, %select_n3A_896 : vector<16xi1>, vector<16xf32>
    %get3A_907 = arith.constant 8 : i32
    %get3A_908 = arith.index_cast %get3A_907 : i32 to index
    %get3A_909 = arith.constant 112 : index
    %get3A_910 = tpu.vector_load %arg5[%get3A_908, %get3A_909] {strides = array<i32>} : memref<16x256xf32, #tpu.memory_space<vmem>>, vector<1x16xf32>,
    %get3A_911 = vector.shape_cast %get3A_910 : vector<1x16xf32> to vector<16xf32>
    %gt3A_912 = arith.cmpf ogt, %get3A_911, %select_n3A_906 : vector<16xf32>
    %broadcast_in_dim3A_913 = arith.constant 6 : i32
    %broadcast_in_dim3A_914 = vector.broadcast %broadcast_in_dim3A_913 : i32 to vector<16xi32>
    %select_n3A_915 = arith.select %gt3A_912, %broadcast_in_dim3A_914, %select_n3A_905 : vector<16xi1>, vector<16xi32>
    %select_n3A_916 = arith.select %gt3A_912, %get3A_911, %select_n3A_906 : vector<16xi1>, vector<16xf32>
    %mul3A_917 = arith.constant 4.000000e+00 : f32
    %mul3A_918 = vector.broadcast %mul3A_917 : f32 to vector<16xf32>
    %mul3A_919 = arith.mulf %get3A_844, %mul3A_918 : vector<16xf32>
    %convert_element_type3A_920 = arith.fptosi %mul3A_919 : vector<16xf32> to vector<16xi32>
    %jit3A_921 = arith.constant 0 : i32
    %jit3A_922 = arith.constant 3 : i32
    %max3A_923 = vector.broadcast %jit3A_921 : i32 to vector<16xi32>
    %max3A_924 = arith.maxsi %max3A_923, %convert_element_type3A_920 : vector<16xi32>
    %min3A_925 = vector.broadcast %jit3A_922 : i32 to vector<16xi32>
    %min3A_926 = arith.minsi %min3A_925, %max3A_924 : vector<16xi32>
    %mul3A_927 = arith.constant 4.000000e+00 : f32
    %mul3A_928 = vector.broadcast %mul3A_927 : f32 to vector<16xf32>
    %mul3A_929 = arith.mulf %get3A_849, %mul3A_928 : vector<16xf32>
    %convert_element_type3A_930 = arith.fptosi %mul3A_929 : vector<16xf32> to vector<16xi32>
    %jit3A_931 = arith.constant 0 : i32
    %jit3A_932 = arith.constant 3 : i32
    %max3A_933 = vector.broadcast %jit3A_931 : i32 to vector<16xi32>
    %max3A_934 = arith.maxsi %max3A_933, %convert_element_type3A_930 : vector<16xi32>
    %min3A_935 = vector.broadcast %jit3A_932 : i32 to vector<16xi32>
    %min3A_936 = arith.minsi %min3A_935, %max3A_934 : vector<16xi32>
    %gt3A_937 = arith.constant 7.500000e-01 : f32
    %gt3A_938 = vector.broadcast %gt3A_937 : f32 to vector<16xf32>
    %gt3A_939 = arith.cmpf ogt, %get3A_844, %gt3A_938 : vector<16xf32>
    %add3A_940 = arith.constant 16 : i32
    %add3A_941 = vector.broadcast %add3A_940 : i32 to vector<16xi32>
    %add3A_942 = arith.addi %add3A_941, %select_n3A_915 : vector<16xi32>
    %mul3A_943 = arith.constant 4 : i32
    %mul3A_944 = vector.broadcast %mul3A_943 : i32 to vector<16xi32>
    %mul3A_945 = arith.muli %min3A_926, %mul3A_944 : vector<16xi32>
    %add3A_946 = arith.addi %mul3A_945, %min3A_936 : vector<16xi32>
    %select_n3A_947 = arith.select %gt3A_939, %add3A_942, %add3A_946 : vector<16xi1>, vector<16xi32>
    %get3A_948 = arith.constant 112 : index
    %get3A_949 = tpu.vector_load %arg6[%get3A_948] {strides = array<i32>} : memref<256xi32, #tpu.memory_space<vmem>>, vector<16xi32>,
    %get3A_950 = vector.shape_cast %get3A_949 : vector<16xi32> to vector<16xi32>
    %eq3A_951 = arith.constant 1 : i32
    %eq3A_952 = vector.broadcast %eq3A_951 : i32 to vector<16xi32>
    %eq3A_953 = arith.cmpi eq, %get3A_950, %eq3A_952 : vector<16xi32>
    %jit3A_954 = arith.constant 24 : i32
    %broadcast_in_dim3A_955 = vector.broadcast %jit3A_954 : i32 to vector<16xi32>
    %select_n3A_956 = arith.select %eq3A_953, %broadcast_in_dim3A_955, %select_n3A_947 : vector<16xi1>, vector<16xi32>
    %swap3A_957 = arith.constant 112 : index
    %swap3A_958 = tpu.vector_load %arg7[%swap3A_957] {strides = array<i32>} : memref<256xi32, #tpu.memory_space<vmem>>, vector<16xi32>,
    %swap3A_959 = vector.shape_cast %swap3A_958 : vector<16xi32> to vector<16xi32>
    %swap3A_960 = vector.shape_cast %select_n3A_956 : vector<16xi32> to vector<16xi32>
    tpu.vector_store %arg7[%swap3A_957], %swap3A_960 {strides = array<i32>} : memref<256xi32, #tpu.memory_space<vmem>>, vector<16xi32>,
    %get3A_961 = arith.constant 0 : i32
    %get3A_962 = arith.index_cast %get3A_961 : i32 to index
    %get3A_963 = arith.constant 128 : index
    %get3A_964 = tpu.vector_load %arg5[%get3A_962, %get3A_963] {strides = array<i32>} : memref<16x256xf32, #tpu.memory_space<vmem>>, vector<1x16xf32>,
    %get3A_965 = vector.shape_cast %get3A_964 : vector<1x16xf32> to vector<16xf32>
    %get3A_966 = arith.constant 1 : i32
    %get3A_967 = arith.index_cast %get3A_966 : i32 to index
    %get3A_968 = arith.constant 128 : index
    %get3A_969 = tpu.vector_load %arg5[%get3A_967, %get3A_968] {strides = array<i32>} : memref<16x256xf32, #tpu.memory_space<vmem>>, vector<1x16xf32>,
    %get3A_970 = vector.shape_cast %get3A_969 : vector<1x16xf32> to vector<16xf32>
    %get3A_971 = arith.constant 2 : i32
    %get3A_972 = arith.index_cast %get3A_971 : i32 to index
    %get3A_973 = arith.constant 128 : index
    %get3A_974 = tpu.vector_load %arg5[%get3A_972, %get3A_973] {strides = array<i32>} : memref<16x256xf32, #tpu.memory_space<vmem>>, vector<1x16xf32>,
    %get3A_975 = vector.shape_cast %get3A_974 : vector<1x16xf32> to vector<16xf32>
    %broadcast_in_dim3A_976 = arith.constant 0 : i32
    %broadcast_in_dim3A_977 = vector.broadcast %broadcast_in_dim3A_976 : i32 to vector<16xi32>
    %get3A_978 = arith.constant 3 : i32
    %get3A_979 = arith.index_cast %get3A_978 : i32 to index
    %get3A_980 = arith.constant 128 : index
    %get3A_981 = tpu.vector_load %arg5[%get3A_979, %get3A_980] {strides = array<i32>} : memref<16x256xf32, #tpu.memory_space<vmem>>, vector<1x16xf32>,
    %get3A_982 = vector.shape_cast %get3A_981 : vector<1x16xf32> to vector<16xf32>
    %gt3A_983 = arith.cmpf ogt, %get3A_982, %get3A_975 : vector<16xf32>
    %broadcast_in_dim3A_984 = arith.constant 1 : i32
    %broadcast_in_dim3A_985 = vector.broadcast %broadcast_in_dim3A_984 : i32 to vector<16xi32>
    %select_n3A_986 = arith.select %gt3A_983, %broadcast_in_dim3A_985, %broadcast_in_dim3A_977 : vector<16xi1>, vector<16xi32>
    %select_n3A_987 = arith.select %gt3A_983, %get3A_982, %get3A_975 : vector<16xi1>, vector<16xf32>
    %get3A_988 = arith.constant 4 : i32
    %get3A_989 = arith.index_cast %get3A_988 : i32 to index
    %get3A_990 = arith.constant 128 : index
    %get3A_991 = tpu.vector_load %arg5[%get3A_989, %get3A_990] {strides = array<i32>} : memref<16x256xf32, #tpu.memory_space<vmem>>, vector<1x16xf32>,
    %get3A_992 = vector.shape_cast %get3A_991 : vector<1x16xf32> to vector<16xf32>
    %gt3A_993 = arith.cmpf ogt, %get3A_992, %select_n3A_987 : vector<16xf32>
    %broadcast_in_dim3A_994 = arith.constant 2 : i32
    %broadcast_in_dim3A_995 = vector.broadcast %broadcast_in_dim3A_994 : i32 to vector<16xi32>
    %select_n3A_996 = arith.select %gt3A_993, %broadcast_in_dim3A_995, %select_n3A_986 : vector<16xi1>, vector<16xi32>
    %select_n3A_997 = arith.select %gt3A_993, %get3A_992, %select_n3A_987 : vector<16xi1>, vector<16xf32>
    %get3A_998 = arith.constant 5 : i32
    %get3A_999 = arith.index_cast %get3A_998 : i32 to index
    %get3A_1000 = arith.constant 128 : index
    %get3A_1001 = tpu.vector_load %arg5[%get3A_999, %get3A_1000] {strides = array<i32>} : memref<16x256xf32, #tpu.memory_space<vmem>>, vector<1x16xf32>,
    %get3A_1002 = vector.shape_cast %get3A_1001 : vector<1x16xf32> to vector<16xf32>
    %gt3A_1003 = arith.cmpf ogt, %get3A_1002, %select_n3A_997 : vector<16xf32>
    %broadcast_in_dim3A_1004 = arith.constant 3 : i32
    %broadcast_in_dim3A_1005 = vector.broadcast %broadcast_in_dim3A_1004 : i32 to vector<16xi32>
    %select_n3A_1006 = arith.select %gt3A_1003, %broadcast_in_dim3A_1005, %select_n3A_996 : vector<16xi1>, vector<16xi32>
    %select_n3A_1007 = arith.select %gt3A_1003, %get3A_1002, %select_n3A_997 : vector<16xi1>, vector<16xf32>
    %get3A_1008 = arith.constant 6 : i32
    %get3A_1009 = arith.index_cast %get3A_1008 : i32 to index
    %get3A_1010 = arith.constant 128 : index
    %get3A_1011 = tpu.vector_load %arg5[%get3A_1009, %get3A_1010] {strides = array<i32>} : memref<16x256xf32, #tpu.memory_space<vmem>>, vector<1x16xf32>,
    %get3A_1012 = vector.shape_cast %get3A_1011 : vector<1x16xf32> to vector<16xf32>
    %gt3A_1013 = arith.cmpf ogt, %get3A_1012, %select_n3A_1007 : vector<16xf32>
    %broadcast_in_dim3A_1014 = arith.constant 4 : i32
    %broadcast_in_dim3A_1015 = vector.broadcast %broadcast_in_dim3A_1014 : i32 to vector<16xi32>
    %select_n3A_1016 = arith.select %gt3A_1013, %broadcast_in_dim3A_1015, %select_n3A_1006 : vector<16xi1>, vector<16xi32>
    %select_n3A_1017 = arith.select %gt3A_1013, %get3A_1012, %select_n3A_1007 : vector<16xi1>, vector<16xf32>
    %get3A_1018 = arith.constant 7 : i32
    %get3A_1019 = arith.index_cast %get3A_1018 : i32 to index
    %get3A_1020 = arith.constant 128 : index
    %get3A_1021 = tpu.vector_load %arg5[%get3A_1019, %get3A_1020] {strides = array<i32>} : memref<16x256xf32, #tpu.memory_space<vmem>>, vector<1x16xf32>,
    %get3A_1022 = vector.shape_cast %get3A_1021 : vector<1x16xf32> to vector<16xf32>
    %gt3A_1023 = arith.cmpf ogt, %get3A_1022, %select_n3A_1017 : vector<16xf32>
    %broadcast_in_dim3A_1024 = arith.constant 5 : i32
    %broadcast_in_dim3A_1025 = vector.broadcast %broadcast_in_dim3A_1024 : i32 to vector<16xi32>
    %select_n3A_1026 = arith.select %gt3A_1023, %broadcast_in_dim3A_1025, %select_n3A_1016 : vector<16xi1>, vector<16xi32>
    %select_n3A_1027 = arith.select %gt3A_1023, %get3A_1022, %select_n3A_1017 : vector<16xi1>, vector<16xf32>
    %get3A_1028 = arith.constant 8 : i32
    %get3A_1029 = arith.index_cast %get3A_1028 : i32 to index
    %get3A_1030 = arith.constant 128 : index
    %get3A_1031 = tpu.vector_load %arg5[%get3A_1029, %get3A_1030] {strides = array<i32>} : memref<16x256xf32, #tpu.memory_space<vmem>>, vector<1x16xf32>,
    %get3A_1032 = vector.shape_cast %get3A_1031 : vector<1x16xf32> to vector<16xf32>
    %gt3A_1033 = arith.cmpf ogt, %get3A_1032, %select_n3A_1027 : vector<16xf32>
    %broadcast_in_dim3A_1034 = arith.constant 6 : i32
    %broadcast_in_dim3A_1035 = vector.broadcast %broadcast_in_dim3A_1034 : i32 to vector<16xi32>
    %select_n3A_1036 = arith.select %gt3A_1033, %broadcast_in_dim3A_1035, %select_n3A_1026 : vector<16xi1>, vector<16xi32>
    %select_n3A_1037 = arith.select %gt3A_1033, %get3A_1032, %select_n3A_1027 : vector<16xi1>, vector<16xf32>
    %mul3A_1038 = arith.constant 4.000000e+00 : f32
    %mul3A_1039 = vector.broadcast %mul3A_1038 : f32 to vector<16xf32>
    %mul3A_1040 = arith.mulf %get3A_965, %mul3A_1039 : vector<16xf32>
    %convert_element_type3A_1041 = arith.fptosi %mul3A_1040 : vector<16xf32> to vector<16xi32>
    %jit3A_1042 = arith.constant 0 : i32
    %jit3A_1043 = arith.constant 3 : i32
    %max3A_1044 = vector.broadcast %jit3A_1042 : i32 to vector<16xi32>
    %max3A_1045 = arith.maxsi %max3A_1044, %convert_element_type3A_1041 : vector<16xi32>
    %min3A_1046 = vector.broadcast %jit3A_1043 : i32 to vector<16xi32>
    %min3A_1047 = arith.minsi %min3A_1046, %max3A_1045 : vector<16xi32>
    %mul3A_1048 = arith.constant 4.000000e+00 : f32
    %mul3A_1049 = vector.broadcast %mul3A_1048 : f32 to vector<16xf32>
    %mul3A_1050 = arith.mulf %get3A_970, %mul3A_1049 : vector<16xf32>
    %convert_element_type3A_1051 = arith.fptosi %mul3A_1050 : vector<16xf32> to vector<16xi32>
    %jit3A_1052 = arith.constant 0 : i32
    %jit3A_1053 = arith.constant 3 : i32
    %max3A_1054 = vector.broadcast %jit3A_1052 : i32 to vector<16xi32>
    %max3A_1055 = arith.maxsi %max3A_1054, %convert_element_type3A_1051 : vector<16xi32>
    %min3A_1056 = vector.broadcast %jit3A_1053 : i32 to vector<16xi32>
    %min3A_1057 = arith.minsi %min3A_1056, %max3A_1055 : vector<16xi32>
    %gt3A_1058 = arith.constant 7.500000e-01 : f32
    %gt3A_1059 = vector.broadcast %gt3A_1058 : f32 to vector<16xf32>
    %gt3A_1060 = arith.cmpf ogt, %get3A_965, %gt3A_1059 : vector<16xf32>
    %add3A_1061 = arith.constant 16 : i32
    %add3A_1062 = vector.broadcast %add3A_1061 : i32 to vector<16xi32>
    %add3A_1063 = arith.addi %add3A_1062, %select_n3A_1036 : vector<16xi32>
    %mul3A_1064 = arith.constant 4 : i32
    %mul3A_1065 = vector.broadcast %mul3A_1064 : i32 to vector<16xi32>
    %mul3A_1066 = arith.muli %min3A_1047, %mul3A_1065 : vector<16xi32>
    %add3A_1067 = arith.addi %mul3A_1066, %min3A_1057 : vector<16xi32>
    %select_n3A_1068 = arith.select %gt3A_1060, %add3A_1063, %add3A_1067 : vector<16xi1>, vector<16xi32>
    %get3A_1069 = arith.constant 128 : index
    %get3A_1070 = tpu.vector_load %arg6[%get3A_1069] {strides = array<i32>} : memref<256xi32, #tpu.memory_space<vmem>>, vector<16xi32>,
    %get3A_1071 = vector.shape_cast %get3A_1070 : vector<16xi32> to vector<16xi32>
    %eq3A_1072 = arith.constant 1 : i32
    %eq3A_1073 = vector.broadcast %eq3A_1072 : i32 to vector<16xi32>
    %eq3A_1074 = arith.cmpi eq, %get3A_1071, %eq3A_1073 : vector<16xi32>
    %jit3A_1075 = arith.constant 24 : i32
    %broadcast_in_dim3A_1076 = vector.broadcast %jit3A_1075 : i32 to vector<16xi32>
    %select_n3A_1077 = arith.select %eq3A_1074, %broadcast_in_dim3A_1076, %select_n3A_1068 : vector<16xi1>, vector<16xi32>
    %swap3A_1078 = arith.constant 128 : index
    %swap3A_1079 = tpu.vector_load %arg7[%swap3A_1078] {strides = array<i32>} : memref<256xi32, #tpu.memory_space<vmem>>, vector<16xi32>,
    %swap3A_1080 = vector.shape_cast %swap3A_1079 : vector<16xi32> to vector<16xi32>
    %swap3A_1081 = vector.shape_cast %select_n3A_1077 : vector<16xi32> to vector<16xi32>
    tpu.vector_store %arg7[%swap3A_1078], %swap3A_1081 {strides = array<i32>} : memref<256xi32, #tpu.memory_space<vmem>>, vector<16xi32>,
    %get3A_1082 = arith.constant 0 : i32
    %get3A_1083 = arith.index_cast %get3A_1082 : i32 to index
    %get3A_1084 = arith.constant 144 : index
    %get3A_1085 = tpu.vector_load %arg5[%get3A_1083, %get3A_1084] {strides = array<i32>} : memref<16x256xf32, #tpu.memory_space<vmem>>, vector<1x16xf32>,
    %get3A_1086 = vector.shape_cast %get3A_1085 : vector<1x16xf32> to vector<16xf32>
    %get3A_1087 = arith.constant 1 : i32
    %get3A_1088 = arith.index_cast %get3A_1087 : i32 to index
    %get3A_1089 = arith.constant 144 : index
    %get3A_1090 = tpu.vector_load %arg5[%get3A_1088, %get3A_1089] {strides = array<i32>} : memref<16x256xf32, #tpu.memory_space<vmem>>, vector<1x16xf32>,
    %get3A_1091 = vector.shape_cast %get3A_1090 : vector<1x16xf32> to vector<16xf32>
    %get3A_1092 = arith.constant 2 : i32
    %get3A_1093 = arith.index_cast %get3A_1092 : i32 to index
    %get3A_1094 = arith.constant 144 : index
    %get3A_1095 = tpu.vector_load %arg5[%get3A_1093, %get3A_1094] {strides = array<i32>} : memref<16x256xf32, #tpu.memory_space<vmem>>, vector<1x16xf32>,
    %get3A_1096 = vector.shape_cast %get3A_1095 : vector<1x16xf32> to vector<16xf32>
    %broadcast_in_dim3A_1097 = arith.constant 0 : i32
    %broadcast_in_dim3A_1098 = vector.broadcast %broadcast_in_dim3A_1097 : i32 to vector<16xi32>
    %get3A_1099 = arith.constant 3 : i32
    %get3A_1100 = arith.index_cast %get3A_1099 : i32 to index
    %get3A_1101 = arith.constant 144 : index
    %get3A_1102 = tpu.vector_load %arg5[%get3A_1100, %get3A_1101] {strides = array<i32>} : memref<16x256xf32, #tpu.memory_space<vmem>>, vector<1x16xf32>,
    %get3A_1103 = vector.shape_cast %get3A_1102 : vector<1x16xf32> to vector<16xf32>
    %gt3A_1104 = arith.cmpf ogt, %get3A_1103, %get3A_1096 : vector<16xf32>
    %broadcast_in_dim3A_1105 = arith.constant 1 : i32
    %broadcast_in_dim3A_1106 = vector.broadcast %broadcast_in_dim3A_1105 : i32 to vector<16xi32>
    %select_n3A_1107 = arith.select %gt3A_1104, %broadcast_in_dim3A_1106, %broadcast_in_dim3A_1098 : vector<16xi1>, vector<16xi32>
    %select_n3A_1108 = arith.select %gt3A_1104, %get3A_1103, %get3A_1096 : vector<16xi1>, vector<16xf32>
    %get3A_1109 = arith.constant 4 : i32
    %get3A_1110 = arith.index_cast %get3A_1109 : i32 to index
    %get3A_1111 = arith.constant 144 : index
    %get3A_1112 = tpu.vector_load %arg5[%get3A_1110, %get3A_1111] {strides = array<i32>} : memref<16x256xf32, #tpu.memory_space<vmem>>, vector<1x16xf32>,
    %get3A_1113 = vector.shape_cast %get3A_1112 : vector<1x16xf32> to vector<16xf32>
    %gt3A_1114 = arith.cmpf ogt, %get3A_1113, %select_n3A_1108 : vector<16xf32>
    %broadcast_in_dim3A_1115 = arith.constant 2 : i32
    %broadcast_in_dim3A_1116 = vector.broadcast %broadcast_in_dim3A_1115 : i32 to vector<16xi32>
    %select_n3A_1117 = arith.select %gt3A_1114, %broadcast_in_dim3A_1116, %select_n3A_1107 : vector<16xi1>, vector<16xi32>
    %select_n3A_1118 = arith.select %gt3A_1114, %get3A_1113, %select_n3A_1108 : vector<16xi1>, vector<16xf32>
    %get3A_1119 = arith.constant 5 : i32
    %get3A_1120 = arith.index_cast %get3A_1119 : i32 to index
    %get3A_1121 = arith.constant 144 : index
    %get3A_1122 = tpu.vector_load %arg5[%get3A_1120, %get3A_1121] {strides = array<i32>} : memref<16x256xf32, #tpu.memory_space<vmem>>, vector<1x16xf32>,
    %get3A_1123 = vector.shape_cast %get3A_1122 : vector<1x16xf32> to vector<16xf32>
    %gt3A_1124 = arith.cmpf ogt, %get3A_1123, %select_n3A_1118 : vector<16xf32>
    %broadcast_in_dim3A_1125 = arith.constant 3 : i32
    %broadcast_in_dim3A_1126 = vector.broadcast %broadcast_in_dim3A_1125 : i32 to vector<16xi32>
    %select_n3A_1127 = arith.select %gt3A_1124, %broadcast_in_dim3A_1126, %select_n3A_1117 : vector<16xi1>, vector<16xi32>
    %select_n3A_1128 = arith.select %gt3A_1124, %get3A_1123, %select_n3A_1118 : vector<16xi1>, vector<16xf32>
    %get3A_1129 = arith.constant 6 : i32
    %get3A_1130 = arith.index_cast %get3A_1129 : i32 to index
    %get3A_1131 = arith.constant 144 : index
    %get3A_1132 = tpu.vector_load %arg5[%get3A_1130, %get3A_1131] {strides = array<i32>} : memref<16x256xf32, #tpu.memory_space<vmem>>, vector<1x16xf32>,
    %get3A_1133 = vector.shape_cast %get3A_1132 : vector<1x16xf32> to vector<16xf32>
    %gt3A_1134 = arith.cmpf ogt, %get3A_1133, %select_n3A_1128 : vector<16xf32>
    %broadcast_in_dim3A_1135 = arith.constant 4 : i32
    %broadcast_in_dim3A_1136 = vector.broadcast %broadcast_in_dim3A_1135 : i32 to vector<16xi32>
    %select_n3A_1137 = arith.select %gt3A_1134, %broadcast_in_dim3A_1136, %select_n3A_1127 : vector<16xi1>, vector<16xi32>
    %select_n3A_1138 = arith.select %gt3A_1134, %get3A_1133, %select_n3A_1128 : vector<16xi1>, vector<16xf32>
    %get3A_1139 = arith.constant 7 : i32
    %get3A_1140 = arith.index_cast %get3A_1139 : i32 to index
    %get3A_1141 = arith.constant 144 : index
    %get3A_1142 = tpu.vector_load %arg5[%get3A_1140, %get3A_1141] {strides = array<i32>} : memref<16x256xf32, #tpu.memory_space<vmem>>, vector<1x16xf32>,
    %get3A_1143 = vector.shape_cast %get3A_1142 : vector<1x16xf32> to vector<16xf32>
    %gt3A_1144 = arith.cmpf ogt, %get3A_1143, %select_n3A_1138 : vector<16xf32>
    %broadcast_in_dim3A_1145 = arith.constant 5 : i32
    %broadcast_in_dim3A_1146 = vector.broadcast %broadcast_in_dim3A_1145 : i32 to vector<16xi32>
    %select_n3A_1147 = arith.select %gt3A_1144, %broadcast_in_dim3A_1146, %select_n3A_1137 : vector<16xi1>, vector<16xi32>
    %select_n3A_1148 = arith.select %gt3A_1144, %get3A_1143, %select_n3A_1138 : vector<16xi1>, vector<16xf32>
    %get3A_1149 = arith.constant 8 : i32
    %get3A_1150 = arith.index_cast %get3A_1149 : i32 to index
    %get3A_1151 = arith.constant 144 : index
    %get3A_1152 = tpu.vector_load %arg5[%get3A_1150, %get3A_1151] {strides = array<i32>} : memref<16x256xf32, #tpu.memory_space<vmem>>, vector<1x16xf32>,
    %get3A_1153 = vector.shape_cast %get3A_1152 : vector<1x16xf32> to vector<16xf32>
    %gt3A_1154 = arith.cmpf ogt, %get3A_1153, %select_n3A_1148 : vector<16xf32>
    %broadcast_in_dim3A_1155 = arith.constant 6 : i32
    %broadcast_in_dim3A_1156 = vector.broadcast %broadcast_in_dim3A_1155 : i32 to vector<16xi32>
    %select_n3A_1157 = arith.select %gt3A_1154, %broadcast_in_dim3A_1156, %select_n3A_1147 : vector<16xi1>, vector<16xi32>
    %select_n3A_1158 = arith.select %gt3A_1154, %get3A_1153, %select_n3A_1148 : vector<16xi1>, vector<16xf32>
    %mul3A_1159 = arith.constant 4.000000e+00 : f32
    %mul3A_1160 = vector.broadcast %mul3A_1159 : f32 to vector<16xf32>
    %mul3A_1161 = arith.mulf %get3A_1086, %mul3A_1160 : vector<16xf32>
    %convert_element_type3A_1162 = arith.fptosi %mul3A_1161 : vector<16xf32> to vector<16xi32>
    %jit3A_1163 = arith.constant 0 : i32
    %jit3A_1164 = arith.constant 3 : i32
    %max3A_1165 = vector.broadcast %jit3A_1163 : i32 to vector<16xi32>
    %max3A_1166 = arith.maxsi %max3A_1165, %convert_element_type3A_1162 : vector<16xi32>
    %min3A_1167 = vector.broadcast %jit3A_1164 : i32 to vector<16xi32>
    %min3A_1168 = arith.minsi %min3A_1167, %max3A_1166 : vector<16xi32>
    %mul3A_1169 = arith.constant 4.000000e+00 : f32
    %mul3A_1170 = vector.broadcast %mul3A_1169 : f32 to vector<16xf32>
    %mul3A_1171 = arith.mulf %get3A_1091, %mul3A_1170 : vector<16xf32>
    %convert_element_type3A_1172 = arith.fptosi %mul3A_1171 : vector<16xf32> to vector<16xi32>
    %jit3A_1173 = arith.constant 0 : i32
    %jit3A_1174 = arith.constant 3 : i32
    %max3A_1175 = vector.broadcast %jit3A_1173 : i32 to vector<16xi32>
    %max3A_1176 = arith.maxsi %max3A_1175, %convert_element_type3A_1172 : vector<16xi32>
    %min3A_1177 = vector.broadcast %jit3A_1174 : i32 to vector<16xi32>
    %min3A_1178 = arith.minsi %min3A_1177, %max3A_1176 : vector<16xi32>
    %gt3A_1179 = arith.constant 7.500000e-01 : f32
    %gt3A_1180 = vector.broadcast %gt3A_1179 : f32 to vector<16xf32>
    %gt3A_1181 = arith.cmpf ogt, %get3A_1086, %gt3A_1180 : vector<16xf32>
    %add3A_1182 = arith.constant 16 : i32
    %add3A_1183 = vector.broadcast %add3A_1182 : i32 to vector<16xi32>
    %add3A_1184 = arith.addi %add3A_1183, %select_n3A_1157 : vector<16xi32>
    %mul3A_1185 = arith.constant 4 : i32
    %mul3A_1186 = vector.broadcast %mul3A_1185 : i32 to vector<16xi32>
    %mul3A_1187 = arith.muli %min3A_1168, %mul3A_1186 : vector<16xi32>
    %add3A_1188 = arith.addi %mul3A_1187, %min3A_1178 : vector<16xi32>
    %select_n3A_1189 = arith.select %gt3A_1181, %add3A_1184, %add3A_1188 : vector<16xi1>, vector<16xi32>
    %get3A_1190 = arith.constant 144 : index
    %get3A_1191 = tpu.vector_load %arg6[%get3A_1190] {strides = array<i32>} : memref<256xi32, #tpu.memory_space<vmem>>, vector<16xi32>,
    %get3A_1192 = vector.shape_cast %get3A_1191 : vector<16xi32> to vector<16xi32>
    %eq3A_1193 = arith.constant 1 : i32
    %eq3A_1194 = vector.broadcast %eq3A_1193 : i32 to vector<16xi32>
    %eq3A_1195 = arith.cmpi eq, %get3A_1192, %eq3A_1194 : vector<16xi32>
    %jit3A_1196 = arith.constant 24 : i32
    %broadcast_in_dim3A_1197 = vector.broadcast %jit3A_1196 : i32 to vector<16xi32>
    %select_n3A_1198 = arith.select %eq3A_1195, %broadcast_in_dim3A_1197, %select_n3A_1189 : vector<16xi1>, vector<16xi32>
    %swap3A_1199 = arith.constant 144 : index
    %swap3A_1200 = tpu.vector_load %arg7[%swap3A_1199] {strides = array<i32>} : memref<256xi32, #tpu.memory_space<vmem>>, vector<16xi32>,
    %swap3A_1201 = vector.shape_cast %swap3A_1200 : vector<16xi32> to vector<16xi32>
    %swap3A_1202 = vector.shape_cast %select_n3A_1198 : vector<16xi32> to vector<16xi32>
    tpu.vector_store %arg7[%swap3A_1199], %swap3A_1202 {strides = array<i32>} : memref<256xi32, #tpu.memory_space<vmem>>, vector<16xi32>,
    %get3A_1203 = arith.constant 0 : i32
    %get3A_1204 = arith.index_cast %get3A_1203 : i32 to index
    %get3A_1205 = arith.constant 160 : index
    %get3A_1206 = tpu.vector_load %arg5[%get3A_1204, %get3A_1205] {strides = array<i32>} : memref<16x256xf32, #tpu.memory_space<vmem>>, vector<1x16xf32>,
    %get3A_1207 = vector.shape_cast %get3A_1206 : vector<1x16xf32> to vector<16xf32>
    %get3A_1208 = arith.constant 1 : i32
    %get3A_1209 = arith.index_cast %get3A_1208 : i32 to index
    %get3A_1210 = arith.constant 160 : index
    %get3A_1211 = tpu.vector_load %arg5[%get3A_1209, %get3A_1210] {strides = array<i32>} : memref<16x256xf32, #tpu.memory_space<vmem>>, vector<1x16xf32>,
    %get3A_1212 = vector.shape_cast %get3A_1211 : vector<1x16xf32> to vector<16xf32>
    %get3A_1213 = arith.constant 2 : i32
    %get3A_1214 = arith.index_cast %get3A_1213 : i32 to index
    %get3A_1215 = arith.constant 160 : index
    %get3A_1216 = tpu.vector_load %arg5[%get3A_1214, %get3A_1215] {strides = array<i32>} : memref<16x256xf32, #tpu.memory_space<vmem>>, vector<1x16xf32>,
    %get3A_1217 = vector.shape_cast %get3A_1216 : vector<1x16xf32> to vector<16xf32>
    %broadcast_in_dim3A_1218 = arith.constant 0 : i32
    %broadcast_in_dim3A_1219 = vector.broadcast %broadcast_in_dim3A_1218 : i32 to vector<16xi32>
    %get3A_1220 = arith.constant 3 : i32
    %get3A_1221 = arith.index_cast %get3A_1220 : i32 to index
    %get3A_1222 = arith.constant 160 : index
    %get3A_1223 = tpu.vector_load %arg5[%get3A_1221, %get3A_1222] {strides = array<i32>} : memref<16x256xf32, #tpu.memory_space<vmem>>, vector<1x16xf32>,
    %get3A_1224 = vector.shape_cast %get3A_1223 : vector<1x16xf32> to vector<16xf32>
    %gt3A_1225 = arith.cmpf ogt, %get3A_1224, %get3A_1217 : vector<16xf32>
    %broadcast_in_dim3A_1226 = arith.constant 1 : i32
    %broadcast_in_dim3A_1227 = vector.broadcast %broadcast_in_dim3A_1226 : i32 to vector<16xi32>
    %select_n3A_1228 = arith.select %gt3A_1225, %broadcast_in_dim3A_1227, %broadcast_in_dim3A_1219 : vector<16xi1>, vector<16xi32>
    %select_n3A_1229 = arith.select %gt3A_1225, %get3A_1224, %get3A_1217 : vector<16xi1>, vector<16xf32>
    %get3A_1230 = arith.constant 4 : i32
    %get3A_1231 = arith.index_cast %get3A_1230 : i32 to index
    %get3A_1232 = arith.constant 160 : index
    %get3A_1233 = tpu.vector_load %arg5[%get3A_1231, %get3A_1232] {strides = array<i32>} : memref<16x256xf32, #tpu.memory_space<vmem>>, vector<1x16xf32>,
    %get3A_1234 = vector.shape_cast %get3A_1233 : vector<1x16xf32> to vector<16xf32>
    %gt3A_1235 = arith.cmpf ogt, %get3A_1234, %select_n3A_1229 : vector<16xf32>
    %broadcast_in_dim3A_1236 = arith.constant 2 : i32
    %broadcast_in_dim3A_1237 = vector.broadcast %broadcast_in_dim3A_1236 : i32 to vector<16xi32>
    %select_n3A_1238 = arith.select %gt3A_1235, %broadcast_in_dim3A_1237, %select_n3A_1228 : vector<16xi1>, vector<16xi32>
    %select_n3A_1239 = arith.select %gt3A_1235, %get3A_1234, %select_n3A_1229 : vector<16xi1>, vector<16xf32>
    %get3A_1240 = arith.constant 5 : i32
    %get3A_1241 = arith.index_cast %get3A_1240 : i32 to index
    %get3A_1242 = arith.constant 160 : index
    %get3A_1243 = tpu.vector_load %arg5[%get3A_1241, %get3A_1242] {strides = array<i32>} : memref<16x256xf32, #tpu.memory_space<vmem>>, vector<1x16xf32>,
    %get3A_1244 = vector.shape_cast %get3A_1243 : vector<1x16xf32> to vector<16xf32>
    %gt3A_1245 = arith.cmpf ogt, %get3A_1244, %select_n3A_1239 : vector<16xf32>
    %broadcast_in_dim3A_1246 = arith.constant 3 : i32
    %broadcast_in_dim3A_1247 = vector.broadcast %broadcast_in_dim3A_1246 : i32 to vector<16xi32>
    %select_n3A_1248 = arith.select %gt3A_1245, %broadcast_in_dim3A_1247, %select_n3A_1238 : vector<16xi1>, vector<16xi32>
    %select_n3A_1249 = arith.select %gt3A_1245, %get3A_1244, %select_n3A_1239 : vector<16xi1>, vector<16xf32>
    %get3A_1250 = arith.constant 6 : i32
    %get3A_1251 = arith.index_cast %get3A_1250 : i32 to index
    %get3A_1252 = arith.constant 160 : index
    %get3A_1253 = tpu.vector_load %arg5[%get3A_1251, %get3A_1252] {strides = array<i32>} : memref<16x256xf32, #tpu.memory_space<vmem>>, vector<1x16xf32>,
    %get3A_1254 = vector.shape_cast %get3A_1253 : vector<1x16xf32> to vector<16xf32>
    %gt3A_1255 = arith.cmpf ogt, %get3A_1254, %select_n3A_1249 : vector<16xf32>
    %broadcast_in_dim3A_1256 = arith.constant 4 : i32
    %broadcast_in_dim3A_1257 = vector.broadcast %broadcast_in_dim3A_1256 : i32 to vector<16xi32>
    %select_n3A_1258 = arith.select %gt3A_1255, %broadcast_in_dim3A_1257, %select_n3A_1248 : vector<16xi1>, vector<16xi32>
    %select_n3A_1259 = arith.select %gt3A_1255, %get3A_1254, %select_n3A_1249 : vector<16xi1>, vector<16xf32>
    %get3A_1260 = arith.constant 7 : i32
    %get3A_1261 = arith.index_cast %get3A_1260 : i32 to index
    %get3A_1262 = arith.constant 160 : index
    %get3A_1263 = tpu.vector_load %arg5[%get3A_1261, %get3A_1262] {strides = array<i32>} : memref<16x256xf32, #tpu.memory_space<vmem>>, vector<1x16xf32>,
    %get3A_1264 = vector.shape_cast %get3A_1263 : vector<1x16xf32> to vector<16xf32>
    %gt3A_1265 = arith.cmpf ogt, %get3A_1264, %select_n3A_1259 : vector<16xf32>
    %broadcast_in_dim3A_1266 = arith.constant 5 : i32
    %broadcast_in_dim3A_1267 = vector.broadcast %broadcast_in_dim3A_1266 : i32 to vector<16xi32>
    %select_n3A_1268 = arith.select %gt3A_1265, %broadcast_in_dim3A_1267, %select_n3A_1258 : vector<16xi1>, vector<16xi32>
    %select_n3A_1269 = arith.select %gt3A_1265, %get3A_1264, %select_n3A_1259 : vector<16xi1>, vector<16xf32>
    %get3A_1270 = arith.constant 8 : i32
    %get3A_1271 = arith.index_cast %get3A_1270 : i32 to index
    %get3A_1272 = arith.constant 160 : index
    %get3A_1273 = tpu.vector_load %arg5[%get3A_1271, %get3A_1272] {strides = array<i32>} : memref<16x256xf32, #tpu.memory_space<vmem>>, vector<1x16xf32>,
    %get3A_1274 = vector.shape_cast %get3A_1273 : vector<1x16xf32> to vector<16xf32>
    %gt3A_1275 = arith.cmpf ogt, %get3A_1274, %select_n3A_1269 : vector<16xf32>
    %broadcast_in_dim3A_1276 = arith.constant 6 : i32
    %broadcast_in_dim3A_1277 = vector.broadcast %broadcast_in_dim3A_1276 : i32 to vector<16xi32>
    %select_n3A_1278 = arith.select %gt3A_1275, %broadcast_in_dim3A_1277, %select_n3A_1268 : vector<16xi1>, vector<16xi32>
    %select_n3A_1279 = arith.select %gt3A_1275, %get3A_1274, %select_n3A_1269 : vector<16xi1>, vector<16xf32>
    %mul3A_1280 = arith.constant 4.000000e+00 : f32
    %mul3A_1281 = vector.broadcast %mul3A_1280 : f32 to vector<16xf32>
    %mul3A_1282 = arith.mulf %get3A_1207, %mul3A_1281 : vector<16xf32>
    %convert_element_type3A_1283 = arith.fptosi %mul3A_1282 : vector<16xf32> to vector<16xi32>
    %jit3A_1284 = arith.constant 0 : i32
    %jit3A_1285 = arith.constant 3 : i32
    %max3A_1286 = vector.broadcast %jit3A_1284 : i32 to vector<16xi32>
    %max3A_1287 = arith.maxsi %max3A_1286, %convert_element_type3A_1283 : vector<16xi32>
    %min3A_1288 = vector.broadcast %jit3A_1285 : i32 to vector<16xi32>
    %min3A_1289 = arith.minsi %min3A_1288, %max3A_1287 : vector<16xi32>
    %mul3A_1290 = arith.constant 4.000000e+00 : f32
    %mul3A_1291 = vector.broadcast %mul3A_1290 : f32 to vector<16xf32>
    %mul3A_1292 = arith.mulf %get3A_1212, %mul3A_1291 : vector<16xf32>
    %convert_element_type3A_1293 = arith.fptosi %mul3A_1292 : vector<16xf32> to vector<16xi32>
    %jit3A_1294 = arith.constant 0 : i32
    %jit3A_1295 = arith.constant 3 : i32
    %max3A_1296 = vector.broadcast %jit3A_1294 : i32 to vector<16xi32>
    %max3A_1297 = arith.maxsi %max3A_1296, %convert_element_type3A_1293 : vector<16xi32>
    %min3A_1298 = vector.broadcast %jit3A_1295 : i32 to vector<16xi32>
    %min3A_1299 = arith.minsi %min3A_1298, %max3A_1297 : vector<16xi32>
    %gt3A_1300 = arith.constant 7.500000e-01 : f32
    %gt3A_1301 = vector.broadcast %gt3A_1300 : f32 to vector<16xf32>
    %gt3A_1302 = arith.cmpf ogt, %get3A_1207, %gt3A_1301 : vector<16xf32>
    %add3A_1303 = arith.constant 16 : i32
    %add3A_1304 = vector.broadcast %add3A_1303 : i32 to vector<16xi32>
    %add3A_1305 = arith.addi %add3A_1304, %select_n3A_1278 : vector<16xi32>
    %mul3A_1306 = arith.constant 4 : i32
    %mul3A_1307 = vector.broadcast %mul3A_1306 : i32 to vector<16xi32>
    %mul3A_1308 = arith.muli %min3A_1289, %mul3A_1307 : vector<16xi32>
    %add3A_1309 = arith.addi %mul3A_1308, %min3A_1299 : vector<16xi32>
    %select_n3A_1310 = arith.select %gt3A_1302, %add3A_1305, %add3A_1309 : vector<16xi1>, vector<16xi32>
    %get3A_1311 = arith.constant 160 : index
    %get3A_1312 = tpu.vector_load %arg6[%get3A_1311] {strides = array<i32>} : memref<256xi32, #tpu.memory_space<vmem>>, vector<16xi32>,
    %get3A_1313 = vector.shape_cast %get3A_1312 : vector<16xi32> to vector<16xi32>
    %eq3A_1314 = arith.constant 1 : i32
    %eq3A_1315 = vector.broadcast %eq3A_1314 : i32 to vector<16xi32>
    %eq3A_1316 = arith.cmpi eq, %get3A_1313, %eq3A_1315 : vector<16xi32>
    %jit3A_1317 = arith.constant 24 : i32
    %broadcast_in_dim3A_1318 = vector.broadcast %jit3A_1317 : i32 to vector<16xi32>
    %select_n3A_1319 = arith.select %eq3A_1316, %broadcast_in_dim3A_1318, %select_n3A_1310 : vector<16xi1>, vector<16xi32>
    %swap3A_1320 = arith.constant 160 : index
    %swap3A_1321 = tpu.vector_load %arg7[%swap3A_1320] {strides = array<i32>} : memref<256xi32, #tpu.memory_space<vmem>>, vector<16xi32>,
    %swap3A_1322 = vector.shape_cast %swap3A_1321 : vector<16xi32> to vector<16xi32>
    %swap3A_1323 = vector.shape_cast %select_n3A_1319 : vector<16xi32> to vector<16xi32>
    tpu.vector_store %arg7[%swap3A_1320], %swap3A_1323 {strides = array<i32>} : memref<256xi32, #tpu.memory_space<vmem>>, vector<16xi32>,
    %get3A_1324 = arith.constant 0 : i32
    %get3A_1325 = arith.index_cast %get3A_1324 : i32 to index
    %get3A_1326 = arith.constant 176 : index
    %get3A_1327 = tpu.vector_load %arg5[%get3A_1325, %get3A_1326] {strides = array<i32>} : memref<16x256xf32, #tpu.memory_space<vmem>>, vector<1x16xf32>,
    %get3A_1328 = vector.shape_cast %get3A_1327 : vector<1x16xf32> to vector<16xf32>
    %get3A_1329 = arith.constant 1 : i32
    %get3A_1330 = arith.index_cast %get3A_1329 : i32 to index
    %get3A_1331 = arith.constant 176 : index
    %get3A_1332 = tpu.vector_load %arg5[%get3A_1330, %get3A_1331] {strides = array<i32>} : memref<16x256xf32, #tpu.memory_space<vmem>>, vector<1x16xf32>,
    %get3A_1333 = vector.shape_cast %get3A_1332 : vector<1x16xf32> to vector<16xf32>
    %get3A_1334 = arith.constant 2 : i32
    %get3A_1335 = arith.index_cast %get3A_1334 : i32 to index
    %get3A_1336 = arith.constant 176 : index
    %get3A_1337 = tpu.vector_load %arg5[%get3A_1335, %get3A_1336] {strides = array<i32>} : memref<16x256xf32, #tpu.memory_space<vmem>>, vector<1x16xf32>,
    %get3A_1338 = vector.shape_cast %get3A_1337 : vector<1x16xf32> to vector<16xf32>
    %broadcast_in_dim3A_1339 = arith.constant 0 : i32
    %broadcast_in_dim3A_1340 = vector.broadcast %broadcast_in_dim3A_1339 : i32 to vector<16xi32>
    %get3A_1341 = arith.constant 3 : i32
    %get3A_1342 = arith.index_cast %get3A_1341 : i32 to index
    %get3A_1343 = arith.constant 176 : index
    %get3A_1344 = tpu.vector_load %arg5[%get3A_1342, %get3A_1343] {strides = array<i32>} : memref<16x256xf32, #tpu.memory_space<vmem>>, vector<1x16xf32>,
    %get3A_1345 = vector.shape_cast %get3A_1344 : vector<1x16xf32> to vector<16xf32>
    %gt3A_1346 = arith.cmpf ogt, %get3A_1345, %get3A_1338 : vector<16xf32>
    %broadcast_in_dim3A_1347 = arith.constant 1 : i32
    %broadcast_in_dim3A_1348 = vector.broadcast %broadcast_in_dim3A_1347 : i32 to vector<16xi32>
    %select_n3A_1349 = arith.select %gt3A_1346, %broadcast_in_dim3A_1348, %broadcast_in_dim3A_1340 : vector<16xi1>, vector<16xi32>
    %select_n3A_1350 = arith.select %gt3A_1346, %get3A_1345, %get3A_1338 : vector<16xi1>, vector<16xf32>
    %get3A_1351 = arith.constant 4 : i32
    %get3A_1352 = arith.index_cast %get3A_1351 : i32 to index
    %get3A_1353 = arith.constant 176 : index
    %get3A_1354 = tpu.vector_load %arg5[%get3A_1352, %get3A_1353] {strides = array<i32>} : memref<16x256xf32, #tpu.memory_space<vmem>>, vector<1x16xf32>,
    %get3A_1355 = vector.shape_cast %get3A_1354 : vector<1x16xf32> to vector<16xf32>
    %gt3A_1356 = arith.cmpf ogt, %get3A_1355, %select_n3A_1350 : vector<16xf32>
    %broadcast_in_dim3A_1357 = arith.constant 2 : i32
    %broadcast_in_dim3A_1358 = vector.broadcast %broadcast_in_dim3A_1357 : i32 to vector<16xi32>
    %select_n3A_1359 = arith.select %gt3A_1356, %broadcast_in_dim3A_1358, %select_n3A_1349 : vector<16xi1>, vector<16xi32>
    %select_n3A_1360 = arith.select %gt3A_1356, %get3A_1355, %select_n3A_1350 : vector<16xi1>, vector<16xf32>
    %get3A_1361 = arith.constant 5 : i32
    %get3A_1362 = arith.index_cast %get3A_1361 : i32 to index
    %get3A_1363 = arith.constant 176 : index
    %get3A_1364 = tpu.vector_load %arg5[%get3A_1362, %get3A_1363] {strides = array<i32>} : memref<16x256xf32, #tpu.memory_space<vmem>>, vector<1x16xf32>,
    %get3A_1365 = vector.shape_cast %get3A_1364 : vector<1x16xf32> to vector<16xf32>
    %gt3A_1366 = arith.cmpf ogt, %get3A_1365, %select_n3A_1360 : vector<16xf32>
    %broadcast_in_dim3A_1367 = arith.constant 3 : i32
    %broadcast_in_dim3A_1368 = vector.broadcast %broadcast_in_dim3A_1367 : i32 to vector<16xi32>
    %select_n3A_1369 = arith.select %gt3A_1366, %broadcast_in_dim3A_1368, %select_n3A_1359 : vector<16xi1>, vector<16xi32>
    %select_n3A_1370 = arith.select %gt3A_1366, %get3A_1365, %select_n3A_1360 : vector<16xi1>, vector<16xf32>
    %get3A_1371 = arith.constant 6 : i32
    %get3A_1372 = arith.index_cast %get3A_1371 : i32 to index
    %get3A_1373 = arith.constant 176 : index
    %get3A_1374 = tpu.vector_load %arg5[%get3A_1372, %get3A_1373] {strides = array<i32>} : memref<16x256xf32, #tpu.memory_space<vmem>>, vector<1x16xf32>,
    %get3A_1375 = vector.shape_cast %get3A_1374 : vector<1x16xf32> to vector<16xf32>
    %gt3A_1376 = arith.cmpf ogt, %get3A_1375, %select_n3A_1370 : vector<16xf32>
    %broadcast_in_dim3A_1377 = arith.constant 4 : i32
    %broadcast_in_dim3A_1378 = vector.broadcast %broadcast_in_dim3A_1377 : i32 to vector<16xi32>
    %select_n3A_1379 = arith.select %gt3A_1376, %broadcast_in_dim3A_1378, %select_n3A_1369 : vector<16xi1>, vector<16xi32>
    %select_n3A_1380 = arith.select %gt3A_1376, %get3A_1375, %select_n3A_1370 : vector<16xi1>, vector<16xf32>
    %get3A_1381 = arith.constant 7 : i32
    %get3A_1382 = arith.index_cast %get3A_1381 : i32 to index
    %get3A_1383 = arith.constant 176 : index
    %get3A_1384 = tpu.vector_load %arg5[%get3A_1382, %get3A_1383] {strides = array<i32>} : memref<16x256xf32, #tpu.memory_space<vmem>>, vector<1x16xf32>,
    %get3A_1385 = vector.shape_cast %get3A_1384 : vector<1x16xf32> to vector<16xf32>
    %gt3A_1386 = arith.cmpf ogt, %get3A_1385, %select_n3A_1380 : vector<16xf32>
    %broadcast_in_dim3A_1387 = arith.constant 5 : i32
    %broadcast_in_dim3A_1388 = vector.broadcast %broadcast_in_dim3A_1387 : i32 to vector<16xi32>
    %select_n3A_1389 = arith.select %gt3A_1386, %broadcast_in_dim3A_1388, %select_n3A_1379 : vector<16xi1>, vector<16xi32>
    %select_n3A_1390 = arith.select %gt3A_1386, %get3A_1385, %select_n3A_1380 : vector<16xi1>, vector<16xf32>
    %get3A_1391 = arith.constant 8 : i32
    %get3A_1392 = arith.index_cast %get3A_1391 : i32 to index
    %get3A_1393 = arith.constant 176 : index
    %get3A_1394 = tpu.vector_load %arg5[%get3A_1392, %get3A_1393] {strides = array<i32>} : memref<16x256xf32, #tpu.memory_space<vmem>>, vector<1x16xf32>,
    %get3A_1395 = vector.shape_cast %get3A_1394 : vector<1x16xf32> to vector<16xf32>
    %gt3A_1396 = arith.cmpf ogt, %get3A_1395, %select_n3A_1390 : vector<16xf32>
    %broadcast_in_dim3A_1397 = arith.constant 6 : i32
    %broadcast_in_dim3A_1398 = vector.broadcast %broadcast_in_dim3A_1397 : i32 to vector<16xi32>
    %select_n3A_1399 = arith.select %gt3A_1396, %broadcast_in_dim3A_1398, %select_n3A_1389 : vector<16xi1>, vector<16xi32>
    %select_n3A_1400 = arith.select %gt3A_1396, %get3A_1395, %select_n3A_1390 : vector<16xi1>, vector<16xf32>
    %mul3A_1401 = arith.constant 4.000000e+00 : f32
    %mul3A_1402 = vector.broadcast %mul3A_1401 : f32 to vector<16xf32>
    %mul3A_1403 = arith.mulf %get3A_1328, %mul3A_1402 : vector<16xf32>
    %convert_element_type3A_1404 = arith.fptosi %mul3A_1403 : vector<16xf32> to vector<16xi32>
    %jit3A_1405 = arith.constant 0 : i32
    %jit3A_1406 = arith.constant 3 : i32
    %max3A_1407 = vector.broadcast %jit3A_1405 : i32 to vector<16xi32>
    %max3A_1408 = arith.maxsi %max3A_1407, %convert_element_type3A_1404 : vector<16xi32>
    %min3A_1409 = vector.broadcast %jit3A_1406 : i32 to vector<16xi32>
    %min3A_1410 = arith.minsi %min3A_1409, %max3A_1408 : vector<16xi32>
    %mul3A_1411 = arith.constant 4.000000e+00 : f32
    %mul3A_1412 = vector.broadcast %mul3A_1411 : f32 to vector<16xf32>
    %mul3A_1413 = arith.mulf %get3A_1333, %mul3A_1412 : vector<16xf32>
    %convert_element_type3A_1414 = arith.fptosi %mul3A_1413 : vector<16xf32> to vector<16xi32>
    %jit3A_1415 = arith.constant 0 : i32
    %jit3A_1416 = arith.constant 3 : i32
    %max3A_1417 = vector.broadcast %jit3A_1415 : i32 to vector<16xi32>
    %max3A_1418 = arith.maxsi %max3A_1417, %convert_element_type3A_1414 : vector<16xi32>
    %min3A_1419 = vector.broadcast %jit3A_1416 : i32 to vector<16xi32>
    %min3A_1420 = arith.minsi %min3A_1419, %max3A_1418 : vector<16xi32>
    %gt3A_1421 = arith.constant 7.500000e-01 : f32
    %gt3A_1422 = vector.broadcast %gt3A_1421 : f32 to vector<16xf32>
    %gt3A_1423 = arith.cmpf ogt, %get3A_1328, %gt3A_1422 : vector<16xf32>
    %add3A_1424 = arith.constant 16 : i32
    %add3A_1425 = vector.broadcast %add3A_1424 : i32 to vector<16xi32>
    %add3A_1426 = arith.addi %add3A_1425, %select_n3A_1399 : vector<16xi32>
    %mul3A_1427 = arith.constant 4 : i32
    %mul3A_1428 = vector.broadcast %mul3A_1427 : i32 to vector<16xi32>
    %mul3A_1429 = arith.muli %min3A_1410, %mul3A_1428 : vector<16xi32>
    %add3A_1430 = arith.addi %mul3A_1429, %min3A_1420 : vector<16xi32>
    %select_n3A_1431 = arith.select %gt3A_1423, %add3A_1426, %add3A_1430 : vector<16xi1>, vector<16xi32>
    %get3A_1432 = arith.constant 176 : index
    %get3A_1433 = tpu.vector_load %arg6[%get3A_1432] {strides = array<i32>} : memref<256xi32, #tpu.memory_space<vmem>>, vector<16xi32>,
    %get3A_1434 = vector.shape_cast %get3A_1433 : vector<16xi32> to vector<16xi32>
    %eq3A_1435 = arith.constant 1 : i32
    %eq3A_1436 = vector.broadcast %eq3A_1435 : i32 to vector<16xi32>
    %eq3A_1437 = arith.cmpi eq, %get3A_1434, %eq3A_1436 : vector<16xi32>
    %jit3A_1438 = arith.constant 24 : i32
    %broadcast_in_dim3A_1439 = vector.broadcast %jit3A_1438 : i32 to vector<16xi32>
    %select_n3A_1440 = arith.select %eq3A_1437, %broadcast_in_dim3A_1439, %select_n3A_1431 : vector<16xi1>, vector<16xi32>
    %swap3A_1441 = arith.constant 176 : index
    %swap3A_1442 = tpu.vector_load %arg7[%swap3A_1441] {strides = array<i32>} : memref<256xi32, #tpu.memory_space<vmem>>, vector<16xi32>,
    %swap3A_1443 = vector.shape_cast %swap3A_1442 : vector<16xi32> to vector<16xi32>
    %swap3A_1444 = vector.shape_cast %select_n3A_1440 : vector<16xi32> to vector<16xi32>
    tpu.vector_store %arg7[%swap3A_1441], %swap3A_1444 {strides = array<i32>} : memref<256xi32, #tpu.memory_space<vmem>>, vector<16xi32>,
    %get3A_1445 = arith.constant 0 : i32
    %get3A_1446 = arith.index_cast %get3A_1445 : i32 to index
    %get3A_1447 = arith.constant 192 : index
    %get3A_1448 = tpu.vector_load %arg5[%get3A_1446, %get3A_1447] {strides = array<i32>} : memref<16x256xf32, #tpu.memory_space<vmem>>, vector<1x16xf32>,
    %get3A_1449 = vector.shape_cast %get3A_1448 : vector<1x16xf32> to vector<16xf32>
    %get3A_1450 = arith.constant 1 : i32
    %get3A_1451 = arith.index_cast %get3A_1450 : i32 to index
    %get3A_1452 = arith.constant 192 : index
    %get3A_1453 = tpu.vector_load %arg5[%get3A_1451, %get3A_1452] {strides = array<i32>} : memref<16x256xf32, #tpu.memory_space<vmem>>, vector<1x16xf32>,
    %get3A_1454 = vector.shape_cast %get3A_1453 : vector<1x16xf32> to vector<16xf32>
    %get3A_1455 = arith.constant 2 : i32
    %get3A_1456 = arith.index_cast %get3A_1455 : i32 to index
    %get3A_1457 = arith.constant 192 : index
    %get3A_1458 = tpu.vector_load %arg5[%get3A_1456, %get3A_1457] {strides = array<i32>} : memref<16x256xf32, #tpu.memory_space<vmem>>, vector<1x16xf32>,
    %get3A_1459 = vector.shape_cast %get3A_1458 : vector<1x16xf32> to vector<16xf32>
    %broadcast_in_dim3A_1460 = arith.constant 0 : i32
    %broadcast_in_dim3A_1461 = vector.broadcast %broadcast_in_dim3A_1460 : i32 to vector<16xi32>
    %get3A_1462 = arith.constant 3 : i32
    %get3A_1463 = arith.index_cast %get3A_1462 : i32 to index
    %get3A_1464 = arith.constant 192 : index
    %get3A_1465 = tpu.vector_load %arg5[%get3A_1463, %get3A_1464] {strides = array<i32>} : memref<16x256xf32, #tpu.memory_space<vmem>>, vector<1x16xf32>,
    %get3A_1466 = vector.shape_cast %get3A_1465 : vector<1x16xf32> to vector<16xf32>
    %gt3A_1467 = arith.cmpf ogt, %get3A_1466, %get3A_1459 : vector<16xf32>
    %broadcast_in_dim3A_1468 = arith.constant 1 : i32
    %broadcast_in_dim3A_1469 = vector.broadcast %broadcast_in_dim3A_1468 : i32 to vector<16xi32>
    %select_n3A_1470 = arith.select %gt3A_1467, %broadcast_in_dim3A_1469, %broadcast_in_dim3A_1461 : vector<16xi1>, vector<16xi32>
    %select_n3A_1471 = arith.select %gt3A_1467, %get3A_1466, %get3A_1459 : vector<16xi1>, vector<16xf32>
    %get3A_1472 = arith.constant 4 : i32
    %get3A_1473 = arith.index_cast %get3A_1472 : i32 to index
    %get3A_1474 = arith.constant 192 : index
    %get3A_1475 = tpu.vector_load %arg5[%get3A_1473, %get3A_1474] {strides = array<i32>} : memref<16x256xf32, #tpu.memory_space<vmem>>, vector<1x16xf32>,
    %get3A_1476 = vector.shape_cast %get3A_1475 : vector<1x16xf32> to vector<16xf32>
    %gt3A_1477 = arith.cmpf ogt, %get3A_1476, %select_n3A_1471 : vector<16xf32>
    %broadcast_in_dim3A_1478 = arith.constant 2 : i32
    %broadcast_in_dim3A_1479 = vector.broadcast %broadcast_in_dim3A_1478 : i32 to vector<16xi32>
    %select_n3A_1480 = arith.select %gt3A_1477, %broadcast_in_dim3A_1479, %select_n3A_1470 : vector<16xi1>, vector<16xi32>
    %select_n3A_1481 = arith.select %gt3A_1477, %get3A_1476, %select_n3A_1471 : vector<16xi1>, vector<16xf32>
    %get3A_1482 = arith.constant 5 : i32
    %get3A_1483 = arith.index_cast %get3A_1482 : i32 to index
    %get3A_1484 = arith.constant 192 : index
    %get3A_1485 = tpu.vector_load %arg5[%get3A_1483, %get3A_1484] {strides = array<i32>} : memref<16x256xf32, #tpu.memory_space<vmem>>, vector<1x16xf32>,
    %get3A_1486 = vector.shape_cast %get3A_1485 : vector<1x16xf32> to vector<16xf32>
    %gt3A_1487 = arith.cmpf ogt, %get3A_1486, %select_n3A_1481 : vector<16xf32>
    %broadcast_in_dim3A_1488 = arith.constant 3 : i32
    %broadcast_in_dim3A_1489 = vector.broadcast %broadcast_in_dim3A_1488 : i32 to vector<16xi32>
    %select_n3A_1490 = arith.select %gt3A_1487, %broadcast_in_dim3A_1489, %select_n3A_1480 : vector<16xi1>, vector<16xi32>
    %select_n3A_1491 = arith.select %gt3A_1487, %get3A_1486, %select_n3A_1481 : vector<16xi1>, vector<16xf32>
    %get3A_1492 = arith.constant 6 : i32
    %get3A_1493 = arith.index_cast %get3A_1492 : i32 to index
    %get3A_1494 = arith.constant 192 : index
    %get3A_1495 = tpu.vector_load %arg5[%get3A_1493, %get3A_1494] {strides = array<i32>} : memref<16x256xf32, #tpu.memory_space<vmem>>, vector<1x16xf32>,
    %get3A_1496 = vector.shape_cast %get3A_1495 : vector<1x16xf32> to vector<16xf32>
    %gt3A_1497 = arith.cmpf ogt, %get3A_1496, %select_n3A_1491 : vector<16xf32>
    %broadcast_in_dim3A_1498 = arith.constant 4 : i32
    %broadcast_in_dim3A_1499 = vector.broadcast %broadcast_in_dim3A_1498 : i32 to vector<16xi32>
    %select_n3A_1500 = arith.select %gt3A_1497, %broadcast_in_dim3A_1499, %select_n3A_1490 : vector<16xi1>, vector<16xi32>
    %select_n3A_1501 = arith.select %gt3A_1497, %get3A_1496, %select_n3A_1491 : vector<16xi1>, vector<16xf32>
    %get3A_1502 = arith.constant 7 : i32
    %get3A_1503 = arith.index_cast %get3A_1502 : i32 to index
    %get3A_1504 = arith.constant 192 : index
    %get3A_1505 = tpu.vector_load %arg5[%get3A_1503, %get3A_1504] {strides = array<i32>} : memref<16x256xf32, #tpu.memory_space<vmem>>, vector<1x16xf32>,
    %get3A_1506 = vector.shape_cast %get3A_1505 : vector<1x16xf32> to vector<16xf32>
    %gt3A_1507 = arith.cmpf ogt, %get3A_1506, %select_n3A_1501 : vector<16xf32>
    %broadcast_in_dim3A_1508 = arith.constant 5 : i32
    %broadcast_in_dim3A_1509 = vector.broadcast %broadcast_in_dim3A_1508 : i32 to vector<16xi32>
    %select_n3A_1510 = arith.select %gt3A_1507, %broadcast_in_dim3A_1509, %select_n3A_1500 : vector<16xi1>, vector<16xi32>
    %select_n3A_1511 = arith.select %gt3A_1507, %get3A_1506, %select_n3A_1501 : vector<16xi1>, vector<16xf32>
    %get3A_1512 = arith.constant 8 : i32
    %get3A_1513 = arith.index_cast %get3A_1512 : i32 to index
    %get3A_1514 = arith.constant 192 : index
    %get3A_1515 = tpu.vector_load %arg5[%get3A_1513, %get3A_1514] {strides = array<i32>} : memref<16x256xf32, #tpu.memory_space<vmem>>, vector<1x16xf32>,
    %get3A_1516 = vector.shape_cast %get3A_1515 : vector<1x16xf32> to vector<16xf32>
    %gt3A_1517 = arith.cmpf ogt, %get3A_1516, %select_n3A_1511 : vector<16xf32>
    %broadcast_in_dim3A_1518 = arith.constant 6 : i32
    %broadcast_in_dim3A_1519 = vector.broadcast %broadcast_in_dim3A_1518 : i32 to vector<16xi32>
    %select_n3A_1520 = arith.select %gt3A_1517, %broadcast_in_dim3A_1519, %select_n3A_1510 : vector<16xi1>, vector<16xi32>
    %select_n3A_1521 = arith.select %gt3A_1517, %get3A_1516, %select_n3A_1511 : vector<16xi1>, vector<16xf32>
    %mul3A_1522 = arith.constant 4.000000e+00 : f32
    %mul3A_1523 = vector.broadcast %mul3A_1522 : f32 to vector<16xf32>
    %mul3A_1524 = arith.mulf %get3A_1449, %mul3A_1523 : vector<16xf32>
    %convert_element_type3A_1525 = arith.fptosi %mul3A_1524 : vector<16xf32> to vector<16xi32>
    %jit3A_1526 = arith.constant 0 : i32
    %jit3A_1527 = arith.constant 3 : i32
    %max3A_1528 = vector.broadcast %jit3A_1526 : i32 to vector<16xi32>
    %max3A_1529 = arith.maxsi %max3A_1528, %convert_element_type3A_1525 : vector<16xi32>
    %min3A_1530 = vector.broadcast %jit3A_1527 : i32 to vector<16xi32>
    %min3A_1531 = arith.minsi %min3A_1530, %max3A_1529 : vector<16xi32>
    %mul3A_1532 = arith.constant 4.000000e+00 : f32
    %mul3A_1533 = vector.broadcast %mul3A_1532 : f32 to vector<16xf32>
    %mul3A_1534 = arith.mulf %get3A_1454, %mul3A_1533 : vector<16xf32>
    %convert_element_type3A_1535 = arith.fptosi %mul3A_1534 : vector<16xf32> to vector<16xi32>
    %jit3A_1536 = arith.constant 0 : i32
    %jit3A_1537 = arith.constant 3 : i32
    %max3A_1538 = vector.broadcast %jit3A_1536 : i32 to vector<16xi32>
    %max3A_1539 = arith.maxsi %max3A_1538, %convert_element_type3A_1535 : vector<16xi32>
    %min3A_1540 = vector.broadcast %jit3A_1537 : i32 to vector<16xi32>
    %min3A_1541 = arith.minsi %min3A_1540, %max3A_1539 : vector<16xi32>
    %gt3A_1542 = arith.constant 7.500000e-01 : f32
    %gt3A_1543 = vector.broadcast %gt3A_1542 : f32 to vector<16xf32>
    %gt3A_1544 = arith.cmpf ogt, %get3A_1449, %gt3A_1543 : vector<16xf32>
    %add3A_1545 = arith.constant 16 : i32
    %add3A_1546 = vector.broadcast %add3A_1545 : i32 to vector<16xi32>
    %add3A_1547 = arith.addi %add3A_1546, %select_n3A_1520 : vector<16xi32>
    %mul3A_1548 = arith.constant 4 : i32
    %mul3A_1549 = vector.broadcast %mul3A_1548 : i32 to vector<16xi32>
    %mul3A_1550 = arith.muli %min3A_1531, %mul3A_1549 : vector<16xi32>
    %add3A_1551 = arith.addi %mul3A_1550, %min3A_1541 : vector<16xi32>
    %select_n3A_1552 = arith.select %gt3A_1544, %add3A_1547, %add3A_1551 : vector<16xi1>, vector<16xi32>
    %get3A_1553 = arith.constant 192 : index
    %get3A_1554 = tpu.vector_load %arg6[%get3A_1553] {strides = array<i32>} : memref<256xi32, #tpu.memory_space<vmem>>, vector<16xi32>,
    %get3A_1555 = vector.shape_cast %get3A_1554 : vector<16xi32> to vector<16xi32>
    %eq3A_1556 = arith.constant 1 : i32
    %eq3A_1557 = vector.broadcast %eq3A_1556 : i32 to vector<16xi32>
    %eq3A_1558 = arith.cmpi eq, %get3A_1555, %eq3A_1557 : vector<16xi32>
    %jit3A_1559 = arith.constant 24 : i32
    %broadcast_in_dim3A_1560 = vector.broadcast %jit3A_1559 : i32 to vector<16xi32>
    %select_n3A_1561 = arith.select %eq3A_1558, %broadcast_in_dim3A_1560, %select_n3A_1552 : vector<16xi1>, vector<16xi32>
    %swap3A_1562 = arith.constant 192 : index
    %swap3A_1563 = tpu.vector_load %arg7[%swap3A_1562] {strides = array<i32>} : memref<256xi32, #tpu.memory_space<vmem>>, vector<16xi32>,
    %swap3A_1564 = vector.shape_cast %swap3A_1563 : vector<16xi32> to vector<16xi32>
    %swap3A_1565 = vector.shape_cast %select_n3A_1561 : vector<16xi32> to vector<16xi32>
    tpu.vector_store %arg7[%swap3A_1562], %swap3A_1565 {strides = array<i32>} : memref<256xi32, #tpu.memory_space<vmem>>, vector<16xi32>,
    %get3A_1566 = arith.constant 0 : i32
    %get3A_1567 = arith.index_cast %get3A_1566 : i32 to index
    %get3A_1568 = arith.constant 208 : index
    %get3A_1569 = tpu.vector_load %arg5[%get3A_1567, %get3A_1568] {strides = array<i32>} : memref<16x256xf32, #tpu.memory_space<vmem>>, vector<1x16xf32>,
    %get3A_1570 = vector.shape_cast %get3A_1569 : vector<1x16xf32> to vector<16xf32>
    %get3A_1571 = arith.constant 1 : i32
    %get3A_1572 = arith.index_cast %get3A_1571 : i32 to index
    %get3A_1573 = arith.constant 208 : index
    %get3A_1574 = tpu.vector_load %arg5[%get3A_1572, %get3A_1573] {strides = array<i32>} : memref<16x256xf32, #tpu.memory_space<vmem>>, vector<1x16xf32>,
    %get3A_1575 = vector.shape_cast %get3A_1574 : vector<1x16xf32> to vector<16xf32>
    %get3A_1576 = arith.constant 2 : i32
    %get3A_1577 = arith.index_cast %get3A_1576 : i32 to index
    %get3A_1578 = arith.constant 208 : index
    %get3A_1579 = tpu.vector_load %arg5[%get3A_1577, %get3A_1578] {strides = array<i32>} : memref<16x256xf32, #tpu.memory_space<vmem>>, vector<1x16xf32>,
    %get3A_1580 = vector.shape_cast %get3A_1579 : vector<1x16xf32> to vector<16xf32>
    %broadcast_in_dim3A_1581 = arith.constant 0 : i32
    %broadcast_in_dim3A_1582 = vector.broadcast %broadcast_in_dim3A_1581 : i32 to vector<16xi32>
    %get3A_1583 = arith.constant 3 : i32
    %get3A_1584 = arith.index_cast %get3A_1583 : i32 to index
    %get3A_1585 = arith.constant 208 : index
    %get3A_1586 = tpu.vector_load %arg5[%get3A_1584, %get3A_1585] {strides = array<i32>} : memref<16x256xf32, #tpu.memory_space<vmem>>, vector<1x16xf32>,
    %get3A_1587 = vector.shape_cast %get3A_1586 : vector<1x16xf32> to vector<16xf32>
    %gt3A_1588 = arith.cmpf ogt, %get3A_1587, %get3A_1580 : vector<16xf32>
    %broadcast_in_dim3A_1589 = arith.constant 1 : i32
    %broadcast_in_dim3A_1590 = vector.broadcast %broadcast_in_dim3A_1589 : i32 to vector<16xi32>
    %select_n3A_1591 = arith.select %gt3A_1588, %broadcast_in_dim3A_1590, %broadcast_in_dim3A_1582 : vector<16xi1>, vector<16xi32>
    %select_n3A_1592 = arith.select %gt3A_1588, %get3A_1587, %get3A_1580 : vector<16xi1>, vector<16xf32>
    %get3A_1593 = arith.constant 4 : i32
    %get3A_1594 = arith.index_cast %get3A_1593 : i32 to index
    %get3A_1595 = arith.constant 208 : index
    %get3A_1596 = tpu.vector_load %arg5[%get3A_1594, %get3A_1595] {strides = array<i32>} : memref<16x256xf32, #tpu.memory_space<vmem>>, vector<1x16xf32>,
    %get3A_1597 = vector.shape_cast %get3A_1596 : vector<1x16xf32> to vector<16xf32>
    %gt3A_1598 = arith.cmpf ogt, %get3A_1597, %select_n3A_1592 : vector<16xf32>
    %broadcast_in_dim3A_1599 = arith.constant 2 : i32
    %broadcast_in_dim3A_1600 = vector.broadcast %broadcast_in_dim3A_1599 : i32 to vector<16xi32>
    %select_n3A_1601 = arith.select %gt3A_1598, %broadcast_in_dim3A_1600, %select_n3A_1591 : vector<16xi1>, vector<16xi32>
    %select_n3A_1602 = arith.select %gt3A_1598, %get3A_1597, %select_n3A_1592 : vector<16xi1>, vector<16xf32>
    %get3A_1603 = arith.constant 5 : i32
    %get3A_1604 = arith.index_cast %get3A_1603 : i32 to index
    %get3A_1605 = arith.constant 208 : index
    %get3A_1606 = tpu.vector_load %arg5[%get3A_1604, %get3A_1605] {strides = array<i32>} : memref<16x256xf32, #tpu.memory_space<vmem>>, vector<1x16xf32>,
    %get3A_1607 = vector.shape_cast %get3A_1606 : vector<1x16xf32> to vector<16xf32>
    %gt3A_1608 = arith.cmpf ogt, %get3A_1607, %select_n3A_1602 : vector<16xf32>
    %broadcast_in_dim3A_1609 = arith.constant 3 : i32
    %broadcast_in_dim3A_1610 = vector.broadcast %broadcast_in_dim3A_1609 : i32 to vector<16xi32>
    %select_n3A_1611 = arith.select %gt3A_1608, %broadcast_in_dim3A_1610, %select_n3A_1601 : vector<16xi1>, vector<16xi32>
    %select_n3A_1612 = arith.select %gt3A_1608, %get3A_1607, %select_n3A_1602 : vector<16xi1>, vector<16xf32>
    %get3A_1613 = arith.constant 6 : i32
    %get3A_1614 = arith.index_cast %get3A_1613 : i32 to index
    %get3A_1615 = arith.constant 208 : index
    %get3A_1616 = tpu.vector_load %arg5[%get3A_1614, %get3A_1615] {strides = array<i32>} : memref<16x256xf32, #tpu.memory_space<vmem>>, vector<1x16xf32>,
    %get3A_1617 = vector.shape_cast %get3A_1616 : vector<1x16xf32> to vector<16xf32>
    %gt3A_1618 = arith.cmpf ogt, %get3A_1617, %select_n3A_1612 : vector<16xf32>
    %broadcast_in_dim3A_1619 = arith.constant 4 : i32
    %broadcast_in_dim3A_1620 = vector.broadcast %broadcast_in_dim3A_1619 : i32 to vector<16xi32>
    %select_n3A_1621 = arith.select %gt3A_1618, %broadcast_in_dim3A_1620, %select_n3A_1611 : vector<16xi1>, vector<16xi32>
    %select_n3A_1622 = arith.select %gt3A_1618, %get3A_1617, %select_n3A_1612 : vector<16xi1>, vector<16xf32>
    %get3A_1623 = arith.constant 7 : i32
    %get3A_1624 = arith.index_cast %get3A_1623 : i32 to index
    %get3A_1625 = arith.constant 208 : index
    %get3A_1626 = tpu.vector_load %arg5[%get3A_1624, %get3A_1625] {strides = array<i32>} : memref<16x256xf32, #tpu.memory_space<vmem>>, vector<1x16xf32>,
    %get3A_1627 = vector.shape_cast %get3A_1626 : vector<1x16xf32> to vector<16xf32>
    %gt3A_1628 = arith.cmpf ogt, %get3A_1627, %select_n3A_1622 : vector<16xf32>
    %broadcast_in_dim3A_1629 = arith.constant 5 : i32
    %broadcast_in_dim3A_1630 = vector.broadcast %broadcast_in_dim3A_1629 : i32 to vector<16xi32>
    %select_n3A_1631 = arith.select %gt3A_1628, %broadcast_in_dim3A_1630, %select_n3A_1621 : vector<16xi1>, vector<16xi32>
    %select_n3A_1632 = arith.select %gt3A_1628, %get3A_1627, %select_n3A_1622 : vector<16xi1>, vector<16xf32>
    %get3A_1633 = arith.constant 8 : i32
    %get3A_1634 = arith.index_cast %get3A_1633 : i32 to index
    %get3A_1635 = arith.constant 208 : index
    %get3A_1636 = tpu.vector_load %arg5[%get3A_1634, %get3A_1635] {strides = array<i32>} : memref<16x256xf32, #tpu.memory_space<vmem>>, vector<1x16xf32>,
    %get3A_1637 = vector.shape_cast %get3A_1636 : vector<1x16xf32> to vector<16xf32>
    %gt3A_1638 = arith.cmpf ogt, %get3A_1637, %select_n3A_1632 : vector<16xf32>
    %broadcast_in_dim3A_1639 = arith.constant 6 : i32
    %broadcast_in_dim3A_1640 = vector.broadcast %broadcast_in_dim3A_1639 : i32 to vector<16xi32>
    %select_n3A_1641 = arith.select %gt3A_1638, %broadcast_in_dim3A_1640, %select_n3A_1631 : vector<16xi1>, vector<16xi32>
    %select_n3A_1642 = arith.select %gt3A_1638, %get3A_1637, %select_n3A_1632 : vector<16xi1>, vector<16xf32>
    %mul3A_1643 = arith.constant 4.000000e+00 : f32
    %mul3A_1644 = vector.broadcast %mul3A_1643 : f32 to vector<16xf32>
    %mul3A_1645 = arith.mulf %get3A_1570, %mul3A_1644 : vector<16xf32>
    %convert_element_type3A_1646 = arith.fptosi %mul3A_1645 : vector<16xf32> to vector<16xi32>
    %jit3A_1647 = arith.constant 0 : i32
    %jit3A_1648 = arith.constant 3 : i32
    %max3A_1649 = vector.broadcast %jit3A_1647 : i32 to vector<16xi32>
    %max3A_1650 = arith.maxsi %max3A_1649, %convert_element_type3A_1646 : vector<16xi32>
    %min3A_1651 = vector.broadcast %jit3A_1648 : i32 to vector<16xi32>
    %min3A_1652 = arith.minsi %min3A_1651, %max3A_1650 : vector<16xi32>
    %mul3A_1653 = arith.constant 4.000000e+00 : f32
    %mul3A_1654 = vector.broadcast %mul3A_1653 : f32 to vector<16xf32>
    %mul3A_1655 = arith.mulf %get3A_1575, %mul3A_1654 : vector<16xf32>
    %convert_element_type3A_1656 = arith.fptosi %mul3A_1655 : vector<16xf32> to vector<16xi32>
    %jit3A_1657 = arith.constant 0 : i32
    %jit3A_1658 = arith.constant 3 : i32
    %max3A_1659 = vector.broadcast %jit3A_1657 : i32 to vector<16xi32>
    %max3A_1660 = arith.maxsi %max3A_1659, %convert_element_type3A_1656 : vector<16xi32>
    %min3A_1661 = vector.broadcast %jit3A_1658 : i32 to vector<16xi32>
    %min3A_1662 = arith.minsi %min3A_1661, %max3A_1660 : vector<16xi32>
    %gt3A_1663 = arith.constant 7.500000e-01 : f32
    %gt3A_1664 = vector.broadcast %gt3A_1663 : f32 to vector<16xf32>
    %gt3A_1665 = arith.cmpf ogt, %get3A_1570, %gt3A_1664 : vector<16xf32>
    %add3A_1666 = arith.constant 16 : i32
    %add3A_1667 = vector.broadcast %add3A_1666 : i32 to vector<16xi32>
    %add3A_1668 = arith.addi %add3A_1667, %select_n3A_1641 : vector<16xi32>
    %mul3A_1669 = arith.constant 4 : i32
    %mul3A_1670 = vector.broadcast %mul3A_1669 : i32 to vector<16xi32>
    %mul3A_1671 = arith.muli %min3A_1652, %mul3A_1670 : vector<16xi32>
    %add3A_1672 = arith.addi %mul3A_1671, %min3A_1662 : vector<16xi32>
    %select_n3A_1673 = arith.select %gt3A_1665, %add3A_1668, %add3A_1672 : vector<16xi1>, vector<16xi32>
    %get3A_1674 = arith.constant 208 : index
    %get3A_1675 = tpu.vector_load %arg6[%get3A_1674] {strides = array<i32>} : memref<256xi32, #tpu.memory_space<vmem>>, vector<16xi32>,
    %get3A_1676 = vector.shape_cast %get3A_1675 : vector<16xi32> to vector<16xi32>
    %eq3A_1677 = arith.constant 1 : i32
    %eq3A_1678 = vector.broadcast %eq3A_1677 : i32 to vector<16xi32>
    %eq3A_1679 = arith.cmpi eq, %get3A_1676, %eq3A_1678 : vector<16xi32>
    %jit3A_1680 = arith.constant 24 : i32
    %broadcast_in_dim3A_1681 = vector.broadcast %jit3A_1680 : i32 to vector<16xi32>
    %select_n3A_1682 = arith.select %eq3A_1679, %broadcast_in_dim3A_1681, %select_n3A_1673 : vector<16xi1>, vector<16xi32>
    %swap3A_1683 = arith.constant 208 : index
    %swap3A_1684 = tpu.vector_load %arg7[%swap3A_1683] {strides = array<i32>} : memref<256xi32, #tpu.memory_space<vmem>>, vector<16xi32>,
    %swap3A_1685 = vector.shape_cast %swap3A_1684 : vector<16xi32> to vector<16xi32>
    %swap3A_1686 = vector.shape_cast %select_n3A_1682 : vector<16xi32> to vector<16xi32>
    tpu.vector_store %arg7[%swap3A_1683], %swap3A_1686 {strides = array<i32>} : memref<256xi32, #tpu.memory_space<vmem>>, vector<16xi32>,
    %get3A_1687 = arith.constant 0 : i32
    %get3A_1688 = arith.index_cast %get3A_1687 : i32 to index
    %get3A_1689 = arith.constant 224 : index
    %get3A_1690 = tpu.vector_load %arg5[%get3A_1688, %get3A_1689] {strides = array<i32>} : memref<16x256xf32, #tpu.memory_space<vmem>>, vector<1x16xf32>,
    %get3A_1691 = vector.shape_cast %get3A_1690 : vector<1x16xf32> to vector<16xf32>
    %get3A_1692 = arith.constant 1 : i32
    %get3A_1693 = arith.index_cast %get3A_1692 : i32 to index
    %get3A_1694 = arith.constant 224 : index
    %get3A_1695 = tpu.vector_load %arg5[%get3A_1693, %get3A_1694] {strides = array<i32>} : memref<16x256xf32, #tpu.memory_space<vmem>>, vector<1x16xf32>,
    %get3A_1696 = vector.shape_cast %get3A_1695 : vector<1x16xf32> to vector<16xf32>
    %get3A_1697 = arith.constant 2 : i32
    %get3A_1698 = arith.index_cast %get3A_1697 : i32 to index
    %get3A_1699 = arith.constant 224 : index
    %get3A_1700 = tpu.vector_load %arg5[%get3A_1698, %get3A_1699] {strides = array<i32>} : memref<16x256xf32, #tpu.memory_space<vmem>>, vector<1x16xf32>,
    %get3A_1701 = vector.shape_cast %get3A_1700 : vector<1x16xf32> to vector<16xf32>
    %broadcast_in_dim3A_1702 = arith.constant 0 : i32
    %broadcast_in_dim3A_1703 = vector.broadcast %broadcast_in_dim3A_1702 : i32 to vector<16xi32>
    %get3A_1704 = arith.constant 3 : i32
    %get3A_1705 = arith.index_cast %get3A_1704 : i32 to index
    %get3A_1706 = arith.constant 224 : index
    %get3A_1707 = tpu.vector_load %arg5[%get3A_1705, %get3A_1706] {strides = array<i32>} : memref<16x256xf32, #tpu.memory_space<vmem>>, vector<1x16xf32>,
    %get3A_1708 = vector.shape_cast %get3A_1707 : vector<1x16xf32> to vector<16xf32>
    %gt3A_1709 = arith.cmpf ogt, %get3A_1708, %get3A_1701 : vector<16xf32>
    %broadcast_in_dim3A_1710 = arith.constant 1 : i32
    %broadcast_in_dim3A_1711 = vector.broadcast %broadcast_in_dim3A_1710 : i32 to vector<16xi32>
    %select_n3A_1712 = arith.select %gt3A_1709, %broadcast_in_dim3A_1711, %broadcast_in_dim3A_1703 : vector<16xi1>, vector<16xi32>
    %select_n3A_1713 = arith.select %gt3A_1709, %get3A_1708, %get3A_1701 : vector<16xi1>, vector<16xf32>
    %get3A_1714 = arith.constant 4 : i32
    %get3A_1715 = arith.index_cast %get3A_1714 : i32 to index
    %get3A_1716 = arith.constant 224 : index
    %get3A_1717 = tpu.vector_load %arg5[%get3A_1715, %get3A_1716] {strides = array<i32>} : memref<16x256xf32, #tpu.memory_space<vmem>>, vector<1x16xf32>,
    %get3A_1718 = vector.shape_cast %get3A_1717 : vector<1x16xf32> to vector<16xf32>
    %gt3A_1719 = arith.cmpf ogt, %get3A_1718, %select_n3A_1713 : vector<16xf32>
    %broadcast_in_dim3A_1720 = arith.constant 2 : i32
    %broadcast_in_dim3A_1721 = vector.broadcast %broadcast_in_dim3A_1720 : i32 to vector<16xi32>
    %select_n3A_1722 = arith.select %gt3A_1719, %broadcast_in_dim3A_1721, %select_n3A_1712 : vector<16xi1>, vector<16xi32>
    %select_n3A_1723 = arith.select %gt3A_1719, %get3A_1718, %select_n3A_1713 : vector<16xi1>, vector<16xf32>
    %get3A_1724 = arith.constant 5 : i32
    %get3A_1725 = arith.index_cast %get3A_1724 : i32 to index
    %get3A_1726 = arith.constant 224 : index
    %get3A_1727 = tpu.vector_load %arg5[%get3A_1725, %get3A_1726] {strides = array<i32>} : memref<16x256xf32, #tpu.memory_space<vmem>>, vector<1x16xf32>,
    %get3A_1728 = vector.shape_cast %get3A_1727 : vector<1x16xf32> to vector<16xf32>
    %gt3A_1729 = arith.cmpf ogt, %get3A_1728, %select_n3A_1723 : vector<16xf32>
    %broadcast_in_dim3A_1730 = arith.constant 3 : i32
    %broadcast_in_dim3A_1731 = vector.broadcast %broadcast_in_dim3A_1730 : i32 to vector<16xi32>
    %select_n3A_1732 = arith.select %gt3A_1729, %broadcast_in_dim3A_1731, %select_n3A_1722 : vector<16xi1>, vector<16xi32>
    %select_n3A_1733 = arith.select %gt3A_1729, %get3A_1728, %select_n3A_1723 : vector<16xi1>, vector<16xf32>
    %get3A_1734 = arith.constant 6 : i32
    %get3A_1735 = arith.index_cast %get3A_1734 : i32 to index
    %get3A_1736 = arith.constant 224 : index
    %get3A_1737 = tpu.vector_load %arg5[%get3A_1735, %get3A_1736] {strides = array<i32>} : memref<16x256xf32, #tpu.memory_space<vmem>>, vector<1x16xf32>,
    %get3A_1738 = vector.shape_cast %get3A_1737 : vector<1x16xf32> to vector<16xf32>
    %gt3A_1739 = arith.cmpf ogt, %get3A_1738, %select_n3A_1733 : vector<16xf32>
    %broadcast_in_dim3A_1740 = arith.constant 4 : i32
    %broadcast_in_dim3A_1741 = vector.broadcast %broadcast_in_dim3A_1740 : i32 to vector<16xi32>
    %select_n3A_1742 = arith.select %gt3A_1739, %broadcast_in_dim3A_1741, %select_n3A_1732 : vector<16xi1>, vector<16xi32>
    %select_n3A_1743 = arith.select %gt3A_1739, %get3A_1738, %select_n3A_1733 : vector<16xi1>, vector<16xf32>
    %get3A_1744 = arith.constant 7 : i32
    %get3A_1745 = arith.index_cast %get3A_1744 : i32 to index
    %get3A_1746 = arith.constant 224 : index
    %get3A_1747 = tpu.vector_load %arg5[%get3A_1745, %get3A_1746] {strides = array<i32>} : memref<16x256xf32, #tpu.memory_space<vmem>>, vector<1x16xf32>,
    %get3A_1748 = vector.shape_cast %get3A_1747 : vector<1x16xf32> to vector<16xf32>
    %gt3A_1749 = arith.cmpf ogt, %get3A_1748, %select_n3A_1743 : vector<16xf32>
    %broadcast_in_dim3A_1750 = arith.constant 5 : i32
    %broadcast_in_dim3A_1751 = vector.broadcast %broadcast_in_dim3A_1750 : i32 to vector<16xi32>
    %select_n3A_1752 = arith.select %gt3A_1749, %broadcast_in_dim3A_1751, %select_n3A_1742 : vector<16xi1>, vector<16xi32>
    %select_n3A_1753 = arith.select %gt3A_1749, %get3A_1748, %select_n3A_1743 : vector<16xi1>, vector<16xf32>
    %get3A_1754 = arith.constant 8 : i32
    %get3A_1755 = arith.index_cast %get3A_1754 : i32 to index
    %get3A_1756 = arith.constant 224 : index
    %get3A_1757 = tpu.vector_load %arg5[%get3A_1755, %get3A_1756] {strides = array<i32>} : memref<16x256xf32, #tpu.memory_space<vmem>>, vector<1x16xf32>,
    %get3A_1758 = vector.shape_cast %get3A_1757 : vector<1x16xf32> to vector<16xf32>
    %gt3A_1759 = arith.cmpf ogt, %get3A_1758, %select_n3A_1753 : vector<16xf32>
    %broadcast_in_dim3A_1760 = arith.constant 6 : i32
    %broadcast_in_dim3A_1761 = vector.broadcast %broadcast_in_dim3A_1760 : i32 to vector<16xi32>
    %select_n3A_1762 = arith.select %gt3A_1759, %broadcast_in_dim3A_1761, %select_n3A_1752 : vector<16xi1>, vector<16xi32>
    %select_n3A_1763 = arith.select %gt3A_1759, %get3A_1758, %select_n3A_1753 : vector<16xi1>, vector<16xf32>
    %mul3A_1764 = arith.constant 4.000000e+00 : f32
    %mul3A_1765 = vector.broadcast %mul3A_1764 : f32 to vector<16xf32>
    %mul3A_1766 = arith.mulf %get3A_1691, %mul3A_1765 : vector<16xf32>
    %convert_element_type3A_1767 = arith.fptosi %mul3A_1766 : vector<16xf32> to vector<16xi32>
    %jit3A_1768 = arith.constant 0 : i32
    %jit3A_1769 = arith.constant 3 : i32
    %max3A_1770 = vector.broadcast %jit3A_1768 : i32 to vector<16xi32>
    %max3A_1771 = arith.maxsi %max3A_1770, %convert_element_type3A_1767 : vector<16xi32>
    %min3A_1772 = vector.broadcast %jit3A_1769 : i32 to vector<16xi32>
    %min3A_1773 = arith.minsi %min3A_1772, %max3A_1771 : vector<16xi32>
    %mul3A_1774 = arith.constant 4.000000e+00 : f32
    %mul3A_1775 = vector.broadcast %mul3A_1774 : f32 to vector<16xf32>
    %mul3A_1776 = arith.mulf %get3A_1696, %mul3A_1775 : vector<16xf32>
    %convert_element_type3A_1777 = arith.fptosi %mul3A_1776 : vector<16xf32> to vector<16xi32>
    %jit3A_1778 = arith.constant 0 : i32
    %jit3A_1779 = arith.constant 3 : i32
    %max3A_1780 = vector.broadcast %jit3A_1778 : i32 to vector<16xi32>
    %max3A_1781 = arith.maxsi %max3A_1780, %convert_element_type3A_1777 : vector<16xi32>
    %min3A_1782 = vector.broadcast %jit3A_1779 : i32 to vector<16xi32>
    %min3A_1783 = arith.minsi %min3A_1782, %max3A_1781 : vector<16xi32>
    %gt3A_1784 = arith.constant 7.500000e-01 : f32
    %gt3A_1785 = vector.broadcast %gt3A_1784 : f32 to vector<16xf32>
    %gt3A_1786 = arith.cmpf ogt, %get3A_1691, %gt3A_1785 : vector<16xf32>
    %add3A_1787 = arith.constant 16 : i32
    %add3A_1788 = vector.broadcast %add3A_1787 : i32 to vector<16xi32>
    %add3A_1789 = arith.addi %add3A_1788, %select_n3A_1762 : vector<16xi32>
    %mul3A_1790 = arith.constant 4 : i32
    %mul3A_1791 = vector.broadcast %mul3A_1790 : i32 to vector<16xi32>
    %mul3A_1792 = arith.muli %min3A_1773, %mul3A_1791 : vector<16xi32>
    %add3A_1793 = arith.addi %mul3A_1792, %min3A_1783 : vector<16xi32>
    %select_n3A_1794 = arith.select %gt3A_1786, %add3A_1789, %add3A_1793 : vector<16xi1>, vector<16xi32>
    %get3A_1795 = arith.constant 224 : index
    %get3A_1796 = tpu.vector_load %arg6[%get3A_1795] {strides = array<i32>} : memref<256xi32, #tpu.memory_space<vmem>>, vector<16xi32>,
    %get3A_1797 = vector.shape_cast %get3A_1796 : vector<16xi32> to vector<16xi32>
    %eq3A_1798 = arith.constant 1 : i32
    %eq3A_1799 = vector.broadcast %eq3A_1798 : i32 to vector<16xi32>
    %eq3A_1800 = arith.cmpi eq, %get3A_1797, %eq3A_1799 : vector<16xi32>
    %jit3A_1801 = arith.constant 24 : i32
    %broadcast_in_dim3A_1802 = vector.broadcast %jit3A_1801 : i32 to vector<16xi32>
    %select_n3A_1803 = arith.select %eq3A_1800, %broadcast_in_dim3A_1802, %select_n3A_1794 : vector<16xi1>, vector<16xi32>
    %swap3A_1804 = arith.constant 224 : index
    %swap3A_1805 = tpu.vector_load %arg7[%swap3A_1804] {strides = array<i32>} : memref<256xi32, #tpu.memory_space<vmem>>, vector<16xi32>,
    %swap3A_1806 = vector.shape_cast %swap3A_1805 : vector<16xi32> to vector<16xi32>
    %swap3A_1807 = vector.shape_cast %select_n3A_1803 : vector<16xi32> to vector<16xi32>
    tpu.vector_store %arg7[%swap3A_1804], %swap3A_1807 {strides = array<i32>} : memref<256xi32, #tpu.memory_space<vmem>>, vector<16xi32>,
    %get3A_1808 = arith.constant 0 : i32
    %get3A_1809 = arith.index_cast %get3A_1808 : i32 to index
    %get3A_1810 = arith.constant 240 : index
    %get3A_1811 = tpu.vector_load %arg5[%get3A_1809, %get3A_1810] {strides = array<i32>} : memref<16x256xf32, #tpu.memory_space<vmem>>, vector<1x16xf32>,
    %get3A_1812 = vector.shape_cast %get3A_1811 : vector<1x16xf32> to vector<16xf32>
    %get3A_1813 = arith.constant 1 : i32
    %get3A_1814 = arith.index_cast %get3A_1813 : i32 to index
    %get3A_1815 = arith.constant 240 : index
    %get3A_1816 = tpu.vector_load %arg5[%get3A_1814, %get3A_1815] {strides = array<i32>} : memref<16x256xf32, #tpu.memory_space<vmem>>, vector<1x16xf32>,
    %get3A_1817 = vector.shape_cast %get3A_1816 : vector<1x16xf32> to vector<16xf32>
    %get3A_1818 = arith.constant 2 : i32
    %get3A_1819 = arith.index_cast %get3A_1818 : i32 to index
    %get3A_1820 = arith.constant 240 : index
    %get3A_1821 = tpu.vector_load %arg5[%get3A_1819, %get3A_1820] {strides = array<i32>} : memref<16x256xf32, #tpu.memory_space<vmem>>, vector<1x16xf32>,
    %get3A_1822 = vector.shape_cast %get3A_1821 : vector<1x16xf32> to vector<16xf32>
    %broadcast_in_dim3A_1823 = arith.constant 0 : i32
    %broadcast_in_dim3A_1824 = vector.broadcast %broadcast_in_dim3A_1823 : i32 to vector<16xi32>
    %get3A_1825 = arith.constant 3 : i32
    %get3A_1826 = arith.index_cast %get3A_1825 : i32 to index
    %get3A_1827 = arith.constant 240 : index
    %get3A_1828 = tpu.vector_load %arg5[%get3A_1826, %get3A_1827] {strides = array<i32>} : memref<16x256xf32, #tpu.memory_space<vmem>>, vector<1x16xf32>,
    %get3A_1829 = vector.shape_cast %get3A_1828 : vector<1x16xf32> to vector<16xf32>
    %gt3A_1830 = arith.cmpf ogt, %get3A_1829, %get3A_1822 : vector<16xf32>
    %broadcast_in_dim3A_1831 = arith.constant 1 : i32
    %broadcast_in_dim3A_1832 = vector.broadcast %broadcast_in_dim3A_1831 : i32 to vector<16xi32>
    %select_n3A_1833 = arith.select %gt3A_1830, %broadcast_in_dim3A_1832, %broadcast_in_dim3A_1824 : vector<16xi1>, vector<16xi32>
    %select_n3A_1834 = arith.select %gt3A_1830, %get3A_1829, %get3A_1822 : vector<16xi1>, vector<16xf32>
    %get3A_1835 = arith.constant 4 : i32
    %get3A_1836 = arith.index_cast %get3A_1835 : i32 to index
    %get3A_1837 = arith.constant 240 : index
    %get3A_1838 = tpu.vector_load %arg5[%get3A_1836, %get3A_1837] {strides = array<i32>} : memref<16x256xf32, #tpu.memory_space<vmem>>, vector<1x16xf32>,
    %get3A_1839 = vector.shape_cast %get3A_1838 : vector<1x16xf32> to vector<16xf32>
    %gt3A_1840 = arith.cmpf ogt, %get3A_1839, %select_n3A_1834 : vector<16xf32>
    %broadcast_in_dim3A_1841 = arith.constant 2 : i32
    %broadcast_in_dim3A_1842 = vector.broadcast %broadcast_in_dim3A_1841 : i32 to vector<16xi32>
    %select_n3A_1843 = arith.select %gt3A_1840, %broadcast_in_dim3A_1842, %select_n3A_1833 : vector<16xi1>, vector<16xi32>
    %select_n3A_1844 = arith.select %gt3A_1840, %get3A_1839, %select_n3A_1834 : vector<16xi1>, vector<16xf32>
    %get3A_1845 = arith.constant 5 : i32
    %get3A_1846 = arith.index_cast %get3A_1845 : i32 to index
    %get3A_1847 = arith.constant 240 : index
    %get3A_1848 = tpu.vector_load %arg5[%get3A_1846, %get3A_1847] {strides = array<i32>} : memref<16x256xf32, #tpu.memory_space<vmem>>, vector<1x16xf32>,
    %get3A_1849 = vector.shape_cast %get3A_1848 : vector<1x16xf32> to vector<16xf32>
    %gt3A_1850 = arith.cmpf ogt, %get3A_1849, %select_n3A_1844 : vector<16xf32>
    %broadcast_in_dim3A_1851 = arith.constant 3 : i32
    %broadcast_in_dim3A_1852 = vector.broadcast %broadcast_in_dim3A_1851 : i32 to vector<16xi32>
    %select_n3A_1853 = arith.select %gt3A_1850, %broadcast_in_dim3A_1852, %select_n3A_1843 : vector<16xi1>, vector<16xi32>
    %select_n3A_1854 = arith.select %gt3A_1850, %get3A_1849, %select_n3A_1844 : vector<16xi1>, vector<16xf32>
    %get3A_1855 = arith.constant 6 : i32
    %get3A_1856 = arith.index_cast %get3A_1855 : i32 to index
    %get3A_1857 = arith.constant 240 : index
    %get3A_1858 = tpu.vector_load %arg5[%get3A_1856, %get3A_1857] {strides = array<i32>} : memref<16x256xf32, #tpu.memory_space<vmem>>, vector<1x16xf32>,
    %get3A_1859 = vector.shape_cast %get3A_1858 : vector<1x16xf32> to vector<16xf32>
    %gt3A_1860 = arith.cmpf ogt, %get3A_1859, %select_n3A_1854 : vector<16xf32>
    %broadcast_in_dim3A_1861 = arith.constant 4 : i32
    %broadcast_in_dim3A_1862 = vector.broadcast %broadcast_in_dim3A_1861 : i32 to vector<16xi32>
    %select_n3A_1863 = arith.select %gt3A_1860, %broadcast_in_dim3A_1862, %select_n3A_1853 : vector<16xi1>, vector<16xi32>
    %select_n3A_1864 = arith.select %gt3A_1860, %get3A_1859, %select_n3A_1854 : vector<16xi1>, vector<16xf32>
    %get3A_1865 = arith.constant 7 : i32
    %get3A_1866 = arith.index_cast %get3A_1865 : i32 to index
    %get3A_1867 = arith.constant 240 : index
    %get3A_1868 = tpu.vector_load %arg5[%get3A_1866, %get3A_1867] {strides = array<i32>} : memref<16x256xf32, #tpu.memory_space<vmem>>, vector<1x16xf32>,
    %get3A_1869 = vector.shape_cast %get3A_1868 : vector<1x16xf32> to vector<16xf32>
    %gt3A_1870 = arith.cmpf ogt, %get3A_1869, %select_n3A_1864 : vector<16xf32>
    %broadcast_in_dim3A_1871 = arith.constant 5 : i32
    %broadcast_in_dim3A_1872 = vector.broadcast %broadcast_in_dim3A_1871 : i32 to vector<16xi32>
    %select_n3A_1873 = arith.select %gt3A_1870, %broadcast_in_dim3A_1872, %select_n3A_1863 : vector<16xi1>, vector<16xi32>
    %select_n3A_1874 = arith.select %gt3A_1870, %get3A_1869, %select_n3A_1864 : vector<16xi1>, vector<16xf32>
    %get3A_1875 = arith.constant 8 : i32
    %get3A_1876 = arith.index_cast %get3A_1875 : i32 to index
    %get3A_1877 = arith.constant 240 : index
    %get3A_1878 = tpu.vector_load %arg5[%get3A_1876, %get3A_1877] {strides = array<i32>} : memref<16x256xf32, #tpu.memory_space<vmem>>, vector<1x16xf32>,
    %get3A_1879 = vector.shape_cast %get3A_1878 : vector<1x16xf32> to vector<16xf32>
    %gt3A_1880 = arith.cmpf ogt, %get3A_1879, %select_n3A_1874 : vector<16xf32>
    %broadcast_in_dim3A_1881 = arith.constant 6 : i32
    %broadcast_in_dim3A_1882 = vector.broadcast %broadcast_in_dim3A_1881 : i32 to vector<16xi32>
    %select_n3A_1883 = arith.select %gt3A_1880, %broadcast_in_dim3A_1882, %select_n3A_1873 : vector<16xi1>, vector<16xi32>
    %select_n3A_1884 = arith.select %gt3A_1880, %get3A_1879, %select_n3A_1874 : vector<16xi1>, vector<16xf32>
    %mul3A_1885 = arith.constant 4.000000e+00 : f32
    %mul3A_1886 = vector.broadcast %mul3A_1885 : f32 to vector<16xf32>
    %mul3A_1887 = arith.mulf %get3A_1812, %mul3A_1886 : vector<16xf32>
    %convert_element_type3A_1888 = arith.fptosi %mul3A_1887 : vector<16xf32> to vector<16xi32>
    %jit3A_1889 = arith.constant 0 : i32
    %jit3A_1890 = arith.constant 3 : i32
    %max3A_1891 = vector.broadcast %jit3A_1889 : i32 to vector<16xi32>
    %max3A_1892 = arith.maxsi %max3A_1891, %convert_element_type3A_1888 : vector<16xi32>
    %min3A_1893 = vector.broadcast %jit3A_1890 : i32 to vector<16xi32>
    %min3A_1894 = arith.minsi %min3A_1893, %max3A_1892 : vector<16xi32>
    %mul3A_1895 = arith.constant 4.000000e+00 : f32
    %mul3A_1896 = vector.broadcast %mul3A_1895 : f32 to vector<16xf32>
    %mul3A_1897 = arith.mulf %get3A_1817, %mul3A_1896 : vector<16xf32>
    %convert_element_type3A_1898 = arith.fptosi %mul3A_1897 : vector<16xf32> to vector<16xi32>
    %jit3A_1899 = arith.constant 0 : i32
    %jit3A_1900 = arith.constant 3 : i32
    %max3A_1901 = vector.broadcast %jit3A_1899 : i32 to vector<16xi32>
    %max3A_1902 = arith.maxsi %max3A_1901, %convert_element_type3A_1898 : vector<16xi32>
    %min3A_1903 = vector.broadcast %jit3A_1900 : i32 to vector<16xi32>
    %min3A_1904 = arith.minsi %min3A_1903, %max3A_1902 : vector<16xi32>
    %gt3A_1905 = arith.constant 7.500000e-01 : f32
    %gt3A_1906 = vector.broadcast %gt3A_1905 : f32 to vector<16xf32>
    %gt3A_1907 = arith.cmpf ogt, %get3A_1812, %gt3A_1906 : vector<16xf32>
    %add3A_1908 = arith.constant 16 : i32
    %add3A_1909 = vector.broadcast %add3A_1908 : i32 to vector<16xi32>
    %add3A_1910 = arith.addi %add3A_1909, %select_n3A_1883 : vector<16xi32>
    %mul3A_1911 = arith.constant 4 : i32
    %mul3A_1912 = vector.broadcast %mul3A_1911 : i32 to vector<16xi32>
    %mul3A_1913 = arith.muli %min3A_1894, %mul3A_1912 : vector<16xi32>
    %add3A_1914 = arith.addi %mul3A_1913, %min3A_1904 : vector<16xi32>
    %select_n3A_1915 = arith.select %gt3A_1907, %add3A_1910, %add3A_1914 : vector<16xi1>, vector<16xi32>
    %get3A_1916 = arith.constant 240 : index
    %get3A_1917 = tpu.vector_load %arg6[%get3A_1916] {strides = array<i32>} : memref<256xi32, #tpu.memory_space<vmem>>, vector<16xi32>,
    %get3A_1918 = vector.shape_cast %get3A_1917 : vector<16xi32> to vector<16xi32>
    %eq3A_1919 = arith.constant 1 : i32
    %eq3A_1920 = vector.broadcast %eq3A_1919 : i32 to vector<16xi32>
    %eq3A_1921 = arith.cmpi eq, %get3A_1918, %eq3A_1920 : vector<16xi32>
    %jit3A_1922 = arith.constant 24 : i32
    %broadcast_in_dim3A_1923 = vector.broadcast %jit3A_1922 : i32 to vector<16xi32>
    %select_n3A_1924 = arith.select %eq3A_1921, %broadcast_in_dim3A_1923, %select_n3A_1915 : vector<16xi1>, vector<16xi32>
    %swap3A_1925 = arith.constant 240 : index
    %swap3A_1926 = tpu.vector_load %arg7[%swap3A_1925] {strides = array<i32>} : memref<256xi32, #tpu.memory_space<vmem>>, vector<16xi32>,
    %swap3A_1927 = vector.shape_cast %swap3A_1926 : vector<16xi32> to vector<16xi32>
    %swap3A_1928 = vector.shape_cast %select_n3A_1924 : vector<16xi32> to vector<16xi32>
    tpu.vector_store %arg7[%swap3A_1925], %swap3A_1928 {strides = array<i32>} : memref<256xi32, #tpu.memory_space<vmem>>, vector<16xi32>,
    "tpu.region"() ({
      %run_scoped3A = tpu.sem_alloc : memref<!tpu.dma_semaphore, #tpu.memory_space<semaphore_mem>>
      %dma_start3A = tpu.memref_slice %arg4[%mul3A_2] : memref<8192xi32, #tpu.memory_space<hbm>> -> memref<256xi32, #tpu.memory_space<hbm>>
      %dma_start3A_1929 = tpu.memref_slice %arg4[%mul3A_2] : memref<8192xi32, #tpu.memory_space<hbm>> -> memref<256xi32, #tpu.memory_space<hbm>>
      tpu.enqueue_dma source(%arg7 : memref<256xi32, #tpu.memory_space<vmem>>) target(%dma_start3A_1929 : memref<256xi32, #tpu.memory_space<hbm>>) target_semaphore(%run_scoped3A : memref<!tpu.dma_semaphore, #tpu.memory_space<semaphore_mem>>)
      %dma_wait3A = tpu.memref_slice %arg4[%mul3A_2] : memref<8192xi32, #tpu.memory_space<hbm>> -> memref<256xi32, #tpu.memory_space<hbm>>
      %dma_wait3A_1930 = tpu.memref_slice %arg4[%mul3A_2] : memref<8192xi32, #tpu.memory_space<hbm>> -> memref<256xi32, #tpu.memory_space<hbm>>
      tpu.wait_dma2 semaphore(%run_scoped3A : memref<!tpu.dma_semaphore, #tpu.memory_space<semaphore_mem>>) src(%arg7 : memref<256xi32, #tpu.memory_space<vmem>>) dst(%dma_wait3A_1930 : memref<256xi32, #tpu.memory_space<hbm>>)
      tpu.yield
    }) : () -> ()
    return
  }
}

module attributes {stable_mosaic.version = 14 : i64} {
  func.func @_scores_kernel(%arg0: i32, %arg1: memref<8192x256xf32, #tpu.memory_space<vmem>>, %arg2: memref<128x256xf32, #tpu.memory_space<vmem>>, %arg3: memref<128x1xf32, #tpu.memory_space<vmem>>, %arg4: memref<8x64xf32, #tpu.memory_space<vmem>>, %arg5: memref<8x1xf32, #tpu.memory_space<vmem>>, %arg6: memref<16x8192xf32, #tpu.memory_space<vmem>>) attributes {dimension_semantics = [#tpu.dimension_semantics<arbitrary>], iteration_bounds = array<i64: 1>, scalar_prefetch = 0 : i64, scratch_operands = 0 : i64, tpu.core_type = #tpu.core_type<tc>, window_params = [{transform_indices = @transform_0, window_bounds = array<i64: 8192, 256>}, {pipeline_mode = #tpu.pipeline_mode<synchronous>, transform_indices = @transform_1, window_bounds = array<i64: 128, 256>}, {pipeline_mode = #tpu.pipeline_mode<synchronous>, transform_indices = @transform_2, window_bounds = array<i64: 128, 1>}, {pipeline_mode = #tpu.pipeline_mode<synchronous>, transform_indices = @transform_3, window_bounds = array<i64: 8, 64>}, {pipeline_mode = #tpu.pipeline_mode<synchronous>, transform_indices = @transform_4, window_bounds = array<i64: 8, 1>}, {transform_indices = @transform_5, window_bounds = array<i64: 16, 8192>}]} {
    %get3A = arith.constant 0 : index
    %get3A_0 = arith.constant 0 : index
    %get3A_1 = vector.load %arg1[%get3A, %get3A_0] : memref<8192x256xf32, #tpu.memory_space<vmem>>, vector<8192x256xf32>
    %get3A_2 = arith.constant 0 : index
    %get3A_3 = arith.constant 0 : index
    %get3A_4 = vector.load %arg2[%get3A_2, %get3A_3] : memref<128x256xf32, #tpu.memory_space<vmem>>, vector<128x256xf32>
    %dot_general3A = arith.constant dense<0.000000e+00> : vector<128x8192xf32>
    %dot_general3A_5 = tpu.matmul %get3A_4, %get3A_1, %dot_general3A {dimension_numbers = #tpu.dot_dimension_numbers<[1], [1], [0], [0], [0, 0, 1, 0], [], []>, transpose_lhs_hint = false} : vector<128x256xf32>, vector<8192x256xf32>, vector<128x8192xf32> -> vector<128x8192xf32>
    %get3A_6 = arith.constant 0 : index
    %get3A_7 = arith.constant 0 : index
    %get3A_8 = vector.load %arg3[%get3A_6, %get3A_7] : memref<128x1xf32, #tpu.memory_space<vmem>>, vector<128x1xf32>
    %add3A = vector.broadcast %get3A_8 : vector<128x1xf32> to vector<128x8192xf32>
    %add3A_9 = arith.addf %dot_general3A_5, %add3A : vector<128x8192xf32>
    %slice3A = vector.extract_strided_slice %add3A_9 {offsets = [64, 0], sizes = [1, 8192], strides = [1, 1]} : vector<128x8192xf32> to vector<1x8192xf32>
    %logistic3A = arith.negf %slice3A : vector<1x8192xf32>
    %logistic3A_10 = math.exp %logistic3A : vector<1x8192xf32>
    %logistic3A_11 = arith.constant 1.000000e+00 : f32
    %logistic3A_12 = vector.broadcast %logistic3A_11 : f32 to vector<1x8192xf32>
    %logistic3A_13 = arith.addf %logistic3A_12, %logistic3A_10 : vector<1x8192xf32>
    %logistic3A_14 = arith.divf %logistic3A_12, %logistic3A_13 : vector<1x8192xf32>
    %swap3A = arith.constant 0 : index
    %swap3A_15 = arith.constant 0 : index
    %swap3A_16 = vector.load %arg6[%swap3A, %swap3A_15] : memref<16x8192xf32, #tpu.memory_space<vmem>>, vector<1x8192xf32>
    tpu.vector_store %arg6[%swap3A, %swap3A_15], %logistic3A_14 {strides = array<i32>} : memref<16x8192xf32, #tpu.memory_space<vmem>>, vector<1x8192xf32>,
    %slice3A_17 = vector.extract_strided_slice %add3A_9 {offsets = [65, 0], sizes = [1, 8192], strides = [1, 1]} : vector<128x8192xf32> to vector<1x8192xf32>
    %logistic3A_18 = arith.negf %slice3A_17 : vector<1x8192xf32>
    %logistic3A_19 = math.exp %logistic3A_18 : vector<1x8192xf32>
    %logistic3A_20 = arith.constant 1.000000e+00 : f32
    %logistic3A_21 = vector.broadcast %logistic3A_20 : f32 to vector<1x8192xf32>
    %logistic3A_22 = arith.addf %logistic3A_21, %logistic3A_19 : vector<1x8192xf32>
    %logistic3A_23 = arith.divf %logistic3A_21, %logistic3A_22 : vector<1x8192xf32>
    %swap3A_24 = arith.constant 1 : index
    %swap3A_25 = arith.constant 0 : index
    %swap3A_26 = vector.load %arg6[%swap3A_24, %swap3A_25] : memref<16x8192xf32, #tpu.memory_space<vmem>>, vector<1x8192xf32>
    tpu.vector_store %arg6[%swap3A_24, %swap3A_25], %logistic3A_23 {strides = array<i32>} : memref<16x8192xf32, #tpu.memory_space<vmem>>, vector<1x8192xf32>,
    %slice3A_27 = vector.extract_strided_slice %add3A_9 {offsets = [0, 0], sizes = [64, 8192], strides = [1, 1]} : vector<128x8192xf32> to vector<64x8192xf32>
    %max3A = arith.constant 0.000000e+00 : f32
    %max3A_28 = vector.broadcast %max3A : f32 to vector<64x8192xf32>
    %max3A_29 = arith.maximumf %slice3A_27, %max3A_28 : vector<64x8192xf32>
    %get3A_30 = arith.constant 0 : index
    %get3A_31 = arith.constant 0 : index
    %get3A_32 = vector.load %arg4[%get3A_30, %get3A_31] : memref<8x64xf32, #tpu.memory_space<vmem>>, vector<8x64xf32>
    %dot_general3A_33 = arith.constant dense<0.000000e+00> : vector<8x8192xf32>
    %dot_general3A_34 = tpu.matmul %get3A_32, %max3A_29, %dot_general3A_33 {dimension_numbers = #tpu.dot_dimension_numbers<[1], [0], [0], [1], [0, 0, 1, 1], [], []>, transpose_lhs_hint = false} : vector<8x64xf32>, vector<64x8192xf32>, vector<8x8192xf32> -> vector<8x8192xf32>
    %get3A_35 = arith.constant 0 : index
    %get3A_36 = arith.constant 0 : index
    %get3A_37 = vector.load %arg5[%get3A_35, %get3A_36] : memref<8x1xf32, #tpu.memory_space<vmem>>, vector<8x1xf32>
    %add3A_38 = vector.broadcast %get3A_37 : vector<8x1xf32> to vector<8x8192xf32>
    %add3A_39 = arith.addf %dot_general3A_34, %add3A_38 : vector<8x8192xf32>
    %swap3A_40 = arith.constant 2 : index
    %swap3A_41 = arith.constant 0 : index
    %swap3A_42 = vector.load %arg6[%swap3A_40, %swap3A_41] : memref<16x8192xf32, #tpu.memory_space<vmem>>, vector<8x8192xf32>
    tpu.vector_store %arg6[%swap3A_40, %swap3A_41], %add3A_39 {strides = array<i32>} : memref<16x8192xf32, #tpu.memory_space<vmem>>, vector<8x8192xf32>,
    return
  }
  func.func @transform_0(%arg0: i32) -> (i32, i32) {
    %c0_i32 = arith.constant 0 : i32
    %c0_i32_0 = arith.constant 0 : i32
    return %arg0, %c0_i32 : i32, i32
  }
  func.func @transform_1(%arg0: i32) -> (i32, i32) {
    %c0_i32 = arith.constant 0 : i32
    %c0_i32_0 = arith.constant 0 : i32
    %c0_i32_1 = arith.constant 0 : i32
    return %c0_i32, %c0_i32_0 : i32, i32
  }
  func.func @transform_2(%arg0: i32) -> (i32, i32) {
    %c0_i32 = arith.constant 0 : i32
    %c0_i32_0 = arith.constant 0 : i32
    %c0_i32_1 = arith.constant 0 : i32
    return %c0_i32, %c0_i32_0 : i32, i32
  }
  func.func @transform_3(%arg0: i32) -> (i32, i32) {
    %c0_i32 = arith.constant 0 : i32
    %c0_i32_0 = arith.constant 0 : i32
    %c0_i32_1 = arith.constant 0 : i32
    return %c0_i32, %c0_i32_0 : i32, i32
  }
  func.func @transform_4(%arg0: i32) -> (i32, i32) {
    %c0_i32 = arith.constant 0 : i32
    %c0_i32_0 = arith.constant 0 : i32
    %c0_i32_1 = arith.constant 0 : i32
    return %c0_i32, %c0_i32_0 : i32, i32
  }
  func.func @transform_5(%arg0: i32) -> (i32, i32) {
    %c0_i32 = arith.constant 0 : i32
    %c0_i32_0 = arith.constant 0 : i32
    return %c0_i32, %arg0 : i32, i32
  }
}

</mosaic_0001>

<sc_bundles>
// kernel: kernel.6.cloned.1.call-start
scs
__scs_entry_jumppad:
0x0: {  	(pc) =	sbr.rel $0x88, $3  }
0x1: {  	(tag) =	ssettag $0x0;
	lr =	simm.s32 $0x1  }
0x2: {  	[smem:$0x3F97] =	sst lr;
	_ =	strace $0xD0000000  }
0x3: {  	_ = 	snop  }
0x4: {  	_ = 	snop  }
0x5: {  	_ = 	snop  }
0x6: {  	_ = 	snop  }
0x7: {  	_ = 	snop  }
__scs_overlays_trampoline_lowered:
0x8: {  	[smem:$0x3FA6] =	sst s0  }
0x9: {  	[smem:$0x3FA7] =	sst s1  }
0xa: {  	[smem:$0x3FA8] =	sst s2  }
0xb: {  	[smem:$0x3FA9] =	sst s3  }
0xc: {  	[smem:$0x3FAA] =	sst s4  }
0xd: {  	[smem:$0x3FAB] =	sst s5  }
0xe: {  	[smem:$0x3FAC] =	sst s6  }
0xf: {  	[smem:$0x3FAD] =	sst s7  }
0x10: {  	[smem:$0x3FAE] =	sst s8  }
0x11: {  	[smem:$0x3FAF] =	sst s9;
	s0 =	simm.s32 @!p0 $0x0  }
0x12: {  	s1 =	sld [smem:$0x3F95];
	s0 =	simm.s32 @p0 $0x1  }
0x13: {  	[smem:$0x3FB0] =	sst s0;
	s0 =	simm.s32 @!p1 $0x0  }
0x14: {  	s2 =	sld [smem:$0x3F94];
	s0 =	simm.s32 @p1 $0x1  }
0x15: {  	[smem:$0x3FB1] =	sst s0;
	s0 =	simm.s32 @!p2 $0x0  }
0x16: {  	s3 =	sld [smem:$0x3FDB];
	s0 =	simm.s32 @p2 $0x1  }
0x17: {  	s4 =	simm.s32 $0x1BF5;
	[smem:$0x3FB3] =	sst s0  }
0x18: {  	s0 =	sld [smem:$0x3F96];
	_ =	swait.ge [sflag:s4], $0x0  }
0x19: {  	s7 =	sld [smem:$0x3F97]  }
0x1a: {  	s8 =	sadd.s32 $0xFFFFE003, lr  }
0x1b: {  	s9 =	sadd.s32 $0xFFFFFEF7, lr;
	s5 =	simm.s32 $0xFFFFFFFF;
	p2 =	slt.u32 s8, $0xFFFFF086  }
0x1c: {  	p1 =	slt.u32 s9, $0xF7A;
	s5 =	simm.s32 @!p2 $0x0  }
0x1d: {  	s5 =	simm.s32 @p1 $0x1;
	p0 =	seq.s32 s7, s2  }
0x1e: {  	s7 =	smul.u32 @!p0 $0xF7A, s2;
	p2 =	seq.s32 @!p0 s5, $0x0  }
0x1f: {  	s9 =	smul.u32 $0xF7A, s1;
	s8 =	simm.s32 @!p0 $0x1BF5;
	p2 =	por !p2, p0  }
0x20: {  	[sflag:s8] =	ssyncset.s32 @!p0 $0xFFFFF086;
	s6 =	sadd.s32 @!p0 s3, s7;
	s7 =	simm.s32 @!p0 $0x108  }
0x21: {  	s3 =	sadd.s32 s3, s9;
	s6 =	sadd.s32 @!p0 $0x88, s6;
	s7 =	simm.s32 @p2 $0x1082  }
0x22: {  	[simem:s7], [sflag:s8] =	dma.local @!p0 [hbm:s6], $0xF7A  }
0x23: {  	s9 =	sor.u32 $0xD0000000, s2;
	s6 =	simm.s32 $0x108;
	_ =	swait.ge @!p0 [sflag:s8], $0x0  }
0x24: {  	s3 =	sadd.s32 $0x88, s3;
	s6 =	simm.s32 @!p1 $0x1082;
	[sflag:s4] =	ssyncset.s32 $0xFFFFF086  }
0x25: {  	[simem:s6], [sflag:s4] =	dma.local [hbm:s3], $0xF7A  }
0x26: {  	[smem:$0x3F97] =	sst s1;
	(tag) =	ssettag s2;
	_ =	strace s9  }
0x27: {  	s1 =	sld [smem:$0x3FA7]  }
0x28: {  	s2 =	sld [smem:$0x3FA8]  }
0x29: {  	s4 =	sld [smem:$0x3FAA]  }
0x2a: {  	p0 =	seq.s32 s5, $0x0;
	s5 =	sld [smem:$0x3FAB]  }
0x2b: {  	s6 =	sld [smem:$0x3FAC]  }
0x2c: {  	s7 =	sld [smem:$0x3FAD]  }
0x2d: {  	s3 =	simm.s32 $0x108;
	s8 =	sld [smem:$0x3FAE]  }
0x2e: {  	s3 =	simm.s32 @!p0 $0x1082;
	s9 =	sld [smem:$0x3FAF]  }
0x2f: {  	lr =	sadd.s32 s0, s3;
	s0 =	sld [smem:$0x3FA6]  }
0x30: {  	s3 =	sld [smem:$0x3FA9]  }
0x31: {  	[smem:$0x3FB2] =	sst s10  }
0x32: {  	s10 =	sld [smem:$0x3FB0];
	_ =	sdelay $0x3  }
0x33: {  	p0 =	seq.s32 s10, $0x1;
	s10 =	sld [smem:$0x3FB2];
	_ =	sdelay $0x3  }
0x34: {  	[smem:$0x3FB2] =	sst s10  }
0x35: {  	s10 =	sld [smem:$0x3FB1];
	_ =	sdelay $0x3  }
0x36: {  	p1 =	seq.s32 s10, $0x1;
	s10 =	sld [smem:$0x3FB2];
	_ =	sdelay $0x3  }
0x37: {  	[smem:$0x3FB2] =	sst s10  }
0x38: {  	s10 =	sld [smem:$0x3FB3]  }
0x39: {  	_ = 	snop;
	(pc) =	sbr.ind lr, $3  }
0x3a: {  	_ = 	snop  }
0x3b: {  	_ = 	snop  }
0x3c: {  	p2 =	seq.s32 s10, $0x1;
	s10 =	sld [smem:$0x3FB2]  }
0x3d: {  	_ =	shalt  }
0x3e: {  	_ =	shalt  }
0x3f: {  	_ =	shalt  }
0x40: {  	_ =	shalt  }
0x41: {  	_ =	shalt  }
0x42: {  	_ =	shalt  }
0x43: {  	_ =	shalt  }
0x44: {  	_ =	shalt  }
0x45: {  	_ =	shalt  }
0x46: {  	_ =	shalt  }
0x47: {  	_ =	shalt  }
0x48: {  	_ =	shalt  }
0x49: {  	_ =	shalt  }
0x4a: {  	_ =	shalt  }
0x4b: {  	_ =	shalt  }
0x4c: {  	_ =	shalt  }
0x4d: {  	_ =	shalt  }
0x4e: {  	_ =	shalt  }
0x4f: {  	_ =	shalt  }
0x50: {  	_ =	shalt  }
0x51: {  	_ =	shalt  }
0x52: {  	_ =	shalt  }
0x53: {  	_ =	shalt  }
0x54: {  	_ =	shalt  }
0x55: {  	_ =	shalt  }
0x56: {  	_ =	shalt  }
0x57: {  	_ =	shalt  }
0x58: {  	_ =	shalt  }
0x59: {  	_ =	shalt  }
0x5a: {  	_ =	shalt  }
0x5b: {  	_ =	shalt  }
0x5c: {  	_ =	shalt  }
0x5d: {  	_ =	shalt  }
0x5e: {  	_ =	shalt  }
0x5f: {  	_ =	shalt  }
0x60: {  	_ =	shalt  }
0x61: {  	_ =	shalt  }
0x62: {  	_ =	shalt  }
0x63: {  	_ =	shalt  }
0x64: {  	_ =	shalt  }
0x65: {  	_ =	shalt  }
0x66: {  	_ =	shalt  }
0x67: {  	_ =	shalt  }
0x68: {  	_ =	shalt  }
0x69: {  	_ =	shalt  }
0x6a: {  	_ =	shalt  }
0x6b: {  	_ =	shalt  }
0x6c: {  	_ =	shalt  }
0x6d: {  	_ =	shalt  }
0x6e: {  	_ =	shalt  }
0x6f: {  	_ =	shalt  }
0x70: {  	_ =	shalt  }
0x71: {  	_ =	shalt  }
0x72: {  	_ =	shalt  }
0x73: {  	_ =	shalt  }
0x74: {  	_ =	shalt  }
0x75: {  	_ =	shalt  }
0x76: {  	_ =	shalt  }
0x77: {  	_ =	shalt  }
0x78: {  	_ =	shalt  }
0x79: {  	_ =	shalt  }
0x7a: {  	_ =	shalt  }
0x7b: {  	_ =	shalt  }
0x7c: {  	_ =	shalt  }
0x7d: {  	_ =	shalt  }
0x7e: {  	_ =	shalt  }
0x7f: {  	_ =	shalt  }
0x80: {  	_ =	shalt  }
0x81: {  	_ =	shalt  }
0x82: {  	_ =	shalt  }
0x83: {  	_ =	shalt  }
0x84: {  	_ =	shalt  }
0x85: {  	_ =	shalt  }
0x86: {  	_ =	shalt  }
0x87: {  	_ =	shalt  }
.Lfunc_end0:
.L_simem_size_0:
called_computation_lowered:
.L_overlay_start_0:
0x88: {  	s2 =	sld [smem:$0x3FD9]  }
0x89: {  	s3 =	sld [smem:$0x3FFE];
	_ =	sdelay $0x1  }
0x8a: {  	s1 =	srdreg.scid  }
0x8b: {  	s0 =	sand.u32 $0x1, s1  }
0x8c: {  	s17 =	sshll.u32 s0, $0xA;
	s2 =	sadd.s32 s3, s2  }
0x8d: {  	s2 =	sadd.s32 s2, s17  }
0x8e: {  	[smem:$0x3FBE] =	sst s2  }
0x8f: {  	_ = 	snop  }
0x90: {  	s2 =	sld [smem:$0x3FD0];
	(tm) =	ssettm $0x1  }
0x91: {  	s18 =	sld [smem:$0x3FFB];
	_ =	sdelay $0x3  }
0x92: {  	_ =	strace s18  }
0x93: {  	s3 =	sld [smem:$0x3FFC];
	_ =	sdelay $0x3  }
0x94: {  	_ =	strace s3  }
0x95: {  	s3 =	sld [smem:$0x3FFD];
	_ =	sdelay $0x3  }
0x96: {  	_ =	strace s3  }
0x97: {  	_ =	strace $0x8FFFFFFF  }
0x98: {  	s19 =	sld [smem:$0x3FDB];
	_ =	sdelay $0x1  }
0x99: {  	s4 =	simm.s32 $_scs_section_size  }
0x9a: {  	s5 =	simm.s32 $_size__tile_overlayer_lowered;
	s6 =	simm.s32 $_tile_overlayer_lowered  }
0x9b: {  	s22 =	simm.s32 $0x1BFF;
	s21 =	sshll.u32 s6, $0x1;
	s3 =	sadd.s32 s4, s19  }
0x9c: {  	s7 =	simm.s32 $0x0;
	s20 =	sshll.u32 s5, $0x1;
	s5 =	sadd.s32 s21, s3  }
0x9d: {  	[timem:s7], [sflag:s22] =	dma.local [hbm:s5], s20  }
0x9e: {  	_ =	swait.ge [sflag:s22], s20  }
0x9f: {  	s4 =	ssub.s32 $0x0, s20;
	[sflag:s22] =	ssyncset.done $0x0  }
0xa0: {  	[sflag:s22] =	ssyncadd.s32 s4;
	_ =	sdelay $0x1  }
0xa1: {  	s23 =	simm.s32 $0x1B8B  }
0xa2: {  	_ =	swait.ge [sflag:s23], $0x1  }
0xa3: {  	[sflag:s23] =	ssyncset.done $0x0  }
0xa4: {  	s25 =	simm.s32 $0x1B8E;
	s24 =	sld [smem:$0x3FFE];
	[sflag:s23] =	ssyncadd.s32 $0xFFFFFFFF  }
0xa5: {  	s26 =	simm.s32 $execute0_lowered;
	[smem:$0x3FD2] =	sst s25  }
0xa6: {  	s5 =	sshll.u32 s26, $0x1;
	_ =	strace $0x80000046;
	[dreg:$0x1] =	wrdreg $0xFFFFFFFF  }
0xa7: {  	s28 =	simm.s32 $_size_execute0_lowered;
	s3 =	sadd.s32 s3, s5;
	[dreg:$0x0] =	wrdreg $0x0  }
0xa8: {  	s5 =	sshll.u32 s28, $0x1;
	[dreg:$0x2] =	wrdreg s3  }
0xa9: {  	[dreg:$0x3] =	wrdreg s5  }
0xaa: {  	[dreg:$0x4] =	wrdreg $0xC0  }
0xab: {  	_ =	task [dreg:s7], $0x5FFFF  }
0xac: {  	[dreg:$0x1] =	wrdreg $0xFFFFFFFF  }
0xad: {  	[dreg:$0x0] =	wrdreg $0x60  }
0xae: {  	[dreg:$0x2] =	wrdreg s24  }
0xaf: {  	[dreg:$0x3] =	wrdreg s2  }
0xb0: {  	[dreg:$0x4] =	wrdreg $0x9  }
0xb1: {  	_ =	task.clear_ibuf [dreg:s7], $0x5FFFF;
	_ =	strace $0x90000046  }
0xb2: {  	s29 =	simm.s32 $0x9;
	_ =	strace $0x80000048  }
0xb3: {  	_ =	swait.ge [sflag:s29], $0x1  }
0xb4: {  	[sflag:s29] =	ssyncadd.s32 $0xFFFFFFFF  }
0xb5: {  	_ =	strace $0x90000048  }
0xb6: {  	_ =	sfence  }
0xb7: {  	s30 =	sld [smem:$0x0];
	_ =	sdelay $0x2  }
0xb8: {  	s31 =	sshll.u32 s1, $0xD;
	s1 =	sshrl.u32 s1, $0x2  }
0xb9: {  	s3 =	sand.u32 $0x4000, s31;
	s1 =	sadd.s32 s1, s30  }
0xba: {  	s0 =	sor.u32 s3, s0;
	s1 =	sshll.u32 s1, $0x11  }
0xbb: {  	s0 =	sor.u32 s1, s0  }
0xbc: {  	s0 =	sadd.s32 $0x8F2B, s0  }
0xbd: {  	[sflag:s0] =	ssyncadd.remote.s32 $0x1  }
0xbe: {  	_ =	sfence.sel $0xFFFF  }
0xbf: {  	[dreg:$0x0] =	wrdreg $0xFFFFFFFF;
	(pc) =	sbr.abs _section_cstart, $3  }
0xc0: {  	[dreg:$0x1] =	wrdreg $0xFFFFFFFF  }
0xc1: {  	_ =	task.clear_ibuf [dreg:s7], $0x2FFFF;
	_ =	strace $0x9FFFFFFF  }
0xc2: {  	(tm) =	ssettm $0x7FFFFFFF  }
0xc3: {  	_ =	shalt  }
tec
execute0_lowered:
.L_overlay_start_1:
0x0: {  	(tag) =	ssettag $0x1  }
0x1: {  	s3 =	rddreg [dreg:$0x0]  }
0x2: {  	s4 =	rddreg [dreg:$0x1];
	s2 =	srdreg.scid  }
0x3: {  	s0 =	rddreg [dreg:$0x2];
	s1 =	stileid.u32;
	s10 =	simm.s32 $0x1000  }
0x4: {  	s11 =	simm.s32 $0x1100;
	s5 =	sand.u32 $0x1, s2;
	s2 =	simm.s32 $0x0  }
0x5: {  	s6 =	sshll.u32 s1, $0x9;
	s7 =	sshll.u32 s5, $0x8;
	[smem:$0x7FF] =	sst s2  }
0x6: {  	s5 =	ssub.s32 $0x2, s5;
	s6 =	sor.u32 s7, s6;
	_ =	strace $0x80000047  }
0x7: {  	s8 =	sshrl.u32 s5, $0x1;
	s7 =	sshrl.u32 s6, $0x3;
	s6 =	sadd.s32 s6, s3  }
0x8: {  	s8 =	ssub.s32 s5, s8;
	s9 =	sadd.s32 s7, s3;
	s3 =	sadd.s32 $0x2200, s6  }
0x9: {  	s4 =	sadd.s32 s4, s7;
	s6 =	smax.u32 s8, $0x1;
	s7 =	simm.s32 $0x800  }
0xa: {  	v0 =	vimm.s32 $0x10;
	s8 =	simm.s32 $0x10000;
	s5 =	sadd.s32 $0x6200, s9;
	s9 =	simm.s32 $0x1  }
.LBB2_1:
0xb: {  	[tilespmem:s2], [sflag:$0x1] =	stream.strided.gather [hbm4b:s3+s7], $0x1000, s8, s7, $0x38;
	[tilespmem:$0x1200] =	vst v63  }
0xc: {  	_ =	swait.ge [sflag:s9], $0x1000  }
0xd: {  	[sflag:s9] =	ssyncset.done $0x0  }
0xe: {  	[sflag:s9] =	ssyncadd.s32 $0xFFFFF000  }
0xf: {  	[tilespmem:s10], [sflag:$0x1] =	stream.linear.gather [hbm4b:s4+s2], $0x100, $0x38;
	[tilespmem:$0x1200] =	vst v63  }
0x10: {  	_ =	swait.ge [sflag:s9], $0x100  }
0x11: {  	[sflag:s9] =	ssyncset.done $0x0  }
0x12: {  	[sflag:s9] =	ssyncadd.s32 $0xFFFFFF00  }
0x13: {  	v1 =	vld [tilespmem:$0x100]  }
0x14: {  	v2 =	vld [tilespmem:$0x180]  }
0x15: {  	v3 =	vld [tilespmem:$0x200]  }
0x16: {  	v4 =	vld [tilespmem:$0x0]  }
0x17: {  	v6 =	vld [tilespmem:$0x80]  }
0x18: {  	v8 =	vld [tilespmem:$0x110]  }
0x19: {  	v10 =	vld [tilespmem:$0x90]  }
0x1a: {  	v51 =	vld [tilespmem:$0x1000]  }
0x1b: {  	v58 =	vld [tilespmem:$0x20]  }
0x1c: {  	v25 =	vld [tilespmem:$0x30]  }
0x1d: {  	v35 =	vld [tilespmem:$0x40]  }
0x1e: {  	v46 =	vld [tilespmem:$0x190]  }
0x1f: {  	v61 =	vld [tilespmem:$0xA0];
	vm0 =	vgt.f32 v2, v1  }
0x20: {  	v5 =	vld [tilespmem:$0x280];
	v7 =	vmul.f32 $4.000000000e+00, v4;
	v6 =	vmul.f32 $4.000000000e+00, v6;
	vm11 =	vgt.f32 v4, $7.500000000e-01  }
0x21: {  	v47 =	vld [tilespmem:$0x210];
	v10 =	vmul.f32 $4.000000000e+00, v10;
	vm13 =	veq.s32 v51, $0x1;
	v15 =	vmul.f32 $4.000000000e+00, v58  }
0x22: {  	v14 =	vmul.f32 $4.000000000e+00, v25;
	v44 =	vmul.f32 $4.000000000e+00, v35;
	v51 =	vld [tilespmem:$0x1040];
	v1 =	vsel vm0, v2, v1  }
0x23: {  	v2 =	vld [tilespmem:$0x300];
	v48 =	vsel vm0, $0x11, v0;
	vm0 =	vgt.f32 v46, v8;
	v7 =	vtrunc.f32 v7  }
0x24: {  	v17 =	vld [tilespmem:$0x130];
	vm1 =	vgt.f32 v3, v1;
	v56 =	vtrunc.f32 v10;
	v10 =	vmul.f32 $4.000000000e+00, v61  }
0x25: {  	v20 =	vld [tilespmem:$0x1B0];
	v6 =	vtrunc.f32 v6;
	v60 =	vsel vm0, $0x11, v0;
	v1 =	vsel vm1, v3, v1  }
0x26: {  	v32 =	vtrunc.f32 v14;
	v3 =	vld [tilespmem:$0x380];
	vm2 =	vgt.f32 v5, v1;
	v10 =	vtrunc.f32 v10  }
0x27: {  	v1 =	vsel vm2, v5, v1;
	v5 =	vsel vm1, $0x12, v48;
	v21 =	vcvt.f32.s32 v10  }
0x28: {  	v45 =	vld [tilespmem:$0x800];
	vm8 =	veq.s32 v51, $0x1;
	vm3 =	vgt.f32 v2, v1;
	v5 =	vsel vm2, $0x13, v5  }
0x29: {  	v28 =	vld [tilespmem:$0xB0];
	v1 =	vsel vm3, v2, v1;
	v2 =	vcvt.f32.s32 v7;
	v7 =	vsel vm0, v46, v8  }
0x2a: {  	v9 =	vld [tilespmem:$0x290];
	v50 =	vsel vm3, $0x14, v5;
	vm0 =	vgt.f32 v20, v17;
	v46 =	vtrunc.f32 v44  }
0x2b: {  	vm4 =	vgt.f32 v3, v1;
	vm1 =	vgt.f32 v47, v7;
	v38 =	vsel vm0, $0x11, v0  }
0x2c: {  	v49 =	vld [tilespmem:$0x310];
	v1 =	vsel vm4, v3, v1;
	vm5 =	vgt.s32 v2, $0x0;
	v3 =	vcvt.f32.s32 v6  }
0x2d: {  	v54 =	vld [tilespmem:$0x120];
	v4 =	vsel vm4, $0x15, v50;
	v6 =	vsel vm1, v47, v7;
	v8 =	vsel vm1, $0x12, v60  }
0x2e: {  	v7 =	vmul.f32 $4.000000000e+00, v28;
	vm6 =	vgt.f32 v45, v1;
	v1 =	vnsel vm5, $0x0, v2;
	v2 =	vld [tilespmem:$0x10]  }
0x2f: {  	v55 =	vld [tilespmem:$0x1A0];
	vm12 =	vgt.f32 v9, v6;
	v1 =	vmin.u32 v1, $0x3;
	vm10 =	vgt.s32 v3, $0x0  }
0x30: {  	v4 =	vsel vm6, $0x16, v4;
	v8 =	vsel vm12, $0x13, v8;
	v3 =	vnsel vm10, $0x0, v3  }
0x31: {  	v7 =	vtrunc.f32 v7;
	v1 =	vshll.u32 v1, $0x2;
	v3 =	vmin.u32 v3, $0x3  }
0x32: {  	v52 =	vld [tilespmem:$0x390];
	v7 =	vcvt.f32.s32 v7;
	v1 =	vor.u32 v3, v1;
	v3 =	vsel vm12, v9, v6  }
0x33: {  	v57 =	vld [tilespmem:$0x220];
	v11 =	vmul.f32 $4.000000000e+00, v2;
	vm3 =	vgt.f32 v49, v3;
	v1 =	vsel vm11, v4, v1  }
0x34: {  	v12 =	vld [tilespmem:$0x810];
	v4 =	vcvt.f32.s32 v56;
	vm11 =	vgt.f32 v55, v54;
	vm12 =	vgt.f32 v2, $7.500000000e-01  }
0x35: {  	v59 =	vld [tilespmem:$0x2A0];
	v3 =	vsel vm3, v49, v3;
	v1 =	vsel vm13, $0x18, v1;
	v9 =	vsel vm11, v55, v54  }
0x36: {  	v31 =	vld [tilespmem:$0x140];
	v2 =	vsel vm3, $0x14, v8;
	v24 =	vsel vm11, $0x11, v0;
	vm11 =	vgt.s32 v21, $0x0  }
0x37: {  	v33 =	vld [tilespmem:$0x1C0];
	v53 =	vtrunc.f32 v11;
	vm14 =	vgt.f32 v52, v3;
	vm10 =	vgt.s32 v4, $0x0  }
0x38: {  	vm1 =	vgt.f32 v57, v9;
	v8 =	vnsel vm11, $0x0, v21;
	v6 =	vcvt.f32.s32 v53  }
0x39: {  	v62 =	vld [tilespmem:$0x320];
	v3 =	vsel vm14, v52, v3;
	v4 =	vnsel vm10, $0x0, v4;
	v5 =	vsel vm1, v57, v9  }
0x3a: {  	v63 =	vld [tilespmem:$0x3A0];
	v2 =	vsel vm14, $0x15, v2;
	v9 =	vtrunc.f32 v15;
	v8 =	vmin.u32 v8, $0x3  }
0x3b: {  	v22 =	vld [tilespmem:$0x230];
	vm9 =	vgt.f32 v12, v3;
	v4 =	vmin.u32 v4, $0x3;
	vm13 =	vgt.f32 v59, v5  }
0x3c: {  	v16 =	vld [tilespmem:$0x820];
	v19 =	vcvt.f32.s32 v9;
	v9 =	vsel vm0, v20, v17;
	vm0 =	vgt.f32 v33, v31  }
0x3d: {  	v26 =	vld [tilespmem:$0x2B0];
	vm15 =	vgt.s32 v6, $0x0;
	v2 =	vsel vm9, $0x16, v2;
	v5 =	vsel vm13, v59, v5  }
0x3e: {  	v13 =	vld [tilespmem:$0x1020];
	v52 =	vsel vm0, $0x11, v0;
	v6 =	vnsel vm15, $0x0, v6;
	vm14 =	vgt.f32 v62, v5  }
0x3f: {  	v39 =	vld [tilespmem:$0xC0];
	vm9 =	vgt.s32 v19, $0x0;
	v3 =	vmin.u32 v6, $0x3;
	v18 =	vsel vm14, v62, v5  }
0x40: {  	v27 =	vld [tilespmem:$0x330];
	v23 =	vnsel vm9, $0x0, v19;
	v5 =	vsel vm1, $0x12, v24;
	vm1 =	vgt.f32 v22, v9  }
0x41: {  	v54 =	vld [tilespmem:$0x50];
	v3 =	vshll.u32 v3, $0x2;
	vm15 =	vgt.f32 v63, v18;
	v5 =	vsel vm13, $0x13, v5  }
0x42: {  	v44 =	vld [tilespmem:$0xF0];
	v9 =	vsel vm1, v22, v9;
	v3 =	vor.u32 v4, v3;
	v4 =	vsel vm15, v63, v18  }
0x43: {  	v47 =	vld [tilespmem:$0x150];
	v5 =	vsel vm14, $0x14, v5;
	vm2 =	vgt.f32 v26, v9;
	vm14 =	veq.s32 v13, $0x1  }
0x44: {  	v49 =	vld [tilespmem:$0x1D0];
	v13 =	vmul.f32 $4.000000000e+00, v39;
	v2 =	vsel vm12, v2, v3;
	vm10 =	vgt.f32 v16, v4  }
0x45: {  	v3 =	vld [tilespmem:$0x1010];
	v4 =	vmin.u32 v23, $0x3;
	vm12 =	vgt.f32 v58, $7.500000000e-01;
	v5 =	vsel vm15, $0x15, v5  }
0x46: {  	v16 =	vld [tilespmem:$0xD0];
	v58 =	vmul.f32 $4.000000000e+00, v54;
	v4 =	vshll.u32 v4, $0x2;
	v48 =	vtrunc.f32 v13  }
0x47: {  	v23 =	vld [tilespmem:$0x60];
	v5 =	vsel vm10, $0x16, v5;
	v4 =	vor.u32 v8, v4;
	v50 =	vcvt.f32.s32 v48  }
0x48: {  	v61 =	vtrunc.f32 v58;
	v4 =	vsel vm12, v5, v4;
	vm12 =	vgt.s32 v7, $0x0  }
0x49: {  	v5 =	vsel vm0, v33, v31;
	vm0 =	vgt.f32 v49, v47;
	v7 =	vnsel vm12, $0x0, v7  }
0x4a: {  	v29 =	vld [tilespmem:$0x3B0];
	vm12 =	vgt.s32 v50, $0x0;
	vm13 =	veq.s32 v3, $0x1;
	v3 =	vsel vm2, v26, v9  }
0x4b: {  	v30 =	vld [tilespmem:$0x830];
	v9 =	vcvt.f32.s32 v32;
	v7 =	vmin.u32 v7, $0x3;
	v63 =	vmul.f32 $4.000000000e+00, v16  }
0x4c: {  	v34 =	vld [tilespmem:$0x240];
	v31 =	vmul.f32 $4.000000000e+00, v23;
	v16 =	vmul.f32 $4.000000000e+00, v44;
	vm15 =	vgt.f32 v27, v3  }
0x4d: {  	v12 =	vsel vm15, v27, v3;
	v3 =	vsel vm13, $0x18, v2;
	v2 =	vsel vm14, $0x18, v4  }
0x4e: {  	v37 =	vld [tilespmem:$0x2C0];
	vm10 =	vgt.s32 v9, $0x0;
	vm13 =	vgt.f32 v25, $7.500000000e-01;
	v20 =	vtrunc.f32 v63  }
0x4f: {  	v62 =	vld [tilespmem:$0x160];
	v25 =	vsel vm0, $0x11, v0;
	vm9 =	vgt.f32 v29, v12;
	v36 =	vnsel vm10, $0x0, v9  }
0x50: {  	v27 =	vld [tilespmem:$0xE0];
	v10 =	vsel vm9, v29, v12;
	v8 =	vmin.u32 v36, $0x3;
	v12 =	vtrunc.f32 v31  }
0x51: {  	v18 =	vld [tilespmem:$0x1E0];
	vm11 =	vgt.f32 v30, v10;
	v10 =	vsel vm1, $0x12, v38;
	vm1 =	vgt.f32 v34, v5  }
0x52: {  	v40 =	vld [tilespmem:$0x340];
	v8 =	vshll.u32 v8, $0x2;
	v36 =	vcvt.f32.s32 v12;
	v10 =	vsel vm2, $0x13, v10  }
0x53: {  	v4 =	vsel vm1, v34, v5;
	v7 =	vor.u32 v7, v8;
	v8 =	vcvt.f32.s32 v46  }
0x54: {  	v41 =	vld [tilespmem:$0x3C0];
	v5 =	vnsel vm12, $0x0, v50;
	v10 =	vsel vm15, $0x14, v10;
	vm14 =	vgt.f32 v37, v4  }
0x55: {  	v43 =	vld [tilespmem:$0x840];
	v5 =	vmin.u32 v5, $0x3;
	v34 =	vmul.f32 $4.000000000e+00, v27;
	v42 =	vsel vm9, $0x15, v10  }
0x56: {  	v51 =	vld [tilespmem:$0x580];
	v4 =	vsel vm14, v37, v4;
	v10 =	vsel vm0, v49, v47;
	vm0 =	vgt.f32 v18, v62  }
0x57: {  	v53 =	vld [tilespmem:$0x250];
	v6 =	vsel vm11, $0x16, v42;
	vm15 =	vgt.f32 v40, v4;
	vm11 =	vgt.s32 v8, $0x0  }
0x58: {  	v45 =	vld [tilespmem:$0x1030];
	v13 =	vtrunc.f32 v34;
	v42 =	vsel vm0, $0x11, v0;
	v4 =	vsel vm15, v40, v4  }
0x59: {  	v21 =	vld [tilespmem:$0x260];
	v6 =	vsel vm13, v6, v7;
	v8 =	vnsel vm11, $0x0, v8;
	vm13 =	vgt.f32 v35, $7.500000000e-01  }
0x5a: {  	v15 =	vld [tilespmem:$0x2D0];
	v7 =	vcvt.f32.s32 v20;
	vm9 =	vgt.f32 v41, v4;
	v8 =	vmin.u32 v8, $0x3  }
0x5b: {  	v37 =	vld [tilespmem:$0x1F0];
	v38 =	vcvt.f32.s32 v13;
	v4 =	vsel vm9, v41, v4;
	v8 =	vshll.u32 v8, $0x2  }
0x5c: {  	v35 =	vld [tilespmem:$0x170];
	vm10 =	vgt.f32 v43, v4;
	v4 =	vsel vm1, $0x12, v52;
	vm1 =	vgt.f32 v53, v10  }
0x5d: {  	v26 =	vld [tilespmem:$0x2E0];
	v5 =	vor.u32 v5, v8;
	v8 =	vsel vm0, v18, v62;
	v4 =	vsel vm14, $0x13, v4  }
0x5e: {  	v50 =	vld [tilespmem:$0x500];
	v56 =	vsel vm1, v53, v10;
	vm14 =	veq.s32 v45, $0x1;
	v10 =	vcvt.f32.s32 v61  }
0x5f: {  	v55 =	vld [tilespmem:$0x350];
	v9 =	vsel vm1, $0x12, v25;
	vm1 =	vgt.f32 v21, v8;
	v53 =	vtrunc.f32 v16  }
0x60: {  	v41 =	vld [tilespmem:$0x70];
	v4 =	vsel vm15, $0x14, v4;
	vm15 =	vgt.f32 v15, v56;
	v8 =	vsel vm1, v21, v8  }
0x61: {  	vm0 =	vgt.f32 v37, v35;
	v4 =	vsel vm9, $0x15, v4;
	v60 =	vsel vm15, v15, v56  }
0x62: {  	vm11 =	vgt.s32 v10, $0x0;
	v9 =	vsel vm15, $0x13, v9;
	vm15 =	vgt.f32 v26, v8  }
0x63: {  	v28 =	vld [tilespmem:$0x360];
	v12 =	vsel vm0, v37, v35;
	v58 =	vsel vm0, $0x11, v0;
	vm0 =	vgt.f32 v51, v50  }
0x64: {  	v57 =	vld [tilespmem:$0x3D0];
	v4 =	vsel vm10, $0x16, v4;
	vm9 =	vgt.f32 v55, v60;
	v22 =	vnsel vm11, $0x0, v10  }
0x65: {  	v59 =	vld [tilespmem:$0x850];
	v32 =	vsel vm15, v26, v8;
	v17 =	vmul.f32 $4.000000000e+00, v41;
	v10 =	vcvt.f32.s32 v53  }
0x66: {  	v29 =	vld [tilespmem:$0x1050];
	v15 =	vsel vm0, v51, v50;
	v4 =	vsel vm13, v4, v5;
	v5 =	vsel vm14, $0x18, v6  }
0x67: {  	v19 =	vsel vm9, v55, v60;
	v24 =	vmin.u32 v22, $0x3;
	vm13 =	vgt.s32 v7, $0x0  }
0x68: {  	v39 =	vld [tilespmem:$0x270];
	v9 =	vsel vm9, $0x14, v9;
	vm14 =	vgt.f32 v54, $7.500000000e-01;
	vm9 =	vgt.f32 v28, v32  }
0x69: {  	v30 =	vld [tilespmem:$0x3E0];
	v4 =	vsel vm8, $0x18, v4;
	vm10 =	vgt.f32 v57, v19;
	v7 =	vnsel vm13, $0x0, v7  }
0x6a: {  	v33 =	vld [tilespmem:$0x860];
	v49 =	vtrunc.f32 v17;
	v6 =	vsel vm10, v57, v19;
	v7 =	vmin.u32 v7, $0x3  }
0x6b: {  	v55 =	vld [tilespmem:$0x400];
	v9 =	vsel vm10, $0x15, v9;
	vm10 =	veq.s32 v29, $0x1;
	vm12 =	vgt.f32 v59, v6  }
0x6c: {  	v43 =	vld [tilespmem:$0x2F0];
	v29 =	vsel vm0, $0x11, v0;
	v6 =	vshll.u32 v24, $0x2;
	v9 =	vsel vm12, $0x16, v9  }
0x6d: {  	v54 =	vld [tilespmem:$0x600];
	v6 =	vor.u32 v7, v6;
	v7 =	vsel vm9, v28, v32;
	vm12 =	vgt.s32 v36, $0x0  }
0x6e: {  	v25 =	vld [tilespmem:$0x590];
	v6 =	vsel vm14, v9, v6;
	vm11 =	vgt.f32 v30, v7;
	v40 =	vnsel vm12, $0x0, v36  }
0x6f: {  	v19 =	vld [tilespmem:$0x510];
	vm14 =	vgt.s32 v38, $0x0;
	v9 =	vsel vm1, $0x12, v42;
	vm1 =	vgt.f32 v39, v12  }
0x70: {  	v21 =	vmul.f32 $4.000000000e+00, v55;
	v7 =	vsel vm11, v30, v7;
	v6 =	vsel vm10, $0x18, v6  }
0x71: {  	v46 =	vld [tilespmem:$0x1060];
	v11 =	vnsel vm14, $0x0, v38;
	v9 =	vsel vm15, $0x13, v9;
	vm15 =	vgt.f32 v23, $7.500000000e-01  }
0x72: {  	v59 =	vld [tilespmem:$0x480];
	v12 =	vsel vm1, v39, v12;
	v14 =	vsel vm1, $0x12, v58;
	vm1 =	vgt.f32 v54, v15  }
0x73: {  	v45 =	vld [tilespmem:$0x370];
	vm13 =	vgt.f32 v33, v7;
	v7 =	vmin.u32 v40, $0x3;
	v11 =	vmin.u32 v11, $0x3  }
0x74: {  	v28 =	vld [tilespmem:$0x410];
	v9 =	vsel vm9, $0x14, v9;
	vm9 =	vgt.f32 v43, v12;
	vm0 =	vgt.f32 v25, v19  }
0x75: {  	v31 =	vld [tilespmem:$0x490];
	v9 =	vsel vm11, $0x15, v9;
	v7 =	vshll.u32 v7, $0x2;
	v48 =	vsel vm9, v43, v12  }
0x76: {  	v57 =	vld [tilespmem:$0x680];
	v12 =	vcvt.f32.s32 v49;
	vm11 =	veq.s32 v46, $0x1;
	v14 =	vsel vm9, $0x13, v14  }
0x77: {  	v47 =	vld [tilespmem:$0x3F0];
	vm9 =	vgt.f32 v41, $7.500000000e-01;
	v16 =	vmul.f32 $4.000000000e+00, v59;
	v17 =	vsel vm0, v25, v19  }
0x78: {  	v20 =	vld [tilespmem:$0x520];
	v46 =	vsel vm0, $0x11, v0;
	v9 =	vsel vm13, $0x16, v9;
	v7 =	vor.u32 v11, v7  }
0x79: {  	v18 =	vld [tilespmem:$0x870];
	vm10 =	vgt.f32 v45, v48;
	v11 =	vsel vm1, v54, v15;
	v35 =	vmul.f32 $4.000000000e+00, v28  }
0x7a: {  	v60 =	vld [tilespmem:$0x700];
	v7 =	vsel vm15, v9, v7;
	v52 =	vsel vm10, v45, v48;
	vm13 =	vgt.s32 v12, $0x0  }
0x7b: {  	v38 =	vld [tilespmem:$0x5A0];
	vm15 =	vgt.s32 v10, $0x0;
	v61 =	vsel vm10, $0x14, v14;
	vm10 =	vgt.f32 v57, v11  }
0x7c: {  	v40 =	vld [tilespmem:$0x420];
	v26 =	vtrunc.f32 v16;
	v16 =	vmul.f32 $4.000000000e+00, v31;
	vm12 =	vgt.f32 v47, v52  }
0x7d: {  	v12 =	vnsel vm13, $0x0, v12;
	v7 =	vsel vm11, $0x18, v7;
	v10 =	vnsel vm15, $0x0, v10  }
0x7e: {  	v27 =	vld [tilespmem:$0x610];
	v11 =	vsel vm10, v57, v11;
	v37 =	vtrunc.f32 v35;
	v9 =	vsel vm12, v47, v52  }
0x7f: {  	v58 =	vld [tilespmem:$0x4B0];
	v56 =	vmin.u32 v12, $0x3;
	v10 =	vmin.u32 v10, $0x3;
	v8 =	vsel vm12, $0x15, v61  }
0x80: {  	v63 =	vld [tilespmem:$0x1070];
	vm11 =	vgt.f32 v60, v11;
	v12 =	vsel vm1, $0x12, v29;
	v16 =	vtrunc.f32 v16  }
0x81: {  	v62 =	vld [tilespmem:$0x780];
	vm1 =	vgt.f32 v38, v20;
	v51 =	vmul.f32 $4.000000000e+00, v40;
	vm14 =	vgt.f32 v18, v9  }
0x82: {  	v39 =	vld [tilespmem:$0x620];
	v9 =	vshll.u32 v56, $0x2;
	v18 =	vtrunc.f32 v21;
	v23 =	vsel vm11, v60, v11  }
0x83: {  	v12 =	vsel vm10, $0x13, v12;
	vm10 =	vgt.f32 v27, v17;
	v42 =	vcvt.f32.s32 v16  }
0x84: {  	v30 =	vld [tilespmem:$0x690];
	v15 =	vsel vm1, v38, v20;
	v57 =	vsel vm1, $0x11, v0;
	v16 =	vmul.f32 $4.000000000e+00, v58  }
0x85: {  	v45 =	vld [tilespmem:$0x4A0];
	v8 =	vsel vm14, $0x16, v8;
	v9 =	vor.u32 v10, v9;
	v24 =	vcvt.f32.s32 v18  }
0x86: {  	v22 =	vld [tilespmem:$0xC00];
	vm12 =	vgt.f32 v62, v23;
	vm14 =	veq.s32 v63, $0x1;
	v12 =	vsel vm11, $0x14, v12  }
0x87: {  	v54 =	vld [tilespmem:$0x430];
	v14 =	vsel vm10, v27, v17;
	v17 =	vsel vm10, $0x12, v46;
	vm0 =	vgt.f32 v39, v15  }
0x88: {  	v53 =	vld [tilespmem:$0x5B0];
	v8 =	vsel vm9, v8, v9;
	v10 =	vsel vm12, v62, v23;
	v9 =	vcvt.f32.s32 v26  }
0x89: {  	v32 =	vld [tilespmem:$0x710];
	vm9 =	vgt.f32 v55, $7.500000000e-01;
	v12 =	vsel vm12, $0x15, v12;
	vm11 =	vgt.f32 v30, v14  }
0x8a: {  	v52 =	vld [tilespmem:$0x530];
	v13 =	vmul.f32 $4.000000000e+00, v45;
	v27 =	vtrunc.f32 v16;
	vm13 =	vgt.s32 v24, $0x0  }
0x8b: {  	vm15 =	vgt.f32 v22, v10;
	v36 =	vsel vm11, v30, v14;
	v14 =	vcvt.f32.s32 v37  }
0x8c: {  	v8 =	vsel vm14, $0x18, v8;
	v17 =	vsel vm11, $0x13, v17;
	v22 =	vmul.f32 $4.000000000e+00, v54  }
0x8d: {  	v29 =	vcvt.f32.s32 v27;
	v11 =	vnsel vm13, $0x0, v24;
	vm8 =	vgt.s32 v9, $0x0  }
0x8e: {  	v12 =	vsel vm15, $0x16, v12;
	vm12 =	vgt.f32 v32, v36;
	v13 =	vtrunc.f32 v13  }
0x8f: {  	vm1 =	vgt.f32 v53, v52;
	v11 =	vmin.u32 v11, $0x3;
	v9 =	vnsel vm8, $0x0, v9  }
0x90: {  	v33 =	vld [tilespmem:$0x790];
	vm14 =	vgt.s32 v14, $0x0;
	vm8 =	vgt.s32 v42, $0x0;
	v49 =	vsel vm12, $0x14, v17  }
0x91: {  	v45 =	vld [tilespmem:$0x450];
	v17 =	vtrunc.f32 v51;
	v13 =	vcvt.f32.s32 v13;
	v60 =	vsel vm1, v53, v52  }
0x92: {  	v43 =	vld [tilespmem:$0x6A0];
	v22 =	vtrunc.f32 v22;
	v35 =	vsel vm1, $0x11, v0;
	vm1 =	vgt.f32 v54, $7.500000000e-01  }
0x93: {  	v21 =	vld [tilespmem:$0x1080];
	v9 =	vmin.u32 v9, $0x3;
	v11 =	vshll.u32 v11, $0x2;
	v41 =	vnsel vm14, $0x0, v14  }
0x94: {  	v23 =	vld [tilespmem:$0x440];
	v14 =	vnsel vm8, $0x0, v42;
	v17 =	vcvt.f32.s32 v17;
	v22 =	vcvt.f32.s32 v22  }
0x95: {  	v34 =	vld [tilespmem:$0xC10];
	v9 =	vor.u32 v9, v11;
	v11 =	vsel vm12, v32, v36;
	v44 =	vmin.u32 v41, $0x3  }
0x96: {  	v47 =	vld [tilespmem:$0x720];
	v14 =	vmin.u32 v14, $0x3;
	v53 =	vmul.f32 $4.000000000e+00, v45;
	v9 =	vsel vm9, v12, v9  }
0x97: {  	v55 =	vld [tilespmem:$0x630];
	vm13 =	vgt.f32 v33, v11;
	v12 =	vsel vm0, v39, v15;
	vm9 =	vgt.f32 v28, $7.500000000e-01  }
0x98: {  	v51 =	vld [tilespmem:$0x4D0];
	vm14 =	vgt.s32 v17, $0x0;
	v15 =	vsel vm0, $0x12, v57;
	vm0 =	veq.s32 v21, $0x1  }
0x99: {  	v39 =	vmul.f32 $4.000000000e+00, v23;
	v11 =	vsel vm13, v33, v11;
	vm10 =	vgt.f32 v43, v12  }
0x9a: {  	[tilespmem:$0x1110] =	vst v3;
	v10 =	vsel vm13, $0x15, v49;
	v56 =	vnsel vm14, $0x0, v17;
	v3 =	vsel vm0, $0x18, v9  }
0x9b: {  	vm15 =	vgt.f32 v34, v11;
	v12 =	vsel vm10, v43, v12;
	v11 =	vshll.u32 v44, $0x2  }
0x9c: {  	v48 =	vld [tilespmem:$0x7A0];
	v15 =	vsel vm10, $0x13, v15;
	vm10 =	vgt.f32 v55, v60;
	v20 =	vtrunc.f32 v39  }
0x9d: {  	v59 =	vld [tilespmem:$0x6B0];
	v19 =	vmul.f32 $4.000000000e+00, v51;
	v10 =	vsel vm15, $0x16, v10;
	vm11 =	vgt.f32 v47, v12  }
0x9e: {  	v50 =	vld [tilespmem:$0xC20];
	v11 =	vor.u32 v14, v11;
	vm15 =	vgt.s32 v13, $0x0;
	v20 =	vcvt.f32.s32 v20  }
0x9f: {  	v61 =	vld [tilespmem:$0x730];
	v12 =	vsel vm11, v47, v12;
	v10 =	vsel vm9, v10, v11;
	v13 =	vnsel vm15, $0x0, v13  }
0xa0: {  	v24 =	vld [tilespmem:$0x5C0];
	vm9 =	vgt.f32 v40, $7.500000000e-01;
	v15 =	vsel vm11, $0x14, v15;
	v11 =	vsel vm10, v55, v60  }
0xa1: {  	v28 =	vld [tilespmem:$0x540];
	vm15 =	vgt.s32 v29, $0x0;
	vm12 =	vgt.f32 v48, v12;
	v13 =	vmin.u32 v13, $0x3  }
0xa2: {  	v62 =	vld [tilespmem:$0x7B0];
	vm11 =	vgt.f32 v59, v11;
	v12 =	vsel vm12, v48, v12;
	v15 =	vsel vm12, $0x15, v15  }
0xa3: {  	v42 =	vld [tilespmem:$0x550];
	v17 =	vsel vm11, v59, v11;
	v59 =	vtrunc.f32 v19;
	vm13 =	vgt.f32 v50, v12  }
0xa4: {  	v43 =	vld [tilespmem:$0x5D0];
	v12 =	vmin.u32 v56, $0x3;
	vm12 =	vgt.f32 v61, v17;
	v56 =	vtrunc.f32 v53  }
0xa5: {  	v31 =	vld [tilespmem:$0x4C0];
	v15 =	vsel vm13, $0x16, v15;
	v12 =	vshll.u32 v12, $0x2;
	v30 =	vsel vm12, v61, v17  }
0xa6: {  	v33 =	vld [tilespmem:$0x640];
	vm13 =	vgt.s32 v22, $0x0;
	v17 =	vsel vm10, $0x12, v35;
	vm10 =	vgt.f32 v24, v28  }
0xa7: {  	v58 =	vld [tilespmem:$0x460];
	v12 =	vor.u32 v13, v12;
	vm14 =	vgt.f32 v62, v30;
	v32 =	vnsel vm13, $0x0, v22  }
0xa8: {  	v63 =	vld [tilespmem:$0xC30];
	v13 =	vnsel vm15, $0x0, v29;
	v37 =	vsel vm10, v24, v28;
	v17 =	vsel vm11, $0x13, v17  }
0xa9: {  	v36 =	vld [tilespmem:$0x6C0];
	v48 =	vsel vm10, $0x11, v0;
	vm10 =	vgt.f32 v43, v42;
	v11 =	vsel vm9, v15, v12  }
0xaa: {  	v12 =	vsel vm14, v62, v30;
	v34 =	vmin.u32 v32, $0x3;
	v13 =	vmin.u32 v13, $0x3  }
0xab: {  	vm11 =	vgt.f32 v33, v37;
	v15 =	vmul.f32 $4.000000000e+00, v31;
	v17 =	vsel vm12, $0x14, v17  }
0xac: {  	v25 =	vld [tilespmem:$0x5F0];
	v18 =	vsel vm10, v43, v42;
	v62 =	vsel vm10, $0x11, v0;
	v32 =	vmul.f32 $4.000000000e+00, v58  }
0xad: {  	v55 =	vld [tilespmem:$0x1090];
	vm9 =	vgt.f32 v63, v12;
	v14 =	vsel vm11, v33, v37;
	v17 =	vsel vm14, $0x15, v17  }
0xae: {  	v38 =	vld [tilespmem:$0x740];
	vm14 =	vgt.s32 v20, $0x0;
	v12 =	vshll.u32 v34, $0x2;
	vm12 =	vgt.f32 v36, v14  }
0xaf: {  	v40 =	vld [tilespmem:$0x7C0];
	v15 =	vtrunc.f32 v15;
	v17 =	vsel vm9, $0x16, v17;
	v44 =	vnsel vm14, $0x0, v20  }
0xb0: {  	v63 =	vld [tilespmem:$0x4E0];
	v12 =	vor.u32 v13, v12;
	v24 =	vtrunc.f32 v32;
	v14 =	vsel vm12, v36, v14  }
0xb1: {  	v34 =	vld [tilespmem:$0x570];
	v15 =	vcvt.f32.s32 v15;
	v49 =	vmin.u32 v44, $0x3;
	v12 =	vsel vm1, v17, v12  }
0xb2: {  	v17 =	vcvt.f32.s32 v59;
	vm1 =	veq.s32 v55, $0x1;
	v24 =	vcvt.f32.s32 v24  }
0xb3: {  	v41 =	vld [tilespmem:$0xC40];
	vm13 =	vgt.f32 v38, v14;
	v13 =	vshll.u32 v49, $0x2;
	v10 =	vsel vm1, $0x18, v10  }
0xb4: {  	v46 =	vld [tilespmem:$0x650];
	v14 =	vsel vm13, v38, v14;
	vm15 =	vgt.s32 v15, $0x0;
	vm8 =	vgt.s32 v24, $0x0  }
0xb5: {  	v37 =	vld [tilespmem:$0x670];
	v15 =	vnsel vm15, $0x0, v15;
	vm9 =	vgt.f32 v40, v14;
	v33 =	vmul.f32 $4.000000000e+00, v63  }
0xb6: {  	vm2 =	vgt.f32 v25, v34;
	v47 =	vsel vm9, v40, v14;
	v14 =	vsel vm11, $0x12, v48  }
0xb7: {  	v52 =	vld [tilespmem:$0x750];
	v15 =	vmin.u32 v15, $0x3;
	vm11 =	vgt.f32 v23, $7.500000000e-01;
	v40 =	vnsel vm8, $0x0, v24  }
0xb8: {  	v50 =	vld [tilespmem:$0x6D0];
	v23 =	vsel vm2, v25, v34;
	vm7 =	vgt.f32 v41, v47;
	v14 =	vsel vm12, $0x13, v14  }
0xb9: {  	v54 =	vld [tilespmem:$0x7D0];
	vm12 =	vgt.f32 v46, v18;
	v13 =	vor.u32 v15, v13;
	v15 =	vcvt.f32.s32 v56  }
0xba: {  	v57 =	vld [tilespmem:$0xC50];
	v21 =	vtrunc.f32 v33;
	vm3 =	vgt.f32 v37, v23;
	v20 =	vmin.u32 v40, $0x3  }
0xbb: {  	v60 =	vld [tilespmem:$0x560];
	v14 =	vsel vm13, $0x14, v14;
	v18 =	vsel vm12, v46, v18;
	v28 =	vsel vm12, $0x12, v62  }
0xbc: {  	v61 =	vld [tilespmem:$0x5E0];
	vm12 =	vgt.f32 v45, $7.500000000e-01;
	v36 =	vcvt.f32.s32 v21;
	v45 =	vsel vm3, v37, v23  }
0xbd: {  	v41 =	vld [tilespmem:$0x6F0];
	v20 =	vshll.u32 v20, $0x2;
	v14 =	vsel vm9, $0x15, v14;
	vm13 =	vgt.f32 v50, v18  }
0xbe: {  	v48 =	vld [tilespmem:$0x470];
	vm15 =	vgt.s32 v15, $0x0;
	v14 =	vsel vm7, $0x16, v14;
	v16 =	vsel vm13, v50, v18  }
0xbf: {  	v15 =	vnsel vm15, $0x0, v15;
	v50 =	vld [tilespmem:$0x4F0];
	v13 =	vsel vm11, v14, v13;
	vm14 =	vgt.f32 v52, v16  }
0xc0: {  	vm11 =	vgt.s32 v17, $0x0;
	v15 =	vmin.u32 v15, $0x3;
	v16 =	vsel vm14, v52, v16  }
0xc1: {  	v17 =	vnsel vm11, $0x0, v17;
	v15 =	vshll.u32 v15, $0x2;
	vm9 =	vgt.f32 v54, v16  }
0xc2: {  	v29 =	vld [tilespmem:$0x660];
	vm4 =	vgt.f32 v41, v45;
	v17 =	vmin.u32 v17, $0x3;
	v16 =	vsel vm9, v54, v16  }
0xc3: {  	v15 =	vor.u32 v17, v15;
	v54 =	vmul.f32 $4.000000000e+00, v48;
	vm10 =	vgt.f32 v57, v16  }
0xc4: {  	v26 =	vld [tilespmem:$0x10A0];
	v16 =	vsel vm13, $0x13, v28;
	vm13 =	vgt.f32 v61, v60;
	v57 =	vmul.f32 $4.000000000e+00, v50  }
0xc5: {  	v30 =	vld [tilespmem:$0x6E0];
	v16 =	vsel vm14, $0x14, v16;
	v19 =	vsel vm13, v61, v60;
	v42 =	vsel vm13, $0x11, v0  }
0xc6: {  	v53 =	vld [tilespmem:$0x10D0];
	vm13 =	vgt.f32 v58, $7.500000000e-01;
	v56 =	vtrunc.f32 v54;
	v61 =	vsel vm2, $0x11, v0  }
0xc7: {  	[tilespmem:$0x1140] =	vst v4;
	v31 =	vld [tilespmem:$0x760];
	v16 =	vsel vm9, $0x15, v16;
	vm14 =	vgt.f32 v29, v19;
	v4 =	vcvt.f32.s32 v56  }
0xc8: {  	v44 =	vld [tilespmem:$0x10B0];
	v60 =	vtrunc.f32 v57;
	v62 =	vsel vm3, $0x12, v61;
	v16 =	vsel vm10, $0x16, v16  }
0xc9: {  	v35 =	vld [tilespmem:$0x7E0];
	v18 =	vsel vm14, v29, v19;
	vm10 =	vgt.s32 v36, $0x0;
	v22 =	vsel vm14, $0x12, v42  }
0xca: {  	v52 =	vld [tilespmem:$0x10C0];
	vm14 =	veq.s32 v26, $0x1;
	v9 =	vcvt.f32.s32 v60;
	vm15 =	vgt.f32 v30, v18  }
0xcb: {  	v39 =	vld [tilespmem:$0xC60];
	v15 =	vsel vm12, v16, v15;
	v17 =	vnsel vm10, $0x0, v36;
	v38 =	vsel vm15, v30, v18  }
0xcc: {  	v43 =	vld [tilespmem:$0x770];
	vm10 =	veq.s32 v53, $0x1;
	v22 =	vsel vm15, $0x13, v22;
	vm9 =	vgt.f32 v31, v38  }
0xcd: {  	v55 =	vld [tilespmem:$0x10E0];
	v17 =	vmin.u32 v17, $0x3;
	vm15 =	veq.s32 v44, $0x1;
	v16 =	vsel vm9, v31, v38  }
0xce: {  	[tilespmem:$0x1100] =	vst v1;
	v46 =	vld [tilespmem:$0x7F0];
	v1 =	vor.u32 v17, v20;
	v58 =	vsel vm15, $0x18, v12;
	vm11 =	vgt.f32 v35, v16  }
0xcf: {  	[tilespmem:$0x1120] =	vst v2;
	v47 =	vsel vm9, $0x14, v22;
	vm9 =	veq.s32 v52, $0x1;
	v16 =	vsel vm11, v35, v16  }
0xd0: {  	[tilespmem:$0x1130] =	vst v5;
	v49 =	vld [tilespmem:$0xC70];
	v59 =	vsel vm9, $0x18, v13;
	vm12 =	vgt.f32 v39, v16;
	v16 =	vsel vm4, v41, v45  }
0xd1: {  	[tilespmem:$0x1150] =	vst v6;
	v21 =	vsel vm11, $0x15, v47;
	vm11 =	vgt.s32 v4, $0x0;
	vm5 =	vgt.f32 v43, v16  }
0xd2: {  	[tilespmem:$0x1180] =	vst v3;
	v3 =	vnsel vm11, $0x0, v4;
	v4 =	vsel vm4, $0x13, v62;
	v51 =	vsel vm5, v43, v16  }
0xd3: {  	[tilespmem:$0x1160] =	vst v7;
	v21 =	vsel vm12, $0x16, v21;
	vm12 =	veq.s32 v55, $0x1;
	vm0 =	vgt.f32 v46, v51  }
0xd4: {  	[tilespmem:$0x1170] =	vst v8;
	v63 =	vld [tilespmem:$0x10F0];
	v3 =	vmin.u32 v3, $0x3;
	v1 =	vsel vm13, v21, v1;
	v2 =	vsel vm0, v46, v51  }
0xd5: {  	[tilespmem:$0x1190] =	vst v10;
	vm1 =	vgt.f32 v49, v2;
	v2 =	vsel vm14, $0x18, v11;
	vm14 =	vgt.s32 v9, $0x0  }
0xd6: {  	vm13 =	vgt.f32 v48, $7.500000000e-01;
	v4 =	vsel vm5, $0x14, v4;
	[tilespmem:$0x11A0] =	vst v2;
	v2 =	vnsel vm14, $0x0, v9  }
0xd7: {  	[tilespmem:$0x11B0] =	vst v58;
	v3 =	vshll.u32 v3, $0x2;
	v4 =	vsel vm0, $0x15, v4;
	v2 =	vmin.u32 v2, $0x3  }
0xd8: {  	[tilespmem:$0x11C0] =	vst v59;
	v1 =	vsel vm12, $0x18, v1;
	v4 =	vsel vm1, $0x16, v4;
	v2 =	vor.u32 v2, v3  }
0xd9: {  	vm15 =	veq.s32 v63, $0x1;
	[tilespmem:$0x11E0] =	vst v1;
	v3 =	vsel vm10, $0x18, v15;
	v2 =	vsel vm13, v4, v2  }
0xda: {  	p0 =	sne.s32 s6, $0x1;
	[tilespmem:$0x11D0] =	vst v3;
	v1 =	vsel vm15, $0x18, v2  }
.Ltmp0:
0xdb: {  	[tilespmem:$0x11F0] =	vst v1;
	(pc) =	sbr.rel @p0 .LBB2_1-.Ltmp0, $4  }
0xdc: {  	[hbm4b:s5+s2] =	stream.linear.scatter [tilespmem:s11], [sflag:$0x1], $0x100, $0x38;
	[tilespmem:$0x1200] =	vst v63  }
0xdd: {  	_ =	swait.ge [sflag:s9], $0x100  }
0xde: {  	[sflag:s9] =	ssyncset.done $0x0  }
0xdf: {  	s6 =	sadd.s32 $0xFFFFFFFF, s6;
	[sflag:s9] =	ssyncadd.s32 $0xFFFFFF00  }
0xe0: {  	_ =	sfence.sel $0x180000  }
0xe1: {  	[bflag:$0x0] =	sbarrier.arrive $0xFFFF  }
0xe2: {  	p0 =	sne.s32 s1, $0x0;
	_ =	strace $0x90000047  }
0xe3: {  	s0 =	sadd.s32 @!p0 $0x100000, s0;
	[bflag:$0x2] =	sbarrier.arrive $0xFFFF  }
0xe4: {  	[sflag:s0] =	ssyncadd.tile.s32 @!p0 $0x1;
	_ =	shalt  }
.Lfunc_end2:
_tile_overlayer_lowered:
.L_overlay_start_2:
0xe5: {  	(tag) =	ssettag $0x2  }
0xe6: {  	s0 =	rddreg [dreg:$0x0];
	s2 =	stileid.u32  }
0xe7: {  	s1 =	rddreg [dreg:$0x1];
	p0 =	sne.s32 s2, $0x0  }
0xe8: {  	s3 =	rddreg [dreg:$0x2];
	[bflag:$0x3] =	sbarrier.arrive $0xFFFF;
	s2 =	simm.s32 @!p0 $0x1C01  }
0xe9: {  	[timem:s3], [sflag:s2] =	dma.local @!p0 [hbm:s0], s1  }
0xea: {  	s0 =	simm.s32 @!p0 $0x1  }
0xeb: {  	_ =	swait.ge @!p0 [sflag:s0], s1  }
0xec: {  	s1 =	ssub.s32 @!p0 $0x0, s1;
	[sflag:s0] =	ssyncset.done @!p0 $0x0  }
0xed: {  	[sflag:s0] =	ssyncadd.s32 @!p0 s1  }
0xee: {  	[bflag:$0x3] =	sbarrier.arrive $0xFFFF  }
0xef: {  	_ =	shalt  }

// kernel: kernel.9.cloned.1.call-start
scs
__scs_entry_jumppad:
0x0: {  	(pc) =	sbr.rel $0x88, $3  }
0x1: {  	(tag) =	ssettag $0x0;
	lr =	simm.s32 $0x1  }
0x2: {  	[smem:$0x3F97] =	sst lr;
	_ =	strace $0xD0000000  }
0x3: {  	_ = 	snop  }
0x4: {  	_ = 	snop  }
0x5: {  	_ = 	snop  }
0x6: {  	_ = 	snop  }
0x7: {  	_ = 	snop  }
__scs_overlays_trampoline_lowered:
0x8: {  	[smem:$0x3FA6] =	sst s0  }
0x9: {  	[smem:$0x3FA7] =	sst s1  }
0xa: {  	[smem:$0x3FA8] =	sst s2  }
0xb: {  	[smem:$0x3FA9] =	sst s3  }
0xc: {  	[smem:$0x3FAA] =	sst s4  }
0xd: {  	[smem:$0x3FAB] =	sst s5  }
0xe: {  	[smem:$0x3FAC] =	sst s6  }
0xf: {  	[smem:$0x3FAD] =	sst s7  }
0x10: {  	[smem:$0x3FAE] =	sst s8  }
0x11: {  	[smem:$0x3FAF] =	sst s9;
	s0 =	simm.s32 @!p0 $0x0  }
0x12: {  	s1 =	sld [smem:$0x3F95];
	s0 =	simm.s32 @p0 $0x1  }
0x13: {  	[smem:$0x3FB0] =	sst s0;
	s0 =	simm.s32 @!p1 $0x0  }
0x14: {  	s2 =	sld [smem:$0x3F94];
	s0 =	simm.s32 @p1 $0x1  }
0x15: {  	[smem:$0x3FB1] =	sst s0;
	s0 =	simm.s32 @!p2 $0x0  }
0x16: {  	s3 =	sld [smem:$0x3FDB];
	s0 =	simm.s32 @p2 $0x1  }
0x17: {  	s4 =	simm.s32 $0x1BF5;
	[smem:$0x3FB3] =	sst s0  }
0x18: {  	s0 =	sld [smem:$0x3F96];
	_ =	swait.ge [sflag:s4], $0x0  }
0x19: {  	s7 =	sld [smem:$0x3F97]  }
0x1a: {  	s8 =	sadd.s32 $0xFFFFE003, lr  }
0x1b: {  	s9 =	sadd.s32 $0xFFFFFEF7, lr;
	s5 =	simm.s32 $0xFFFFFFFF;
	p2 =	slt.u32 s8, $0xFFFFF086  }
0x1c: {  	p1 =	slt.u32 s9, $0xF7A;
	s5 =	simm.s32 @!p2 $0x0  }
0x1d: {  	s5 =	simm.s32 @p1 $0x1;
	p0 =	seq.s32 s7, s2  }
0x1e: {  	s7 =	smul.u32 @!p0 $0xF7A, s2;
	p2 =	seq.s32 @!p0 s5, $0x0  }
0x1f: {  	s9 =	smul.u32 $0xF7A, s1;
	s8 =	simm.s32 @!p0 $0x1BF5;
	p2 =	por !p2, p0  }
0x20: {  	[sflag:s8] =	ssyncset.s32 @!p0 $0xFFFFF086;
	s6 =	sadd.s32 @!p0 s3, s7;
	s7 =	simm.s32 @!p0 $0x108  }
0x21: {  	s3 =	sadd.s32 s3, s9;
	s6 =	sadd.s32 @!p0 $0x88, s6;
	s7 =	simm.s32 @p2 $0x1082  }
0x22: {  	[simem:s7], [sflag:s8] =	dma.local @!p0 [hbm:s6], $0xF7A  }
0x23: {  	s9 =	sor.u32 $0xD0000000, s2;
	s6 =	simm.s32 $0x108;
	_ =	swait.ge @!p0 [sflag:s8], $0x0  }
0x24: {  	s3 =	sadd.s32 $0x88, s3;
	s6 =	simm.s32 @!p1 $0x1082;
	[sflag:s4] =	ssyncset.s32 $0xFFFFF086  }
0x25: {  	[simem:s6], [sflag:s4] =	dma.local [hbm:s3], $0xF7A  }
0x26: {  	[smem:$0x3F97] =	sst s1;
	(tag) =	ssettag s2;
	_ =	strace s9  }
0x27: {  	s1 =	sld [smem:$0x3FA7]  }
0x28: {  	s2 =	sld [smem:$0x3FA8]  }
0x29: {  	s4 =	sld [smem:$0x3FAA]  }
0x2a: {  	p0 =	seq.s32 s5, $0x0;
	s5 =	sld [smem:$0x3FAB]  }
0x2b: {  	s6 =	sld [smem:$0x3FAC]  }
0x2c: {  	s7 =	sld [smem:$0x3FAD]  }
0x2d: {  	s3 =	simm.s32 $0x108;
	s8 =	sld [smem:$0x3FAE]  }
0x2e: {  	s3 =	simm.s32 @!p0 $0x1082;
	s9 =	sld [smem:$0x3FAF]  }
0x2f: {  	lr =	sadd.s32 s0, s3;
	s0 =	sld [smem:$0x3FA6]  }
0x30: {  	s3 =	sld [smem:$0x3FA9]  }
0x31: {  	[smem:$0x3FB2] =	sst s10  }
0x32: {  	s10 =	sld [smem:$0x3FB0];
	_ =	sdelay $0x3  }
0x33: {  	p0 =	seq.s32 s10, $0x1;
	s10 =	sld [smem:$0x3FB2];
	_ =	sdelay $0x3  }
0x34: {  	[smem:$0x3FB2] =	sst s10  }
0x35: {  	s10 =	sld [smem:$0x3FB1];
	_ =	sdelay $0x3  }
0x36: {  	p1 =	seq.s32 s10, $0x1;
	s10 =	sld [smem:$0x3FB2];
	_ =	sdelay $0x3  }
0x37: {  	[smem:$0x3FB2] =	sst s10  }
0x38: {  	s10 =	sld [smem:$0x3FB3]  }
0x39: {  	_ = 	snop;
	(pc) =	sbr.ind lr, $3  }
0x3a: {  	_ = 	snop  }
0x3b: {  	_ = 	snop  }
0x3c: {  	p2 =	seq.s32 s10, $0x1;
	s10 =	sld [smem:$0x3FB2]  }
0x3d: {  	_ =	shalt  }
0x3e: {  	_ =	shalt  }
0x3f: {  	_ =	shalt  }
0x40: {  	_ =	shalt  }
0x41: {  	_ =	shalt  }
0x42: {  	_ =	shalt  }
0x43: {  	_ =	shalt  }
0x44: {  	_ =	shalt  }
0x45: {  	_ =	shalt  }
0x46: {  	_ =	shalt  }
0x47: {  	_ =	shalt  }
0x48: {  	_ =	shalt  }
0x49: {  	_ =	shalt  }
0x4a: {  	_ =	shalt  }
0x4b: {  	_ =	shalt  }
0x4c: {  	_ =	shalt  }
0x4d: {  	_ =	shalt  }
0x4e: {  	_ =	shalt  }
0x4f: {  	_ =	shalt  }
0x50: {  	_ =	shalt  }
0x51: {  	_ =	shalt  }
0x52: {  	_ =	shalt  }
0x53: {  	_ =	shalt  }
0x54: {  	_ =	shalt  }
0x55: {  	_ =	shalt  }
0x56: {  	_ =	shalt  }
0x57: {  	_ =	shalt  }
0x58: {  	_ =	shalt  }
0x59: {  	_ =	shalt  }
0x5a: {  	_ =	shalt  }
0x5b: {  	_ =	shalt  }
0x5c: {  	_ =	shalt  }
0x5d: {  	_ =	shalt  }
0x5e: {  	_ =	shalt  }
0x5f: {  	_ =	shalt  }
0x60: {  	_ =	shalt  }
0x61: {  	_ =	shalt  }
0x62: {  	_ =	shalt  }
0x63: {  	_ =	shalt  }
0x64: {  	_ =	shalt  }
0x65: {  	_ =	shalt  }
0x66: {  	_ =	shalt  }
0x67: {  	_ =	shalt  }
0x68: {  	_ =	shalt  }
0x69: {  	_ =	shalt  }
0x6a: {  	_ =	shalt  }
0x6b: {  	_ =	shalt  }
0x6c: {  	_ =	shalt  }
0x6d: {  	_ =	shalt  }
0x6e: {  	_ =	shalt  }
0x6f: {  	_ =	shalt  }
0x70: {  	_ =	shalt  }
0x71: {  	_ =	shalt  }
0x72: {  	_ =	shalt  }
0x73: {  	_ =	shalt  }
0x74: {  	_ =	shalt  }
0x75: {  	_ =	shalt  }
0x76: {  	_ =	shalt  }
0x77: {  	_ =	shalt  }
0x78: {  	_ =	shalt  }
0x79: {  	_ =	shalt  }
0x7a: {  	_ =	shalt  }
0x7b: {  	_ =	shalt  }
0x7c: {  	_ =	shalt  }
0x7d: {  	_ =	shalt  }
0x7e: {  	_ =	shalt  }
0x7f: {  	_ =	shalt  }
0x80: {  	_ =	shalt  }
0x81: {  	_ =	shalt  }
0x82: {  	_ =	shalt  }
0x83: {  	_ =	shalt  }
0x84: {  	_ =	shalt  }
0x85: {  	_ =	shalt  }
0x86: {  	_ =	shalt  }
0x87: {  	_ =	shalt  }
.Lfunc_end0:
.L_simem_size_0:
called_computation.1_lowered:
.L_overlay_start_0:
0x88: {  	s2 =	sld [smem:$0x3FD9]  }
0x89: {  	s3 =	sld [smem:$0x3FFE];
	_ =	sdelay $0x1  }
0x8a: {  	s1 =	srdreg.scid  }
0x8b: {  	s0 =	sand.u32 $0x1, s1  }
0x8c: {  	s17 =	sshll.u32 s0, $0xA;
	s2 =	sadd.s32 s3, s2  }
0x8d: {  	s2 =	sadd.s32 s2, s17  }
0x8e: {  	[smem:$0x3FBE] =	sst s2  }
0x8f: {  	_ = 	snop  }
0x90: {  	(tm) =	ssettm $0x1  }
0x91: {  	s18 =	sld [smem:$0x3FFB];
	_ =	sdelay $0x3  }
0x92: {  	_ =	strace s18  }
0x93: {  	s2 =	sld [smem:$0x3FFC];
	_ =	sdelay $0x3  }
0x94: {  	_ =	strace s2  }
0x95: {  	s2 =	sld [smem:$0x3FFD];
	_ =	sdelay $0x3  }
0x96: {  	_ =	strace s2  }
0x97: {  	_ =	strace $0x8FFFFFFF  }
0x98: {  	s19 =	sld [smem:$0x3FDB];
	_ =	sdelay $0x1  }
0x99: {  	s20 =	simm.s32 $_scs_section_size  }
0x9a: {  	s4 =	simm.s32 $_size__tile_overlayer_lowered;
	s5 =	simm.s32 $_tile_overlayer_lowered  }
0x9b: {  	s6 =	simm.s32 $0x1BFF;
	s21 =	sshll.u32 s5, $0x1;
	s3 =	sadd.s32 s20, s19  }
0x9c: {  	s22 =	simm.s32 $0x0;
	s4 =	sshll.u32 s4, $0x1;
	s5 =	sadd.s32 s21, s3  }
0x9d: {  	[timem:s22], [sflag:s6] =	dma.local [hbm:s5], s4  }
0x9e: {  	_ =	swait.ge [sflag:s6], s4  }
0x9f: {  	s4 =	ssub.s32 $0x0, s4;
	[sflag:s6] =	ssyncset.done $0x0  }
0xa0: {  	[sflag:s6] =	ssyncadd.s32 s4;
	_ =	sdelay $0x1  }
0xa1: {  	s23 =	simm.s32 $0x1B8B  }
0xa2: {  	_ =	swait.ge [sflag:s23], $0x1  }
0xa3: {  	[sflag:s23] =	ssyncset.done $0x0  }
0xa4: {  	[sflag:s23] =	ssyncadd.s32 $0xFFFFFFFF  }
0xa5: {  	s4 =	sld [smem:$0x0]  }
0xa6: {  	s5 =	sand.u32 $0xFFFFFFFE, s1  }
0xa7: {  	p0 =	sne.s32 s1, s5  }
0xa8: {  	s5 =	sshll.u32 @p0 s5, $0xE  }
0xa9: {  	s5 =	sadd.s32 @p0 $0x11B8D, s5;
	s6 =	sshll.u32 @p0 s4, $0x11  }
0xaa: {  	s5 =	sor.u32 @p0 s6, s5  }
0xab: {  	[sflag:s5] =	ssyncadd.remote.s32 @p0 $0x1;
	_ =	sdelay $0x1  }
0xac: {  	s5 =	simm.s32 @p0 $0x1B8D  }
0xad: {  	_ =	swait.eq @p0 [sflag:s5], $0x1  }
0xae: {  	[sflag:s5] =	ssyncadd.s32 @p0 $0xFFFFFFFF  }
0xaf: {  	s6 =	sshll.u32 @!p0 s1, $0xE  }
0xb0: {  	s6 =	sor.u32 @!p0 $0x4000, s6;
	s5 =	simm.s32 @!p0 $0x1B8D  }
0xb1: {  	s4 =	sshll.u32 @!p0 s4, $0x11;
	s6 =	sadd.s32 @!p0 $0x11B8D, s6;
	_ =	swait.eq @!p0 [sflag:s5], $0x1  }
0xb2: {  	s4 =	sor.u32 @!p0 s4, s6;
	[sflag:s5] =	ssyncadd.s32 @!p0 $0xFFFFFFFF  }
0xb3: {  	s25 =	simm.s32 $0x1B8E;
	s24 =	sld [smem:$0x3FFE];
	[sflag:s4] =	ssyncadd.remote.s32 @!p0 $0x1  }
0xb4: {  	s26 =	simm.s32 $execute0_lowered;
	[smem:$0x3FD2] =	sst s25  }
0xb5: {  	s5 =	sshll.u32 s26, $0x1;
	_ =	strace $0x80000049;
	[dreg:$0x1] =	wrdreg $0xFFFFFFFF  }
0xb6: {  	s28 =	simm.s32 $_size_execute0_lowered;
	s3 =	sadd.s32 s3, s5;
	[dreg:$0x0] =	wrdreg $0x0  }
0xb7: {  	s5 =	sshll.u32 s28, $0x1;
	[dreg:$0x2] =	wrdreg s3  }
0xb8: {  	[dreg:$0x3] =	wrdreg s5  }
0xb9: {  	[dreg:$0x4] =	wrdreg $0xC0  }
0xba: {  	_ =	task [dreg:s22], $0x5FFFF  }
0xbb: {  	[dreg:$0x1] =	wrdreg $0xFFFFFFFF  }
0xbc: {  	[dreg:$0x0] =	wrdreg $0x60  }
0xbd: {  	[dreg:$0x2] =	wrdreg s24  }
0xbe: {  	[dreg:$0x3] =	wrdreg $0xA  }
0xbf: {  	_ =	task.clear_ibuf [dreg:s22], $0x4FFFF;
	_ =	strace $0x90000049  }
0xc0: {  	s29 =	simm.s32 $0xA;
	_ =	strace $0x8000004B  }
0xc1: {  	_ =	swait.ge [sflag:s29], $0x1  }
0xc2: {  	[sflag:s29] =	ssyncadd.s32 $0xFFFFFFFF  }
0xc3: {  	_ =	strace $0x9000004B  }
0xc4: {  	_ =	sfence  }
0xc5: {  	s30 =	sld [smem:$0x0];
	_ =	sdelay $0x2  }
0xc6: {  	s31 =	sshll.u32 s1, $0xD;
	s1 =	sshrl.u32 s1, $0x2  }
0xc7: {  	s4 =	sand.u32 $0x4000, s31;
	s1 =	sadd.s32 s1, s30  }
0xc8: {  	s0 =	sor.u32 s4, s0;
	s1 =	sshll.u32 s1, $0x11  }
0xc9: {  	s0 =	sor.u32 s1, s0  }
0xca: {  	s0 =	sadd.s32 $0x8F2B, s0  }
0xcb: {  	[sflag:s0] =	ssyncadd.remote.s32 $0x1  }
0xcc: {  	_ =	sfence.sel $0xFFFF  }
0xcd: {  	[dreg:$0x0] =	wrdreg $0xFFFFFFFF;
	(pc) =	sbr.abs _section_cstart, $3  }
0xce: {  	[dreg:$0x1] =	wrdreg $0xFFFFFFFF  }
0xcf: {  	_ =	task.clear_ibuf [dreg:s22], $0x2FFFF;
	_ =	strace $0x9FFFFFFF  }
0xd0: {  	(tm) =	ssettm $0x7FFFFFFF  }
0xd1: {  	_ =	shalt  }
tec
execute0_lowered:
.L_overlay_start_1:
0x0: {  	(tag) =	ssettag $0x1  }
0x1: {  	s3 =	rddreg [dreg:$0x0];
	s2 =	srdreg.scid  }
0x2: {  	s0 =	rddreg [dreg:$0x1];
	s1 =	stileid.u32;
	s8 =	simm.s32 $0x10000  }
0x3: {  	s9 =	simm.s32 $0x1;
	s10 =	simm.s32 $0x1000;
	s4 =	sand.u32 $0x1, s2  }
0x4: {  	s2 =	simm.s32 $0x0;
	s5 =	sshll.u32 s1, $0x9;
	s6 =	sshll.u32 s4, $0x8  }
0x5: {  	s11 =	simm.s32 $0x1100;
	[smem:$0x7FF] =	sst s2;
	s5 =	sor.u32 s6, s5  }
0x6: {  	s4 =	ssub.s32 $0x2, s4;
	_ =	strace $0x8000004A;
	s6 =	sshrl.u32 s5, $0x3  }
0x7: {  	s7 =	sshrl.u32 s4, $0x1;
	s5 =	sadd.s32 s5, s3;
	s6 =	sadd.s32 s6, s3  }
0x8: {  	s7 =	ssub.s32 s4, s7;
	s3 =	sadd.s32 $0x6600, s5;
	s4 =	sadd.s32 $0x1E00, s6  }
0x9: {  	v0 =	vimm.s32 $0x10;
	s5 =	sadd.s32 $0xA600, s6;
	s6 =	smax.u32 s7, $0x1;
	s7 =	simm.s32 $0x800  }
.LBB2_1:
0xa: {  	[tilespmem:s2], [sflag:$0x1] =	stream.strided.gather [hbm4b:s3+s7], $0x1000, s8, s7, $0x38;
	[tilespmem:$0x1200] =	vst v63  }
0xb: {  	_ =	swait.ge [sflag:s9], $0x1000  }
0xc: {  	[sflag:s9] =	ssyncset.done $0x0  }
0xd: {  	[sflag:s9] =	ssyncadd.s32 $0xFFFFF000  }
0xe: {  	[tilespmem:s10], [sflag:$0x1] =	stream.linear.gather [hbm4b:s4+s2], $0x100, $0x38;
	[tilespmem:$0x1200] =	vst v63  }
0xf: {  	_ =	swait.ge [sflag:s9], $0x100  }
0x10: {  	[sflag:s9] =	ssyncset.done $0x0  }
0x11: {  	[sflag:s9] =	ssyncadd.s32 $0xFFFFFF00  }
0x12: {  	v1 =	vld [tilespmem:$0x100]  }
0x13: {  	v2 =	vld [tilespmem:$0x180]  }
0x14: {  	v3 =	vld [tilespmem:$0x200]  }
0x15: {  	v4 =	vld [tilespmem:$0x0]  }
0x16: {  	v6 =	vld [tilespmem:$0x80]  }
0x17: {  	v8 =	vld [tilespmem:$0x110]  }
0x18: {  	v10 =	vld [tilespmem:$0x90]  }
0x19: {  	v51 =	vld [tilespmem:$0x1000]  }
0x1a: {  	v58 =	vld [tilespmem:$0x20]  }
0x1b: {  	v25 =	vld [tilespmem:$0x30]  }
0x1c: {  	v35 =	vld [tilespmem:$0x40]  }
0x1d: {  	v46 =	vld [tilespmem:$0x190]  }
0x1e: {  	v61 =	vld [tilespmem:$0xA0];
	vm0 =	vgt.f32 v2, v1  }
0x1f: {  	v5 =	vld [tilespmem:$0x280];
	v7 =	vmul.f32 $4.000000000e+00, v4;
	v6 =	vmul.f32 $4.000000000e+00, v6;
	vm11 =	vgt.f32 v4, $7.500000000e-01  }
0x20: {  	v47 =	vld [tilespmem:$0x210];
	v10 =	vmul.f32 $4.000000000e+00, v10;
	vm13 =	veq.s32 v51, $0x1;
	v15 =	vmul.f32 $4.000000000e+00, v58  }
0x21: {  	v14 =	vmul.f32 $4.000000000e+00, v25;
	v44 =	vmul.f32 $4.000000000e+00, v35;
	v51 =	vld [tilespmem:$0x1040];
	v1 =	vsel vm0, v2, v1  }
0x22: {  	v2 =	vld [tilespmem:$0x300];
	v48 =	vsel vm0, $0x11, v0;
	vm0 =	vgt.f32 v46, v8;
	v7 =	vtrunc.f32 v7  }
0x23: {  	v17 =	vld [tilespmem:$0x130];
	vm1 =	vgt.f32 v3, v1;
	v56 =	vtrunc.f32 v10;
	v10 =	vmul.f32 $4.000000000e+00, v61  }
0x24: {  	v20 =	vld [tilespmem:$0x1B0];
	v6 =	vtrunc.f32 v6;
	v60 =	vsel vm0, $0x11, v0;
	v1 =	vsel vm1, v3, v1  }
0x25: {  	v32 =	vtrunc.f32 v14;
	v3 =	vld [tilespmem:$0x380];
	vm2 =	vgt.f32 v5, v1;
	v10 =	vtrunc.f32 v10  }
0x26: {  	v1 =	vsel vm2, v5, v1;
	v5 =	vsel vm1, $0x12, v48;
	v21 =	vcvt.f32.s32 v10  }
0x27: {  	v45 =	vld [tilespmem:$0x800];
	vm8 =	veq.s32 v51, $0x1;
	vm3 =	vgt.f32 v2, v1;
	v5 =	vsel vm2, $0x13, v5  }
0x28: {  	v28 =	vld [tilespmem:$0xB0];
	v1 =	vsel vm3, v2, v1;
	v2 =	vcvt.f32.s32 v7;
	v7 =	vsel vm0, v46, v8  }
0x29: {  	v9 =	vld [tilespmem:$0x290];
	v50 =	vsel vm3, $0x14, v5;
	vm0 =	vgt.f32 v20, v17;
	v46 =	vtrunc.f32 v44  }
0x2a: {  	vm4 =	vgt.f32 v3, v1;
	vm1 =	vgt.f32 v47, v7;
	v38 =	vsel vm0, $0x11, v0  }
0x2b: {  	v49 =	vld [tilespmem:$0x310];
	v1 =	vsel vm4, v3, v1;
	vm5 =	vgt.s32 v2, $0x0;
	v3 =	vcvt.f32.s32 v6  }
0x2c: {  	v54 =	vld [tilespmem:$0x120];
	v4 =	vsel vm4, $0x15, v50;
	v6 =	vsel vm1, v47, v7;
	v8 =	vsel vm1, $0x12, v60  }
0x2d: {  	v7 =	vmul.f32 $4.000000000e+00, v28;
	vm6 =	vgt.f32 v45, v1;
	v1 =	vnsel vm5, $0x0, v2;
	v2 =	vld [tilespmem:$0x10]  }
0x2e: {  	v55 =	vld [tilespmem:$0x1A0];
	vm12 =	vgt.f32 v9, v6;
	v1 =	vmin.u32 v1, $0x3;
	vm10 =	vgt.s32 v3, $0x0  }
0x2f: {  	v4 =	vsel vm6, $0x16, v4;
	v8 =	vsel vm12, $0x13, v8;
	v3 =	vnsel vm10, $0x0, v3  }
0x30: {  	v7 =	vtrunc.f32 v7;
	v1 =	vshll.u32 v1, $0x2;
	v3 =	vmin.u32 v3, $0x3  }
0x31: {  	v52 =	vld [tilespmem:$0x390];
	v7 =	vcvt.f32.s32 v7;
	v1 =	vor.u32 v3, v1;
	v3 =	vsel vm12, v9, v6  }
0x32: {  	v57 =	vld [tilespmem:$0x220];
	v11 =	vmul.f32 $4.000000000e+00, v2;
	vm3 =	vgt.f32 v49, v3;
	v1 =	vsel vm11, v4, v1  }
0x33: {  	v12 =	vld [tilespmem:$0x810];
	v4 =	vcvt.f32.s32 v56;
	vm11 =	vgt.f32 v55, v54;
	vm12 =	vgt.f32 v2, $7.500000000e-01  }
0x34: {  	v59 =	vld [tilespmem:$0x2A0];
	v3 =	vsel vm3, v49, v3;
	v1 =	vsel vm13, $0x18, v1;
	v9 =	vsel vm11, v55, v54  }
0x35: {  	v31 =	vld [tilespmem:$0x140];
	v2 =	vsel vm3, $0x14, v8;
	v24 =	vsel vm11, $0x11, v0;
	vm11 =	vgt.s32 v21, $0x0  }
0x36: {  	v33 =	vld [tilespmem:$0x1C0];
	v53 =	vtrunc.f32 v11;
	vm14 =	vgt.f32 v52, v3;
	vm10 =	vgt.s32 v4, $0x0  }
0x37: {  	vm1 =	vgt.f32 v57, v9;
	v8 =	vnsel vm11, $0x0, v21;
	v6 =	vcvt.f32.s32 v53  }
0x38: {  	v62 =	vld [tilespmem:$0x320];
	v3 =	vsel vm14, v52, v3;
	v4 =	vnsel vm10, $0x0, v4;
	v5 =	vsel vm1, v57, v9  }
0x39: {  	v63 =	vld [tilespmem:$0x3A0];
	v2 =	vsel vm14, $0x15, v2;
	v9 =	vtrunc.f32 v15;
	v8 =	vmin.u32 v8, $0x3  }
0x3a: {  	v22 =	vld [tilespmem:$0x230];
	vm9 =	vgt.f32 v12, v3;
	v4 =	vmin.u32 v4, $0x3;
	vm13 =	vgt.f32 v59, v5  }
0x3b: {  	v16 =	vld [tilespmem:$0x820];
	v19 =	vcvt.f32.s32 v9;
	v9 =	vsel vm0, v20, v17;
	vm0 =	vgt.f32 v33, v31  }
0x3c: {  	v26 =	vld [tilespmem:$0x2B0];
	vm15 =	vgt.s32 v6, $0x0;
	v2 =	vsel vm9, $0x16, v2;
	v5 =	vsel vm13, v59, v5  }
0x3d: {  	v13 =	vld [tilespmem:$0x1020];
	v52 =	vsel vm0, $0x11, v0;
	v6 =	vnsel vm15, $0x0, v6;
	vm14 =	vgt.f32 v62, v5  }
0x3e: {  	v39 =	vld [tilespmem:$0xC0];
	vm9 =	vgt.s32 v19, $0x0;
	v3 =	vmin.u32 v6, $0x3;
	v18 =	vsel vm14, v62, v5  }
0x3f: {  	v27 =	vld [tilespmem:$0x330];
	v23 =	vnsel vm9, $0x0, v19;
	v5 =	vsel vm1, $0x12, v24;
	vm1 =	vgt.f32 v22, v9  }
0x40: {  	v54 =	vld [tilespmem:$0x50];
	v3 =	vshll.u32 v3, $0x2;
	vm15 =	vgt.f32 v63, v18;
	v5 =	vsel vm13, $0x13, v5  }
0x41: {  	v44 =	vld [tilespmem:$0xF0];
	v9 =	vsel vm1, v22, v9;
	v3 =	vor.u32 v4, v3;
	v4 =	vsel vm15, v63, v18  }
0x42: {  	v47 =	vld [tilespmem:$0x150];
	v5 =	vsel vm14, $0x14, v5;
	vm2 =	vgt.f32 v26, v9;
	vm14 =	veq.s32 v13, $0x1  }
0x43: {  	v49 =	vld [tilespmem:$0x1D0];
	v13 =	vmul.f32 $4.000000000e+00, v39;
	v2 =	vsel vm12, v2, v3;
	vm10 =	vgt.f32 v16, v4  }
0x44: {  	v3 =	vld [tilespmem:$0x1010];
	v4 =	vmin.u32 v23, $0x3;
	vm12 =	vgt.f32 v58, $7.500000000e-01;
	v5 =	vsel vm15, $0x15, v5  }
0x45: {  	v16 =	vld [tilespmem:$0xD0];
	v58 =	vmul.f32 $4.000000000e+00, v54;
	v4 =	vshll.u32 v4, $0x2;
	v48 =	vtrunc.f32 v13  }
0x46: {  	v23 =	vld [tilespmem:$0x60];
	v5 =	vsel vm10, $0x16, v5;
	v4 =	vor.u32 v8, v4;
	v50 =	vcvt.f32.s32 v48  }
0x47: {  	v61 =	vtrunc.f32 v58;
	v4 =	vsel vm12, v5, v4;
	vm12 =	vgt.s32 v7, $0x0  }
0x48: {  	v5 =	vsel vm0, v33, v31;
	vm0 =	vgt.f32 v49, v47;
	v7 =	vnsel vm12, $0x0, v7  }
0x49: {  	v29 =	vld [tilespmem:$0x3B0];
	vm12 =	vgt.s32 v50, $0x0;
	vm13 =	veq.s32 v3, $0x1;
	v3 =	vsel vm2, v26, v9  }
0x4a: {  	v30 =	vld [tilespmem:$0x830];
	v9 =	vcvt.f32.s32 v32;
	v7 =	vmin.u32 v7, $0x3;
	v63 =	vmul.f32 $4.000000000e+00, v16  }
0x4b: {  	v34 =	vld [tilespmem:$0x240];
	v31 =	vmul.f32 $4.000000000e+00, v23;
	v16 =	vmul.f32 $4.000000000e+00, v44;
	vm15 =	vgt.f32 v27, v3  }
0x4c: {  	v12 =	vsel vm15, v27, v3;
	v3 =	vsel vm13, $0x18, v2;
	v2 =	vsel vm14, $0x18, v4  }
0x4d: {  	v37 =	vld [tilespmem:$0x2C0];
	vm10 =	vgt.s32 v9, $0x0;
	vm13 =	vgt.f32 v25, $7.500000000e-01;
	v20 =	vtrunc.f32 v63  }
0x4e: {  	v62 =	vld [tilespmem:$0x160];
	v25 =	vsel vm0, $0x11, v0;
	vm9 =	vgt.f32 v29, v12;
	v36 =	vnsel vm10, $0x0, v9  }
0x4f: {  	v27 =	vld [tilespmem:$0xE0];
	v10 =	vsel vm9, v29, v12;
	v8 =	vmin.u32 v36, $0x3;
	v12 =	vtrunc.f32 v31  }
0x50: {  	v18 =	vld [tilespmem:$0x1E0];
	vm11 =	vgt.f32 v30, v10;
	v10 =	vsel vm1, $0x12, v38;
	vm1 =	vgt.f32 v34, v5  }
0x51: {  	v40 =	vld [tilespmem:$0x340];
	v8 =	vshll.u32 v8, $0x2;
	v36 =	vcvt.f32.s32 v12;
	v10 =	vsel vm2, $0x13, v10  }
0x52: {  	v4 =	vsel vm1, v34, v5;
	v7 =	vor.u32 v7, v8;
	v8 =	vcvt.f32.s32 v46  }
0x53: {  	v41 =	vld [tilespmem:$0x3C0];
	v5 =	vnsel vm12, $0x0, v50;
	v10 =	vsel vm15, $0x14, v10;
	vm14 =	vgt.f32 v37, v4  }
0x54: {  	v43 =	vld [tilespmem:$0x840];
	v5 =	vmin.u32 v5, $0x3;
	v34 =	vmul.f32 $4.000000000e+00, v27;
	v42 =	vsel vm9, $0x15, v10  }
0x55: {  	v51 =	vld [tilespmem:$0x580];
	v4 =	vsel vm14, v37, v4;
	v10 =	vsel vm0, v49, v47;
	vm0 =	vgt.f32 v18, v62  }
0x56: {  	v53 =	vld [tilespmem:$0x250];
	v6 =	vsel vm11, $0x16, v42;
	vm15 =	vgt.f32 v40, v4;
	vm11 =	vgt.s32 v8, $0x0  }
0x57: {  	v45 =	vld [tilespmem:$0x1030];
	v13 =	vtrunc.f32 v34;
	v42 =	vsel vm0, $0x11, v0;
	v4 =	vsel vm15, v40, v4  }
0x58: {  	v21 =	vld [tilespmem:$0x260];
	v6 =	vsel vm13, v6, v7;
	v8 =	vnsel vm11, $0x0, v8;
	vm13 =	vgt.f32 v35, $7.500000000e-01  }
0x59: {  	v15 =	vld [tilespmem:$0x2D0];
	v7 =	vcvt.f32.s32 v20;
	vm9 =	vgt.f32 v41, v4;
	v8 =	vmin.u32 v8, $0x3  }
0x5a: {  	v37 =	vld [tilespmem:$0x1F0];
	v38 =	vcvt.f32.s32 v13;
	v4 =	vsel vm9, v41, v4;
	v8 =	vshll.u32 v8, $0x2  }
0x5b: {  	v35 =	vld [tilespmem:$0x170];
	vm10 =	vgt.f32 v43, v4;
	v4 =	vsel vm1, $0x12, v52;
	vm1 =	vgt.f32 v53, v10  }
0x5c: {  	v26 =	vld [tilespmem:$0x2E0];
	v5 =	vor.u32 v5, v8;
	v8 =	vsel vm0, v18, v62;
	v4 =	vsel vm14, $0x13, v4  }
0x5d: {  	v50 =	vld [tilespmem:$0x500];
	v56 =	vsel vm1, v53, v10;
	vm14 =	veq.s32 v45, $0x1;
	v10 =	vcvt.f32.s32 v61  }
0x5e: {  	v55 =	vld [tilespmem:$0x350];
	v9 =	vsel vm1, $0x12, v25;
	vm1 =	vgt.f32 v21, v8;
	v53 =	vtrunc.f32 v16  }
0x5f: {  	v41 =	vld [tilespmem:$0x70];
	v4 =	vsel vm15, $0x14, v4;
	vm15 =	vgt.f32 v15, v56;
	v8 =	vsel vm1, v21, v8  }
0x60: {  	vm0 =	vgt.f32 v37, v35;
	v4 =	vsel vm9, $0x15, v4;
	v60 =	vsel vm15, v15, v56  }
0x61: {  	vm11 =	vgt.s32 v10, $0x0;
	v9 =	vsel vm15, $0x13, v9;
	vm15 =	vgt.f32 v26, v8  }
0x62: {  	v28 =	vld [tilespmem:$0x360];
	v12 =	vsel vm0, v37, v35;
	v58 =	vsel vm0, $0x11, v0;
	vm0 =	vgt.f32 v51, v50  }
0x63: {  	v57 =	vld [tilespmem:$0x3D0];
	v4 =	vsel vm10, $0x16, v4;
	vm9 =	vgt.f32 v55, v60;
	v22 =	vnsel vm11, $0x0, v10  }
0x64: {  	v59 =	vld [tilespmem:$0x850];
	v32 =	vsel vm15, v26, v8;
	v17 =	vmul.f32 $4.000000000e+00, v41;
	v10 =	vcvt.f32.s32 v53  }
0x65: {  	v29 =	vld [tilespmem:$0x1050];
	v15 =	vsel vm0, v51, v50;
	v4 =	vsel vm13, v4, v5;
	v5 =	vsel vm14, $0x18, v6  }
0x66: {  	v19 =	vsel vm9, v55, v60;
	v24 =	vmin.u32 v22, $0x3;
	vm13 =	vgt.s32 v7, $0x0  }
0x67: {  	v39 =	vld [tilespmem:$0x270];
	v9 =	vsel vm9, $0x14, v9;
	vm14 =	vgt.f32 v54, $7.500000000e-01;
	vm9 =	vgt.f32 v28, v32  }
0x68: {  	v30 =	vld [tilespmem:$0x3E0];
	v4 =	vsel vm8, $0x18, v4;
	vm10 =	vgt.f32 v57, v19;
	v7 =	vnsel vm13, $0x0, v7  }
0x69: {  	v33 =	vld [tilespmem:$0x860];
	v49 =	vtrunc.f32 v17;
	v6 =	vsel vm10, v57, v19;
	v7 =	vmin.u32 v7, $0x3  }
0x6a: {  	v55 =	vld [tilespmem:$0x400];
	v9 =	vsel vm10, $0x15, v9;
	vm10 =	veq.s32 v29, $0x1;
	vm12 =	vgt.f32 v59, v6  }
0x6b: {  	v43 =	vld [tilespmem:$0x2F0];
	v29 =	vsel vm0, $0x11, v0;
	v6 =	vshll.u32 v24, $0x2;
	v9 =	vsel vm12, $0x16, v9  }
0x6c: {  	v54 =	vld [tilespmem:$0x600];
	v6 =	vor.u32 v7, v6;
	v7 =	vsel vm9, v28, v32;
	vm12 =	vgt.s32 v36, $0x0  }
0x6d: {  	v25 =	vld [tilespmem:$0x590];
	v6 =	vsel vm14, v9, v6;
	vm11 =	vgt.f32 v30, v7;
	v40 =	vnsel vm12, $0x0, v36  }
0x6e: {  	v19 =	vld [tilespmem:$0x510];
	vm14 =	vgt.s32 v38, $0x0;
	v9 =	vsel vm1, $0x12, v42;
	vm1 =	vgt.f32 v39, v12  }
0x6f: {  	v21 =	vmul.f32 $4.000000000e+00, v55;
	v7 =	vsel vm11, v30, v7;
	v6 =	vsel vm10, $0x18, v6  }
0x70: {  	v46 =	vld [tilespmem:$0x1060];
	v11 =	vnsel vm14, $0x0, v38;
	v9 =	vsel vm15, $0x13, v9;
	vm15 =	vgt.f32 v23, $7.500000000e-01  }
0x71: {  	v59 =	vld [tilespmem:$0x480];
	v12 =	vsel vm1, v39, v12;
	v14 =	vsel vm1, $0x12, v58;
	vm1 =	vgt.f32 v54, v15  }
0x72: {  	v45 =	vld [tilespmem:$0x370];
	vm13 =	vgt.f32 v33, v7;
	v7 =	vmin.u32 v40, $0x3;
	v11 =	vmin.u32 v11, $0x3  }
0x73: {  	v28 =	vld [tilespmem:$0x410];
	v9 =	vsel vm9, $0x14, v9;
	vm9 =	vgt.f32 v43, v12;
	vm0 =	vgt.f32 v25, v19  }
0x74: {  	v31 =	vld [tilespmem:$0x490];
	v9 =	vsel vm11, $0x15, v9;
	v7 =	vshll.u32 v7, $0x2;
	v48 =	vsel vm9, v43, v12  }
0x75: {  	v57 =	vld [tilespmem:$0x680];
	v12 =	vcvt.f32.s32 v49;
	vm11 =	veq.s32 v46, $0x1;
	v14 =	vsel vm9, $0x13, v14  }
0x76: {  	v47 =	vld [tilespmem:$0x3F0];
	vm9 =	vgt.f32 v41, $7.500000000e-01;
	v16 =	vmul.f32 $4.000000000e+00, v59;
	v17 =	vsel vm0, v25, v19  }
0x77: {  	v20 =	vld [tilespmem:$0x520];
	v46 =	vsel vm0, $0x11, v0;
	v9 =	vsel vm13, $0x16, v9;
	v7 =	vor.u32 v11, v7  }
0x78: {  	v18 =	vld [tilespmem:$0x870];
	vm10 =	vgt.f32 v45, v48;
	v11 =	vsel vm1, v54, v15;
	v35 =	vmul.f32 $4.000000000e+00, v28  }
0x79: {  	v60 =	vld [tilespmem:$0x700];
	v7 =	vsel vm15, v9, v7;
	v52 =	vsel vm10, v45, v48;
	vm13 =	vgt.s32 v12, $0x0  }
0x7a: {  	v38 =	vld [tilespmem:$0x5A0];
	vm15 =	vgt.s32 v10, $0x0;
	v61 =	vsel vm10, $0x14, v14;
	vm10 =	vgt.f32 v57, v11  }
0x7b: {  	v40 =	vld [tilespmem:$0x420];
	v26 =	vtrunc.f32 v16;
	v16 =	vmul.f32 $4.000000000e+00, v31;
	vm12 =	vgt.f32 v47, v52  }
0x7c: {  	v12 =	vnsel vm13, $0x0, v12;
	v7 =	vsel vm11, $0x18, v7;
	v10 =	vnsel vm15, $0x0, v10  }
0x7d: {  	v27 =	vld [tilespmem:$0x610];
	v11 =	vsel vm10, v57, v11;
	v37 =	vtrunc.f32 v35;
	v9 =	vsel vm12, v47, v52  }
0x7e: {  	v58 =	vld [tilespmem:$0x4B0];
	v56 =	vmin.u32 v12, $0x3;
	v10 =	vmin.u32 v10, $0x3;
	v8 =	vsel vm12, $0x15, v61  }
0x7f: {  	v63 =	vld [tilespmem:$0x1070];
	vm11 =	vgt.f32 v60, v11;
	v12 =	vsel vm1, $0x12, v29;
	v16 =	vtrunc.f32 v16  }
0x80: {  	v62 =	vld [tilespmem:$0x780];
	vm1 =	vgt.f32 v38, v20;
	v51 =	vmul.f32 $4.000000000e+00, v40;
	vm14 =	vgt.f32 v18, v9  }
0x81: {  	v39 =	vld [tilespmem:$0x620];
	v9 =	vshll.u32 v56, $0x2;
	v18 =	vtrunc.f32 v21;
	v23 =	vsel vm11, v60, v11  }
0x82: {  	v12 =	vsel vm10, $0x13, v12;
	vm10 =	vgt.f32 v27, v17;
	v42 =	vcvt.f32.s32 v16  }
0x83: {  	v30 =	vld [tilespmem:$0x690];
	v15 =	vsel vm1, v38, v20;
	v57 =	vsel vm1, $0x11, v0;
	v16 =	vmul.f32 $4.000000000e+00, v58  }
0x84: {  	v45 =	vld [tilespmem:$0x4A0];
	v8 =	vsel vm14, $0x16, v8;
	v9 =	vor.u32 v10, v9;
	v24 =	vcvt.f32.s32 v18  }
0x85: {  	v22 =	vld [tilespmem:$0xC00];
	vm12 =	vgt.f32 v62, v23;
	vm14 =	veq.s32 v63, $0x1;
	v12 =	vsel vm11, $0x14, v12  }
0x86: {  	v54 =	vld [tilespmem:$0x430];
	v14 =	vsel vm10, v27, v17;
	v17 =	vsel vm10, $0x12, v46;
	vm0 =	vgt.f32 v39, v15  }
0x87: {  	v53 =	vld [tilespmem:$0x5B0];
	v8 =	vsel vm9, v8, v9;
	v10 =	vsel vm12, v62, v23;
	v9 =	vcvt.f32.s32 v26  }
0x88: {  	v32 =	vld [tilespmem:$0x710];
	vm9 =	vgt.f32 v55, $7.500000000e-01;
	v12 =	vsel vm12, $0x15, v12;
	vm11 =	vgt.f32 v30, v14  }
0x89: {  	v52 =	vld [tilespmem:$0x530];
	v13 =	vmul.f32 $4.000000000e+00, v45;
	v27 =	vtrunc.f32 v16;
	vm13 =	vgt.s32 v24, $0x0  }
0x8a: {  	vm15 =	vgt.f32 v22, v10;
	v36 =	vsel vm11, v30, v14;
	v14 =	vcvt.f32.s32 v37  }
0x8b: {  	v8 =	vsel vm14, $0x18, v8;
	v17 =	vsel vm11, $0x13, v17;
	v22 =	vmul.f32 $4.000000000e+00, v54  }
0x8c: {  	v29 =	vcvt.f32.s32 v27;
	v11 =	vnsel vm13, $0x0, v24;
	vm8 =	vgt.s32 v9, $0x0  }
0x8d: {  	v12 =	vsel vm15, $0x16, v12;
	vm12 =	vgt.f32 v32, v36;
	v13 =	vtrunc.f32 v13  }
0x8e: {  	vm1 =	vgt.f32 v53, v52;
	v11 =	vmin.u32 v11, $0x3;
	v9 =	vnsel vm8, $0x0, v9  }
0x8f: {  	v33 =	vld [tilespmem:$0x790];
	vm14 =	vgt.s32 v14, $0x0;
	vm8 =	vgt.s32 v42, $0x0;
	v49 =	vsel vm12, $0x14, v17  }
0x90: {  	v45 =	vld [tilespmem:$0x450];
	v17 =	vtrunc.f32 v51;
	v13 =	vcvt.f32.s32 v13;
	v60 =	vsel vm1, v53, v52  }
0x91: {  	v43 =	vld [tilespmem:$0x6A0];
	v22 =	vtrunc.f32 v22;
	v35 =	vsel vm1, $0x11, v0;
	vm1 =	vgt.f32 v54, $7.500000000e-01  }
0x92: {  	v21 =	vld [tilespmem:$0x1080];
	v9 =	vmin.u32 v9, $0x3;
	v11 =	vshll.u32 v11, $0x2;
	v41 =	vnsel vm14, $0x0, v14  }
0x93: {  	v23 =	vld [tilespmem:$0x440];
	v14 =	vnsel vm8, $0x0, v42;
	v17 =	vcvt.f32.s32 v17;
	v22 =	vcvt.f32.s32 v22  }
0x94: {  	v34 =	vld [tilespmem:$0xC10];
	v9 =	vor.u32 v9, v11;
	v11 =	vsel vm12, v32, v36;
	v44 =	vmin.u32 v41, $0x3  }
0x95: {  	v47 =	vld [tilespmem:$0x720];
	v14 =	vmin.u32 v14, $0x3;
	v53 =	vmul.f32 $4.000000000e+00, v45;
	v9 =	vsel vm9, v12, v9  }
0x96: {  	v55 =	vld [tilespmem:$0x630];
	vm13 =	vgt.f32 v33, v11;
	v12 =	vsel vm0, v39, v15;
	vm9 =	vgt.f32 v28, $7.500000000e-01  }
0x97: {  	v51 =	vld [tilespmem:$0x4D0];
	vm14 =	vgt.s32 v17, $0x0;
	v15 =	vsel vm0, $0x12, v57;
	vm0 =	veq.s32 v21, $0x1  }
0x98: {  	v39 =	vmul.f32 $4.000000000e+00, v23;
	v11 =	vsel vm13, v33, v11;
	vm10 =	vgt.f32 v43, v12  }
0x99: {  	[tilespmem:$0x1110] =	vst v3;
	v10 =	vsel vm13, $0x15, v49;
	v56 =	vnsel vm14, $0x0, v17;
	v3 =	vsel vm0, $0x18, v9  }
0x9a: {  	vm15 =	vgt.f32 v34, v11;
	v12 =	vsel vm10, v43, v12;
	v11 =	vshll.u32 v44, $0x2  }
0x9b: {  	v48 =	vld [tilespmem:$0x7A0];
	v15 =	vsel vm10, $0x13, v15;
	vm10 =	vgt.f32 v55, v60;
	v20 =	vtrunc.f32 v39  }
0x9c: {  	v59 =	vld [tilespmem:$0x6B0];
	v19 =	vmul.f32 $4.000000000e+00, v51;
	v10 =	vsel vm15, $0x16, v10;
	vm11 =	vgt.f32 v47, v12  }
0x9d: {  	v50 =	vld [tilespmem:$0xC20];
	v11 =	vor.u32 v14, v11;
	vm15 =	vgt.s32 v13, $0x0;
	v20 =	vcvt.f32.s32 v20  }
0x9e: {  	v61 =	vld [tilespmem:$0x730];
	v12 =	vsel vm11, v47, v12;
	v10 =	vsel vm9, v10, v11;
	v13 =	vnsel vm15, $0x0, v13  }
0x9f: {  	v24 =	vld [tilespmem:$0x5C0];
	vm9 =	vgt.f32 v40, $7.500000000e-01;
	v15 =	vsel vm11, $0x14, v15;
	v11 =	vsel vm10, v55, v60  }
0xa0: {  	v28 =	vld [tilespmem:$0x540];
	vm15 =	vgt.s32 v29, $0x0;
	vm12 =	vgt.f32 v48, v12;
	v13 =	vmin.u32 v13, $0x3  }
0xa1: {  	v62 =	vld [tilespmem:$0x7B0];
	vm11 =	vgt.f32 v59, v11;
	v12 =	vsel vm12, v48, v12;
	v15 =	vsel vm12, $0x15, v15  }
0xa2: {  	v42 =	vld [tilespmem:$0x550];
	v17 =	vsel vm11, v59, v11;
	v59 =	vtrunc.f32 v19;
	vm13 =	vgt.f32 v50, v12  }
0xa3: {  	v43 =	vld [tilespmem:$0x5D0];
	v12 =	vmin.u32 v56, $0x3;
	vm12 =	vgt.f32 v61, v17;
	v56 =	vtrunc.f32 v53  }
0xa4: {  	v31 =	vld [tilespmem:$0x4C0];
	v15 =	vsel vm13, $0x16, v15;
	v12 =	vshll.u32 v12, $0x2;
	v30 =	vsel vm12, v61, v17  }
0xa5: {  	v33 =	vld [tilespmem:$0x640];
	vm13 =	vgt.s32 v22, $0x0;
	v17 =	vsel vm10, $0x12, v35;
	vm10 =	vgt.f32 v24, v28  }
0xa6: {  	v58 =	vld [tilespmem:$0x460];
	v12 =	vor.u32 v13, v12;
	vm14 =	vgt.f32 v62, v30;
	v32 =	vnsel vm13, $0x0, v22  }
0xa7: {  	v63 =	vld [tilespmem:$0xC30];
	v13 =	vnsel vm15, $0x0, v29;
	v37 =	vsel vm10, v24, v28;
	v17 =	vsel vm11, $0x13, v17  }
0xa8: {  	v36 =	vld [tilespmem:$0x6C0];
	v48 =	vsel vm10, $0x11, v0;
	vm10 =	vgt.f32 v43, v42;
	v11 =	vsel vm9, v15, v12  }
0xa9: {  	v12 =	vsel vm14, v62, v30;
	v34 =	vmin.u32 v32, $0x3;
	v13 =	vmin.u32 v13, $0x3  }
0xaa: {  	vm11 =	vgt.f32 v33, v37;
	v15 =	vmul.f32 $4.000000000e+00, v31;
	v17 =	vsel vm12, $0x14, v17  }
0xab: {  	v25 =	vld [tilespmem:$0x5F0];
	v18 =	vsel vm10, v43, v42;
	v62 =	vsel vm10, $0x11, v0;
	v32 =	vmul.f32 $4.000000000e+00, v58  }
0xac: {  	v55 =	vld [tilespmem:$0x1090];
	vm9 =	vgt.f32 v63, v12;
	v14 =	vsel vm11, v33, v37;
	v17 =	vsel vm14, $0x15, v17  }
0xad: {  	v38 =	vld [tilespmem:$0x740];
	vm14 =	vgt.s32 v20, $0x0;
	v12 =	vshll.u32 v34, $0x2;
	vm12 =	vgt.f32 v36, v14  }
0xae: {  	v40 =	vld [tilespmem:$0x7C0];
	v15 =	vtrunc.f32 v15;
	v17 =	vsel vm9, $0x16, v17;
	v44 =	vnsel vm14, $0x0, v20  }
0xaf: {  	v63 =	vld [tilespmem:$0x4E0];
	v12 =	vor.u32 v13, v12;
	v24 =	vtrunc.f32 v32;
	v14 =	vsel vm12, v36, v14  }
0xb0: {  	v34 =	vld [tilespmem:$0x570];
	v15 =	vcvt.f32.s32 v15;
	v49 =	vmin.u32 v44, $0x3;
	v12 =	vsel vm1, v17, v12  }
0xb1: {  	v17 =	vcvt.f32.s32 v59;
	vm1 =	veq.s32 v55, $0x1;
	v24 =	vcvt.f32.s32 v24  }
0xb2: {  	v41 =	vld [tilespmem:$0xC40];
	vm13 =	vgt.f32 v38, v14;
	v13 =	vshll.u32 v49, $0x2;
	v10 =	vsel vm1, $0x18, v10  }
0xb3: {  	v46 =	vld [tilespmem:$0x650];
	v14 =	vsel vm13, v38, v14;
	vm15 =	vgt.s32 v15, $0x0;
	vm8 =	vgt.s32 v24, $0x0  }
0xb4: {  	v37 =	vld [tilespmem:$0x670];
	v15 =	vnsel vm15, $0x0, v15;
	vm9 =	vgt.f32 v40, v14;
	v33 =	vmul.f32 $4.000000000e+00, v63  }
0xb5: {  	vm2 =	vgt.f32 v25, v34;
	v47 =	vsel vm9, v40, v14;
	v14 =	vsel vm11, $0x12, v48  }
0xb6: {  	v52 =	vld [tilespmem:$0x750];
	v15 =	vmin.u32 v15, $0x3;
	vm11 =	vgt.f32 v23, $7.500000000e-01;
	v40 =	vnsel vm8, $0x0, v24  }
0xb7: {  	v50 =	vld [tilespmem:$0x6D0];
	v23 =	vsel vm2, v25, v34;
	vm7 =	vgt.f32 v41, v47;
	v14 =	vsel vm12, $0x13, v14  }
0xb8: {  	v54 =	vld [tilespmem:$0x7D0];
	vm12 =	vgt.f32 v46, v18;
	v13 =	vor.u32 v15, v13;
	v15 =	vcvt.f32.s32 v56  }
0xb9: {  	v57 =	vld [tilespmem:$0xC50];
	v21 =	vtrunc.f32 v33;
	vm3 =	vgt.f32 v37, v23;
	v20 =	vmin.u32 v40, $0x3  }
0xba: {  	v60 =	vld [tilespmem:$0x560];
	v14 =	vsel vm13, $0x14, v14;
	v18 =	vsel vm12, v46, v18;
	v28 =	vsel vm12, $0x12, v62  }
0xbb: {  	v61 =	vld [tilespmem:$0x5E0];
	vm12 =	vgt.f32 v45, $7.500000000e-01;
	v36 =	vcvt.f32.s32 v21;
	v45 =	vsel vm3, v37, v23  }
0xbc: {  	v41 =	vld [tilespmem:$0x6F0];
	v20 =	vshll.u32 v20, $0x2;
	v14 =	vsel vm9, $0x15, v14;
	vm13 =	vgt.f32 v50, v18  }
0xbd: {  	v48 =	vld [tilespmem:$0x470];
	vm15 =	vgt.s32 v15, $0x0;
	v14 =	vsel vm7, $0x16, v14;
	v16 =	vsel vm13, v50, v18  }
0xbe: {  	v15 =	vnsel vm15, $0x0, v15;
	v50 =	vld [tilespmem:$0x4F0];
	v13 =	vsel vm11, v14, v13;
	vm14 =	vgt.f32 v52, v16  }
0xbf: {  	vm11 =	vgt.s32 v17, $0x0;
	v15 =	vmin.u32 v15, $0x3;
	v16 =	vsel vm14, v52, v16  }
0xc0: {  	v17 =	vnsel vm11, $0x0, v17;
	v15 =	vshll.u32 v15, $0x2;
	vm9 =	vgt.f32 v54, v16  }
0xc1: {  	v29 =	vld [tilespmem:$0x660];
	vm4 =	vgt.f32 v41, v45;
	v17 =	vmin.u32 v17, $0x3;
	v16 =	vsel vm9, v54, v16  }
0xc2: {  	v15 =	vor.u32 v17, v15;
	v54 =	vmul.f32 $4.000000000e+00, v48;
	vm10 =	vgt.f32 v57, v16  }
0xc3: {  	v26 =	vld [tilespmem:$0x10A0];
	v16 =	vsel vm13, $0x13, v28;
	vm13 =	vgt.f32 v61, v60;
	v57 =	vmul.f32 $4.000000000e+00, v50  }
0xc4: {  	v30 =	vld [tilespmem:$0x6E0];
	v16 =	vsel vm14, $0x14, v16;
	v19 =	vsel vm13, v61, v60;
	v42 =	vsel vm13, $0x11, v0  }
0xc5: {  	v53 =	vld [tilespmem:$0x10D0];
	vm13 =	vgt.f32 v58, $7.500000000e-01;
	v56 =	vtrunc.f32 v54;
	v61 =	vsel vm2, $0x11, v0  }
0xc6: {  	[tilespmem:$0x1140] =	vst v4;
	v31 =	vld [tilespmem:$0x760];
	v16 =	vsel vm9, $0x15, v16;
	vm14 =	vgt.f32 v29, v19;
	v4 =	vcvt.f32.s32 v56  }
0xc7: {  	v44 =	vld [tilespmem:$0x10B0];
	v60 =	vtrunc.f32 v57;
	v62 =	vsel vm3, $0x12, v61;
	v16 =	vsel vm10, $0x16, v16  }
0xc8: {  	v35 =	vld [tilespmem:$0x7E0];
	v18 =	vsel vm14, v29, v19;
	vm10 =	vgt.s32 v36, $0x0;
	v22 =	vsel vm14, $0x12, v42  }
0xc9: {  	v52 =	vld [tilespmem:$0x10C0];
	vm14 =	veq.s32 v26, $0x1;
	v9 =	vcvt.f32.s32 v60;
	vm15 =	vgt.f32 v30, v18  }
0xca: {  	v39 =	vld [tilespmem:$0xC60];
	v15 =	vsel vm12, v16, v15;
	v17 =	vnsel vm10, $0x0, v36;
	v38 =	vsel vm15, v30, v18  }
0xcb: {  	v43 =	vld [tilespmem:$0x770];
	vm10 =	veq.s32 v53, $0x1;
	v22 =	vsel vm15, $0x13, v22;
	vm9 =	vgt.f32 v31, v38  }
0xcc: {  	v55 =	vld [tilespmem:$0x10E0];
	v17 =	vmin.u32 v17, $0x3;
	vm15 =	veq.s32 v44, $0x1;
	v16 =	vsel vm9, v31, v38  }
0xcd: {  	[tilespmem:$0x1100] =	vst v1;
	v46 =	vld [tilespmem:$0x7F0];
	v1 =	vor.u32 v17, v20;
	v58 =	vsel vm15, $0x18, v12;
	vm11 =	vgt.f32 v35, v16  }
0xce: {  	[tilespmem:$0x1120] =	vst v2;
	v47 =	vsel vm9, $0x14, v22;
	vm9 =	veq.s32 v52, $0x1;
	v16 =	vsel vm11, v35, v16  }
0xcf: {  	[tilespmem:$0x1130] =	vst v5;
	v49 =	vld [tilespmem:$0xC70];
	v59 =	vsel vm9, $0x18, v13;
	vm12 =	vgt.f32 v39, v16;
	v16 =	vsel vm4, v41, v45  }
0xd0: {  	[tilespmem:$0x1150] =	vst v6;
	v21 =	vsel vm11, $0x15, v47;
	vm11 =	vgt.s32 v4, $0x0;
	vm5 =	vgt.f32 v43, v16  }
0xd1: {  	[tilespmem:$0x1180] =	vst v3;
	v3 =	vnsel vm11, $0x0, v4;
	v4 =	vsel vm4, $0x13, v62;
	v51 =	vsel vm5, v43, v16  }
0xd2: {  	[tilespmem:$0x1160] =	vst v7;
	v21 =	vsel vm12, $0x16, v21;
	vm12 =	veq.s32 v55, $0x1;
	vm0 =	vgt.f32 v46, v51  }
0xd3: {  	[tilespmem:$0x1170] =	vst v8;
	v63 =	vld [tilespmem:$0x10F0];
	v3 =	vmin.u32 v3, $0x3;
	v1 =	vsel vm13, v21, v1;
	v2 =	vsel vm0, v46, v51  }
0xd4: {  	[tilespmem:$0x1190] =	vst v10;
	vm1 =	vgt.f32 v49, v2;
	v2 =	vsel vm14, $0x18, v11;
	vm14 =	vgt.s32 v9, $0x0  }
0xd5: {  	vm13 =	vgt.f32 v48, $7.500000000e-01;
	v4 =	vsel vm5, $0x14, v4;
	[tilespmem:$0x11A0] =	vst v2;
	v2 =	vnsel vm14, $0x0, v9  }
0xd6: {  	[tilespmem:$0x11B0] =	vst v58;
	v3 =	vshll.u32 v3, $0x2;
	v4 =	vsel vm0, $0x15, v4;
	v2 =	vmin.u32 v2, $0x3  }
0xd7: {  	[tilespmem:$0x11C0] =	vst v59;
	v1 =	vsel vm12, $0x18, v1;
	v4 =	vsel vm1, $0x16, v4;
	v2 =	vor.u32 v2, v3  }
0xd8: {  	vm15 =	veq.s32 v63, $0x1;
	[tilespmem:$0x11E0] =	vst v1;
	v3 =	vsel vm10, $0x18, v15;
	v2 =	vsel vm13, v4, v2  }
0xd9: {  	p0 =	sne.s32 s6, $0x1;
	[tilespmem:$0x11D0] =	vst v3;
	v1 =	vsel vm15, $0x18, v2  }
.Ltmp0:
0xda: {  	[tilespmem:$0x11F0] =	vst v1;
	(pc) =	sbr.rel @p0 .LBB2_1-.Ltmp0, $4  }
0xdb: {  	[hbm4b:s5+s2] =	stream.linear.scatter [tilespmem:s11], [sflag:$0x1], $0x100, $0x38;
	[tilespmem:$0x1200] =	vst v63  }
0xdc: {  	_ =	swait.ge [sflag:s9], $0x100  }
0xdd: {  	[sflag:s9] =	ssyncset.done $0x0  }
0xde: {  	s6 =	sadd.s32 $0xFFFFFFFF, s6;
	[sflag:s9] =	ssyncadd.s32 $0xFFFFFF00  }
0xdf: {  	_ =	sfence.sel $0x180000  }
0xe0: {  	[bflag:$0x0] =	sbarrier.arrive $0xFFFF  }
0xe1: {  	p0 =	sne.s32 s1, $0x0;
	_ =	strace $0x9000004A  }
0xe2: {  	s0 =	sadd.s32 @!p0 $0x100000, s0;
	[bflag:$0x2] =	sbarrier.arrive $0xFFFF  }
0xe3: {  	[sflag:s0] =	ssyncadd.tile.s32 @!p0 $0x1;
	_ =	shalt  }
.Lfunc_end2:
_tile_overlayer_lowered:
.L_overlay_start_2:
0xe4: {  	(tag) =	ssettag $0x2  }
0xe5: {  	s0 =	rddreg [dreg:$0x0];
	s2 =	stileid.u32  }
0xe6: {  	s1 =	rddreg [dreg:$0x1];
	p0 =	sne.s32 s2, $0x0  }
0xe7: {  	s3 =	rddreg [dreg:$0x2];
	[bflag:$0x3] =	sbarrier.arrive $0xFFFF;
	s2 =	simm.s32 @!p0 $0x1C01  }
0xe8: {  	[timem:s3], [sflag:s2] =	dma.local @!p0 [hbm:s0], s1  }
0xe9: {  	s0 =	simm.s32 @!p0 $0x1  }
0xea: {  	_ =	swait.ge @!p0 [sflag:s0], s1  }
0xeb: {  	s1 =	ssub.s32 @!p0 $0x0, s1;
	[sflag:s0] =	ssyncset.done @!p0 $0x0  }
0xec: {  	[sflag:s0] =	ssyncadd.s32 @!p0 s1  }
0xed: {  	[bflag:$0x3] =	sbarrier.arrive $0xFFFF  }
0xee: {  	_ =	shalt  }

</sc_bundles>
